<compile_context>
chip_gen: v7x
topology: tpu7x:2x2x1
jax: 0.10.2.dev20260603
libtpu: 0.0.44.dev20260713+nightly
codegen_flags: <defaults>
</compile_context>

<pallas_src>
import jax
import jax.numpy as jnp
from jax import lax
from jax.experimental import pallas as pl
from jax.experimental.pallas import tpu as pltpu
from jax.experimental.pallas import tpu_sc as plsc

N, D, E, H = 10000, 128, 320000, 16
NC, NS, L = 2, 16, 16
NW = NC * NS
EPW = E // NW
CHUNK = 128
NCHUNKS = (EPW + CHUNK - 1) // CHUNK
NCHUNKS += NCHUNKS % 2
EPWP = NCHUNKS * CHUNK
IDXN = (NCHUNKS + 1) * CHUNK
G16 = CHUNK // L
PAD = IDXN - EPW


def _edge_body(z_hbm, ei_hbm, adj_hbm,
               src_idx, dst_idx, src_rows0, dst_rows0, src_rows1, dst_rows1,
               res, z_sh, sem0, sem1, sem2, sem3):
    c = lax.axis_index("c")
    s = lax.axis_index("s")
    wid = s * NC + c
    base = wid * EPW
    lane = lax.iota(jnp.int32, L)

    bufs = ((src_rows0, dst_rows0, sem0, sem1),
            (src_rows1, dst_rows1, sem2, sem3))

    zrows = N // NS
    pltpu.sync_copy(z_hbm.at[pl.ds(s * zrows, zrows)],
                    z_sh.at[pl.ds(s * zrows, zrows)])
    pltpu.sync_copy(ei_hbm.at[pl.ds(base, IDXN)], src_idx)
    pltpu.sync_copy(ei_hbm.at[pl.ds(E + base, IDXN)], dst_idx)
    plsc.subcore_barrier()

    def start_gather(i, b):
        sr, dr, ssem, dsem = bufs[b]
        pltpu.async_copy(z_sh.at[src_idx.at[pl.ds(i * CHUNK, CHUNK)]], sr, ssem)
        pltpu.async_copy(z_sh.at[dst_idx.at[pl.ds(i * CHUNK, CHUNK)]], dr, dsem)

    def wait_gather(b):
        sr, dr, ssem, dsem = bufs[b]
        pltpu.make_async_copy(z_sh.at[src_idx.at[pl.ds(0, CHUNK)]], sr, ssem).wait()
        pltpu.make_async_copy(z_sh.at[dst_idx.at[pl.ds(0, CHUNK)]], dr, dsem).wait()

    def compute_chunk(i, b):
        src_rows, dst_rows = bufs[b][0], bufs[b][1]

        def edge_acc(e):
            acc = None
            for j in range(D // (2 * L)):
                ps = src_rows[e, pl.ds(j * L, L)]
                pd = dst_rows[e, pl.ds(j * L, L)]
                slo = lax.bitcast_convert_type(ps << 16, jnp.float32)
                shi = lax.bitcast_convert_type(ps, jnp.float32)
                dlo = lax.bitcast_convert_type(pd << 16, jnp.float32)
                dhi = lax.bitcast_convert_type(pd, jnp.float32)
                t = slo * dlo + shi * dhi
                acc = t if acc is None else acc + t
            return acc

        def fold(a, b, level):
            sh = 1 << level
            bit = (lane >> level) & 1
            a2 = a + jnp.take(a, lane ^ sh)
            b2 = b + jnp.take(b, lane ^ sh)
            return jnp.where(bit == 0, a2, b2)

        def group_body(g, carry):
            e0 = g * L
            pending = [None] * 5
            for p in range(L // 2):
                v = fold(edge_acc(e0 + 2 * p), edge_acc(e0 + 2 * p + 1), 0)
                level = 1
                while pending[level] is not None:
                    v = fold(pending[level], v, level)
                    pending[level] = None
                    level += 1
                pending[level] = v
            dots = pending[4]
            res[pl.ds(i * CHUNK + e0, L)] = 1.0 / (1.0 + jnp.exp(-dots))
            return carry

        lax.fori_loop(0, G16, group_body, 0)

    start_gather(0, 0)

    def outer(k, carry):
        for b in range(2):
            i = 2 * k + b
            start_gather(i + 1, 1 - b)
            wait_gather(b)
            compute_chunk(i, b)
        return carry

    lax.fori_loop(0, NCHUNKS // 2, outer, 0)
    wait_gather(0)
    pltpu.sync_copy(res.at[pl.ds(0, EPW)], adj_hbm.at[pl.ds(base, EPW)])


@jax.jit
def _edge_call(z, edge_index):
    mesh = plsc.VectorSubcoreMesh(core_axis_name="c", subcore_axis_name="s")
    ei_flat = jnp.concatenate(
        [edge_index.reshape(-1), jnp.zeros((PAD,), jnp.int32)])
    kern = pl.kernel(
        _edge_body,
        out_type=jax.ShapeDtypeStruct((E,), jnp.float32),
        mesh=mesh,
        scratch_types=[
            pltpu.VMEM((IDXN,), jnp.int32),
            pltpu.VMEM((IDXN,), jnp.int32),
            pltpu.VMEM((CHUNK, D // 2), jnp.int32),
            pltpu.VMEM((CHUNK, D // 2), jnp.int32),
            pltpu.VMEM((CHUNK, D // 2), jnp.int32),
            pltpu.VMEM((CHUNK, D // 2), jnp.int32),
            pltpu.VMEM((EPWP,), jnp.float32),
            pltpu.VMEM_SHARED((N, D // 2), jnp.int32),
            pltpu.SemaphoreType.DMA,
            pltpu.SemaphoreType.DMA,
            pltpu.SemaphoreType.DMA,
            pltpu.SemaphoreType.DMA,
        ],
        compiler_params=pltpu.CompilerParams(use_tc_tiling_on_sc=False),
    )
    z_packed = lax.bitcast_convert_type(
        z.astype(jnp.bfloat16).reshape(N, D // 2, 2), jnp.int32)
    return kern(z_packed, ei_flat)


def _mlp_body(z_ref, w1_ref, b1_ref, w2_ref, b2_ref, out_ref):
    h = jnp.maximum(
        jnp.dot(z_ref[...], w1_ref[...], preferred_element_type=jnp.float32)
        + b1_ref[...], 0.0)
    out_ref[...] = (
        jnp.dot(h, w2_ref[...], preferred_element_type=jnp.float32)
        + b2_ref[...])


@jax.jit
def _mlp_call(z, W1, b1, W2, b2):
    blk = 1000
    return pl.pallas_call(
        _mlp_body,
        grid=(N // blk,),
        in_specs=[
            pl.BlockSpec((blk, D), lambda i: (i, 0)),
            pl.BlockSpec((D, H), lambda i: (0, 0)),
            pl.BlockSpec((1, H), lambda i: (0, 0)),
            pl.BlockSpec((H, D), lambda i: (0, 0)),
            pl.BlockSpec((1, D), lambda i: (0, 0)),
        ],
        out_specs=pl.BlockSpec((blk, D), lambda i: (i, 0)),
        out_shape=jax.ShapeDtypeStruct((N, D), jnp.float32),
    )(z, W1, b1.reshape(1, H), W2, b2.reshape(1, D))


def kernel(z, edge_index, W1, b1, W2, b2):
    adj_hat = _edge_call(z, edge_index)
    x_hat = _mlp_call(z, W1, b1, W2, b2)
    return (adj_hat, x_hat)

# --- scband reference (transcript-rebuilt; emitter-appended) ---
"""Pipeline reference for scband-gnndecoder-25580825215005 (READ-ONLY COPY).

The authoritative reference and input builder live on the scoring server;
editing this copy changes nothing except your own understanding.
"""

import jax, jax.numpy as jnp
import numpy as np


def setup_inputs(seed: int = 0) -> dict:
    key = jax.random.key(seed)
    k1, k2, k3, k4 = jax.random.split(key, 4)
    N, D, E, H = 10000, 128, 320000, 16
    z = jax.random.normal(k1, (N, D), dtype=jnp.float32)
    edge_index = jax.random.randint(k2, (2, E), 0, N, dtype=jnp.int32)
    # feat_decoder params: Linear(D->16), ReLU, Linear(16->D)
    W1 = jax.random.normal(k3, (D, H), dtype=jnp.float32) * (1.0 / np.sqrt(D))
    b1 = jnp.zeros((H,), dtype=jnp.float32)
    W2 = jax.random.normal(k4, (H, D), dtype=jnp.float32) * (1.0 / np.sqrt(H))
    b2 = jnp.zeros((D,), dtype=jnp.float32)
    return {"z": z, "edge_index": edge_index, "W1": W1, "b1": b1, "W2": W2, "b2": b2}


def reference(z, edge_index, W1, b1, W2, b2):
    # adj_hat = sigmoid((z[src] * z[dst]).sum(-1))  -- two gathers + elementwise reduce
    src = jnp.take(z, edge_index[0], axis=0)
    dst = jnp.take(z, edge_index[1], axis=0)
    adj_hat = jax.nn.sigmoid(jnp.sum(src * dst, axis=-1))
    # x_hat = feat_decoder(z)
    h = jax.nn.relu(z @ W1 + b1)
    x_hat = h @ W2 + b2
    return (adj_hat, x_hat)

if __name__ == "__main__":
    import jax
    _d = setup_inputs()
    print(jax.jit(kernel)(*tuple(_d.values())))

</pallas_src>

<mosaic_0001>
#map = affine_map<(d0, d1) -> (0, 0)>
#map1 = affine_map<(d0, d1) -> (0)>
module attributes {stable_mosaic.version = 14 : i64} {
  func.func @_edge_body(%arg0: i32, %arg1: i32, %arg2: memref<10000x64xi32, #tpu.memory_space<hbm>>, %arg3: memref<640368xi32, #tpu.memory_space<hbm>>, %arg4: memref<320000xf32, #tpu.memory_space<hbm>>, %arg5: memref<10368xi32, #tpu.memory_space<vmem>>, %arg6: memref<10368xi32, #tpu.memory_space<vmem>>, %arg7: memref<128x64xi32, #tpu.memory_space<vmem>>, %arg8: memref<128x64xi32, #tpu.memory_space<vmem>>, %arg9: memref<128x64xi32, #tpu.memory_space<vmem>>, %arg10: memref<128x64xi32, #tpu.memory_space<vmem>>, %arg11: memref<10240xf32, #tpu.memory_space<vmem>>, %arg12: memref<10000x64xi32, #tpu.memory_space<vmem_shared>>, %arg13: memref<!tpu.dma_semaphore, #tpu.memory_space<semaphore_mem>>, %arg14: memref<!tpu.dma_semaphore, #tpu.memory_space<semaphore_mem>>, %arg15: memref<!tpu.dma_semaphore, #tpu.memory_space<semaphore_mem>>, %arg16: memref<!tpu.dma_semaphore, #tpu.memory_space<semaphore_mem>>) attributes {dimension_semantics = [#tpu.dimension_semantics<core_parallel>, #tpu.dimension_semantics<subcore_parallel>], iteration_bounds = array<i64: 2, 16>, scalar_prefetch = 0 : i64, scratch_operands = 12 : i64, tpu.core_type = #tpu.core_type<sc_vector_subcore>, window_params = [{transform_indices = #map}, {transform_indices = #map1}, {transform_indices = #map1}]} {
    %mul3A = arith.constant 2 : i32
    %mul3A_0 = arith.muli %arg1, %mul3A : i32
    %add3A = arith.addi %mul3A_0, %arg0 : i32
    %mul3A_1 = arith.constant 10000 : i32
    %mul3A_2 = arith.muli %add3A, %mul3A_1 : i32
    %iota3A = tpu.iota {dimensions = array<i32: 0>} : vector<16xi32>
    %mul3A_3 = arith.constant 625 : i32
    %mul3A_4 = arith.muli %arg1, %mul3A_3 : i32
    %mul3A_5 = arith.constant 625 : i32
    %mul3A_6 = arith.muli %arg1, %mul3A_5 : i32
    "tpu.region"() ({
      %run_scoped3A = tpu.sem_alloc : memref<!tpu.dma_semaphore, #tpu.memory_space<semaphore_mem>>
      %dma_start3A_32 = arith.constant 0 : i32
      %dma_start3A_33 = tpu.memref_slice %arg12[%mul3A_6, %dma_start3A_32] : memref<10000x64xi32, #tpu.memory_space<vmem_shared>> -> memref<625x64xi32, #tpu.memory_space<vmem_shared>>
      %dma_start3A_34 = arith.constant 0 : i32
      %dma_start3A_35 = tpu.memref_slice %arg2[%mul3A_4, %dma_start3A_34] : memref<10000x64xi32, #tpu.memory_space<hbm>> -> memref<625x64xi32, #tpu.memory_space<hbm>>
      tpu.enqueue_dma source(%dma_start3A_35 : memref<625x64xi32, #tpu.memory_space<hbm>>) target(%dma_start3A_33 : memref<625x64xi32, #tpu.memory_space<vmem_shared>>) target_semaphore(%run_scoped3A : memref<!tpu.dma_semaphore, #tpu.memory_space<semaphore_mem>>)
      %dma_wait3A_36 = arith.constant 0 : i32
      %dma_wait3A_37 = tpu.memref_slice %arg12[%mul3A_6, %dma_wait3A_36] : memref<10000x64xi32, #tpu.memory_space<vmem_shared>> -> memref<625x64xi32, #tpu.memory_space<vmem_shared>>
      %dma_wait3A_38 = arith.constant 0 : i32
      %dma_wait3A_39 = tpu.memref_slice %arg2[%mul3A_4, %dma_wait3A_38] : memref<10000x64xi32, #tpu.memory_space<hbm>> -> memref<625x64xi32, #tpu.memory_space<hbm>>
      tpu.wait_dma2 semaphore(%run_scoped3A : memref<!tpu.dma_semaphore, #tpu.memory_space<semaphore_mem>>) src(%dma_wait3A_39 : memref<625x64xi32, #tpu.memory_space<hbm>>) dst(%dma_wait3A_37 : memref<625x64xi32, #tpu.memory_space<vmem_shared>>)
      tpu.yield
    }) : () -> ()
    "tpu.region"() ({
      %run_scoped3A = tpu.sem_alloc : memref<!tpu.dma_semaphore, #tpu.memory_space<semaphore_mem>>
      %dma_start3A_32 = tpu.memref_slice %arg3[%mul3A_2] : memref<640368xi32, #tpu.memory_space<hbm>> -> memref<10368xi32, #tpu.memory_space<hbm>>
      %dma_start3A_33 = tpu.memref_slice %arg3[%mul3A_2] : memref<640368xi32, #tpu.memory_space<hbm>> -> memref<10368xi32, #tpu.memory_space<hbm>>
      tpu.enqueue_dma source(%dma_start3A_33 : memref<10368xi32, #tpu.memory_space<hbm>>) target(%arg5 : memref<10368xi32, #tpu.memory_space<vmem>>) target_semaphore(%run_scoped3A : memref<!tpu.dma_semaphore, #tpu.memory_space<semaphore_mem>>)
      %dma_wait3A_34 = tpu.memref_slice %arg3[%mul3A_2] : memref<640368xi32, #tpu.memory_space<hbm>> -> memref<10368xi32, #tpu.memory_space<hbm>>
      %dma_wait3A_35 = tpu.memref_slice %arg3[%mul3A_2] : memref<640368xi32, #tpu.memory_space<hbm>> -> memref<10368xi32, #tpu.memory_space<hbm>>
      tpu.wait_dma2 semaphore(%run_scoped3A : memref<!tpu.dma_semaphore, #tpu.memory_space<semaphore_mem>>) src(%dma_wait3A_35 : memref<10368xi32, #tpu.memory_space<hbm>>) dst(%arg5 : memref<10368xi32, #tpu.memory_space<vmem>>)
      tpu.yield
    }) : () -> ()
    %add3A_7 = arith.constant 320000 : i32
    %add3A_8 = arith.addi %add3A_7, %mul3A_2 : i32
    "tpu.region"() ({
      %run_scoped3A = tpu.sem_alloc : memref<!tpu.dma_semaphore, #tpu.memory_space<semaphore_mem>>
      %dma_start3A_32 = tpu.memref_slice %arg3[%add3A_8] : memref<640368xi32, #tpu.memory_space<hbm>> -> memref<10368xi32, #tpu.memory_space<hbm>>
      %dma_start3A_33 = tpu.memref_slice %arg3[%add3A_8] : memref<640368xi32, #tpu.memory_space<hbm>> -> memref<10368xi32, #tpu.memory_space<hbm>>
      tpu.enqueue_dma source(%dma_start3A_33 : memref<10368xi32, #tpu.memory_space<hbm>>) target(%arg6 : memref<10368xi32, #tpu.memory_space<vmem>>) target_semaphore(%run_scoped3A : memref<!tpu.dma_semaphore, #tpu.memory_space<semaphore_mem>>)
      %dma_wait3A_34 = tpu.memref_slice %arg3[%add3A_8] : memref<640368xi32, #tpu.memory_space<hbm>> -> memref<10368xi32, #tpu.memory_space<hbm>>
      %dma_wait3A_35 = tpu.memref_slice %arg3[%add3A_8] : memref<640368xi32, #tpu.memory_space<hbm>> -> memref<10368xi32, #tpu.memory_space<hbm>>
      tpu.wait_dma2 semaphore(%run_scoped3A : memref<!tpu.dma_semaphore, #tpu.memory_space<semaphore_mem>>) src(%dma_wait3A_35 : memref<10368xi32, #tpu.memory_space<hbm>>) dst(%arg6 : memref<10368xi32, #tpu.memory_space<vmem>>)
      tpu.yield
    }) : () -> ()
    %barrier3A = arith.constant 0 : index
    tpu.barrier barrier_id(%barrier3A)
    %dma_start3A = arith.constant 0 : i32
    %dma_start3A_9 = tpu.memref_slice %arg5[%dma_start3A] : memref<10368xi32, #tpu.memory_space<vmem>> -> memref<128xi32, #tpu.memory_space<vmem>>
    %dma_start3A_10 = arith.constant 0 : i32
    %dma_start3A_11 = arith.constant 0 : i32
    %dma_start3A_12 = tpu.memref_slice %arg12[%dma_start3A_10, %dma_start3A_11] : memref<10000x64xi32, #tpu.memory_space<vmem_shared>> -> memref<10000x64xi32, #tpu.memory_space<vmem_shared>>
    tpu.enqueue_indirect_dma source(%dma_start3A_12 : memref<10000x64xi32, #tpu.memory_space<vmem_shared>>) target(%arg7 : memref<128x64xi32, #tpu.memory_space<vmem>>) offsets(%dma_start3A_9 : memref<128xi32, #tpu.memory_space<vmem>>) semaphore(%arg13 : memref<!tpu.dma_semaphore, #tpu.memory_space<semaphore_mem>>)
    %dma_start3A_13 = arith.constant 0 : i32
    %dma_start3A_14 = tpu.memref_slice %arg6[%dma_start3A_13] : memref<10368xi32, #tpu.memory_space<vmem>> -> memref<128xi32, #tpu.memory_space<vmem>>
    %dma_start3A_15 = arith.constant 0 : i32
    %dma_start3A_16 = arith.constant 0 : i32
    %dma_start3A_17 = tpu.memref_slice %arg12[%dma_start3A_15, %dma_start3A_16] : memref<10000x64xi32, #tpu.memory_space<vmem_shared>> -> memref<10000x64xi32, #tpu.memory_space<vmem_shared>>
    tpu.enqueue_indirect_dma source(%dma_start3A_17 : memref<10000x64xi32, #tpu.memory_space<vmem_shared>>) target(%arg8 : memref<128x64xi32, #tpu.memory_space<vmem>>) offsets(%dma_start3A_14 : memref<128xi32, #tpu.memory_space<vmem>>) semaphore(%arg14 : memref<!tpu.dma_semaphore, #tpu.memory_space<semaphore_mem>>)
    %scan3A = arith.constant 0 : i32
    %scan3A_18 = arith.constant 0 : i32
    %scan3A_19 = arith.constant 40 : i32
    %scan3A_20 = arith.addi %scan3A_18, %scan3A_19 : i32
    %scan3A_21 = arith.constant 1 : i32
    scf.for %scan3A_32 = %scan3A_18 to %scan3A_20 step %scan3A_21  : i32 {
      %mul3A_33 = arith.constant 2 : i32
      %mul3A_34 = arith.muli %mul3A_33, %scan3A_32 : i32
      %add3A_35 = arith.constant 0 : i32
      %add3A_36 = arith.addi %mul3A_34, %add3A_35 : i32
      %add3A_37 = arith.constant 1 : i32
      %add3A_38 = arith.addi %add3A_36, %add3A_37 : i32
      %mul3A_39 = arith.constant 128 : i32
      %mul3A_40 = arith.muli %add3A_38, %mul3A_39 : i32
      %dma_start3A_41 = tpu.memref_slice %arg5[%mul3A_40] : memref<10368xi32, #tpu.memory_space<vmem>> -> memref<128xi32, #tpu.memory_space<vmem>>
      %dma_start3A_42 = arith.constant 0 : i32
      %dma_start3A_43 = arith.constant 0 : i32
      %dma_start3A_44 = tpu.memref_slice %arg12[%dma_start3A_42, %dma_start3A_43] : memref<10000x64xi32, #tpu.memory_space<vmem_shared>> -> memref<10000x64xi32, #tpu.memory_space<vmem_shared>>
      tpu.enqueue_indirect_dma source(%dma_start3A_44 : memref<10000x64xi32, #tpu.memory_space<vmem_shared>>) target(%arg9 : memref<128x64xi32, #tpu.memory_space<vmem>>) offsets(%dma_start3A_41 : memref<128xi32, #tpu.memory_space<vmem>>) semaphore(%arg15 : memref<!tpu.dma_semaphore, #tpu.memory_space<semaphore_mem>>)
      %mul3A_45 = arith.constant 128 : i32
      %mul3A_46 = arith.muli %add3A_38, %mul3A_45 : i32
      %dma_start3A_47 = tpu.memref_slice %arg6[%mul3A_46] : memref<10368xi32, #tpu.memory_space<vmem>> -> memref<128xi32, #tpu.memory_space<vmem>>
      %dma_start3A_48 = arith.constant 0 : i32
      %dma_start3A_49 = arith.constant 0 : i32
      %dma_start3A_50 = tpu.memref_slice %arg12[%dma_start3A_48, %dma_start3A_49] : memref<10000x64xi32, #tpu.memory_space<vmem_shared>> -> memref<10000x64xi32, #tpu.memory_space<vmem_shared>>
      tpu.enqueue_indirect_dma source(%dma_start3A_50 : memref<10000x64xi32, #tpu.memory_space<vmem_shared>>) target(%arg10 : memref<128x64xi32, #tpu.memory_space<vmem>>) offsets(%dma_start3A_47 : memref<128xi32, #tpu.memory_space<vmem>>) semaphore(%arg16 : memref<!tpu.dma_semaphore, #tpu.memory_space<semaphore_mem>>)
      %dma_wait3A_51 = arith.constant 0 : i32
      %dma_wait3A_52 = tpu.memref_slice %arg5[%dma_wait3A_51] : memref<10368xi32, #tpu.memory_space<vmem>> -> memref<128xi32, #tpu.memory_space<vmem>>
      %dma_wait3A_53 = arith.constant 0 : i32
      %dma_wait3A_54 = arith.constant 0 : i32
      %dma_wait3A_55 = tpu.memref_slice %arg12[%dma_wait3A_53, %dma_wait3A_54] : memref<10000x64xi32, #tpu.memory_space<vmem_shared>> -> memref<10000x64xi32, #tpu.memory_space<vmem_shared>>
      tpu.wait_indirect_dma semaphore(%arg13 : memref<!tpu.dma_semaphore, #tpu.memory_space<semaphore_mem>>) src(%dma_wait3A_55 : memref<10000x64xi32, #tpu.memory_space<vmem_shared>>) dst(%arg7 : memref<128x64xi32, #tpu.memory_space<vmem>>)
      %dma_wait3A_56 = arith.constant 0 : i32
      %dma_wait3A_57 = tpu.memref_slice %arg6[%dma_wait3A_56] : memref<10368xi32, #tpu.memory_space<vmem>> -> memref<128xi32, #tpu.memory_space<vmem>>
      %dma_wait3A_58 = arith.constant 0 : i32
      %dma_wait3A_59 = arith.constant 0 : i32
      %dma_wait3A_60 = tpu.memref_slice %arg12[%dma_wait3A_58, %dma_wait3A_59] : memref<10000x64xi32, #tpu.memory_space<vmem_shared>> -> memref<10000x64xi32, #tpu.memory_space<vmem_shared>>
      tpu.wait_indirect_dma semaphore(%arg14 : memref<!tpu.dma_semaphore, #tpu.memory_space<semaphore_mem>>) src(%dma_wait3A_60 : memref<10000x64xi32, #tpu.memory_space<vmem_shared>>) dst(%arg8 : memref<128x64xi32, #tpu.memory_space<vmem>>)
      %scan3A_61 = arith.constant 0 : i32
      %scan3A_62 = arith.constant 0 : i32
      %scan3A_63 = arith.constant 8 : i32
      %scan3A_64 = arith.addi %scan3A_62, %scan3A_63 : i32
      %scan3A_65 = arith.constant 1 : i32
      scf.for %scan3A_101 = %scan3A_62 to %scan3A_64 step %scan3A_65  : i32 {
        %mul3A_102 = arith.constant 16 : i32
        %mul3A_103 = arith.muli %scan3A_101, %mul3A_102 : i32
        %add3A_104 = arith.constant 0 : i32
        %add3A_105 = arith.addi %mul3A_103, %add3A_104 : i32
        %get3A = arith.index_cast %add3A_105 : i32 to index
        %get3A_106 = arith.constant 0 : index
        %get3A_107 = tpu.vector_load %arg7[%get3A, %get3A_106] {strides = array<i32>} : memref<128x64xi32, #tpu.memory_space<vmem>>, vector<1x16xi32>,
        %get3A_108 = vector.shape_cast %get3A_107 : vector<1x16xi32> to vector<16xi32>
        %get3A_109 = arith.index_cast %add3A_105 : i32 to index
        %get3A_110 = arith.constant 0 : index
        %get3A_111 = tpu.vector_load %arg8[%get3A_109, %get3A_110] {strides = array<i32>} : memref<128x64xi32, #tpu.memory_space<vmem>>, vector<1x16xi32>,
        %get3A_112 = vector.shape_cast %get3A_111 : vector<1x16xi32> to vector<16xi32>
        %shift_left3A = arith.constant 16 : i32
        %shift_left3A_113 = vector.broadcast %shift_left3A : i32 to vector<16xi32>
        %shift_left3A_114 = arith.shli %get3A_108, %shift_left3A_113 : vector<16xi32>
        %bitcast_convert_type3A = tpu.bitcast %shift_left3A_114 : vector<16xi32> -> vector<16xf32>
        %bitcast_convert_type3A_115 = tpu.bitcast %get3A_108 : vector<16xi32> -> vector<16xf32>
        %shift_left3A_116 = arith.constant 16 : i32
        %shift_left3A_117 = vector.broadcast %shift_left3A_116 : i32 to vector<16xi32>
        %shift_left3A_118 = arith.shli %get3A_112, %shift_left3A_117 : vector<16xi32>
        %bitcast_convert_type3A_119 = tpu.bitcast %shift_left3A_118 : vector<16xi32> -> vector<16xf32>
        %bitcast_convert_type3A_120 = tpu.bitcast %get3A_112 : vector<16xi32> -> vector<16xf32>
        %mul3A_121 = arith.mulf %bitcast_convert_type3A, %bitcast_convert_type3A_119 : vector<16xf32>
        %mul3A_122 = arith.mulf %bitcast_convert_type3A_115, %bitcast_convert_type3A_120 : vector<16xf32>
        %add3A_123 = arith.addf %mul3A_121, %mul3A_122 : vector<16xf32>
        %get3A_124 = arith.index_cast %add3A_105 : i32 to index
        %get3A_125 = arith.constant 16 : index
        %get3A_126 = tpu.vector_load %arg7[%get3A_124, %get3A_125] {strides = array<i32>} : memref<128x64xi32, #tpu.memory_space<vmem>>, vector<1x16xi32>,
        %get3A_127 = vector.shape_cast %get3A_126 : vector<1x16xi32> to vector<16xi32>
        %get3A_128 = arith.index_cast %add3A_105 : i32 to index
        %get3A_129 = arith.constant 16 : index
        %get3A_130 = tpu.vector_load %arg8[%get3A_128, %get3A_129] {strides = array<i32>} : memref<128x64xi32, #tpu.memory_space<vmem>>, vector<1x16xi32>,
        %get3A_131 = vector.shape_cast %get3A_130 : vector<1x16xi32> to vector<16xi32>
        %shift_left3A_132 = arith.constant 16 : i32
        %shift_left3A_133 = vector.broadcast %shift_left3A_132 : i32 to vector<16xi32>
        %shift_left3A_134 = arith.shli %get3A_127, %shift_left3A_133 : vector<16xi32>
        %bitcast_convert_type3A_135 = tpu.bitcast %shift_left3A_134 : vector<16xi32> -> vector<16xf32>
        %bitcast_convert_type3A_136 = tpu.bitcast %get3A_127 : vector<16xi32> -> vector<16xf32>
        %shift_left3A_137 = arith.constant 16 : i32
        %shift_left3A_138 = vector.broadcast %shift_left3A_137 : i32 to vector<16xi32>
        %shift_left3A_139 = arith.shli %get3A_131, %shift_left3A_138 : vector<16xi32>
        %bitcast_convert_type3A_140 = tpu.bitcast %shift_left3A_139 : vector<16xi32> -> vector<16xf32>
        %bitcast_convert_type3A_141 = tpu.bitcast %get3A_131 : vector<16xi32> -> vector<16xf32>
        %mul3A_142 = arith.mulf %bitcast_convert_type3A_135, %bitcast_convert_type3A_140 : vector<16xf32>
        %mul3A_143 = arith.mulf %bitcast_convert_type3A_136, %bitcast_convert_type3A_141 : vector<16xf32>
        %add3A_144 = arith.addf %mul3A_142, %mul3A_143 : vector<16xf32>
        %add3A_145 = arith.addf %add3A_123, %add3A_144 : vector<16xf32>
        %get3A_146 = arith.index_cast %add3A_105 : i32 to index
        %get3A_147 = arith.constant 32 : index
        %get3A_148 = tpu.vector_load %arg7[%get3A_146, %get3A_147] {strides = array<i32>} : memref<128x64xi32, #tpu.memory_space<vmem>>, vector<1x16xi32>,
        %get3A_149 = vector.shape_cast %get3A_148 : vector<1x16xi32> to vector<16xi32>
        %get3A_150 = arith.index_cast %add3A_105 : i32 to index
        %get3A_151 = arith.constant 32 : index
        %get3A_152 = tpu.vector_load %arg8[%get3A_150, %get3A_151] {strides = array<i32>} : memref<128x64xi32, #tpu.memory_space<vmem>>, vector<1x16xi32>,
        %get3A_153 = vector.shape_cast %get3A_152 : vector<1x16xi32> to vector<16xi32>
        %shift_left3A_154 = arith.constant 16 : i32
        %shift_left3A_155 = vector.broadcast %shift_left3A_154 : i32 to vector<16xi32>
        %shift_left3A_156 = arith.shli %get3A_149, %shift_left3A_155 : vector<16xi32>
        %bitcast_convert_type3A_157 = tpu.bitcast %shift_left3A_156 : vector<16xi32> -> vector<16xf32>
        %bitcast_convert_type3A_158 = tpu.bitcast %get3A_149 : vector<16xi32> -> vector<16xf32>
        %shift_left3A_159 = arith.constant 16 : i32
        %shift_left3A_160 = vector.broadcast %shift_left3A_159 : i32 to vector<16xi32>
        %shift_left3A_161 = arith.shli %get3A_153, %shift_left3A_160 : vector<16xi32>
        %bitcast_convert_type3A_162 = tpu.bitcast %shift_left3A_161 : vector<16xi32> -> vector<16xf32>
        %bitcast_convert_type3A_163 = tpu.bitcast %get3A_153 : vector<16xi32> -> vector<16xf32>
        %mul3A_164 = arith.mulf %bitcast_convert_type3A_157, %bitcast_convert_type3A_162 : vector<16xf32>
        %mul3A_165 = arith.mulf %bitcast_convert_type3A_158, %bitcast_convert_type3A_163 : vector<16xf32>
        %add3A_166 = arith.addf %mul3A_164, %mul3A_165 : vector<16xf32>
        %add3A_167 = arith.addf %add3A_145, %add3A_166 : vector<16xf32>
        %get3A_168 = arith.index_cast %add3A_105 : i32 to index
        %get3A_169 = arith.constant 48 : index
        %get3A_170 = tpu.vector_load %arg7[%get3A_168, %get3A_169] {strides = array<i32>} : memref<128x64xi32, #tpu.memory_space<vmem>>, vector<1x16xi32>,
        %get3A_171 = vector.shape_cast %get3A_170 : vector<1x16xi32> to vector<16xi32>
        %get3A_172 = arith.index_cast %add3A_105 : i32 to index
        %get3A_173 = arith.constant 48 : index
        %get3A_174 = tpu.vector_load %arg8[%get3A_172, %get3A_173] {strides = array<i32>} : memref<128x64xi32, #tpu.memory_space<vmem>>, vector<1x16xi32>,
        %get3A_175 = vector.shape_cast %get3A_174 : vector<1x16xi32> to vector<16xi32>
        %shift_left3A_176 = arith.constant 16 : i32
        %shift_left3A_177 = vector.broadcast %shift_left3A_176 : i32 to vector<16xi32>
        %shift_left3A_178 = arith.shli %get3A_171, %shift_left3A_177 : vector<16xi32>
        %bitcast_convert_type3A_179 = tpu.bitcast %shift_left3A_178 : vector<16xi32> -> vector<16xf32>
        %bitcast_convert_type3A_180 = tpu.bitcast %get3A_171 : vector<16xi32> -> vector<16xf32>
        %shift_left3A_181 = arith.constant 16 : i32
        %shift_left3A_182 = vector.broadcast %shift_left3A_181 : i32 to vector<16xi32>
        %shift_left3A_183 = arith.shli %get3A_175, %shift_left3A_182 : vector<16xi32>
        %bitcast_convert_type3A_184 = tpu.bitcast %shift_left3A_183 : vector<16xi32> -> vector<16xf32>
        %bitcast_convert_type3A_185 = tpu.bitcast %get3A_175 : vector<16xi32> -> vector<16xf32>
        %mul3A_186 = arith.mulf %bitcast_convert_type3A_179, %bitcast_convert_type3A_184 : vector<16xf32>
        %mul3A_187 = arith.mulf %bitcast_convert_type3A_180, %bitcast_convert_type3A_185 : vector<16xf32>
        %add3A_188 = arith.addf %mul3A_186, %mul3A_187 : vector<16xf32>
        %add3A_189 = arith.addf %add3A_167, %add3A_188 : vector<16xf32>
        %add3A_190 = arith.constant 0 : i32
        %add3A_191 = arith.addi %mul3A_103, %add3A_190 : i32
        %add3A_192 = arith.constant 1 : i32
        %add3A_193 = arith.addi %add3A_191, %add3A_192 : i32
        %get3A_194 = arith.index_cast %add3A_193 : i32 to index
        %get3A_195 = arith.constant 0 : index
        %get3A_196 = tpu.vector_load %arg7[%get3A_194, %get3A_195] {strides = array<i32>} : memref<128x64xi32, #tpu.memory_space<vmem>>, vector<1x16xi32>,
        %get3A_197 = vector.shape_cast %get3A_196 : vector<1x16xi32> to vector<16xi32>
        %get3A_198 = arith.index_cast %add3A_193 : i32 to index
        %get3A_199 = arith.constant 0 : index
        %get3A_200 = tpu.vector_load %arg8[%get3A_198, %get3A_199] {strides = array<i32>} : memref<128x64xi32, #tpu.memory_space<vmem>>, vector<1x16xi32>,
        %get3A_201 = vector.shape_cast %get3A_200 : vector<1x16xi32> to vector<16xi32>
        %shift_left3A_202 = arith.constant 16 : i32
        %shift_left3A_203 = vector.broadcast %shift_left3A_202 : i32 to vector<16xi32>
        %shift_left3A_204 = arith.shli %get3A_197, %shift_left3A_203 : vector<16xi32>
        %bitcast_convert_type3A_205 = tpu.bitcast %shift_left3A_204 : vector<16xi32> -> vector<16xf32>
        %bitcast_convert_type3A_206 = tpu.bitcast %get3A_197 : vector<16xi32> -> vector<16xf32>
        %shift_left3A_207 = arith.constant 16 : i32
        %shift_left3A_208 = vector.broadcast %shift_left3A_207 : i32 to vector<16xi32>
        %shift_left3A_209 = arith.shli %get3A_201, %shift_left3A_208 : vector<16xi32>
        %bitcast_convert_type3A_210 = tpu.bitcast %shift_left3A_209 : vector<16xi32> -> vector<16xf32>
        %bitcast_convert_type3A_211 = tpu.bitcast %get3A_201 : vector<16xi32> -> vector<16xf32>
        %mul3A_212 = arith.mulf %bitcast_convert_type3A_205, %bitcast_convert_type3A_210 : vector<16xf32>
        %mul3A_213 = arith.mulf %bitcast_convert_type3A_206, %bitcast_convert_type3A_211 : vector<16xf32>
        %add3A_214 = arith.addf %mul3A_212, %mul3A_213 : vector<16xf32>
        %get3A_215 = arith.index_cast %add3A_193 : i32 to index
        %get3A_216 = arith.constant 16 : index
        %get3A_217 = tpu.vector_load %arg7[%get3A_215, %get3A_216] {strides = array<i32>} : memref<128x64xi32, #tpu.memory_space<vmem>>, vector<1x16xi32>,
        %get3A_218 = vector.shape_cast %get3A_217 : vector<1x16xi32> to vector<16xi32>
        %get3A_219 = arith.index_cast %add3A_193 : i32 to index
        %get3A_220 = arith.constant 16 : index
        %get3A_221 = tpu.vector_load %arg8[%get3A_219, %get3A_220] {strides = array<i32>} : memref<128x64xi32, #tpu.memory_space<vmem>>, vector<1x16xi32>,
        %get3A_222 = vector.shape_cast %get3A_221 : vector<1x16xi32> to vector<16xi32>
        %shift_left3A_223 = arith.constant 16 : i32
        %shift_left3A_224 = vector.broadcast %shift_left3A_223 : i32 to vector<16xi32>
        %shift_left3A_225 = arith.shli %get3A_218, %shift_left3A_224 : vector<16xi32>
        %bitcast_convert_type3A_226 = tpu.bitcast %shift_left3A_225 : vector<16xi32> -> vector<16xf32>
        %bitcast_convert_type3A_227 = tpu.bitcast %get3A_218 : vector<16xi32> -> vector<16xf32>
        %shift_left3A_228 = arith.constant 16 : i32
        %shift_left3A_229 = vector.broadcast %shift_left3A_228 : i32 to vector<16xi32>
        %shift_left3A_230 = arith.shli %get3A_222, %shift_left3A_229 : vector<16xi32>
        %bitcast_convert_type3A_231 = tpu.bitcast %shift_left3A_230 : vector<16xi32> -> vector<16xf32>
        %bitcast_convert_type3A_232 = tpu.bitcast %get3A_222 : vector<16xi32> -> vector<16xf32>
        %mul3A_233 = arith.mulf %bitcast_convert_type3A_226, %bitcast_convert_type3A_231 : vector<16xf32>
        %mul3A_234 = arith.mulf %bitcast_convert_type3A_227, %bitcast_convert_type3A_232 : vector<16xf32>
        %add3A_235 = arith.addf %mul3A_233, %mul3A_234 : vector<16xf32>
        %add3A_236 = arith.addf %add3A_214, %add3A_235 : vector<16xf32>
        %get3A_237 = arith.index_cast %add3A_193 : i32 to index
        %get3A_238 = arith.constant 32 : index
        %get3A_239 = tpu.vector_load %arg7[%get3A_237, %get3A_238] {strides = array<i32>} : memref<128x64xi32, #tpu.memory_space<vmem>>, vector<1x16xi32>,
        %get3A_240 = vector.shape_cast %get3A_239 : vector<1x16xi32> to vector<16xi32>
        %get3A_241 = arith.index_cast %add3A_193 : i32 to index
        %get3A_242 = arith.constant 32 : index
        %get3A_243 = tpu.vector_load %arg8[%get3A_241, %get3A_242] {strides = array<i32>} : memref<128x64xi32, #tpu.memory_space<vmem>>, vector<1x16xi32>,
        %get3A_244 = vector.shape_cast %get3A_243 : vector<1x16xi32> to vector<16xi32>
        %shift_left3A_245 = arith.constant 16 : i32
        %shift_left3A_246 = vector.broadcast %shift_left3A_245 : i32 to vector<16xi32>
        %shift_left3A_247 = arith.shli %get3A_240, %shift_left3A_246 : vector<16xi32>
        %bitcast_convert_type3A_248 = tpu.bitcast %shift_left3A_247 : vector<16xi32> -> vector<16xf32>
        %bitcast_convert_type3A_249 = tpu.bitcast %get3A_240 : vector<16xi32> -> vector<16xf32>
        %shift_left3A_250 = arith.constant 16 : i32
        %shift_left3A_251 = vector.broadcast %shift_left3A_250 : i32 to vector<16xi32>
        %shift_left3A_252 = arith.shli %get3A_244, %shift_left3A_251 : vector<16xi32>
        %bitcast_convert_type3A_253 = tpu.bitcast %shift_left3A_252 : vector<16xi32> -> vector<16xf32>
        %bitcast_convert_type3A_254 = tpu.bitcast %get3A_244 : vector<16xi32> -> vector<16xf32>
        %mul3A_255 = arith.mulf %bitcast_convert_type3A_248, %bitcast_convert_type3A_253 : vector<16xf32>
        %mul3A_256 = arith.mulf %bitcast_convert_type3A_249, %bitcast_convert_type3A_254 : vector<16xf32>
        %add3A_257 = arith.addf %mul3A_255, %mul3A_256 : vector<16xf32>
        %add3A_258 = arith.addf %add3A_236, %add3A_257 : vector<16xf32>
        %get3A_259 = arith.index_cast %add3A_193 : i32 to index
        %get3A_260 = arith.constant 48 : index
        %get3A_261 = tpu.vector_load %arg7[%get3A_259, %get3A_260] {strides = array<i32>} : memref<128x64xi32, #tpu.memory_space<vmem>>, vector<1x16xi32>,
        %get3A_262 = vector.shape_cast %get3A_261 : vector<1x16xi32> to vector<16xi32>
        %get3A_263 = arith.index_cast %add3A_193 : i32 to index
        %get3A_264 = arith.constant 48 : index
        %get3A_265 = tpu.vector_load %arg8[%get3A_263, %get3A_264] {strides = array<i32>} : memref<128x64xi32, #tpu.memory_space<vmem>>, vector<1x16xi32>,
        %get3A_266 = vector.shape_cast %get3A_265 : vector<1x16xi32> to vector<16xi32>
        %shift_left3A_267 = arith.constant 16 : i32
        %shift_left3A_268 = vector.broadcast %shift_left3A_267 : i32 to vector<16xi32>
        %shift_left3A_269 = arith.shli %get3A_262, %shift_left3A_268 : vector<16xi32>
        %bitcast_convert_type3A_270 = tpu.bitcast %shift_left3A_269 : vector<16xi32> -> vector<16xf32>
        %bitcast_convert_type3A_271 = tpu.bitcast %get3A_262 : vector<16xi32> -> vector<16xf32>
        %shift_left3A_272 = arith.constant 16 : i32
        %shift_left3A_273 = vector.broadcast %shift_left3A_272 : i32 to vector<16xi32>
        %shift_left3A_274 = arith.shli %get3A_266, %shift_left3A_273 : vector<16xi32>
        %bitcast_convert_type3A_275 = tpu.bitcast %shift_left3A_274 : vector<16xi32> -> vector<16xf32>
        %bitcast_convert_type3A_276 = tpu.bitcast %get3A_266 : vector<16xi32> -> vector<16xf32>
        %mul3A_277 = arith.mulf %bitcast_convert_type3A_270, %bitcast_convert_type3A_275 : vector<16xf32>
        %mul3A_278 = arith.mulf %bitcast_convert_type3A_271, %bitcast_convert_type3A_276 : vector<16xf32>
        %add3A_279 = arith.addf %mul3A_277, %mul3A_278 : vector<16xf32>
        %add3A_280 = arith.addf %add3A_258, %add3A_279 : vector<16xf32>
        %shift_right_arithmetic3A = arith.constant 0 : i32
        %shift_right_arithmetic3A_281 = vector.broadcast %shift_right_arithmetic3A : i32 to vector<16xi32>
        %shift_right_arithmetic3A_282 = arith.shrsi %iota3A, %shift_right_arithmetic3A_281 : vector<16xi32>
        %and3A = arith.constant 1 : i32
        %and3A_283 = vector.broadcast %and3A : i32 to vector<16xi32>
        %and3A_284 = arith.andi %shift_right_arithmetic3A_282, %and3A_283 : vector<16xi32>
        %xor3A = arith.constant 1 : i32
        %xor3A_285 = vector.broadcast %xor3A : i32 to vector<16xi32>
        %xor3A_286 = arith.xori %iota3A, %xor3A_285 : vector<16xi32>
        %lt3A = arith.constant 0 : i32
        %lt3A_287 = vector.broadcast %lt3A : i32 to vector<16xi32>
        %lt3A_288 = arith.cmpi slt, %xor3A_286, %lt3A_287 : vector<16xi32>
        %add3A_289 = arith.constant 16 : i32
        %add3A_290 = vector.broadcast %add3A_289 : i32 to vector<16xi32>
        %add3A_291 = arith.addi %xor3A_286, %add3A_290 : vector<16xi32>
        %select_n3A = arith.select %lt3A_288, %add3A_291, %xor3A_286 : vector<16xi1>, vector<16xi32>
        %broadcast_in_dim3A = vector.shape_cast %select_n3A : vector<16xi32> to vector<16x1xi32>
        %gather3A = vector.shape_cast %broadcast_in_dim3A : vector<16x1xi32> to vector<16xi32>
        %gather3A_292 = tpu.dynamic_gather %add3A_189[%gather3A] in [0] : vector<16xf32>, vector<16xi32> -> vector<16xf32>
        %add3A_293 = arith.addf %add3A_189, %gather3A_292 : vector<16xf32>
        %xor3A_294 = arith.constant 1 : i32
        %xor3A_295 = vector.broadcast %xor3A_294 : i32 to vector<16xi32>
        %xor3A_296 = arith.xori %iota3A, %xor3A_295 : vector<16xi32>
        %lt3A_297 = arith.constant 0 : i32
        %lt3A_298 = vector.broadcast %lt3A_297 : i32 to vector<16xi32>
        %lt3A_299 = arith.cmpi slt, %xor3A_296, %lt3A_298 : vector<16xi32>
        %add3A_300 = arith.constant 16 : i32
        %add3A_301 = vector.broadcast %add3A_300 : i32 to vector<16xi32>
        %add3A_302 = arith.addi %xor3A_296, %add3A_301 : vector<16xi32>
        %select_n3A_303 = arith.select %lt3A_299, %add3A_302, %xor3A_296 : vector<16xi1>, vector<16xi32>
        %broadcast_in_dim3A_304 = vector.shape_cast %select_n3A_303 : vector<16xi32> to vector<16x1xi32>
        %gather3A_305 = vector.shape_cast %broadcast_in_dim3A_304 : vector<16x1xi32> to vector<16xi32>
        %gather3A_306 = tpu.dynamic_gather %add3A_280[%gather3A_305] in [0] : vector<16xf32>, vector<16xi32> -> vector<16xf32>
        %add3A_307 = arith.addf %add3A_280, %gather3A_306 : vector<16xf32>
        %eq3A = arith.constant 0 : i32
        %eq3A_308 = vector.broadcast %eq3A : i32 to vector<16xi32>
        %eq3A_309 = arith.cmpi eq, %and3A_284, %eq3A_308 : vector<16xi32>
        %select_n3A_310 = arith.select %eq3A_309, %add3A_293, %add3A_307 : vector<16xi1>, vector<16xf32>
        %add3A_311 = arith.constant 2 : i32
        %add3A_312 = arith.addi %mul3A_103, %add3A_311 : i32
        %get3A_313 = arith.index_cast %add3A_312 : i32 to index
        %get3A_314 = arith.constant 0 : index
        %get3A_315 = tpu.vector_load %arg7[%get3A_313, %get3A_314] {strides = array<i32>} : memref<128x64xi32, #tpu.memory_space<vmem>>, vector<1x16xi32>,
        %get3A_316 = vector.shape_cast %get3A_315 : vector<1x16xi32> to vector<16xi32>
        %get3A_317 = arith.index_cast %add3A_312 : i32 to index
        %get3A_318 = arith.constant 0 : index
        %get3A_319 = tpu.vector_load %arg8[%get3A_317, %get3A_318] {strides = array<i32>} : memref<128x64xi32, #tpu.memory_space<vmem>>, vector<1x16xi32>,
        %get3A_320 = vector.shape_cast %get3A_319 : vector<1x16xi32> to vector<16xi32>
        %shift_left3A_321 = arith.constant 16 : i32
        %shift_left3A_322 = vector.broadcast %shift_left3A_321 : i32 to vector<16xi32>
        %shift_left3A_323 = arith.shli %get3A_316, %shift_left3A_322 : vector<16xi32>
        %bitcast_convert_type3A_324 = tpu.bitcast %shift_left3A_323 : vector<16xi32> -> vector<16xf32>
        %bitcast_convert_type3A_325 = tpu.bitcast %get3A_316 : vector<16xi32> -> vector<16xf32>
        %shift_left3A_326 = arith.constant 16 : i32
        %shift_left3A_327 = vector.broadcast %shift_left3A_326 : i32 to vector<16xi32>
        %shift_left3A_328 = arith.shli %get3A_320, %shift_left3A_327 : vector<16xi32>
        %bitcast_convert_type3A_329 = tpu.bitcast %shift_left3A_328 : vector<16xi32> -> vector<16xf32>
        %bitcast_convert_type3A_330 = tpu.bitcast %get3A_320 : vector<16xi32> -> vector<16xf32>
        %mul3A_331 = arith.mulf %bitcast_convert_type3A_324, %bitcast_convert_type3A_329 : vector<16xf32>
        %mul3A_332 = arith.mulf %bitcast_convert_type3A_325, %bitcast_convert_type3A_330 : vector<16xf32>
        %add3A_333 = arith.addf %mul3A_331, %mul3A_332 : vector<16xf32>
        %get3A_334 = arith.index_cast %add3A_312 : i32 to index
        %get3A_335 = arith.constant 16 : index
        %get3A_336 = tpu.vector_load %arg7[%get3A_334, %get3A_335] {strides = array<i32>} : memref<128x64xi32, #tpu.memory_space<vmem>>, vector<1x16xi32>,
        %get3A_337 = vector.shape_cast %get3A_336 : vector<1x16xi32> to vector<16xi32>
        %get3A_338 = arith.index_cast %add3A_312 : i32 to index
        %get3A_339 = arith.constant 16 : index
        %get3A_340 = tpu.vector_load %arg8[%get3A_338, %get3A_339] {strides = array<i32>} : memref<128x64xi32, #tpu.memory_space<vmem>>, vector<1x16xi32>,
        %get3A_341 = vector.shape_cast %get3A_340 : vector<1x16xi32> to vector<16xi32>
        %shift_left3A_342 = arith.constant 16 : i32
        %shift_left3A_343 = vector.broadcast %shift_left3A_342 : i32 to vector<16xi32>
        %shift_left3A_344 = arith.shli %get3A_337, %shift_left3A_343 : vector<16xi32>
        %bitcast_convert_type3A_345 = tpu.bitcast %shift_left3A_344 : vector<16xi32> -> vector<16xf32>
        %bitcast_convert_type3A_346 = tpu.bitcast %get3A_337 : vector<16xi32> -> vector<16xf32>
        %shift_left3A_347 = arith.constant 16 : i32
        %shift_left3A_348 = vector.broadcast %shift_left3A_347 : i32 to vector<16xi32>
        %shift_left3A_349 = arith.shli %get3A_341, %shift_left3A_348 : vector<16xi32>
        %bitcast_convert_type3A_350 = tpu.bitcast %shift_left3A_349 : vector<16xi32> -> vector<16xf32>
        %bitcast_convert_type3A_351 = tpu.bitcast %get3A_341 : vector<16xi32> -> vector<16xf32>
        %mul3A_352 = arith.mulf %bitcast_convert_type3A_345, %bitcast_convert_type3A_350 : vector<16xf32>
        %mul3A_353 = arith.mulf %bitcast_convert_type3A_346, %bitcast_convert_type3A_351 : vector<16xf32>
        %add3A_354 = arith.addf %mul3A_352, %mul3A_353 : vector<16xf32>
        %add3A_355 = arith.addf %add3A_333, %add3A_354 : vector<16xf32>
        %get3A_356 = arith.index_cast %add3A_312 : i32 to index
        %get3A_357 = arith.constant 32 : index
        %get3A_358 = tpu.vector_load %arg7[%get3A_356, %get3A_357] {strides = array<i32>} : memref<128x64xi32, #tpu.memory_space<vmem>>, vector<1x16xi32>,
        %get3A_359 = vector.shape_cast %get3A_358 : vector<1x16xi32> to vector<16xi32>
        %get3A_360 = arith.index_cast %add3A_312 : i32 to index
        %get3A_361 = arith.constant 32 : index
        %get3A_362 = tpu.vector_load %arg8[%get3A_360, %get3A_361] {strides = array<i32>} : memref<128x64xi32, #tpu.memory_space<vmem>>, vector<1x16xi32>,
        %get3A_363 = vector.shape_cast %get3A_362 : vector<1x16xi32> to vector<16xi32>
        %shift_left3A_364 = arith.constant 16 : i32
        %shift_left3A_365 = vector.broadcast %shift_left3A_364 : i32 to vector<16xi32>
        %shift_left3A_366 = arith.shli %get3A_359, %shift_left3A_365 : vector<16xi32>
        %bitcast_convert_type3A_367 = tpu.bitcast %shift_left3A_366 : vector<16xi32> -> vector<16xf32>
        %bitcast_convert_type3A_368 = tpu.bitcast %get3A_359 : vector<16xi32> -> vector<16xf32>
        %shift_left3A_369 = arith.constant 16 : i32
        %shift_left3A_370 = vector.broadcast %shift_left3A_369 : i32 to vector<16xi32>
        %shift_left3A_371 = arith.shli %get3A_363, %shift_left3A_370 : vector<16xi32>
        %bitcast_convert_type3A_372 = tpu.bitcast %shift_left3A_371 : vector<16xi32> -> vector<16xf32>
        %bitcast_convert_type3A_373 = tpu.bitcast %get3A_363 : vector<16xi32> -> vector<16xf32>
        %mul3A_374 = arith.mulf %bitcast_convert_type3A_367, %bitcast_convert_type3A_372 : vector<16xf32>
        %mul3A_375 = arith.mulf %bitcast_convert_type3A_368, %bitcast_convert_type3A_373 : vector<16xf32>
        %add3A_376 = arith.addf %mul3A_374, %mul3A_375 : vector<16xf32>
        %add3A_377 = arith.addf %add3A_355, %add3A_376 : vector<16xf32>
        %get3A_378 = arith.index_cast %add3A_312 : i32 to index
        %get3A_379 = arith.constant 48 : index
        %get3A_380 = tpu.vector_load %arg7[%get3A_378, %get3A_379] {strides = array<i32>} : memref<128x64xi32, #tpu.memory_space<vmem>>, vector<1x16xi32>,
        %get3A_381 = vector.shape_cast %get3A_380 : vector<1x16xi32> to vector<16xi32>
        %get3A_382 = arith.index_cast %add3A_312 : i32 to index
        %get3A_383 = arith.constant 48 : index
        %get3A_384 = tpu.vector_load %arg8[%get3A_382, %get3A_383] {strides = array<i32>} : memref<128x64xi32, #tpu.memory_space<vmem>>, vector<1x16xi32>,
        %get3A_385 = vector.shape_cast %get3A_384 : vector<1x16xi32> to vector<16xi32>
        %shift_left3A_386 = arith.constant 16 : i32
        %shift_left3A_387 = vector.broadcast %shift_left3A_386 : i32 to vector<16xi32>
        %shift_left3A_388 = arith.shli %get3A_381, %shift_left3A_387 : vector<16xi32>
        %bitcast_convert_type3A_389 = tpu.bitcast %shift_left3A_388 : vector<16xi32> -> vector<16xf32>
        %bitcast_convert_type3A_390 = tpu.bitcast %get3A_381 : vector<16xi32> -> vector<16xf32>
        %shift_left3A_391 = arith.constant 16 : i32
        %shift_left3A_392 = vector.broadcast %shift_left3A_391 : i32 to vector<16xi32>
        %shift_left3A_393 = arith.shli %get3A_385, %shift_left3A_392 : vector<16xi32>
        %bitcast_convert_type3A_394 = tpu.bitcast %shift_left3A_393 : vector<16xi32> -> vector<16xf32>
        %bitcast_convert_type3A_395 = tpu.bitcast %get3A_385 : vector<16xi32> -> vector<16xf32>
        %mul3A_396 = arith.mulf %bitcast_convert_type3A_389, %bitcast_convert_type3A_394 : vector<16xf32>
        %mul3A_397 = arith.mulf %bitcast_convert_type3A_390, %bitcast_convert_type3A_395 : vector<16xf32>
        %add3A_398 = arith.addf %mul3A_396, %mul3A_397 : vector<16xf32>
        %add3A_399 = arith.addf %add3A_377, %add3A_398 : vector<16xf32>
        %add3A_400 = arith.constant 2 : i32
        %add3A_401 = arith.addi %mul3A_103, %add3A_400 : i32
        %add3A_402 = arith.constant 1 : i32
        %add3A_403 = arith.addi %add3A_401, %add3A_402 : i32
        %get3A_404 = arith.index_cast %add3A_403 : i32 to index
        %get3A_405 = arith.constant 0 : index
        %get3A_406 = tpu.vector_load %arg7[%get3A_404, %get3A_405] {strides = array<i32>} : memref<128x64xi32, #tpu.memory_space<vmem>>, vector<1x16xi32>,
        %get3A_407 = vector.shape_cast %get3A_406 : vector<1x16xi32> to vector<16xi32>
        %get3A_408 = arith.index_cast %add3A_403 : i32 to index
        %get3A_409 = arith.constant 0 : index
        %get3A_410 = tpu.vector_load %arg8[%get3A_408, %get3A_409] {strides = array<i32>} : memref<128x64xi32, #tpu.memory_space<vmem>>, vector<1x16xi32>,
        %get3A_411 = vector.shape_cast %get3A_410 : vector<1x16xi32> to vector<16xi32>
        %shift_left3A_412 = arith.constant 16 : i32
        %shift_left3A_413 = vector.broadcast %shift_left3A_412 : i32 to vector<16xi32>
        %shift_left3A_414 = arith.shli %get3A_407, %shift_left3A_413 : vector<16xi32>
        %bitcast_convert_type3A_415 = tpu.bitcast %shift_left3A_414 : vector<16xi32> -> vector<16xf32>
        %bitcast_convert_type3A_416 = tpu.bitcast %get3A_407 : vector<16xi32> -> vector<16xf32>
        %shift_left3A_417 = arith.constant 16 : i32
        %shift_left3A_418 = vector.broadcast %shift_left3A_417 : i32 to vector<16xi32>
        %shift_left3A_419 = arith.shli %get3A_411, %shift_left3A_418 : vector<16xi32>
        %bitcast_convert_type3A_420 = tpu.bitcast %shift_left3A_419 : vector<16xi32> -> vector<16xf32>
        %bitcast_convert_type3A_421 = tpu.bitcast %get3A_411 : vector<16xi32> -> vector<16xf32>
        %mul3A_422 = arith.mulf %bitcast_convert_type3A_415, %bitcast_convert_type3A_420 : vector<16xf32>
        %mul3A_423 = arith.mulf %bitcast_convert_type3A_416, %bitcast_convert_type3A_421 : vector<16xf32>
        %add3A_424 = arith.addf %mul3A_422, %mul3A_423 : vector<16xf32>
        %get3A_425 = arith.index_cast %add3A_403 : i32 to index
        %get3A_426 = arith.constant 16 : index
        %get3A_427 = tpu.vector_load %arg7[%get3A_425, %get3A_426] {strides = array<i32>} : memref<128x64xi32, #tpu.memory_space<vmem>>, vector<1x16xi32>,
        %get3A_428 = vector.shape_cast %get3A_427 : vector<1x16xi32> to vector<16xi32>
        %get3A_429 = arith.index_cast %add3A_403 : i32 to index
        %get3A_430 = arith.constant 16 : index
        %get3A_431 = tpu.vector_load %arg8[%get3A_429, %get3A_430] {strides = array<i32>} : memref<128x64xi32, #tpu.memory_space<vmem>>, vector<1x16xi32>,
        %get3A_432 = vector.shape_cast %get3A_431 : vector<1x16xi32> to vector<16xi32>
        %shift_left3A_433 = arith.constant 16 : i32
        %shift_left3A_434 = vector.broadcast %shift_left3A_433 : i32 to vector<16xi32>
        %shift_left3A_435 = arith.shli %get3A_428, %shift_left3A_434 : vector<16xi32>
        %bitcast_convert_type3A_436 = tpu.bitcast %shift_left3A_435 : vector<16xi32> -> vector<16xf32>
        %bitcast_convert_type3A_437 = tpu.bitcast %get3A_428 : vector<16xi32> -> vector<16xf32>
        %shift_left3A_438 = arith.constant 16 : i32
        %shift_left3A_439 = vector.broadcast %shift_left3A_438 : i32 to vector<16xi32>
        %shift_left3A_440 = arith.shli %get3A_432, %shift_left3A_439 : vector<16xi32>
        %bitcast_convert_type3A_441 = tpu.bitcast %shift_left3A_440 : vector<16xi32> -> vector<16xf32>
        %bitcast_convert_type3A_442 = tpu.bitcast %get3A_432 : vector<16xi32> -> vector<16xf32>
        %mul3A_443 = arith.mulf %bitcast_convert_type3A_436, %bitcast_convert_type3A_441 : vector<16xf32>
        %mul3A_444 = arith.mulf %bitcast_convert_type3A_437, %bitcast_convert_type3A_442 : vector<16xf32>
        %add3A_445 = arith.addf %mul3A_443, %mul3A_444 : vector<16xf32>
        %add3A_446 = arith.addf %add3A_424, %add3A_445 : vector<16xf32>
        %get3A_447 = arith.index_cast %add3A_403 : i32 to index
        %get3A_448 = arith.constant 32 : index
        %get3A_449 = tpu.vector_load %arg7[%get3A_447, %get3A_448] {strides = array<i32>} : memref<128x64xi32, #tpu.memory_space<vmem>>, vector<1x16xi32>,
        %get3A_450 = vector.shape_cast %get3A_449 : vector<1x16xi32> to vector<16xi32>
        %get3A_451 = arith.index_cast %add3A_403 : i32 to index
        %get3A_452 = arith.constant 32 : index
        %get3A_453 = tpu.vector_load %arg8[%get3A_451, %get3A_452] {strides = array<i32>} : memref<128x64xi32, #tpu.memory_space<vmem>>, vector<1x16xi32>,
        %get3A_454 = vector.shape_cast %get3A_453 : vector<1x16xi32> to vector<16xi32>
        %shift_left3A_455 = arith.constant 16 : i32
        %shift_left3A_456 = vector.broadcast %shift_left3A_455 : i32 to vector<16xi32>
        %shift_left3A_457 = arith.shli %get3A_450, %shift_left3A_456 : vector<16xi32>
        %bitcast_convert_type3A_458 = tpu.bitcast %shift_left3A_457 : vector<16xi32> -> vector<16xf32>
        %bitcast_convert_type3A_459 = tpu.bitcast %get3A_450 : vector<16xi32> -> vector<16xf32>
        %shift_left3A_460 = arith.constant 16 : i32
        %shift_left3A_461 = vector.broadcast %shift_left3A_460 : i32 to vector<16xi32>
        %shift_left3A_462 = arith.shli %get3A_454, %shift_left3A_461 : vector<16xi32>
        %bitcast_convert_type3A_463 = tpu.bitcast %shift_left3A_462 : vector<16xi32> -> vector<16xf32>
        %bitcast_convert_type3A_464 = tpu.bitcast %get3A_454 : vector<16xi32> -> vector<16xf32>
        %mul3A_465 = arith.mulf %bitcast_convert_type3A_458, %bitcast_convert_type3A_463 : vector<16xf32>
        %mul3A_466 = arith.mulf %bitcast_convert_type3A_459, %bitcast_convert_type3A_464 : vector<16xf32>
        %add3A_467 = arith.addf %mul3A_465, %mul3A_466 : vector<16xf32>
        %add3A_468 = arith.addf %add3A_446, %add3A_467 : vector<16xf32>
        %get3A_469 = arith.index_cast %add3A_403 : i32 to index
        %get3A_470 = arith.constant 48 : index
        %get3A_471 = tpu.vector_load %arg7[%get3A_469, %get3A_470] {strides = array<i32>} : memref<128x64xi32, #tpu.memory_space<vmem>>, vector<1x16xi32>,
        %get3A_472 = vector.shape_cast %get3A_471 : vector<1x16xi32> to vector<16xi32>
        %get3A_473 = arith.index_cast %add3A_403 : i32 to index
        %get3A_474 = arith.constant 48 : index
        %get3A_475 = tpu.vector_load %arg8[%get3A_473, %get3A_474] {strides = array<i32>} : memref<128x64xi32, #tpu.memory_space<vmem>>, vector<1x16xi32>,
        %get3A_476 = vector.shape_cast %get3A_475 : vector<1x16xi32> to vector<16xi32>
        %shift_left3A_477 = arith.constant 16 : i32
        %shift_left3A_478 = vector.broadcast %shift_left3A_477 : i32 to vector<16xi32>
        %shift_left3A_479 = arith.shli %get3A_472, %shift_left3A_478 : vector<16xi32>
        %bitcast_convert_type3A_480 = tpu.bitcast %shift_left3A_479 : vector<16xi32> -> vector<16xf32>
        %bitcast_convert_type3A_481 = tpu.bitcast %get3A_472 : vector<16xi32> -> vector<16xf32>
        %shift_left3A_482 = arith.constant 16 : i32
        %shift_left3A_483 = vector.broadcast %shift_left3A_482 : i32 to vector<16xi32>
        %shift_left3A_484 = arith.shli %get3A_476, %shift_left3A_483 : vector<16xi32>
        %bitcast_convert_type3A_485 = tpu.bitcast %shift_left3A_484 : vector<16xi32> -> vector<16xf32>
        %bitcast_convert_type3A_486 = tpu.bitcast %get3A_476 : vector<16xi32> -> vector<16xf32>
        %mul3A_487 = arith.mulf %bitcast_convert_type3A_480, %bitcast_convert_type3A_485 : vector<16xf32>
        %mul3A_488 = arith.mulf %bitcast_convert_type3A_481, %bitcast_convert_type3A_486 : vector<16xf32>
        %add3A_489 = arith.addf %mul3A_487, %mul3A_488 : vector<16xf32>
        %add3A_490 = arith.addf %add3A_468, %add3A_489 : vector<16xf32>
        %shift_right_arithmetic3A_491 = arith.constant 0 : i32
        %shift_right_arithmetic3A_492 = vector.broadcast %shift_right_arithmetic3A_491 : i32 to vector<16xi32>
        %shift_right_arithmetic3A_493 = arith.shrsi %iota3A, %shift_right_arithmetic3A_492 : vector<16xi32>
        %and3A_494 = arith.constant 1 : i32
        %and3A_495 = vector.broadcast %and3A_494 : i32 to vector<16xi32>
        %and3A_496 = arith.andi %shift_right_arithmetic3A_493, %and3A_495 : vector<16xi32>
        %xor3A_497 = arith.constant 1 : i32
        %xor3A_498 = vector.broadcast %xor3A_497 : i32 to vector<16xi32>
        %xor3A_499 = arith.xori %iota3A, %xor3A_498 : vector<16xi32>
        %lt3A_500 = arith.constant 0 : i32
        %lt3A_501 = vector.broadcast %lt3A_500 : i32 to vector<16xi32>
        %lt3A_502 = arith.cmpi slt, %xor3A_499, %lt3A_501 : vector<16xi32>
        %add3A_503 = arith.constant 16 : i32
        %add3A_504 = vector.broadcast %add3A_503 : i32 to vector<16xi32>
        %add3A_505 = arith.addi %xor3A_499, %add3A_504 : vector<16xi32>
        %select_n3A_506 = arith.select %lt3A_502, %add3A_505, %xor3A_499 : vector<16xi1>, vector<16xi32>
        %broadcast_in_dim3A_507 = vector.shape_cast %select_n3A_506 : vector<16xi32> to vector<16x1xi32>
        %gather3A_508 = vector.shape_cast %broadcast_in_dim3A_507 : vector<16x1xi32> to vector<16xi32>
        %gather3A_509 = tpu.dynamic_gather %add3A_399[%gather3A_508] in [0] : vector<16xf32>, vector<16xi32> -> vector<16xf32>
        %add3A_510 = arith.addf %add3A_399, %gather3A_509 : vector<16xf32>
        %xor3A_511 = arith.constant 1 : i32
        %xor3A_512 = vector.broadcast %xor3A_511 : i32 to vector<16xi32>
        %xor3A_513 = arith.xori %iota3A, %xor3A_512 : vector<16xi32>
        %lt3A_514 = arith.constant 0 : i32
        %lt3A_515 = vector.broadcast %lt3A_514 : i32 to vector<16xi32>
        %lt3A_516 = arith.cmpi slt, %xor3A_513, %lt3A_515 : vector<16xi32>
        %add3A_517 = arith.constant 16 : i32
        %add3A_518 = vector.broadcast %add3A_517 : i32 to vector<16xi32>
        %add3A_519 = arith.addi %xor3A_513, %add3A_518 : vector<16xi32>
        %select_n3A_520 = arith.select %lt3A_516, %add3A_519, %xor3A_513 : vector<16xi1>, vector<16xi32>
        %broadcast_in_dim3A_521 = vector.shape_cast %select_n3A_520 : vector<16xi32> to vector<16x1xi32>
        %gather3A_522 = vector.shape_cast %broadcast_in_dim3A_521 : vector<16x1xi32> to vector<16xi32>
        %gather3A_523 = tpu.dynamic_gather %add3A_490[%gather3A_522] in [0] : vector<16xf32>, vector<16xi32> -> vector<16xf32>
        %add3A_524 = arith.addf %add3A_490, %gather3A_523 : vector<16xf32>
        %eq3A_525 = arith.constant 0 : i32
        %eq3A_526 = vector.broadcast %eq3A_525 : i32 to vector<16xi32>
        %eq3A_527 = arith.cmpi eq, %and3A_496, %eq3A_526 : vector<16xi32>
        %select_n3A_528 = arith.select %eq3A_527, %add3A_510, %add3A_524 : vector<16xi1>, vector<16xf32>
        %shift_right_arithmetic3A_529 = arith.constant 1 : i32
        %shift_right_arithmetic3A_530 = vector.broadcast %shift_right_arithmetic3A_529 : i32 to vector<16xi32>
        %shift_right_arithmetic3A_531 = arith.shrsi %iota3A, %shift_right_arithmetic3A_530 : vector<16xi32>
        %and3A_532 = arith.constant 1 : i32
        %and3A_533 = vector.broadcast %and3A_532 : i32 to vector<16xi32>
        %and3A_534 = arith.andi %shift_right_arithmetic3A_531, %and3A_533 : vector<16xi32>
        %xor3A_535 = arith.constant 2 : i32
        %xor3A_536 = vector.broadcast %xor3A_535 : i32 to vector<16xi32>
        %xor3A_537 = arith.xori %iota3A, %xor3A_536 : vector<16xi32>
        %lt3A_538 = arith.constant 0 : i32
        %lt3A_539 = vector.broadcast %lt3A_538 : i32 to vector<16xi32>
        %lt3A_540 = arith.cmpi slt, %xor3A_537, %lt3A_539 : vector<16xi32>
        %add3A_541 = arith.constant 16 : i32
        %add3A_542 = vector.broadcast %add3A_541 : i32 to vector<16xi32>
        %add3A_543 = arith.addi %xor3A_537, %add3A_542 : vector<16xi32>
        %select_n3A_544 = arith.select %lt3A_540, %add3A_543, %xor3A_537 : vector<16xi1>, vector<16xi32>
        %broadcast_in_dim3A_545 = vector.shape_cast %select_n3A_544 : vector<16xi32> to vector<16x1xi32>
        %gather3A_546 = vector.shape_cast %broadcast_in_dim3A_545 : vector<16x1xi32> to vector<16xi32>
        %gather3A_547 = tpu.dynamic_gather %select_n3A_310[%gather3A_546] in [0] : vector<16xf32>, vector<16xi32> -> vector<16xf32>
        %add3A_548 = arith.addf %select_n3A_310, %gather3A_547 : vector<16xf32>
        %xor3A_549 = arith.constant 2 : i32
        %xor3A_550 = vector.broadcast %xor3A_549 : i32 to vector<16xi32>
        %xor3A_551 = arith.xori %iota3A, %xor3A_550 : vector<16xi32>
        %lt3A_552 = arith.constant 0 : i32
        %lt3A_553 = vector.broadcast %lt3A_552 : i32 to vector<16xi32>
        %lt3A_554 = arith.cmpi slt, %xor3A_551, %lt3A_553 : vector<16xi32>
        %add3A_555 = arith.constant 16 : i32
        %add3A_556 = vector.broadcast %add3A_555 : i32 to vector<16xi32>
        %add3A_557 = arith.addi %xor3A_551, %add3A_556 : vector<16xi32>
        %select_n3A_558 = arith.select %lt3A_554, %add3A_557, %xor3A_551 : vector<16xi1>, vector<16xi32>
        %broadcast_in_dim3A_559 = vector.shape_cast %select_n3A_558 : vector<16xi32> to vector<16x1xi32>
        %gather3A_560 = vector.shape_cast %broadcast_in_dim3A_559 : vector<16x1xi32> to vector<16xi32>
        %gather3A_561 = tpu.dynamic_gather %select_n3A_528[%gather3A_560] in [0] : vector<16xf32>, vector<16xi32> -> vector<16xf32>
        %add3A_562 = arith.addf %select_n3A_528, %gather3A_561 : vector<16xf32>
        %eq3A_563 = arith.constant 0 : i32
        %eq3A_564 = vector.broadcast %eq3A_563 : i32 to vector<16xi32>
        %eq3A_565 = arith.cmpi eq, %and3A_534, %eq3A_564 : vector<16xi32>
        %select_n3A_566 = arith.select %eq3A_565, %add3A_548, %add3A_562 : vector<16xi1>, vector<16xf32>
        %add3A_567 = arith.constant 4 : i32
        %add3A_568 = arith.addi %mul3A_103, %add3A_567 : i32
        %get3A_569 = arith.index_cast %add3A_568 : i32 to index
        %get3A_570 = arith.constant 0 : index
        %get3A_571 = tpu.vector_load %arg7[%get3A_569, %get3A_570] {strides = array<i32>} : memref<128x64xi32, #tpu.memory_space<vmem>>, vector<1x16xi32>,
        %get3A_572 = vector.shape_cast %get3A_571 : vector<1x16xi32> to vector<16xi32>
        %get3A_573 = arith.index_cast %add3A_568 : i32 to index
        %get3A_574 = arith.constant 0 : index
        %get3A_575 = tpu.vector_load %arg8[%get3A_573, %get3A_574] {strides = array<i32>} : memref<128x64xi32, #tpu.memory_space<vmem>>, vector<1x16xi32>,
        %get3A_576 = vector.shape_cast %get3A_575 : vector<1x16xi32> to vector<16xi32>
        %shift_left3A_577 = arith.constant 16 : i32
        %shift_left3A_578 = vector.broadcast %shift_left3A_577 : i32 to vector<16xi32>
        %shift_left3A_579 = arith.shli %get3A_572, %shift_left3A_578 : vector<16xi32>
        %bitcast_convert_type3A_580 = tpu.bitcast %shift_left3A_579 : vector<16xi32> -> vector<16xf32>
        %bitcast_convert_type3A_581 = tpu.bitcast %get3A_572 : vector<16xi32> -> vector<16xf32>
        %shift_left3A_582 = arith.constant 16 : i32
        %shift_left3A_583 = vector.broadcast %shift_left3A_582 : i32 to vector<16xi32>
        %shift_left3A_584 = arith.shli %get3A_576, %shift_left3A_583 : vector<16xi32>
        %bitcast_convert_type3A_585 = tpu.bitcast %shift_left3A_584 : vector<16xi32> -> vector<16xf32>
        %bitcast_convert_type3A_586 = tpu.bitcast %get3A_576 : vector<16xi32> -> vector<16xf32>
        %mul3A_587 = arith.mulf %bitcast_convert_type3A_580, %bitcast_convert_type3A_585 : vector<16xf32>
        %mul3A_588 = arith.mulf %bitcast_convert_type3A_581, %bitcast_convert_type3A_586 : vector<16xf32>
        %add3A_589 = arith.addf %mul3A_587, %mul3A_588 : vector<16xf32>
        %get3A_590 = arith.index_cast %add3A_568 : i32 to index
        %get3A_591 = arith.constant 16 : index
        %get3A_592 = tpu.vector_load %arg7[%get3A_590, %get3A_591] {strides = array<i32>} : memref<128x64xi32, #tpu.memory_space<vmem>>, vector<1x16xi32>,
        %get3A_593 = vector.shape_cast %get3A_592 : vector<1x16xi32> to vector<16xi32>
        %get3A_594 = arith.index_cast %add3A_568 : i32 to index
        %get3A_595 = arith.constant 16 : index
        %get3A_596 = tpu.vector_load %arg8[%get3A_594, %get3A_595] {strides = array<i32>} : memref<128x64xi32, #tpu.memory_space<vmem>>, vector<1x16xi32>,
        %get3A_597 = vector.shape_cast %get3A_596 : vector<1x16xi32> to vector<16xi32>
        %shift_left3A_598 = arith.constant 16 : i32
        %shift_left3A_599 = vector.broadcast %shift_left3A_598 : i32 to vector<16xi32>
        %shift_left3A_600 = arith.shli %get3A_593, %shift_left3A_599 : vector<16xi32>
        %bitcast_convert_type3A_601 = tpu.bitcast %shift_left3A_600 : vector<16xi32> -> vector<16xf32>
        %bitcast_convert_type3A_602 = tpu.bitcast %get3A_593 : vector<16xi32> -> vector<16xf32>
        %shift_left3A_603 = arith.constant 16 : i32
        %shift_left3A_604 = vector.broadcast %shift_left3A_603 : i32 to vector<16xi32>
        %shift_left3A_605 = arith.shli %get3A_597, %shift_left3A_604 : vector<16xi32>
        %bitcast_convert_type3A_606 = tpu.bitcast %shift_left3A_605 : vector<16xi32> -> vector<16xf32>
        %bitcast_convert_type3A_607 = tpu.bitcast %get3A_597 : vector<16xi32> -> vector<16xf32>
        %mul3A_608 = arith.mulf %bitcast_convert_type3A_601, %bitcast_convert_type3A_606 : vector<16xf32>
        %mul3A_609 = arith.mulf %bitcast_convert_type3A_602, %bitcast_convert_type3A_607 : vector<16xf32>
        %add3A_610 = arith.addf %mul3A_608, %mul3A_609 : vector<16xf32>
        %add3A_611 = arith.addf %add3A_589, %add3A_610 : vector<16xf32>
        %get3A_612 = arith.index_cast %add3A_568 : i32 to index
        %get3A_613 = arith.constant 32 : index
        %get3A_614 = tpu.vector_load %arg7[%get3A_612, %get3A_613] {strides = array<i32>} : memref<128x64xi32, #tpu.memory_space<vmem>>, vector<1x16xi32>,
        %get3A_615 = vector.shape_cast %get3A_614 : vector<1x16xi32> to vector<16xi32>
        %get3A_616 = arith.index_cast %add3A_568 : i32 to index
        %get3A_617 = arith.constant 32 : index
        %get3A_618 = tpu.vector_load %arg8[%get3A_616, %get3A_617] {strides = array<i32>} : memref<128x64xi32, #tpu.memory_space<vmem>>, vector<1x16xi32>,
        %get3A_619 = vector.shape_cast %get3A_618 : vector<1x16xi32> to vector<16xi32>
        %shift_left3A_620 = arith.constant 16 : i32
        %shift_left3A_621 = vector.broadcast %shift_left3A_620 : i32 to vector<16xi32>
        %shift_left3A_622 = arith.shli %get3A_615, %shift_left3A_621 : vector<16xi32>
        %bitcast_convert_type3A_623 = tpu.bitcast %shift_left3A_622 : vector<16xi32> -> vector<16xf32>
        %bitcast_convert_type3A_624 = tpu.bitcast %get3A_615 : vector<16xi32> -> vector<16xf32>
        %shift_left3A_625 = arith.constant 16 : i32
        %shift_left3A_626 = vector.broadcast %shift_left3A_625 : i32 to vector<16xi32>
        %shift_left3A_627 = arith.shli %get3A_619, %shift_left3A_626 : vector<16xi32>
        %bitcast_convert_type3A_628 = tpu.bitcast %shift_left3A_627 : vector<16xi32> -> vector<16xf32>
        %bitcast_convert_type3A_629 = tpu.bitcast %get3A_619 : vector<16xi32> -> vector<16xf32>
        %mul3A_630 = arith.mulf %bitcast_convert_type3A_623, %bitcast_convert_type3A_628 : vector<16xf32>
        %mul3A_631 = arith.mulf %bitcast_convert_type3A_624, %bitcast_convert_type3A_629 : vector<16xf32>
        %add3A_632 = arith.addf %mul3A_630, %mul3A_631 : vector<16xf32>
        %add3A_633 = arith.addf %add3A_611, %add3A_632 : vector<16xf32>
        %get3A_634 = arith.index_cast %add3A_568 : i32 to index
        %get3A_635 = arith.constant 48 : index
        %get3A_636 = tpu.vector_load %arg7[%get3A_634, %get3A_635] {strides = array<i32>} : memref<128x64xi32, #tpu.memory_space<vmem>>, vector<1x16xi32>,
        %get3A_637 = vector.shape_cast %get3A_636 : vector<1x16xi32> to vector<16xi32>
        %get3A_638 = arith.index_cast %add3A_568 : i32 to index
        %get3A_639 = arith.constant 48 : index
        %get3A_640 = tpu.vector_load %arg8[%get3A_638, %get3A_639] {strides = array<i32>} : memref<128x64xi32, #tpu.memory_space<vmem>>, vector<1x16xi32>,
        %get3A_641 = vector.shape_cast %get3A_640 : vector<1x16xi32> to vector<16xi32>
        %shift_left3A_642 = arith.constant 16 : i32
        %shift_left3A_643 = vector.broadcast %shift_left3A_642 : i32 to vector<16xi32>
        %shift_left3A_644 = arith.shli %get3A_637, %shift_left3A_643 : vector<16xi32>
        %bitcast_convert_type3A_645 = tpu.bitcast %shift_left3A_644 : vector<16xi32> -> vector<16xf32>
        %bitcast_convert_type3A_646 = tpu.bitcast %get3A_637 : vector<16xi32> -> vector<16xf32>
        %shift_left3A_647 = arith.constant 16 : i32
        %shift_left3A_648 = vector.broadcast %shift_left3A_647 : i32 to vector<16xi32>
        %shift_left3A_649 = arith.shli %get3A_641, %shift_left3A_648 : vector<16xi32>
        %bitcast_convert_type3A_650 = tpu.bitcast %shift_left3A_649 : vector<16xi32> -> vector<16xf32>
        %bitcast_convert_type3A_651 = tpu.bitcast %get3A_641 : vector<16xi32> -> vector<16xf32>
        %mul3A_652 = arith.mulf %bitcast_convert_type3A_645, %bitcast_convert_type3A_650 : vector<16xf32>
        %mul3A_653 = arith.mulf %bitcast_convert_type3A_646, %bitcast_convert_type3A_651 : vector<16xf32>
        %add3A_654 = arith.addf %mul3A_652, %mul3A_653 : vector<16xf32>
        %add3A_655 = arith.addf %add3A_633, %add3A_654 : vector<16xf32>
        %add3A_656 = arith.constant 4 : i32
        %add3A_657 = arith.addi %mul3A_103, %add3A_656 : i32
        %add3A_658 = arith.constant 1 : i32
        %add3A_659 = arith.addi %add3A_657, %add3A_658 : i32
        %get3A_660 = arith.index_cast %add3A_659 : i32 to index
        %get3A_661 = arith.constant 0 : index
        %get3A_662 = tpu.vector_load %arg7[%get3A_660, %get3A_661] {strides = array<i32>} : memref<128x64xi32, #tpu.memory_space<vmem>>, vector<1x16xi32>,
        %get3A_663 = vector.shape_cast %get3A_662 : vector<1x16xi32> to vector<16xi32>
        %get3A_664 = arith.index_cast %add3A_659 : i32 to index
        %get3A_665 = arith.constant 0 : index
        %get3A_666 = tpu.vector_load %arg8[%get3A_664, %get3A_665] {strides = array<i32>} : memref<128x64xi32, #tpu.memory_space<vmem>>, vector<1x16xi32>,
        %get3A_667 = vector.shape_cast %get3A_666 : vector<1x16xi32> to vector<16xi32>
        %shift_left3A_668 = arith.constant 16 : i32
        %shift_left3A_669 = vector.broadcast %shift_left3A_668 : i32 to vector<16xi32>
        %shift_left3A_670 = arith.shli %get3A_663, %shift_left3A_669 : vector<16xi32>
        %bitcast_convert_type3A_671 = tpu.bitcast %shift_left3A_670 : vector<16xi32> -> vector<16xf32>
        %bitcast_convert_type3A_672 = tpu.bitcast %get3A_663 : vector<16xi32> -> vector<16xf32>
        %shift_left3A_673 = arith.constant 16 : i32
        %shift_left3A_674 = vector.broadcast %shift_left3A_673 : i32 to vector<16xi32>
        %shift_left3A_675 = arith.shli %get3A_667, %shift_left3A_674 : vector<16xi32>
        %bitcast_convert_type3A_676 = tpu.bitcast %shift_left3A_675 : vector<16xi32> -> vector<16xf32>
        %bitcast_convert_type3A_677 = tpu.bitcast %get3A_667 : vector<16xi32> -> vector<16xf32>
        %mul3A_678 = arith.mulf %bitcast_convert_type3A_671, %bitcast_convert_type3A_676 : vector<16xf32>
        %mul3A_679 = arith.mulf %bitcast_convert_type3A_672, %bitcast_convert_type3A_677 : vector<16xf32>
        %add3A_680 = arith.addf %mul3A_678, %mul3A_679 : vector<16xf32>
        %get3A_681 = arith.index_cast %add3A_659 : i32 to index
        %get3A_682 = arith.constant 16 : index
        %get3A_683 = tpu.vector_load %arg7[%get3A_681, %get3A_682] {strides = array<i32>} : memref<128x64xi32, #tpu.memory_space<vmem>>, vector<1x16xi32>,
        %get3A_684 = vector.shape_cast %get3A_683 : vector<1x16xi32> to vector<16xi32>
        %get3A_685 = arith.index_cast %add3A_659 : i32 to index
        %get3A_686 = arith.constant 16 : index
        %get3A_687 = tpu.vector_load %arg8[%get3A_685, %get3A_686] {strides = array<i32>} : memref<128x64xi32, #tpu.memory_space<vmem>>, vector<1x16xi32>,
        %get3A_688 = vector.shape_cast %get3A_687 : vector<1x16xi32> to vector<16xi32>
        %shift_left3A_689 = arith.constant 16 : i32
        %shift_left3A_690 = vector.broadcast %shift_left3A_689 : i32 to vector<16xi32>
        %shift_left3A_691 = arith.shli %get3A_684, %shift_left3A_690 : vector<16xi32>
        %bitcast_convert_type3A_692 = tpu.bitcast %shift_left3A_691 : vector<16xi32> -> vector<16xf32>
        %bitcast_convert_type3A_693 = tpu.bitcast %get3A_684 : vector<16xi32> -> vector<16xf32>
        %shift_left3A_694 = arith.constant 16 : i32
        %shift_left3A_695 = vector.broadcast %shift_left3A_694 : i32 to vector<16xi32>
        %shift_left3A_696 = arith.shli %get3A_688, %shift_left3A_695 : vector<16xi32>
        %bitcast_convert_type3A_697 = tpu.bitcast %shift_left3A_696 : vector<16xi32> -> vector<16xf32>
        %bitcast_convert_type3A_698 = tpu.bitcast %get3A_688 : vector<16xi32> -> vector<16xf32>
        %mul3A_699 = arith.mulf %bitcast_convert_type3A_692, %bitcast_convert_type3A_697 : vector<16xf32>
        %mul3A_700 = arith.mulf %bitcast_convert_type3A_693, %bitcast_convert_type3A_698 : vector<16xf32>
        %add3A_701 = arith.addf %mul3A_699, %mul3A_700 : vector<16xf32>
        %add3A_702 = arith.addf %add3A_680, %add3A_701 : vector<16xf32>
        %get3A_703 = arith.index_cast %add3A_659 : i32 to index
        %get3A_704 = arith.constant 32 : index
        %get3A_705 = tpu.vector_load %arg7[%get3A_703, %get3A_704] {strides = array<i32>} : memref<128x64xi32, #tpu.memory_space<vmem>>, vector<1x16xi32>,
        %get3A_706 = vector.shape_cast %get3A_705 : vector<1x16xi32> to vector<16xi32>
        %get3A_707 = arith.index_cast %add3A_659 : i32 to index
        %get3A_708 = arith.constant 32 : index
        %get3A_709 = tpu.vector_load %arg8[%get3A_707, %get3A_708] {strides = array<i32>} : memref<128x64xi32, #tpu.memory_space<vmem>>, vector<1x16xi32>,
        %get3A_710 = vector.shape_cast %get3A_709 : vector<1x16xi32> to vector<16xi32>
        %shift_left3A_711 = arith.constant 16 : i32
        %shift_left3A_712 = vector.broadcast %shift_left3A_711 : i32 to vector<16xi32>
        %shift_left3A_713 = arith.shli %get3A_706, %shift_left3A_712 : vector<16xi32>
        %bitcast_convert_type3A_714 = tpu.bitcast %shift_left3A_713 : vector<16xi32> -> vector<16xf32>
        %bitcast_convert_type3A_715 = tpu.bitcast %get3A_706 : vector<16xi32> -> vector<16xf32>
        %shift_left3A_716 = arith.constant 16 : i32
        %shift_left3A_717 = vector.broadcast %shift_left3A_716 : i32 to vector<16xi32>
        %shift_left3A_718 = arith.shli %get3A_710, %shift_left3A_717 : vector<16xi32>
        %bitcast_convert_type3A_719 = tpu.bitcast %shift_left3A_718 : vector<16xi32> -> vector<16xf32>
        %bitcast_convert_type3A_720 = tpu.bitcast %get3A_710 : vector<16xi32> -> vector<16xf32>
        %mul3A_721 = arith.mulf %bitcast_convert_type3A_714, %bitcast_convert_type3A_719 : vector<16xf32>
        %mul3A_722 = arith.mulf %bitcast_convert_type3A_715, %bitcast_convert_type3A_720 : vector<16xf32>
        %add3A_723 = arith.addf %mul3A_721, %mul3A_722 : vector<16xf32>
        %add3A_724 = arith.addf %add3A_702, %add3A_723 : vector<16xf32>
        %get3A_725 = arith.index_cast %add3A_659 : i32 to index
        %get3A_726 = arith.constant 48 : index
        %get3A_727 = tpu.vector_load %arg7[%get3A_725, %get3A_726] {strides = array<i32>} : memref<128x64xi32, #tpu.memory_space<vmem>>, vector<1x16xi32>,
        %get3A_728 = vector.shape_cast %get3A_727 : vector<1x16xi32> to vector<16xi32>
        %get3A_729 = arith.index_cast %add3A_659 : i32 to index
        %get3A_730 = arith.constant 48 : index
        %get3A_731 = tpu.vector_load %arg8[%get3A_729, %get3A_730] {strides = array<i32>} : memref<128x64xi32, #tpu.memory_space<vmem>>, vector<1x16xi32>,
        %get3A_732 = vector.shape_cast %get3A_731 : vector<1x16xi32> to vector<16xi32>
        %shift_left3A_733 = arith.constant 16 : i32
        %shift_left3A_734 = vector.broadcast %shift_left3A_733 : i32 to vector<16xi32>
        %shift_left3A_735 = arith.shli %get3A_728, %shift_left3A_734 : vector<16xi32>
        %bitcast_convert_type3A_736 = tpu.bitcast %shift_left3A_735 : vector<16xi32> -> vector<16xf32>
        %bitcast_convert_type3A_737 = tpu.bitcast %get3A_728 : vector<16xi32> -> vector<16xf32>
        %shift_left3A_738 = arith.constant 16 : i32
        %shift_left3A_739 = vector.broadcast %shift_left3A_738 : i32 to vector<16xi32>
        %shift_left3A_740 = arith.shli %get3A_732, %shift_left3A_739 : vector<16xi32>
        %bitcast_convert_type3A_741 = tpu.bitcast %shift_left3A_740 : vector<16xi32> -> vector<16xf32>
        %bitcast_convert_type3A_742 = tpu.bitcast %get3A_732 : vector<16xi32> -> vector<16xf32>
        %mul3A_743 = arith.mulf %bitcast_convert_type3A_736, %bitcast_convert_type3A_741 : vector<16xf32>
        %mul3A_744 = arith.mulf %bitcast_convert_type3A_737, %bitcast_convert_type3A_742 : vector<16xf32>
        %add3A_745 = arith.addf %mul3A_743, %mul3A_744 : vector<16xf32>
        %add3A_746 = arith.addf %add3A_724, %add3A_745 : vector<16xf32>
        %shift_right_arithmetic3A_747 = arith.constant 0 : i32
        %shift_right_arithmetic3A_748 = vector.broadcast %shift_right_arithmetic3A_747 : i32 to vector<16xi32>
        %shift_right_arithmetic3A_749 = arith.shrsi %iota3A, %shift_right_arithmetic3A_748 : vector<16xi32>
        %and3A_750 = arith.constant 1 : i32
        %and3A_751 = vector.broadcast %and3A_750 : i32 to vector<16xi32>
        %and3A_752 = arith.andi %shift_right_arithmetic3A_749, %and3A_751 : vector<16xi32>
        %xor3A_753 = arith.constant 1 : i32
        %xor3A_754 = vector.broadcast %xor3A_753 : i32 to vector<16xi32>
        %xor3A_755 = arith.xori %iota3A, %xor3A_754 : vector<16xi32>
        %lt3A_756 = arith.constant 0 : i32
        %lt3A_757 = vector.broadcast %lt3A_756 : i32 to vector<16xi32>
        %lt3A_758 = arith.cmpi slt, %xor3A_755, %lt3A_757 : vector<16xi32>
        %add3A_759 = arith.constant 16 : i32
        %add3A_760 = vector.broadcast %add3A_759 : i32 to vector<16xi32>
        %add3A_761 = arith.addi %xor3A_755, %add3A_760 : vector<16xi32>
        %select_n3A_762 = arith.select %lt3A_758, %add3A_761, %xor3A_755 : vector<16xi1>, vector<16xi32>
        %broadcast_in_dim3A_763 = vector.shape_cast %select_n3A_762 : vector<16xi32> to vector<16x1xi32>
        %gather3A_764 = vector.shape_cast %broadcast_in_dim3A_763 : vector<16x1xi32> to vector<16xi32>
        %gather3A_765 = tpu.dynamic_gather %add3A_655[%gather3A_764] in [0] : vector<16xf32>, vector<16xi32> -> vector<16xf32>
        %add3A_766 = arith.addf %add3A_655, %gather3A_765 : vector<16xf32>
        %xor3A_767 = arith.constant 1 : i32
        %xor3A_768 = vector.broadcast %xor3A_767 : i32 to vector<16xi32>
        %xor3A_769 = arith.xori %iota3A, %xor3A_768 : vector<16xi32>
        %lt3A_770 = arith.constant 0 : i32
        %lt3A_771 = vector.broadcast %lt3A_770 : i32 to vector<16xi32>
        %lt3A_772 = arith.cmpi slt, %xor3A_769, %lt3A_771 : vector<16xi32>
        %add3A_773 = arith.constant 16 : i32
        %add3A_774 = vector.broadcast %add3A_773 : i32 to vector<16xi32>
        %add3A_775 = arith.addi %xor3A_769, %add3A_774 : vector<16xi32>
        %select_n3A_776 = arith.select %lt3A_772, %add3A_775, %xor3A_769 : vector<16xi1>, vector<16xi32>
        %broadcast_in_dim3A_777 = vector.shape_cast %select_n3A_776 : vector<16xi32> to vector<16x1xi32>
        %gather3A_778 = vector.shape_cast %broadcast_in_dim3A_777 : vector<16x1xi32> to vector<16xi32>
        %gather3A_779 = tpu.dynamic_gather %add3A_746[%gather3A_778] in [0] : vector<16xf32>, vector<16xi32> -> vector<16xf32>
        %add3A_780 = arith.addf %add3A_746, %gather3A_779 : vector<16xf32>
        %eq3A_781 = arith.constant 0 : i32
        %eq3A_782 = vector.broadcast %eq3A_781 : i32 to vector<16xi32>
        %eq3A_783 = arith.cmpi eq, %and3A_752, %eq3A_782 : vector<16xi32>
        %select_n3A_784 = arith.select %eq3A_783, %add3A_766, %add3A_780 : vector<16xi1>, vector<16xf32>
        %add3A_785 = arith.constant 6 : i32
        %add3A_786 = arith.addi %mul3A_103, %add3A_785 : i32
        %get3A_787 = arith.index_cast %add3A_786 : i32 to index
        %get3A_788 = arith.constant 0 : index
        %get3A_789 = tpu.vector_load %arg7[%get3A_787, %get3A_788] {strides = array<i32>} : memref<128x64xi32, #tpu.memory_space<vmem>>, vector<1x16xi32>,
        %get3A_790 = vector.shape_cast %get3A_789 : vector<1x16xi32> to vector<16xi32>
        %get3A_791 = arith.index_cast %add3A_786 : i32 to index
        %get3A_792 = arith.constant 0 : index
        %get3A_793 = tpu.vector_load %arg8[%get3A_791, %get3A_792] {strides = array<i32>} : memref<128x64xi32, #tpu.memory_space<vmem>>, vector<1x16xi32>,
        %get3A_794 = vector.shape_cast %get3A_793 : vector<1x16xi32> to vector<16xi32>
        %shift_left3A_795 = arith.constant 16 : i32
        %shift_left3A_796 = vector.broadcast %shift_left3A_795 : i32 to vector<16xi32>
        %shift_left3A_797 = arith.shli %get3A_790, %shift_left3A_796 : vector<16xi32>
        %bitcast_convert_type3A_798 = tpu.bitcast %shift_left3A_797 : vector<16xi32> -> vector<16xf32>
        %bitcast_convert_type3A_799 = tpu.bitcast %get3A_790 : vector<16xi32> -> vector<16xf32>
        %shift_left3A_800 = arith.constant 16 : i32
        %shift_left3A_801 = vector.broadcast %shift_left3A_800 : i32 to vector<16xi32>
        %shift_left3A_802 = arith.shli %get3A_794, %shift_left3A_801 : vector<16xi32>
        %bitcast_convert_type3A_803 = tpu.bitcast %shift_left3A_802 : vector<16xi32> -> vector<16xf32>
        %bitcast_convert_type3A_804 = tpu.bitcast %get3A_794 : vector<16xi32> -> vector<16xf32>
        %mul3A_805 = arith.mulf %bitcast_convert_type3A_798, %bitcast_convert_type3A_803 : vector<16xf32>
        %mul3A_806 = arith.mulf %bitcast_convert_type3A_799, %bitcast_convert_type3A_804 : vector<16xf32>
        %add3A_807 = arith.addf %mul3A_805, %mul3A_806 : vector<16xf32>
        %get3A_808 = arith.index_cast %add3A_786 : i32 to index
        %get3A_809 = arith.constant 16 : index
        %get3A_810 = tpu.vector_load %arg7[%get3A_808, %get3A_809] {strides = array<i32>} : memref<128x64xi32, #tpu.memory_space<vmem>>, vector<1x16xi32>,
        %get3A_811 = vector.shape_cast %get3A_810 : vector<1x16xi32> to vector<16xi32>
        %get3A_812 = arith.index_cast %add3A_786 : i32 to index
        %get3A_813 = arith.constant 16 : index
        %get3A_814 = tpu.vector_load %arg8[%get3A_812, %get3A_813] {strides = array<i32>} : memref<128x64xi32, #tpu.memory_space<vmem>>, vector<1x16xi32>,
        %get3A_815 = vector.shape_cast %get3A_814 : vector<1x16xi32> to vector<16xi32>
        %shift_left3A_816 = arith.constant 16 : i32
        %shift_left3A_817 = vector.broadcast %shift_left3A_816 : i32 to vector<16xi32>
        %shift_left3A_818 = arith.shli %get3A_811, %shift_left3A_817 : vector<16xi32>
        %bitcast_convert_type3A_819 = tpu.bitcast %shift_left3A_818 : vector<16xi32> -> vector<16xf32>
        %bitcast_convert_type3A_820 = tpu.bitcast %get3A_811 : vector<16xi32> -> vector<16xf32>
        %shift_left3A_821 = arith.constant 16 : i32
        %shift_left3A_822 = vector.broadcast %shift_left3A_821 : i32 to vector<16xi32>
        %shift_left3A_823 = arith.shli %get3A_815, %shift_left3A_822 : vector<16xi32>
        %bitcast_convert_type3A_824 = tpu.bitcast %shift_left3A_823 : vector<16xi32> -> vector<16xf32>
        %bitcast_convert_type3A_825 = tpu.bitcast %get3A_815 : vector<16xi32> -> vector<16xf32>
        %mul3A_826 = arith.mulf %bitcast_convert_type3A_819, %bitcast_convert_type3A_824 : vector<16xf32>
        %mul3A_827 = arith.mulf %bitcast_convert_type3A_820, %bitcast_convert_type3A_825 : vector<16xf32>
        %add3A_828 = arith.addf %mul3A_826, %mul3A_827 : vector<16xf32>
        %add3A_829 = arith.addf %add3A_807, %add3A_828 : vector<16xf32>
        %get3A_830 = arith.index_cast %add3A_786 : i32 to index
        %get3A_831 = arith.constant 32 : index
        %get3A_832 = tpu.vector_load %arg7[%get3A_830, %get3A_831] {strides = array<i32>} : memref<128x64xi32, #tpu.memory_space<vmem>>, vector<1x16xi32>,
        %get3A_833 = vector.shape_cast %get3A_832 : vector<1x16xi32> to vector<16xi32>
        %get3A_834 = arith.index_cast %add3A_786 : i32 to index
        %get3A_835 = arith.constant 32 : index
        %get3A_836 = tpu.vector_load %arg8[%get3A_834, %get3A_835] {strides = array<i32>} : memref<128x64xi32, #tpu.memory_space<vmem>>, vector<1x16xi32>,
        %get3A_837 = vector.shape_cast %get3A_836 : vector<1x16xi32> to vector<16xi32>
        %shift_left3A_838 = arith.constant 16 : i32
        %shift_left3A_839 = vector.broadcast %shift_left3A_838 : i32 to vector<16xi32>
        %shift_left3A_840 = arith.shli %get3A_833, %shift_left3A_839 : vector<16xi32>
        %bitcast_convert_type3A_841 = tpu.bitcast %shift_left3A_840 : vector<16xi32> -> vector<16xf32>
        %bitcast_convert_type3A_842 = tpu.bitcast %get3A_833 : vector<16xi32> -> vector<16xf32>
        %shift_left3A_843 = arith.constant 16 : i32
        %shift_left3A_844 = vector.broadcast %shift_left3A_843 : i32 to vector<16xi32>
        %shift_left3A_845 = arith.shli %get3A_837, %shift_left3A_844 : vector<16xi32>
        %bitcast_convert_type3A_846 = tpu.bitcast %shift_left3A_845 : vector<16xi32> -> vector<16xf32>
        %bitcast_convert_type3A_847 = tpu.bitcast %get3A_837 : vector<16xi32> -> vector<16xf32>
        %mul3A_848 = arith.mulf %bitcast_convert_type3A_841, %bitcast_convert_type3A_846 : vector<16xf32>
        %mul3A_849 = arith.mulf %bitcast_convert_type3A_842, %bitcast_convert_type3A_847 : vector<16xf32>
        %add3A_850 = arith.addf %mul3A_848, %mul3A_849 : vector<16xf32>
        %add3A_851 = arith.addf %add3A_829, %add3A_850 : vector<16xf32>
        %get3A_852 = arith.index_cast %add3A_786 : i32 to index
        %get3A_853 = arith.constant 48 : index
        %get3A_854 = tpu.vector_load %arg7[%get3A_852, %get3A_853] {strides = array<i32>} : memref<128x64xi32, #tpu.memory_space<vmem>>, vector<1x16xi32>,
        %get3A_855 = vector.shape_cast %get3A_854 : vector<1x16xi32> to vector<16xi32>
        %get3A_856 = arith.index_cast %add3A_786 : i32 to index
        %get3A_857 = arith.constant 48 : index
        %get3A_858 = tpu.vector_load %arg8[%get3A_856, %get3A_857] {strides = array<i32>} : memref<128x64xi32, #tpu.memory_space<vmem>>, vector<1x16xi32>,
        %get3A_859 = vector.shape_cast %get3A_858 : vector<1x16xi32> to vector<16xi32>
        %shift_left3A_860 = arith.constant 16 : i32
        %shift_left3A_861 = vector.broadcast %shift_left3A_860 : i32 to vector<16xi32>
        %shift_left3A_862 = arith.shli %get3A_855, %shift_left3A_861 : vector<16xi32>
        %bitcast_convert_type3A_863 = tpu.bitcast %shift_left3A_862 : vector<16xi32> -> vector<16xf32>
        %bitcast_convert_type3A_864 = tpu.bitcast %get3A_855 : vector<16xi32> -> vector<16xf32>
        %shift_left3A_865 = arith.constant 16 : i32
        %shift_left3A_866 = vector.broadcast %shift_left3A_865 : i32 to vector<16xi32>
        %shift_left3A_867 = arith.shli %get3A_859, %shift_left3A_866 : vector<16xi32>
        %bitcast_convert_type3A_868 = tpu.bitcast %shift_left3A_867 : vector<16xi32> -> vector<16xf32>
        %bitcast_convert_type3A_869 = tpu.bitcast %get3A_859 : vector<16xi32> -> vector<16xf32>
        %mul3A_870 = arith.mulf %bitcast_convert_type3A_863, %bitcast_convert_type3A_868 : vector<16xf32>
        %mul3A_871 = arith.mulf %bitcast_convert_type3A_864, %bitcast_convert_type3A_869 : vector<16xf32>
        %add3A_872 = arith.addf %mul3A_870, %mul3A_871 : vector<16xf32>
        %add3A_873 = arith.addf %add3A_851, %add3A_872 : vector<16xf32>
        %add3A_874 = arith.constant 6 : i32
        %add3A_875 = arith.addi %mul3A_103, %add3A_874 : i32
        %add3A_876 = arith.constant 1 : i32
        %add3A_877 = arith.addi %add3A_875, %add3A_876 : i32
        %get3A_878 = arith.index_cast %add3A_877 : i32 to index
        %get3A_879 = arith.constant 0 : index
        %get3A_880 = tpu.vector_load %arg7[%get3A_878, %get3A_879] {strides = array<i32>} : memref<128x64xi32, #tpu.memory_space<vmem>>, vector<1x16xi32>,
        %get3A_881 = vector.shape_cast %get3A_880 : vector<1x16xi32> to vector<16xi32>
        %get3A_882 = arith.index_cast %add3A_877 : i32 to index
        %get3A_883 = arith.constant 0 : index
        %get3A_884 = tpu.vector_load %arg8[%get3A_882, %get3A_883] {strides = array<i32>} : memref<128x64xi32, #tpu.memory_space<vmem>>, vector<1x16xi32>,
        %get3A_885 = vector.shape_cast %get3A_884 : vector<1x16xi32> to vector<16xi32>
        %shift_left3A_886 = arith.constant 16 : i32
        %shift_left3A_887 = vector.broadcast %shift_left3A_886 : i32 to vector<16xi32>
        %shift_left3A_888 = arith.shli %get3A_881, %shift_left3A_887 : vector<16xi32>
        %bitcast_convert_type3A_889 = tpu.bitcast %shift_left3A_888 : vector<16xi32> -> vector<16xf32>
        %bitcast_convert_type3A_890 = tpu.bitcast %get3A_881 : vector<16xi32> -> vector<16xf32>
        %shift_left3A_891 = arith.constant 16 : i32
        %shift_left3A_892 = vector.broadcast %shift_left3A_891 : i32 to vector<16xi32>
        %shift_left3A_893 = arith.shli %get3A_885, %shift_left3A_892 : vector<16xi32>
        %bitcast_convert_type3A_894 = tpu.bitcast %shift_left3A_893 : vector<16xi32> -> vector<16xf32>
        %bitcast_convert_type3A_895 = tpu.bitcast %get3A_885 : vector<16xi32> -> vector<16xf32>
        %mul3A_896 = arith.mulf %bitcast_convert_type3A_889, %bitcast_convert_type3A_894 : vector<16xf32>
        %mul3A_897 = arith.mulf %bitcast_convert_type3A_890, %bitcast_convert_type3A_895 : vector<16xf32>
        %add3A_898 = arith.addf %mul3A_896, %mul3A_897 : vector<16xf32>
        %get3A_899 = arith.index_cast %add3A_877 : i32 to index
        %get3A_900 = arith.constant 16 : index
        %get3A_901 = tpu.vector_load %arg7[%get3A_899, %get3A_900] {strides = array<i32>} : memref<128x64xi32, #tpu.memory_space<vmem>>, vector<1x16xi32>,
        %get3A_902 = vector.shape_cast %get3A_901 : vector<1x16xi32> to vector<16xi32>
        %get3A_903 = arith.index_cast %add3A_877 : i32 to index
        %get3A_904 = arith.constant 16 : index
        %get3A_905 = tpu.vector_load %arg8[%get3A_903, %get3A_904] {strides = array<i32>} : memref<128x64xi32, #tpu.memory_space<vmem>>, vector<1x16xi32>,
        %get3A_906 = vector.shape_cast %get3A_905 : vector<1x16xi32> to vector<16xi32>
        %shift_left3A_907 = arith.constant 16 : i32
        %shift_left3A_908 = vector.broadcast %shift_left3A_907 : i32 to vector<16xi32>
        %shift_left3A_909 = arith.shli %get3A_902, %shift_left3A_908 : vector<16xi32>
        %bitcast_convert_type3A_910 = tpu.bitcast %shift_left3A_909 : vector<16xi32> -> vector<16xf32>
        %bitcast_convert_type3A_911 = tpu.bitcast %get3A_902 : vector<16xi32> -> vector<16xf32>
        %shift_left3A_912 = arith.constant 16 : i32
        %shift_left3A_913 = vector.broadcast %shift_left3A_912 : i32 to vector<16xi32>
        %shift_left3A_914 = arith.shli %get3A_906, %shift_left3A_913 : vector<16xi32>
        %bitcast_convert_type3A_915 = tpu.bitcast %shift_left3A_914 : vector<16xi32> -> vector<16xf32>
        %bitcast_convert_type3A_916 = tpu.bitcast %get3A_906 : vector<16xi32> -> vector<16xf32>
        %mul3A_917 = arith.mulf %bitcast_convert_type3A_910, %bitcast_convert_type3A_915 : vector<16xf32>
        %mul3A_918 = arith.mulf %bitcast_convert_type3A_911, %bitcast_convert_type3A_916 : vector<16xf32>
        %add3A_919 = arith.addf %mul3A_917, %mul3A_918 : vector<16xf32>
        %add3A_920 = arith.addf %add3A_898, %add3A_919 : vector<16xf32>
        %get3A_921 = arith.index_cast %add3A_877 : i32 to index
        %get3A_922 = arith.constant 32 : index
        %get3A_923 = tpu.vector_load %arg7[%get3A_921, %get3A_922] {strides = array<i32>} : memref<128x64xi32, #tpu.memory_space<vmem>>, vector<1x16xi32>,
        %get3A_924 = vector.shape_cast %get3A_923 : vector<1x16xi32> to vector<16xi32>
        %get3A_925 = arith.index_cast %add3A_877 : i32 to index
        %get3A_926 = arith.constant 32 : index
        %get3A_927 = tpu.vector_load %arg8[%get3A_925, %get3A_926] {strides = array<i32>} : memref<128x64xi32, #tpu.memory_space<vmem>>, vector<1x16xi32>,
        %get3A_928 = vector.shape_cast %get3A_927 : vector<1x16xi32> to vector<16xi32>
        %shift_left3A_929 = arith.constant 16 : i32
        %shift_left3A_930 = vector.broadcast %shift_left3A_929 : i32 to vector<16xi32>
        %shift_left3A_931 = arith.shli %get3A_924, %shift_left3A_930 : vector<16xi32>
        %bitcast_convert_type3A_932 = tpu.bitcast %shift_left3A_931 : vector<16xi32> -> vector<16xf32>
        %bitcast_convert_type3A_933 = tpu.bitcast %get3A_924 : vector<16xi32> -> vector<16xf32>
        %shift_left3A_934 = arith.constant 16 : i32
        %shift_left3A_935 = vector.broadcast %shift_left3A_934 : i32 to vector<16xi32>
        %shift_left3A_936 = arith.shli %get3A_928, %shift_left3A_935 : vector<16xi32>
        %bitcast_convert_type3A_937 = tpu.bitcast %shift_left3A_936 : vector<16xi32> -> vector<16xf32>
        %bitcast_convert_type3A_938 = tpu.bitcast %get3A_928 : vector<16xi32> -> vector<16xf32>
        %mul3A_939 = arith.mulf %bitcast_convert_type3A_932, %bitcast_convert_type3A_937 : vector<16xf32>
        %mul3A_940 = arith.mulf %bitcast_convert_type3A_933, %bitcast_convert_type3A_938 : vector<16xf32>
        %add3A_941 = arith.addf %mul3A_939, %mul3A_940 : vector<16xf32>
        %add3A_942 = arith.addf %add3A_920, %add3A_941 : vector<16xf32>
        %get3A_943 = arith.index_cast %add3A_877 : i32 to index
        %get3A_944 = arith.constant 48 : index
        %get3A_945 = tpu.vector_load %arg7[%get3A_943, %get3A_944] {strides = array<i32>} : memref<128x64xi32, #tpu.memory_space<vmem>>, vector<1x16xi32>,
        %get3A_946 = vector.shape_cast %get3A_945 : vector<1x16xi32> to vector<16xi32>
        %get3A_947 = arith.index_cast %add3A_877 : i32 to index
        %get3A_948 = arith.constant 48 : index
        %get3A_949 = tpu.vector_load %arg8[%get3A_947, %get3A_948] {strides = array<i32>} : memref<128x64xi32, #tpu.memory_space<vmem>>, vector<1x16xi32>,
        %get3A_950 = vector.shape_cast %get3A_949 : vector<1x16xi32> to vector<16xi32>
        %shift_left3A_951 = arith.constant 16 : i32
        %shift_left3A_952 = vector.broadcast %shift_left3A_951 : i32 to vector<16xi32>
        %shift_left3A_953 = arith.shli %get3A_946, %shift_left3A_952 : vector<16xi32>
        %bitcast_convert_type3A_954 = tpu.bitcast %shift_left3A_953 : vector<16xi32> -> vector<16xf32>
        %bitcast_convert_type3A_955 = tpu.bitcast %get3A_946 : vector<16xi32> -> vector<16xf32>
        %shift_left3A_956 = arith.constant 16 : i32
        %shift_left3A_957 = vector.broadcast %shift_left3A_956 : i32 to vector<16xi32>
        %shift_left3A_958 = arith.shli %get3A_950, %shift_left3A_957 : vector<16xi32>
        %bitcast_convert_type3A_959 = tpu.bitcast %shift_left3A_958 : vector<16xi32> -> vector<16xf32>
        %bitcast_convert_type3A_960 = tpu.bitcast %get3A_950 : vector<16xi32> -> vector<16xf32>
        %mul3A_961 = arith.mulf %bitcast_convert_type3A_954, %bitcast_convert_type3A_959 : vector<16xf32>
        %mul3A_962 = arith.mulf %bitcast_convert_type3A_955, %bitcast_convert_type3A_960 : vector<16xf32>
        %add3A_963 = arith.addf %mul3A_961, %mul3A_962 : vector<16xf32>
        %add3A_964 = arith.addf %add3A_942, %add3A_963 : vector<16xf32>
        %shift_right_arithmetic3A_965 = arith.constant 0 : i32
        %shift_right_arithmetic3A_966 = vector.broadcast %shift_right_arithmetic3A_965 : i32 to vector<16xi32>
        %shift_right_arithmetic3A_967 = arith.shrsi %iota3A, %shift_right_arithmetic3A_966 : vector<16xi32>
        %and3A_968 = arith.constant 1 : i32
        %and3A_969 = vector.broadcast %and3A_968 : i32 to vector<16xi32>
        %and3A_970 = arith.andi %shift_right_arithmetic3A_967, %and3A_969 : vector<16xi32>
        %xor3A_971 = arith.constant 1 : i32
        %xor3A_972 = vector.broadcast %xor3A_971 : i32 to vector<16xi32>
        %xor3A_973 = arith.xori %iota3A, %xor3A_972 : vector<16xi32>
        %lt3A_974 = arith.constant 0 : i32
        %lt3A_975 = vector.broadcast %lt3A_974 : i32 to vector<16xi32>
        %lt3A_976 = arith.cmpi slt, %xor3A_973, %lt3A_975 : vector<16xi32>
        %add3A_977 = arith.constant 16 : i32
        %add3A_978 = vector.broadcast %add3A_977 : i32 to vector<16xi32>
        %add3A_979 = arith.addi %xor3A_973, %add3A_978 : vector<16xi32>
        %select_n3A_980 = arith.select %lt3A_976, %add3A_979, %xor3A_973 : vector<16xi1>, vector<16xi32>
        %broadcast_in_dim3A_981 = vector.shape_cast %select_n3A_980 : vector<16xi32> to vector<16x1xi32>
        %gather3A_982 = vector.shape_cast %broadcast_in_dim3A_981 : vector<16x1xi32> to vector<16xi32>
        %gather3A_983 = tpu.dynamic_gather %add3A_873[%gather3A_982] in [0] : vector<16xf32>, vector<16xi32> -> vector<16xf32>
        %add3A_984 = arith.addf %add3A_873, %gather3A_983 : vector<16xf32>
        %xor3A_985 = arith.constant 1 : i32
        %xor3A_986 = vector.broadcast %xor3A_985 : i32 to vector<16xi32>
        %xor3A_987 = arith.xori %iota3A, %xor3A_986 : vector<16xi32>
        %lt3A_988 = arith.constant 0 : i32
        %lt3A_989 = vector.broadcast %lt3A_988 : i32 to vector<16xi32>
        %lt3A_990 = arith.cmpi slt, %xor3A_987, %lt3A_989 : vector<16xi32>
        %add3A_991 = arith.constant 16 : i32
        %add3A_992 = vector.broadcast %add3A_991 : i32 to vector<16xi32>
        %add3A_993 = arith.addi %xor3A_987, %add3A_992 : vector<16xi32>
        %select_n3A_994 = arith.select %lt3A_990, %add3A_993, %xor3A_987 : vector<16xi1>, vector<16xi32>
        %broadcast_in_dim3A_995 = vector.shape_cast %select_n3A_994 : vector<16xi32> to vector<16x1xi32>
        %gather3A_996 = vector.shape_cast %broadcast_in_dim3A_995 : vector<16x1xi32> to vector<16xi32>
        %gather3A_997 = tpu.dynamic_gather %add3A_964[%gather3A_996] in [0] : vector<16xf32>, vector<16xi32> -> vector<16xf32>
        %add3A_998 = arith.addf %add3A_964, %gather3A_997 : vector<16xf32>
        %eq3A_999 = arith.constant 0 : i32
        %eq3A_1000 = vector.broadcast %eq3A_999 : i32 to vector<16xi32>
        %eq3A_1001 = arith.cmpi eq, %and3A_970, %eq3A_1000 : vector<16xi32>
        %select_n3A_1002 = arith.select %eq3A_1001, %add3A_984, %add3A_998 : vector<16xi1>, vector<16xf32>
        %shift_right_arithmetic3A_1003 = arith.constant 1 : i32
        %shift_right_arithmetic3A_1004 = vector.broadcast %shift_right_arithmetic3A_1003 : i32 to vector<16xi32>
        %shift_right_arithmetic3A_1005 = arith.shrsi %iota3A, %shift_right_arithmetic3A_1004 : vector<16xi32>
        %and3A_1006 = arith.constant 1 : i32
        %and3A_1007 = vector.broadcast %and3A_1006 : i32 to vector<16xi32>
        %and3A_1008 = arith.andi %shift_right_arithmetic3A_1005, %and3A_1007 : vector<16xi32>
        %xor3A_1009 = arith.constant 2 : i32
        %xor3A_1010 = vector.broadcast %xor3A_1009 : i32 to vector<16xi32>
        %xor3A_1011 = arith.xori %iota3A, %xor3A_1010 : vector<16xi32>
        %lt3A_1012 = arith.constant 0 : i32
        %lt3A_1013 = vector.broadcast %lt3A_1012 : i32 to vector<16xi32>
        %lt3A_1014 = arith.cmpi slt, %xor3A_1011, %lt3A_1013 : vector<16xi32>
        %add3A_1015 = arith.constant 16 : i32
        %add3A_1016 = vector.broadcast %add3A_1015 : i32 to vector<16xi32>
        %add3A_1017 = arith.addi %xor3A_1011, %add3A_1016 : vector<16xi32>
        %select_n3A_1018 = arith.select %lt3A_1014, %add3A_1017, %xor3A_1011 : vector<16xi1>, vector<16xi32>
        %broadcast_in_dim3A_1019 = vector.shape_cast %select_n3A_1018 : vector<16xi32> to vector<16x1xi32>
        %gather3A_1020 = vector.shape_cast %broadcast_in_dim3A_1019 : vector<16x1xi32> to vector<16xi32>
        %gather3A_1021 = tpu.dynamic_gather %select_n3A_784[%gather3A_1020] in [0] : vector<16xf32>, vector<16xi32> -> vector<16xf32>
        %add3A_1022 = arith.addf %select_n3A_784, %gather3A_1021 : vector<16xf32>
        %xor3A_1023 = arith.constant 2 : i32
        %xor3A_1024 = vector.broadcast %xor3A_1023 : i32 to vector<16xi32>
        %xor3A_1025 = arith.xori %iota3A, %xor3A_1024 : vector<16xi32>
        %lt3A_1026 = arith.constant 0 : i32
        %lt3A_1027 = vector.broadcast %lt3A_1026 : i32 to vector<16xi32>
        %lt3A_1028 = arith.cmpi slt, %xor3A_1025, %lt3A_1027 : vector<16xi32>
        %add3A_1029 = arith.constant 16 : i32
        %add3A_1030 = vector.broadcast %add3A_1029 : i32 to vector<16xi32>
        %add3A_1031 = arith.addi %xor3A_1025, %add3A_1030 : vector<16xi32>
        %select_n3A_1032 = arith.select %lt3A_1028, %add3A_1031, %xor3A_1025 : vector<16xi1>, vector<16xi32>
        %broadcast_in_dim3A_1033 = vector.shape_cast %select_n3A_1032 : vector<16xi32> to vector<16x1xi32>
        %gather3A_1034 = vector.shape_cast %broadcast_in_dim3A_1033 : vector<16x1xi32> to vector<16xi32>
        %gather3A_1035 = tpu.dynamic_gather %select_n3A_1002[%gather3A_1034] in [0] : vector<16xf32>, vector<16xi32> -> vector<16xf32>
        %add3A_1036 = arith.addf %select_n3A_1002, %gather3A_1035 : vector<16xf32>
        %eq3A_1037 = arith.constant 0 : i32
        %eq3A_1038 = vector.broadcast %eq3A_1037 : i32 to vector<16xi32>
        %eq3A_1039 = arith.cmpi eq, %and3A_1008, %eq3A_1038 : vector<16xi32>
        %select_n3A_1040 = arith.select %eq3A_1039, %add3A_1022, %add3A_1036 : vector<16xi1>, vector<16xf32>
        %shift_right_arithmetic3A_1041 = arith.constant 2 : i32
        %shift_right_arithmetic3A_1042 = vector.broadcast %shift_right_arithmetic3A_1041 : i32 to vector<16xi32>
        %shift_right_arithmetic3A_1043 = arith.shrsi %iota3A, %shift_right_arithmetic3A_1042 : vector<16xi32>
        %and3A_1044 = arith.constant 1 : i32
        %and3A_1045 = vector.broadcast %and3A_1044 : i32 to vector<16xi32>
        %and3A_1046 = arith.andi %shift_right_arithmetic3A_1043, %and3A_1045 : vector<16xi32>
        %xor3A_1047 = arith.constant 4 : i32
        %xor3A_1048 = vector.broadcast %xor3A_1047 : i32 to vector<16xi32>
        %xor3A_1049 = arith.xori %iota3A, %xor3A_1048 : vector<16xi32>
        %lt3A_1050 = arith.constant 0 : i32
        %lt3A_1051 = vector.broadcast %lt3A_1050 : i32 to vector<16xi32>
        %lt3A_1052 = arith.cmpi slt, %xor3A_1049, %lt3A_1051 : vector<16xi32>
        %add3A_1053 = arith.constant 16 : i32
        %add3A_1054 = vector.broadcast %add3A_1053 : i32 to vector<16xi32>
        %add3A_1055 = arith.addi %xor3A_1049, %add3A_1054 : vector<16xi32>
        %select_n3A_1056 = arith.select %lt3A_1052, %add3A_1055, %xor3A_1049 : vector<16xi1>, vector<16xi32>
        %broadcast_in_dim3A_1057 = vector.shape_cast %select_n3A_1056 : vector<16xi32> to vector<16x1xi32>
        %gather3A_1058 = vector.shape_cast %broadcast_in_dim3A_1057 : vector<16x1xi32> to vector<16xi32>
        %gather3A_1059 = tpu.dynamic_gather %select_n3A_566[%gather3A_1058] in [0] : vector<16xf32>, vector<16xi32> -> vector<16xf32>
        %add3A_1060 = arith.addf %select_n3A_566, %gather3A_1059 : vector<16xf32>
        %xor3A_1061 = arith.constant 4 : i32
        %xor3A_1062 = vector.broadcast %xor3A_1061 : i32 to vector<16xi32>
        %xor3A_1063 = arith.xori %iota3A, %xor3A_1062 : vector<16xi32>
        %lt3A_1064 = arith.constant 0 : i32
        %lt3A_1065 = vector.broadcast %lt3A_1064 : i32 to vector<16xi32>
        %lt3A_1066 = arith.cmpi slt, %xor3A_1063, %lt3A_1065 : vector<16xi32>
        %add3A_1067 = arith.constant 16 : i32
        %add3A_1068 = vector.broadcast %add3A_1067 : i32 to vector<16xi32>
        %add3A_1069 = arith.addi %xor3A_1063, %add3A_1068 : vector<16xi32>
        %select_n3A_1070 = arith.select %lt3A_1066, %add3A_1069, %xor3A_1063 : vector<16xi1>, vector<16xi32>
        %broadcast_in_dim3A_1071 = vector.shape_cast %select_n3A_1070 : vector<16xi32> to vector<16x1xi32>
        %gather3A_1072 = vector.shape_cast %broadcast_in_dim3A_1071 : vector<16x1xi32> to vector<16xi32>
        %gather3A_1073 = tpu.dynamic_gather %select_n3A_1040[%gather3A_1072] in [0] : vector<16xf32>, vector<16xi32> -> vector<16xf32>
        %add3A_1074 = arith.addf %select_n3A_1040, %gather3A_1073 : vector<16xf32>
        %eq3A_1075 = arith.constant 0 : i32
        %eq3A_1076 = vector.broadcast %eq3A_1075 : i32 to vector<16xi32>
        %eq3A_1077 = arith.cmpi eq, %and3A_1046, %eq3A_1076 : vector<16xi32>
        %select_n3A_1078 = arith.select %eq3A_1077, %add3A_1060, %add3A_1074 : vector<16xi1>, vector<16xf32>
        %add3A_1079 = arith.constant 8 : i32
        %add3A_1080 = arith.addi %mul3A_103, %add3A_1079 : i32
        %get3A_1081 = arith.index_cast %add3A_1080 : i32 to index
        %get3A_1082 = arith.constant 0 : index
        %get3A_1083 = tpu.vector_load %arg7[%get3A_1081, %get3A_1082] {strides = array<i32>} : memref<128x64xi32, #tpu.memory_space<vmem>>, vector<1x16xi32>,
        %get3A_1084 = vector.shape_cast %get3A_1083 : vector<1x16xi32> to vector<16xi32>
        %get3A_1085 = arith.index_cast %add3A_1080 : i32 to index
        %get3A_1086 = arith.constant 0 : index
        %get3A_1087 = tpu.vector_load %arg8[%get3A_1085, %get3A_1086] {strides = array<i32>} : memref<128x64xi32, #tpu.memory_space<vmem>>, vector<1x16xi32>,
        %get3A_1088 = vector.shape_cast %get3A_1087 : vector<1x16xi32> to vector<16xi32>
        %shift_left3A_1089 = arith.constant 16 : i32
        %shift_left3A_1090 = vector.broadcast %shift_left3A_1089 : i32 to vector<16xi32>
        %shift_left3A_1091 = arith.shli %get3A_1084, %shift_left3A_1090 : vector<16xi32>
        %bitcast_convert_type3A_1092 = tpu.bitcast %shift_left3A_1091 : vector<16xi32> -> vector<16xf32>
        %bitcast_convert_type3A_1093 = tpu.bitcast %get3A_1084 : vector<16xi32> -> vector<16xf32>
        %shift_left3A_1094 = arith.constant 16 : i32
        %shift_left3A_1095 = vector.broadcast %shift_left3A_1094 : i32 to vector<16xi32>
        %shift_left3A_1096 = arith.shli %get3A_1088, %shift_left3A_1095 : vector<16xi32>
        %bitcast_convert_type3A_1097 = tpu.bitcast %shift_left3A_1096 : vector<16xi32> -> vector<16xf32>
        %bitcast_convert_type3A_1098 = tpu.bitcast %get3A_1088 : vector<16xi32> -> vector<16xf32>
        %mul3A_1099 = arith.mulf %bitcast_convert_type3A_1092, %bitcast_convert_type3A_1097 : vector<16xf32>
        %mul3A_1100 = arith.mulf %bitcast_convert_type3A_1093, %bitcast_convert_type3A_1098 : vector<16xf32>
        %add3A_1101 = arith.addf %mul3A_1099, %mul3A_1100 : vector<16xf32>
        %get3A_1102 = arith.index_cast %add3A_1080 : i32 to index
        %get3A_1103 = arith.constant 16 : index
        %get3A_1104 = tpu.vector_load %arg7[%get3A_1102, %get3A_1103] {strides = array<i32>} : memref<128x64xi32, #tpu.memory_space<vmem>>, vector<1x16xi32>,
        %get3A_1105 = vector.shape_cast %get3A_1104 : vector<1x16xi32> to vector<16xi32>
        %get3A_1106 = arith.index_cast %add3A_1080 : i32 to index
        %get3A_1107 = arith.constant 16 : index
        %get3A_1108 = tpu.vector_load %arg8[%get3A_1106, %get3A_1107] {strides = array<i32>} : memref<128x64xi32, #tpu.memory_space<vmem>>, vector<1x16xi32>,
        %get3A_1109 = vector.shape_cast %get3A_1108 : vector<1x16xi32> to vector<16xi32>
        %shift_left3A_1110 = arith.constant 16 : i32
        %shift_left3A_1111 = vector.broadcast %shift_left3A_1110 : i32 to vector<16xi32>
        %shift_left3A_1112 = arith.shli %get3A_1105, %shift_left3A_1111 : vector<16xi32>
        %bitcast_convert_type3A_1113 = tpu.bitcast %shift_left3A_1112 : vector<16xi32> -> vector<16xf32>
        %bitcast_convert_type3A_1114 = tpu.bitcast %get3A_1105 : vector<16xi32> -> vector<16xf32>
        %shift_left3A_1115 = arith.constant 16 : i32
        %shift_left3A_1116 = vector.broadcast %shift_left3A_1115 : i32 to vector<16xi32>
        %shift_left3A_1117 = arith.shli %get3A_1109, %shift_left3A_1116 : vector<16xi32>
        %bitcast_convert_type3A_1118 = tpu.bitcast %shift_left3A_1117 : vector<16xi32> -> vector<16xf32>
        %bitcast_convert_type3A_1119 = tpu.bitcast %get3A_1109 : vector<16xi32> -> vector<16xf32>
        %mul3A_1120 = arith.mulf %bitcast_convert_type3A_1113, %bitcast_convert_type3A_1118 : vector<16xf32>
        %mul3A_1121 = arith.mulf %bitcast_convert_type3A_1114, %bitcast_convert_type3A_1119 : vector<16xf32>
        %add3A_1122 = arith.addf %mul3A_1120, %mul3A_1121 : vector<16xf32>
        %add3A_1123 = arith.addf %add3A_1101, %add3A_1122 : vector<16xf32>
        %get3A_1124 = arith.index_cast %add3A_1080 : i32 to index
        %get3A_1125 = arith.constant 32 : index
        %get3A_1126 = tpu.vector_load %arg7[%get3A_1124, %get3A_1125] {strides = array<i32>} : memref<128x64xi32, #tpu.memory_space<vmem>>, vector<1x16xi32>,
        %get3A_1127 = vector.shape_cast %get3A_1126 : vector<1x16xi32> to vector<16xi32>
        %get3A_1128 = arith.index_cast %add3A_1080 : i32 to index
        %get3A_1129 = arith.constant 32 : index
        %get3A_1130 = tpu.vector_load %arg8[%get3A_1128, %get3A_1129] {strides = array<i32>} : memref<128x64xi32, #tpu.memory_space<vmem>>, vector<1x16xi32>,
        %get3A_1131 = vector.shape_cast %get3A_1130 : vector<1x16xi32> to vector<16xi32>
        %shift_left3A_1132 = arith.constant 16 : i32
        %shift_left3A_1133 = vector.broadcast %shift_left3A_1132 : i32 to vector<16xi32>
        %shift_left3A_1134 = arith.shli %get3A_1127, %shift_left3A_1133 : vector<16xi32>
        %bitcast_convert_type3A_1135 = tpu.bitcast %shift_left3A_1134 : vector<16xi32> -> vector<16xf32>
        %bitcast_convert_type3A_1136 = tpu.bitcast %get3A_1127 : vector<16xi32> -> vector<16xf32>
        %shift_left3A_1137 = arith.constant 16 : i32
        %shift_left3A_1138 = vector.broadcast %shift_left3A_1137 : i32 to vector<16xi32>
        %shift_left3A_1139 = arith.shli %get3A_1131, %shift_left3A_1138 : vector<16xi32>
        %bitcast_convert_type3A_1140 = tpu.bitcast %shift_left3A_1139 : vector<16xi32> -> vector<16xf32>
        %bitcast_convert_type3A_1141 = tpu.bitcast %get3A_1131 : vector<16xi32> -> vector<16xf32>
        %mul3A_1142 = arith.mulf %bitcast_convert_type3A_1135, %bitcast_convert_type3A_1140 : vector<16xf32>
        %mul3A_1143 = arith.mulf %bitcast_convert_type3A_1136, %bitcast_convert_type3A_1141 : vector<16xf32>
        %add3A_1144 = arith.addf %mul3A_1142, %mul3A_1143 : vector<16xf32>
        %add3A_1145 = arith.addf %add3A_1123, %add3A_1144 : vector<16xf32>
        %get3A_1146 = arith.index_cast %add3A_1080 : i32 to index
        %get3A_1147 = arith.constant 48 : index
        %get3A_1148 = tpu.vector_load %arg7[%get3A_1146, %get3A_1147] {strides = array<i32>} : memref<128x64xi32, #tpu.memory_space<vmem>>, vector<1x16xi32>,
        %get3A_1149 = vector.shape_cast %get3A_1148 : vector<1x16xi32> to vector<16xi32>
        %get3A_1150 = arith.index_cast %add3A_1080 : i32 to index
        %get3A_1151 = arith.constant 48 : index
        %get3A_1152 = tpu.vector_load %arg8[%get3A_1150, %get3A_1151] {strides = array<i32>} : memref<128x64xi32, #tpu.memory_space<vmem>>, vector<1x16xi32>,
        %get3A_1153 = vector.shape_cast %get3A_1152 : vector<1x16xi32> to vector<16xi32>
        %shift_left3A_1154 = arith.constant 16 : i32
        %shift_left3A_1155 = vector.broadcast %shift_left3A_1154 : i32 to vector<16xi32>
        %shift_left3A_1156 = arith.shli %get3A_1149, %shift_left3A_1155 : vector<16xi32>
        %bitcast_convert_type3A_1157 = tpu.bitcast %shift_left3A_1156 : vector<16xi32> -> vector<16xf32>
        %bitcast_convert_type3A_1158 = tpu.bitcast %get3A_1149 : vector<16xi32> -> vector<16xf32>
        %shift_left3A_1159 = arith.constant 16 : i32
        %shift_left3A_1160 = vector.broadcast %shift_left3A_1159 : i32 to vector<16xi32>
        %shift_left3A_1161 = arith.shli %get3A_1153, %shift_left3A_1160 : vector<16xi32>
        %bitcast_convert_type3A_1162 = tpu.bitcast %shift_left3A_1161 : vector<16xi32> -> vector<16xf32>
        %bitcast_convert_type3A_1163 = tpu.bitcast %get3A_1153 : vector<16xi32> -> vector<16xf32>
        %mul3A_1164 = arith.mulf %bitcast_convert_type3A_1157, %bitcast_convert_type3A_1162 : vector<16xf32>
        %mul3A_1165 = arith.mulf %bitcast_convert_type3A_1158, %bitcast_convert_type3A_1163 : vector<16xf32>
        %add3A_1166 = arith.addf %mul3A_1164, %mul3A_1165 : vector<16xf32>
        %add3A_1167 = arith.addf %add3A_1145, %add3A_1166 : vector<16xf32>
        %add3A_1168 = arith.constant 8 : i32
        %add3A_1169 = arith.addi %mul3A_103, %add3A_1168 : i32
        %add3A_1170 = arith.constant 1 : i32
        %add3A_1171 = arith.addi %add3A_1169, %add3A_1170 : i32
        %get3A_1172 = arith.index_cast %add3A_1171 : i32 to index
        %get3A_1173 = arith.constant 0 : index
        %get3A_1174 = tpu.vector_load %arg7[%get3A_1172, %get3A_1173] {strides = array<i32>} : memref<128x64xi32, #tpu.memory_space<vmem>>, vector<1x16xi32>,
        %get3A_1175 = vector.shape_cast %get3A_1174 : vector<1x16xi32> to vector<16xi32>
        %get3A_1176 = arith.index_cast %add3A_1171 : i32 to index
        %get3A_1177 = arith.constant 0 : index
        %get3A_1178 = tpu.vector_load %arg8[%get3A_1176, %get3A_1177] {strides = array<i32>} : memref<128x64xi32, #tpu.memory_space<vmem>>, vector<1x16xi32>,
        %get3A_1179 = vector.shape_cast %get3A_1178 : vector<1x16xi32> to vector<16xi32>
        %shift_left3A_1180 = arith.constant 16 : i32
        %shift_left3A_1181 = vector.broadcast %shift_left3A_1180 : i32 to vector<16xi32>
        %shift_left3A_1182 = arith.shli %get3A_1175, %shift_left3A_1181 : vector<16xi32>
        %bitcast_convert_type3A_1183 = tpu.bitcast %shift_left3A_1182 : vector<16xi32> -> vector<16xf32>
        %bitcast_convert_type3A_1184 = tpu.bitcast %get3A_1175 : vector<16xi32> -> vector<16xf32>
        %shift_left3A_1185 = arith.constant 16 : i32
        %shift_left3A_1186 = vector.broadcast %shift_left3A_1185 : i32 to vector<16xi32>
        %shift_left3A_1187 = arith.shli %get3A_1179, %shift_left3A_1186 : vector<16xi32>
        %bitcast_convert_type3A_1188 = tpu.bitcast %shift_left3A_1187 : vector<16xi32> -> vector<16xf32>
        %bitcast_convert_type3A_1189 = tpu.bitcast %get3A_1179 : vector<16xi32> -> vector<16xf32>
        %mul3A_1190 = arith.mulf %bitcast_convert_type3A_1183, %bitcast_convert_type3A_1188 : vector<16xf32>
        %mul3A_1191 = arith.mulf %bitcast_convert_type3A_1184, %bitcast_convert_type3A_1189 : vector<16xf32>
        %add3A_1192 = arith.addf %mul3A_1190, %mul3A_1191 : vector<16xf32>
        %get3A_1193 = arith.index_cast %add3A_1171 : i32 to index
        %get3A_1194 = arith.constant 16 : index
        %get3A_1195 = tpu.vector_load %arg7[%get3A_1193, %get3A_1194] {strides = array<i32>} : memref<128x64xi32, #tpu.memory_space<vmem>>, vector<1x16xi32>,
        %get3A_1196 = vector.shape_cast %get3A_1195 : vector<1x16xi32> to vector<16xi32>
        %get3A_1197 = arith.index_cast %add3A_1171 : i32 to index
        %get3A_1198 = arith.constant 16 : index
        %get3A_1199 = tpu.vector_load %arg8[%get3A_1197, %get3A_1198] {strides = array<i32>} : memref<128x64xi32, #tpu.memory_space<vmem>>, vector<1x16xi32>,
        %get3A_1200 = vector.shape_cast %get3A_1199 : vector<1x16xi32> to vector<16xi32>
        %shift_left3A_1201 = arith.constant 16 : i32
        %shift_left3A_1202 = vector.broadcast %shift_left3A_1201 : i32 to vector<16xi32>
        %shift_left3A_1203 = arith.shli %get3A_1196, %shift_left3A_1202 : vector<16xi32>
        %bitcast_convert_type3A_1204 = tpu.bitcast %shift_left3A_1203 : vector<16xi32> -> vector<16xf32>
        %bitcast_convert_type3A_1205 = tpu.bitcast %get3A_1196 : vector<16xi32> -> vector<16xf32>
        %shift_left3A_1206 = arith.constant 16 : i32
        %shift_left3A_1207 = vector.broadcast %shift_left3A_1206 : i32 to vector<16xi32>
        %shift_left3A_1208 = arith.shli %get3A_1200, %shift_left3A_1207 : vector<16xi32>
        %bitcast_convert_type3A_1209 = tpu.bitcast %shift_left3A_1208 : vector<16xi32> -> vector<16xf32>
        %bitcast_convert_type3A_1210 = tpu.bitcast %get3A_1200 : vector<16xi32> -> vector<16xf32>
        %mul3A_1211 = arith.mulf %bitcast_convert_type3A_1204, %bitcast_convert_type3A_1209 : vector<16xf32>
        %mul3A_1212 = arith.mulf %bitcast_convert_type3A_1205, %bitcast_convert_type3A_1210 : vector<16xf32>
        %add3A_1213 = arith.addf %mul3A_1211, %mul3A_1212 : vector<16xf32>
        %add3A_1214 = arith.addf %add3A_1192, %add3A_1213 : vector<16xf32>
        %get3A_1215 = arith.index_cast %add3A_1171 : i32 to index
        %get3A_1216 = arith.constant 32 : index
        %get3A_1217 = tpu.vector_load %arg7[%get3A_1215, %get3A_1216] {strides = array<i32>} : memref<128x64xi32, #tpu.memory_space<vmem>>, vector<1x16xi32>,
        %get3A_1218 = vector.shape_cast %get3A_1217 : vector<1x16xi32> to vector<16xi32>
        %get3A_1219 = arith.index_cast %add3A_1171 : i32 to index
        %get3A_1220 = arith.constant 32 : index
        %get3A_1221 = tpu.vector_load %arg8[%get3A_1219, %get3A_1220] {strides = array<i32>} : memref<128x64xi32, #tpu.memory_space<vmem>>, vector<1x16xi32>,
        %get3A_1222 = vector.shape_cast %get3A_1221 : vector<1x16xi32> to vector<16xi32>
        %shift_left3A_1223 = arith.constant 16 : i32
        %shift_left3A_1224 = vector.broadcast %shift_left3A_1223 : i32 to vector<16xi32>
        %shift_left3A_1225 = arith.shli %get3A_1218, %shift_left3A_1224 : vector<16xi32>
        %bitcast_convert_type3A_1226 = tpu.bitcast %shift_left3A_1225 : vector<16xi32> -> vector<16xf32>
        %bitcast_convert_type3A_1227 = tpu.bitcast %get3A_1218 : vector<16xi32> -> vector<16xf32>
        %shift_left3A_1228 = arith.constant 16 : i32
        %shift_left3A_1229 = vector.broadcast %shift_left3A_1228 : i32 to vector<16xi32>
        %shift_left3A_1230 = arith.shli %get3A_1222, %shift_left3A_1229 : vector<16xi32>
        %bitcast_convert_type3A_1231 = tpu.bitcast %shift_left3A_1230 : vector<16xi32> -> vector<16xf32>
        %bitcast_convert_type3A_1232 = tpu.bitcast %get3A_1222 : vector<16xi32> -> vector<16xf32>
        %mul3A_1233 = arith.mulf %bitcast_convert_type3A_1226, %bitcast_convert_type3A_1231 : vector<16xf32>
        %mul3A_1234 = arith.mulf %bitcast_convert_type3A_1227, %bitcast_convert_type3A_1232 : vector<16xf32>
        %add3A_1235 = arith.addf %mul3A_1233, %mul3A_1234 : vector<16xf32>
        %add3A_1236 = arith.addf %add3A_1214, %add3A_1235 : vector<16xf32>
        %get3A_1237 = arith.index_cast %add3A_1171 : i32 to index
        %get3A_1238 = arith.constant 48 : index
        %get3A_1239 = tpu.vector_load %arg7[%get3A_1237, %get3A_1238] {strides = array<i32>} : memref<128x64xi32, #tpu.memory_space<vmem>>, vector<1x16xi32>,
        %get3A_1240 = vector.shape_cast %get3A_1239 : vector<1x16xi32> to vector<16xi32>
        %get3A_1241 = arith.index_cast %add3A_1171 : i32 to index
        %get3A_1242 = arith.constant 48 : index
        %get3A_1243 = tpu.vector_load %arg8[%get3A_1241, %get3A_1242] {strides = array<i32>} : memref<128x64xi32, #tpu.memory_space<vmem>>, vector<1x16xi32>,
        %get3A_1244 = vector.shape_cast %get3A_1243 : vector<1x16xi32> to vector<16xi32>
        %shift_left3A_1245 = arith.constant 16 : i32
        %shift_left3A_1246 = vector.broadcast %shift_left3A_1245 : i32 to vector<16xi32>
        %shift_left3A_1247 = arith.shli %get3A_1240, %shift_left3A_1246 : vector<16xi32>
        %bitcast_convert_type3A_1248 = tpu.bitcast %shift_left3A_1247 : vector<16xi32> -> vector<16xf32>
        %bitcast_convert_type3A_1249 = tpu.bitcast %get3A_1240 : vector<16xi32> -> vector<16xf32>
        %shift_left3A_1250 = arith.constant 16 : i32
        %shift_left3A_1251 = vector.broadcast %shift_left3A_1250 : i32 to vector<16xi32>
        %shift_left3A_1252 = arith.shli %get3A_1244, %shift_left3A_1251 : vector<16xi32>
        %bitcast_convert_type3A_1253 = tpu.bitcast %shift_left3A_1252 : vector<16xi32> -> vector<16xf32>
        %bitcast_convert_type3A_1254 = tpu.bitcast %get3A_1244 : vector<16xi32> -> vector<16xf32>
        %mul3A_1255 = arith.mulf %bitcast_convert_type3A_1248, %bitcast_convert_type3A_1253 : vector<16xf32>
        %mul3A_1256 = arith.mulf %bitcast_convert_type3A_1249, %bitcast_convert_type3A_1254 : vector<16xf32>
        %add3A_1257 = arith.addf %mul3A_1255, %mul3A_1256 : vector<16xf32>
        %add3A_1258 = arith.addf %add3A_1236, %add3A_1257 : vector<16xf32>
        %shift_right_arithmetic3A_1259 = arith.constant 0 : i32
        %shift_right_arithmetic3A_1260 = vector.broadcast %shift_right_arithmetic3A_1259 : i32 to vector<16xi32>
        %shift_right_arithmetic3A_1261 = arith.shrsi %iota3A, %shift_right_arithmetic3A_1260 : vector<16xi32>
        %and3A_1262 = arith.constant 1 : i32
        %and3A_1263 = vector.broadcast %and3A_1262 : i32 to vector<16xi32>
        %and3A_1264 = arith.andi %shift_right_arithmetic3A_1261, %and3A_1263 : vector<16xi32>
        %xor3A_1265 = arith.constant 1 : i32
        %xor3A_1266 = vector.broadcast %xor3A_1265 : i32 to vector<16xi32>
        %xor3A_1267 = arith.xori %iota3A, %xor3A_1266 : vector<16xi32>
        %lt3A_1268 = arith.constant 0 : i32
        %lt3A_1269 = vector.broadcast %lt3A_1268 : i32 to vector<16xi32>
        %lt3A_1270 = arith.cmpi slt, %xor3A_1267, %lt3A_1269 : vector<16xi32>
        %add3A_1271 = arith.constant 16 : i32
        %add3A_1272 = vector.broadcast %add3A_1271 : i32 to vector<16xi32>
        %add3A_1273 = arith.addi %xor3A_1267, %add3A_1272 : vector<16xi32>
        %select_n3A_1274 = arith.select %lt3A_1270, %add3A_1273, %xor3A_1267 : vector<16xi1>, vector<16xi32>
        %broadcast_in_dim3A_1275 = vector.shape_cast %select_n3A_1274 : vector<16xi32> to vector<16x1xi32>
        %gather3A_1276 = vector.shape_cast %broadcast_in_dim3A_1275 : vector<16x1xi32> to vector<16xi32>
        %gather3A_1277 = tpu.dynamic_gather %add3A_1167[%gather3A_1276] in [0] : vector<16xf32>, vector<16xi32> -> vector<16xf32>
        %add3A_1278 = arith.addf %add3A_1167, %gather3A_1277 : vector<16xf32>
        %xor3A_1279 = arith.constant 1 : i32
        %xor3A_1280 = vector.broadcast %xor3A_1279 : i32 to vector<16xi32>
        %xor3A_1281 = arith.xori %iota3A, %xor3A_1280 : vector<16xi32>
        %lt3A_1282 = arith.constant 0 : i32
        %lt3A_1283 = vector.broadcast %lt3A_1282 : i32 to vector<16xi32>
        %lt3A_1284 = arith.cmpi slt, %xor3A_1281, %lt3A_1283 : vector<16xi32>
        %add3A_1285 = arith.constant 16 : i32
        %add3A_1286 = vector.broadcast %add3A_1285 : i32 to vector<16xi32>
        %add3A_1287 = arith.addi %xor3A_1281, %add3A_1286 : vector<16xi32>
        %select_n3A_1288 = arith.select %lt3A_1284, %add3A_1287, %xor3A_1281 : vector<16xi1>, vector<16xi32>
        %broadcast_in_dim3A_1289 = vector.shape_cast %select_n3A_1288 : vector<16xi32> to vector<16x1xi32>
        %gather3A_1290 = vector.shape_cast %broadcast_in_dim3A_1289 : vector<16x1xi32> to vector<16xi32>
        %gather3A_1291 = tpu.dynamic_gather %add3A_1258[%gather3A_1290] in [0] : vector<16xf32>, vector<16xi32> -> vector<16xf32>
        %add3A_1292 = arith.addf %add3A_1258, %gather3A_1291 : vector<16xf32>
        %eq3A_1293 = arith.constant 0 : i32
        %eq3A_1294 = vector.broadcast %eq3A_1293 : i32 to vector<16xi32>
        %eq3A_1295 = arith.cmpi eq, %and3A_1264, %eq3A_1294 : vector<16xi32>
        %select_n3A_1296 = arith.select %eq3A_1295, %add3A_1278, %add3A_1292 : vector<16xi1>, vector<16xf32>
        %add3A_1297 = arith.constant 10 : i32
        %add3A_1298 = arith.addi %mul3A_103, %add3A_1297 : i32
        %get3A_1299 = arith.index_cast %add3A_1298 : i32 to index
        %get3A_1300 = arith.constant 0 : index
        %get3A_1301 = tpu.vector_load %arg7[%get3A_1299, %get3A_1300] {strides = array<i32>} : memref<128x64xi32, #tpu.memory_space<vmem>>, vector<1x16xi32>,
        %get3A_1302 = vector.shape_cast %get3A_1301 : vector<1x16xi32> to vector<16xi32>
        %get3A_1303 = arith.index_cast %add3A_1298 : i32 to index
        %get3A_1304 = arith.constant 0 : index
        %get3A_1305 = tpu.vector_load %arg8[%get3A_1303, %get3A_1304] {strides = array<i32>} : memref<128x64xi32, #tpu.memory_space<vmem>>, vector<1x16xi32>,
        %get3A_1306 = vector.shape_cast %get3A_1305 : vector<1x16xi32> to vector<16xi32>
        %shift_left3A_1307 = arith.constant 16 : i32
        %shift_left3A_1308 = vector.broadcast %shift_left3A_1307 : i32 to vector<16xi32>
        %shift_left3A_1309 = arith.shli %get3A_1302, %shift_left3A_1308 : vector<16xi32>
        %bitcast_convert_type3A_1310 = tpu.bitcast %shift_left3A_1309 : vector<16xi32> -> vector<16xf32>
        %bitcast_convert_type3A_1311 = tpu.bitcast %get3A_1302 : vector<16xi32> -> vector<16xf32>
        %shift_left3A_1312 = arith.constant 16 : i32
        %shift_left3A_1313 = vector.broadcast %shift_left3A_1312 : i32 to vector<16xi32>
        %shift_left3A_1314 = arith.shli %get3A_1306, %shift_left3A_1313 : vector<16xi32>
        %bitcast_convert_type3A_1315 = tpu.bitcast %shift_left3A_1314 : vector<16xi32> -> vector<16xf32>
        %bitcast_convert_type3A_1316 = tpu.bitcast %get3A_1306 : vector<16xi32> -> vector<16xf32>
        %mul3A_1317 = arith.mulf %bitcast_convert_type3A_1310, %bitcast_convert_type3A_1315 : vector<16xf32>
        %mul3A_1318 = arith.mulf %bitcast_convert_type3A_1311, %bitcast_convert_type3A_1316 : vector<16xf32>
        %add3A_1319 = arith.addf %mul3A_1317, %mul3A_1318 : vector<16xf32>
        %get3A_1320 = arith.index_cast %add3A_1298 : i32 to index
        %get3A_1321 = arith.constant 16 : index
        %get3A_1322 = tpu.vector_load %arg7[%get3A_1320, %get3A_1321] {strides = array<i32>} : memref<128x64xi32, #tpu.memory_space<vmem>>, vector<1x16xi32>,
        %get3A_1323 = vector.shape_cast %get3A_1322 : vector<1x16xi32> to vector<16xi32>
        %get3A_1324 = arith.index_cast %add3A_1298 : i32 to index
        %get3A_1325 = arith.constant 16 : index
        %get3A_1326 = tpu.vector_load %arg8[%get3A_1324, %get3A_1325] {strides = array<i32>} : memref<128x64xi32, #tpu.memory_space<vmem>>, vector<1x16xi32>,
        %get3A_1327 = vector.shape_cast %get3A_1326 : vector<1x16xi32> to vector<16xi32>
        %shift_left3A_1328 = arith.constant 16 : i32
        %shift_left3A_1329 = vector.broadcast %shift_left3A_1328 : i32 to vector<16xi32>
        %shift_left3A_1330 = arith.shli %get3A_1323, %shift_left3A_1329 : vector<16xi32>
        %bitcast_convert_type3A_1331 = tpu.bitcast %shift_left3A_1330 : vector<16xi32> -> vector<16xf32>
        %bitcast_convert_type3A_1332 = tpu.bitcast %get3A_1323 : vector<16xi32> -> vector<16xf32>
        %shift_left3A_1333 = arith.constant 16 : i32
        %shift_left3A_1334 = vector.broadcast %shift_left3A_1333 : i32 to vector<16xi32>
        %shift_left3A_1335 = arith.shli %get3A_1327, %shift_left3A_1334 : vector<16xi32>
        %bitcast_convert_type3A_1336 = tpu.bitcast %shift_left3A_1335 : vector<16xi32> -> vector<16xf32>
        %bitcast_convert_type3A_1337 = tpu.bitcast %get3A_1327 : vector<16xi32> -> vector<16xf32>
        %mul3A_1338 = arith.mulf %bitcast_convert_type3A_1331, %bitcast_convert_type3A_1336 : vector<16xf32>
        %mul3A_1339 = arith.mulf %bitcast_convert_type3A_1332, %bitcast_convert_type3A_1337 : vector<16xf32>
        %add3A_1340 = arith.addf %mul3A_1338, %mul3A_1339 : vector<16xf32>
        %add3A_1341 = arith.addf %add3A_1319, %add3A_1340 : vector<16xf32>
        %get3A_1342 = arith.index_cast %add3A_1298 : i32 to index
        %get3A_1343 = arith.constant 32 : index
        %get3A_1344 = tpu.vector_load %arg7[%get3A_1342, %get3A_1343] {strides = array<i32>} : memref<128x64xi32, #tpu.memory_space<vmem>>, vector<1x16xi32>,
        %get3A_1345 = vector.shape_cast %get3A_1344 : vector<1x16xi32> to vector<16xi32>
        %get3A_1346 = arith.index_cast %add3A_1298 : i32 to index
        %get3A_1347 = arith.constant 32 : index
        %get3A_1348 = tpu.vector_load %arg8[%get3A_1346, %get3A_1347] {strides = array<i32>} : memref<128x64xi32, #tpu.memory_space<vmem>>, vector<1x16xi32>,
        %get3A_1349 = vector.shape_cast %get3A_1348 : vector<1x16xi32> to vector<16xi32>
        %shift_left3A_1350 = arith.constant 16 : i32
        %shift_left3A_1351 = vector.broadcast %shift_left3A_1350 : i32 to vector<16xi32>
        %shift_left3A_1352 = arith.shli %get3A_1345, %shift_left3A_1351 : vector<16xi32>
        %bitcast_convert_type3A_1353 = tpu.bitcast %shift_left3A_1352 : vector<16xi32> -> vector<16xf32>
        %bitcast_convert_type3A_1354 = tpu.bitcast %get3A_1345 : vector<16xi32> -> vector<16xf32>
        %shift_left3A_1355 = arith.constant 16 : i32
        %shift_left3A_1356 = vector.broadcast %shift_left3A_1355 : i32 to vector<16xi32>
        %shift_left3A_1357 = arith.shli %get3A_1349, %shift_left3A_1356 : vector<16xi32>
        %bitcast_convert_type3A_1358 = tpu.bitcast %shift_left3A_1357 : vector<16xi32> -> vector<16xf32>
        %bitcast_convert_type3A_1359 = tpu.bitcast %get3A_1349 : vector<16xi32> -> vector<16xf32>
        %mul3A_1360 = arith.mulf %bitcast_convert_type3A_1353, %bitcast_convert_type3A_1358 : vector<16xf32>
        %mul3A_1361 = arith.mulf %bitcast_convert_type3A_1354, %bitcast_convert_type3A_1359 : vector<16xf32>
        %add3A_1362 = arith.addf %mul3A_1360, %mul3A_1361 : vector<16xf32>
        %add3A_1363 = arith.addf %add3A_1341, %add3A_1362 : vector<16xf32>
        %get3A_1364 = arith.index_cast %add3A_1298 : i32 to index
        %get3A_1365 = arith.constant 48 : index
        %get3A_1366 = tpu.vector_load %arg7[%get3A_1364, %get3A_1365] {strides = array<i32>} : memref<128x64xi32, #tpu.memory_space<vmem>>, vector<1x16xi32>,
        %get3A_1367 = vector.shape_cast %get3A_1366 : vector<1x16xi32> to vector<16xi32>
        %get3A_1368 = arith.index_cast %add3A_1298 : i32 to index
        %get3A_1369 = arith.constant 48 : index
        %get3A_1370 = tpu.vector_load %arg8[%get3A_1368, %get3A_1369] {strides = array<i32>} : memref<128x64xi32, #tpu.memory_space<vmem>>, vector<1x16xi32>,
        %get3A_1371 = vector.shape_cast %get3A_1370 : vector<1x16xi32> to vector<16xi32>
        %shift_left3A_1372 = arith.constant 16 : i32
        %shift_left3A_1373 = vector.broadcast %shift_left3A_1372 : i32 to vector<16xi32>
        %shift_left3A_1374 = arith.shli %get3A_1367, %shift_left3A_1373 : vector<16xi32>
        %bitcast_convert_type3A_1375 = tpu.bitcast %shift_left3A_1374 : vector<16xi32> -> vector<16xf32>
        %bitcast_convert_type3A_1376 = tpu.bitcast %get3A_1367 : vector<16xi32> -> vector<16xf32>
        %shift_left3A_1377 = arith.constant 16 : i32
        %shift_left3A_1378 = vector.broadcast %shift_left3A_1377 : i32 to vector<16xi32>
        %shift_left3A_1379 = arith.shli %get3A_1371, %shift_left3A_1378 : vector<16xi32>
        %bitcast_convert_type3A_1380 = tpu.bitcast %shift_left3A_1379 : vector<16xi32> -> vector<16xf32>
        %bitcast_convert_type3A_1381 = tpu.bitcast %get3A_1371 : vector<16xi32> -> vector<16xf32>
        %mul3A_1382 = arith.mulf %bitcast_convert_type3A_1375, %bitcast_convert_type3A_1380 : vector<16xf32>
        %mul3A_1383 = arith.mulf %bitcast_convert_type3A_1376, %bitcast_convert_type3A_1381 : vector<16xf32>
        %add3A_1384 = arith.addf %mul3A_1382, %mul3A_1383 : vector<16xf32>
        %add3A_1385 = arith.addf %add3A_1363, %add3A_1384 : vector<16xf32>
        %add3A_1386 = arith.constant 10 : i32
        %add3A_1387 = arith.addi %mul3A_103, %add3A_1386 : i32
        %add3A_1388 = arith.constant 1 : i32
        %add3A_1389 = arith.addi %add3A_1387, %add3A_1388 : i32
        %get3A_1390 = arith.index_cast %add3A_1389 : i32 to index
        %get3A_1391 = arith.constant 0 : index
        %get3A_1392 = tpu.vector_load %arg7[%get3A_1390, %get3A_1391] {strides = array<i32>} : memref<128x64xi32, #tpu.memory_space<vmem>>, vector<1x16xi32>,
        %get3A_1393 = vector.shape_cast %get3A_1392 : vector<1x16xi32> to vector<16xi32>
        %get3A_1394 = arith.index_cast %add3A_1389 : i32 to index
        %get3A_1395 = arith.constant 0 : index
        %get3A_1396 = tpu.vector_load %arg8[%get3A_1394, %get3A_1395] {strides = array<i32>} : memref<128x64xi32, #tpu.memory_space<vmem>>, vector<1x16xi32>,
        %get3A_1397 = vector.shape_cast %get3A_1396 : vector<1x16xi32> to vector<16xi32>
        %shift_left3A_1398 = arith.constant 16 : i32
        %shift_left3A_1399 = vector.broadcast %shift_left3A_1398 : i32 to vector<16xi32>
        %shift_left3A_1400 = arith.shli %get3A_1393, %shift_left3A_1399 : vector<16xi32>
        %bitcast_convert_type3A_1401 = tpu.bitcast %shift_left3A_1400 : vector<16xi32> -> vector<16xf32>
        %bitcast_convert_type3A_1402 = tpu.bitcast %get3A_1393 : vector<16xi32> -> vector<16xf32>
        %shift_left3A_1403 = arith.constant 16 : i32
        %shift_left3A_1404 = vector.broadcast %shift_left3A_1403 : i32 to vector<16xi32>
        %shift_left3A_1405 = arith.shli %get3A_1397, %shift_left3A_1404 : vector<16xi32>
        %bitcast_convert_type3A_1406 = tpu.bitcast %shift_left3A_1405 : vector<16xi32> -> vector<16xf32>
        %bitcast_convert_type3A_1407 = tpu.bitcast %get3A_1397 : vector<16xi32> -> vector<16xf32>
        %mul3A_1408 = arith.mulf %bitcast_convert_type3A_1401, %bitcast_convert_type3A_1406 : vector<16xf32>
        %mul3A_1409 = arith.mulf %bitcast_convert_type3A_1402, %bitcast_convert_type3A_1407 : vector<16xf32>
        %add3A_1410 = arith.addf %mul3A_1408, %mul3A_1409 : vector<16xf32>
        %get3A_1411 = arith.index_cast %add3A_1389 : i32 to index
        %get3A_1412 = arith.constant 16 : index
        %get3A_1413 = tpu.vector_load %arg7[%get3A_1411, %get3A_1412] {strides = array<i32>} : memref<128x64xi32, #tpu.memory_space<vmem>>, vector<1x16xi32>,
        %get3A_1414 = vector.shape_cast %get3A_1413 : vector<1x16xi32> to vector<16xi32>
        %get3A_1415 = arith.index_cast %add3A_1389 : i32 to index
        %get3A_1416 = arith.constant 16 : index
        %get3A_1417 = tpu.vector_load %arg8[%get3A_1415, %get3A_1416] {strides = array<i32>} : memref<128x64xi32, #tpu.memory_space<vmem>>, vector<1x16xi32>,
        %get3A_1418 = vector.shape_cast %get3A_1417 : vector<1x16xi32> to vector<16xi32>
        %shift_left3A_1419 = arith.constant 16 : i32
        %shift_left3A_1420 = vector.broadcast %shift_left3A_1419 : i32 to vector<16xi32>
        %shift_left3A_1421 = arith.shli %get3A_1414, %shift_left3A_1420 : vector<16xi32>
        %bitcast_convert_type3A_1422 = tpu.bitcast %shift_left3A_1421 : vector<16xi32> -> vector<16xf32>
        %bitcast_convert_type3A_1423 = tpu.bitcast %get3A_1414 : vector<16xi32> -> vector<16xf32>
        %shift_left3A_1424 = arith.constant 16 : i32
        %shift_left3A_1425 = vector.broadcast %shift_left3A_1424 : i32 to vector<16xi32>
        %shift_left3A_1426 = arith.shli %get3A_1418, %shift_left3A_1425 : vector<16xi32>
        %bitcast_convert_type3A_1427 = tpu.bitcast %shift_left3A_1426 : vector<16xi32> -> vector<16xf32>
        %bitcast_convert_type3A_1428 = tpu.bitcast %get3A_1418 : vector<16xi32> -> vector<16xf32>
        %mul3A_1429 = arith.mulf %bitcast_convert_type3A_1422, %bitcast_convert_type3A_1427 : vector<16xf32>
        %mul3A_1430 = arith.mulf %bitcast_convert_type3A_1423, %bitcast_convert_type3A_1428 : vector<16xf32>
        %add3A_1431 = arith.addf %mul3A_1429, %mul3A_1430 : vector<16xf32>
        %add3A_1432 = arith.addf %add3A_1410, %add3A_1431 : vector<16xf32>
        %get3A_1433 = arith.index_cast %add3A_1389 : i32 to index
        %get3A_1434 = arith.constant 32 : index
        %get3A_1435 = tpu.vector_load %arg7[%get3A_1433, %get3A_1434] {strides = array<i32>} : memref<128x64xi32, #tpu.memory_space<vmem>>, vector<1x16xi32>,
        %get3A_1436 = vector.shape_cast %get3A_1435 : vector<1x16xi32> to vector<16xi32>
        %get3A_1437 = arith.index_cast %add3A_1389 : i32 to index
        %get3A_1438 = arith.constant 32 : index
        %get3A_1439 = tpu.vector_load %arg8[%get3A_1437, %get3A_1438] {strides = array<i32>} : memref<128x64xi32, #tpu.memory_space<vmem>>, vector<1x16xi32>,
        %get3A_1440 = vector.shape_cast %get3A_1439 : vector<1x16xi32> to vector<16xi32>
        %shift_left3A_1441 = arith.constant 16 : i32
        %shift_left3A_1442 = vector.broadcast %shift_left3A_1441 : i32 to vector<16xi32>
        %shift_left3A_1443 = arith.shli %get3A_1436, %shift_left3A_1442 : vector<16xi32>
        %bitcast_convert_type3A_1444 = tpu.bitcast %shift_left3A_1443 : vector<16xi32> -> vector<16xf32>
        %bitcast_convert_type3A_1445 = tpu.bitcast %get3A_1436 : vector<16xi32> -> vector<16xf32>
        %shift_left3A_1446 = arith.constant 16 : i32
        %shift_left3A_1447 = vector.broadcast %shift_left3A_1446 : i32 to vector<16xi32>
        %shift_left3A_1448 = arith.shli %get3A_1440, %shift_left3A_1447 : vector<16xi32>
        %bitcast_convert_type3A_1449 = tpu.bitcast %shift_left3A_1448 : vector<16xi32> -> vector<16xf32>
        %bitcast_convert_type3A_1450 = tpu.bitcast %get3A_1440 : vector<16xi32> -> vector<16xf32>
        %mul3A_1451 = arith.mulf %bitcast_convert_type3A_1444, %bitcast_convert_type3A_1449 : vector<16xf32>
        %mul3A_1452 = arith.mulf %bitcast_convert_type3A_1445, %bitcast_convert_type3A_1450 : vector<16xf32>
        %add3A_1453 = arith.addf %mul3A_1451, %mul3A_1452 : vector<16xf32>
        %add3A_1454 = arith.addf %add3A_1432, %add3A_1453 : vector<16xf32>
        %get3A_1455 = arith.index_cast %add3A_1389 : i32 to index
        %get3A_1456 = arith.constant 48 : index
        %get3A_1457 = tpu.vector_load %arg7[%get3A_1455, %get3A_1456] {strides = array<i32>} : memref<128x64xi32, #tpu.memory_space<vmem>>, vector<1x16xi32>,
        %get3A_1458 = vector.shape_cast %get3A_1457 : vector<1x16xi32> to vector<16xi32>
        %get3A_1459 = arith.index_cast %add3A_1389 : i32 to index
        %get3A_1460 = arith.constant 48 : index
        %get3A_1461 = tpu.vector_load %arg8[%get3A_1459, %get3A_1460] {strides = array<i32>} : memref<128x64xi32, #tpu.memory_space<vmem>>, vector<1x16xi32>,
        %get3A_1462 = vector.shape_cast %get3A_1461 : vector<1x16xi32> to vector<16xi32>
        %shift_left3A_1463 = arith.constant 16 : i32
        %shift_left3A_1464 = vector.broadcast %shift_left3A_1463 : i32 to vector<16xi32>
        %shift_left3A_1465 = arith.shli %get3A_1458, %shift_left3A_1464 : vector<16xi32>
        %bitcast_convert_type3A_1466 = tpu.bitcast %shift_left3A_1465 : vector<16xi32> -> vector<16xf32>
        %bitcast_convert_type3A_1467 = tpu.bitcast %get3A_1458 : vector<16xi32> -> vector<16xf32>
        %shift_left3A_1468 = arith.constant 16 : i32
        %shift_left3A_1469 = vector.broadcast %shift_left3A_1468 : i32 to vector<16xi32>
        %shift_left3A_1470 = arith.shli %get3A_1462, %shift_left3A_1469 : vector<16xi32>
        %bitcast_convert_type3A_1471 = tpu.bitcast %shift_left3A_1470 : vector<16xi32> -> vector<16xf32>
        %bitcast_convert_type3A_1472 = tpu.bitcast %get3A_1462 : vector<16xi32> -> vector<16xf32>
        %mul3A_1473 = arith.mulf %bitcast_convert_type3A_1466, %bitcast_convert_type3A_1471 : vector<16xf32>
        %mul3A_1474 = arith.mulf %bitcast_convert_type3A_1467, %bitcast_convert_type3A_1472 : vector<16xf32>
        %add3A_1475 = arith.addf %mul3A_1473, %mul3A_1474 : vector<16xf32>
        %add3A_1476 = arith.addf %add3A_1454, %add3A_1475 : vector<16xf32>
        %shift_right_arithmetic3A_1477 = arith.constant 0 : i32
        %shift_right_arithmetic3A_1478 = vector.broadcast %shift_right_arithmetic3A_1477 : i32 to vector<16xi32>
        %shift_right_arithmetic3A_1479 = arith.shrsi %iota3A, %shift_right_arithmetic3A_1478 : vector<16xi32>
        %and3A_1480 = arith.constant 1 : i32
        %and3A_1481 = vector.broadcast %and3A_1480 : i32 to vector<16xi32>
        %and3A_1482 = arith.andi %shift_right_arithmetic3A_1479, %and3A_1481 : vector<16xi32>
        %xor3A_1483 = arith.constant 1 : i32
        %xor3A_1484 = vector.broadcast %xor3A_1483 : i32 to vector<16xi32>
        %xor3A_1485 = arith.xori %iota3A, %xor3A_1484 : vector<16xi32>
        %lt3A_1486 = arith.constant 0 : i32
        %lt3A_1487 = vector.broadcast %lt3A_1486 : i32 to vector<16xi32>
        %lt3A_1488 = arith.cmpi slt, %xor3A_1485, %lt3A_1487 : vector<16xi32>
        %add3A_1489 = arith.constant 16 : i32
        %add3A_1490 = vector.broadcast %add3A_1489 : i32 to vector<16xi32>
        %add3A_1491 = arith.addi %xor3A_1485, %add3A_1490 : vector<16xi32>
        %select_n3A_1492 = arith.select %lt3A_1488, %add3A_1491, %xor3A_1485 : vector<16xi1>, vector<16xi32>
        %broadcast_in_dim3A_1493 = vector.shape_cast %select_n3A_1492 : vector<16xi32> to vector<16x1xi32>
        %gather3A_1494 = vector.shape_cast %broadcast_in_dim3A_1493 : vector<16x1xi32> to vector<16xi32>
        %gather3A_1495 = tpu.dynamic_gather %add3A_1385[%gather3A_1494] in [0] : vector<16xf32>, vector<16xi32> -> vector<16xf32>
        %add3A_1496 = arith.addf %add3A_1385, %gather3A_1495 : vector<16xf32>
        %xor3A_1497 = arith.constant 1 : i32
        %xor3A_1498 = vector.broadcast %xor3A_1497 : i32 to vector<16xi32>
        %xor3A_1499 = arith.xori %iota3A, %xor3A_1498 : vector<16xi32>
        %lt3A_1500 = arith.constant 0 : i32
        %lt3A_1501 = vector.broadcast %lt3A_1500 : i32 to vector<16xi32>
        %lt3A_1502 = arith.cmpi slt, %xor3A_1499, %lt3A_1501 : vector<16xi32>
        %add3A_1503 = arith.constant 16 : i32
        %add3A_1504 = vector.broadcast %add3A_1503 : i32 to vector<16xi32>
        %add3A_1505 = arith.addi %xor3A_1499, %add3A_1504 : vector<16xi32>
        %select_n3A_1506 = arith.select %lt3A_1502, %add3A_1505, %xor3A_1499 : vector<16xi1>, vector<16xi32>
        %broadcast_in_dim3A_1507 = vector.shape_cast %select_n3A_1506 : vector<16xi32> to vector<16x1xi32>
        %gather3A_1508 = vector.shape_cast %broadcast_in_dim3A_1507 : vector<16x1xi32> to vector<16xi32>
        %gather3A_1509 = tpu.dynamic_gather %add3A_1476[%gather3A_1508] in [0] : vector<16xf32>, vector<16xi32> -> vector<16xf32>
        %add3A_1510 = arith.addf %add3A_1476, %gather3A_1509 : vector<16xf32>
        %eq3A_1511 = arith.constant 0 : i32
        %eq3A_1512 = vector.broadcast %eq3A_1511 : i32 to vector<16xi32>
        %eq3A_1513 = arith.cmpi eq, %and3A_1482, %eq3A_1512 : vector<16xi32>
        %select_n3A_1514 = arith.select %eq3A_1513, %add3A_1496, %add3A_1510 : vector<16xi1>, vector<16xf32>
        %shift_right_arithmetic3A_1515 = arith.constant 1 : i32
        %shift_right_arithmetic3A_1516 = vector.broadcast %shift_right_arithmetic3A_1515 : i32 to vector<16xi32>
        %shift_right_arithmetic3A_1517 = arith.shrsi %iota3A, %shift_right_arithmetic3A_1516 : vector<16xi32>
        %and3A_1518 = arith.constant 1 : i32
        %and3A_1519 = vector.broadcast %and3A_1518 : i32 to vector<16xi32>
        %and3A_1520 = arith.andi %shift_right_arithmetic3A_1517, %and3A_1519 : vector<16xi32>
        %xor3A_1521 = arith.constant 2 : i32
        %xor3A_1522 = vector.broadcast %xor3A_1521 : i32 to vector<16xi32>
        %xor3A_1523 = arith.xori %iota3A, %xor3A_1522 : vector<16xi32>
        %lt3A_1524 = arith.constant 0 : i32
        %lt3A_1525 = vector.broadcast %lt3A_1524 : i32 to vector<16xi32>
        %lt3A_1526 = arith.cmpi slt, %xor3A_1523, %lt3A_1525 : vector<16xi32>
        %add3A_1527 = arith.constant 16 : i32
        %add3A_1528 = vector.broadcast %add3A_1527 : i32 to vector<16xi32>
        %add3A_1529 = arith.addi %xor3A_1523, %add3A_1528 : vector<16xi32>
        %select_n3A_1530 = arith.select %lt3A_1526, %add3A_1529, %xor3A_1523 : vector<16xi1>, vector<16xi32>
        %broadcast_in_dim3A_1531 = vector.shape_cast %select_n3A_1530 : vector<16xi32> to vector<16x1xi32>
        %gather3A_1532 = vector.shape_cast %broadcast_in_dim3A_1531 : vector<16x1xi32> to vector<16xi32>
        %gather3A_1533 = tpu.dynamic_gather %select_n3A_1296[%gather3A_1532] in [0] : vector<16xf32>, vector<16xi32> -> vector<16xf32>
        %add3A_1534 = arith.addf %select_n3A_1296, %gather3A_1533 : vector<16xf32>
        %xor3A_1535 = arith.constant 2 : i32
        %xor3A_1536 = vector.broadcast %xor3A_1535 : i32 to vector<16xi32>
        %xor3A_1537 = arith.xori %iota3A, %xor3A_1536 : vector<16xi32>
        %lt3A_1538 = arith.constant 0 : i32
        %lt3A_1539 = vector.broadcast %lt3A_1538 : i32 to vector<16xi32>
        %lt3A_1540 = arith.cmpi slt, %xor3A_1537, %lt3A_1539 : vector<16xi32>
        %add3A_1541 = arith.constant 16 : i32
        %add3A_1542 = vector.broadcast %add3A_1541 : i32 to vector<16xi32>
        %add3A_1543 = arith.addi %xor3A_1537, %add3A_1542 : vector<16xi32>
        %select_n3A_1544 = arith.select %lt3A_1540, %add3A_1543, %xor3A_1537 : vector<16xi1>, vector<16xi32>
        %broadcast_in_dim3A_1545 = vector.shape_cast %select_n3A_1544 : vector<16xi32> to vector<16x1xi32>
        %gather3A_1546 = vector.shape_cast %broadcast_in_dim3A_1545 : vector<16x1xi32> to vector<16xi32>
        %gather3A_1547 = tpu.dynamic_gather %select_n3A_1514[%gather3A_1546] in [0] : vector<16xf32>, vector<16xi32> -> vector<16xf32>
        %add3A_1548 = arith.addf %select_n3A_1514, %gather3A_1547 : vector<16xf32>
        %eq3A_1549 = arith.constant 0 : i32
        %eq3A_1550 = vector.broadcast %eq3A_1549 : i32 to vector<16xi32>
        %eq3A_1551 = arith.cmpi eq, %and3A_1520, %eq3A_1550 : vector<16xi32>
        %select_n3A_1552 = arith.select %eq3A_1551, %add3A_1534, %add3A_1548 : vector<16xi1>, vector<16xf32>
        %add3A_1553 = arith.constant 12 : i32
        %add3A_1554 = arith.addi %mul3A_103, %add3A_1553 : i32
        %get3A_1555 = arith.index_cast %add3A_1554 : i32 to index
        %get3A_1556 = arith.constant 0 : index
        %get3A_1557 = tpu.vector_load %arg7[%get3A_1555, %get3A_1556] {strides = array<i32>} : memref<128x64xi32, #tpu.memory_space<vmem>>, vector<1x16xi32>,
        %get3A_1558 = vector.shape_cast %get3A_1557 : vector<1x16xi32> to vector<16xi32>
        %get3A_1559 = arith.index_cast %add3A_1554 : i32 to index
        %get3A_1560 = arith.constant 0 : index
        %get3A_1561 = tpu.vector_load %arg8[%get3A_1559, %get3A_1560] {strides = array<i32>} : memref<128x64xi32, #tpu.memory_space<vmem>>, vector<1x16xi32>,
        %get3A_1562 = vector.shape_cast %get3A_1561 : vector<1x16xi32> to vector<16xi32>
        %shift_left3A_1563 = arith.constant 16 : i32
        %shift_left3A_1564 = vector.broadcast %shift_left3A_1563 : i32 to vector<16xi32>
        %shift_left3A_1565 = arith.shli %get3A_1558, %shift_left3A_1564 : vector<16xi32>
        %bitcast_convert_type3A_1566 = tpu.bitcast %shift_left3A_1565 : vector<16xi32> -> vector<16xf32>
        %bitcast_convert_type3A_1567 = tpu.bitcast %get3A_1558 : vector<16xi32> -> vector<16xf32>
        %shift_left3A_1568 = arith.constant 16 : i32
        %shift_left3A_1569 = vector.broadcast %shift_left3A_1568 : i32 to vector<16xi32>
        %shift_left3A_1570 = arith.shli %get3A_1562, %shift_left3A_1569 : vector<16xi32>
        %bitcast_convert_type3A_1571 = tpu.bitcast %shift_left3A_1570 : vector<16xi32> -> vector<16xf32>
        %bitcast_convert_type3A_1572 = tpu.bitcast %get3A_1562 : vector<16xi32> -> vector<16xf32>
        %mul3A_1573 = arith.mulf %bitcast_convert_type3A_1566, %bitcast_convert_type3A_1571 : vector<16xf32>
        %mul3A_1574 = arith.mulf %bitcast_convert_type3A_1567, %bitcast_convert_type3A_1572 : vector<16xf32>
        %add3A_1575 = arith.addf %mul3A_1573, %mul3A_1574 : vector<16xf32>
        %get3A_1576 = arith.index_cast %add3A_1554 : i32 to index
        %get3A_1577 = arith.constant 16 : index
        %get3A_1578 = tpu.vector_load %arg7[%get3A_1576, %get3A_1577] {strides = array<i32>} : memref<128x64xi32, #tpu.memory_space<vmem>>, vector<1x16xi32>,
        %get3A_1579 = vector.shape_cast %get3A_1578 : vector<1x16xi32> to vector<16xi32>
        %get3A_1580 = arith.index_cast %add3A_1554 : i32 to index
        %get3A_1581 = arith.constant 16 : index
        %get3A_1582 = tpu.vector_load %arg8[%get3A_1580, %get3A_1581] {strides = array<i32>} : memref<128x64xi32, #tpu.memory_space<vmem>>, vector<1x16xi32>,
        %get3A_1583 = vector.shape_cast %get3A_1582 : vector<1x16xi32> to vector<16xi32>
        %shift_left3A_1584 = arith.constant 16 : i32
        %shift_left3A_1585 = vector.broadcast %shift_left3A_1584 : i32 to vector<16xi32>
        %shift_left3A_1586 = arith.shli %get3A_1579, %shift_left3A_1585 : vector<16xi32>
        %bitcast_convert_type3A_1587 = tpu.bitcast %shift_left3A_1586 : vector<16xi32> -> vector<16xf32>
        %bitcast_convert_type3A_1588 = tpu.bitcast %get3A_1579 : vector<16xi32> -> vector<16xf32>
        %shift_left3A_1589 = arith.constant 16 : i32
        %shift_left3A_1590 = vector.broadcast %shift_left3A_1589 : i32 to vector<16xi32>
        %shift_left3A_1591 = arith.shli %get3A_1583, %shift_left3A_1590 : vector<16xi32>
        %bitcast_convert_type3A_1592 = tpu.bitcast %shift_left3A_1591 : vector<16xi32> -> vector<16xf32>
        %bitcast_convert_type3A_1593 = tpu.bitcast %get3A_1583 : vector<16xi32> -> vector<16xf32>
        %mul3A_1594 = arith.mulf %bitcast_convert_type3A_1587, %bitcast_convert_type3A_1592 : vector<16xf32>
        %mul3A_1595 = arith.mulf %bitcast_convert_type3A_1588, %bitcast_convert_type3A_1593 : vector<16xf32>
        %add3A_1596 = arith.addf %mul3A_1594, %mul3A_1595 : vector<16xf32>
        %add3A_1597 = arith.addf %add3A_1575, %add3A_1596 : vector<16xf32>
        %get3A_1598 = arith.index_cast %add3A_1554 : i32 to index
        %get3A_1599 = arith.constant 32 : index
        %get3A_1600 = tpu.vector_load %arg7[%get3A_1598, %get3A_1599] {strides = array<i32>} : memref<128x64xi32, #tpu.memory_space<vmem>>, vector<1x16xi32>,
        %get3A_1601 = vector.shape_cast %get3A_1600 : vector<1x16xi32> to vector<16xi32>
        %get3A_1602 = arith.index_cast %add3A_1554 : i32 to index
        %get3A_1603 = arith.constant 32 : index
        %get3A_1604 = tpu.vector_load %arg8[%get3A_1602, %get3A_1603] {strides = array<i32>} : memref<128x64xi32, #tpu.memory_space<vmem>>, vector<1x16xi32>,
        %get3A_1605 = vector.shape_cast %get3A_1604 : vector<1x16xi32> to vector<16xi32>
        %shift_left3A_1606 = arith.constant 16 : i32
        %shift_left3A_1607 = vector.broadcast %shift_left3A_1606 : i32 to vector<16xi32>
        %shift_left3A_1608 = arith.shli %get3A_1601, %shift_left3A_1607 : vector<16xi32>
        %bitcast_convert_type3A_1609 = tpu.bitcast %shift_left3A_1608 : vector<16xi32> -> vector<16xf32>
        %bitcast_convert_type3A_1610 = tpu.bitcast %get3A_1601 : vector<16xi32> -> vector<16xf32>
        %shift_left3A_1611 = arith.constant 16 : i32
        %shift_left3A_1612 = vector.broadcast %shift_left3A_1611 : i32 to vector<16xi32>
        %shift_left3A_1613 = arith.shli %get3A_1605, %shift_left3A_1612 : vector<16xi32>
        %bitcast_convert_type3A_1614 = tpu.bitcast %shift_left3A_1613 : vector<16xi32> -> vector<16xf32>
        %bitcast_convert_type3A_1615 = tpu.bitcast %get3A_1605 : vector<16xi32> -> vector<16xf32>
        %mul3A_1616 = arith.mulf %bitcast_convert_type3A_1609, %bitcast_convert_type3A_1614 : vector<16xf32>
        %mul3A_1617 = arith.mulf %bitcast_convert_type3A_1610, %bitcast_convert_type3A_1615 : vector<16xf32>
        %add3A_1618 = arith.addf %mul3A_1616, %mul3A_1617 : vector<16xf32>
        %add3A_1619 = arith.addf %add3A_1597, %add3A_1618 : vector<16xf32>
        %get3A_1620 = arith.index_cast %add3A_1554 : i32 to index
        %get3A_1621 = arith.constant 48 : index
        %get3A_1622 = tpu.vector_load %arg7[%get3A_1620, %get3A_1621] {strides = array<i32>} : memref<128x64xi32, #tpu.memory_space<vmem>>, vector<1x16xi32>,
        %get3A_1623 = vector.shape_cast %get3A_1622 : vector<1x16xi32> to vector<16xi32>
        %get3A_1624 = arith.index_cast %add3A_1554 : i32 to index
        %get3A_1625 = arith.constant 48 : index
        %get3A_1626 = tpu.vector_load %arg8[%get3A_1624, %get3A_1625] {strides = array<i32>} : memref<128x64xi32, #tpu.memory_space<vmem>>, vector<1x16xi32>,
        %get3A_1627 = vector.shape_cast %get3A_1626 : vector<1x16xi32> to vector<16xi32>
        %shift_left3A_1628 = arith.constant 16 : i32
        %shift_left3A_1629 = vector.broadcast %shift_left3A_1628 : i32 to vector<16xi32>
        %shift_left3A_1630 = arith.shli %get3A_1623, %shift_left3A_1629 : vector<16xi32>
        %bitcast_convert_type3A_1631 = tpu.bitcast %shift_left3A_1630 : vector<16xi32> -> vector<16xf32>
        %bitcast_convert_type3A_1632 = tpu.bitcast %get3A_1623 : vector<16xi32> -> vector<16xf32>
        %shift_left3A_1633 = arith.constant 16 : i32
        %shift_left3A_1634 = vector.broadcast %shift_left3A_1633 : i32 to vector<16xi32>
        %shift_left3A_1635 = arith.shli %get3A_1627, %shift_left3A_1634 : vector<16xi32>
        %bitcast_convert_type3A_1636 = tpu.bitcast %shift_left3A_1635 : vector<16xi32> -> vector<16xf32>
        %bitcast_convert_type3A_1637 = tpu.bitcast %get3A_1627 : vector<16xi32> -> vector<16xf32>
        %mul3A_1638 = arith.mulf %bitcast_convert_type3A_1631, %bitcast_convert_type3A_1636 : vector<16xf32>
        %mul3A_1639 = arith.mulf %bitcast_convert_type3A_1632, %bitcast_convert_type3A_1637 : vector<16xf32>
        %add3A_1640 = arith.addf %mul3A_1638, %mul3A_1639 : vector<16xf32>
        %add3A_1641 = arith.addf %add3A_1619, %add3A_1640 : vector<16xf32>
        %add3A_1642 = arith.constant 12 : i32
        %add3A_1643 = arith.addi %mul3A_103, %add3A_1642 : i32
        %add3A_1644 = arith.constant 1 : i32
        %add3A_1645 = arith.addi %add3A_1643, %add3A_1644 : i32
        %get3A_1646 = arith.index_cast %add3A_1645 : i32 to index
        %get3A_1647 = arith.constant 0 : index
        %get3A_1648 = tpu.vector_load %arg7[%get3A_1646, %get3A_1647] {strides = array<i32>} : memref<128x64xi32, #tpu.memory_space<vmem>>, vector<1x16xi32>,
        %get3A_1649 = vector.shape_cast %get3A_1648 : vector<1x16xi32> to vector<16xi32>
        %get3A_1650 = arith.index_cast %add3A_1645 : i32 to index
        %get3A_1651 = arith.constant 0 : index
        %get3A_1652 = tpu.vector_load %arg8[%get3A_1650, %get3A_1651] {strides = array<i32>} : memref<128x64xi32, #tpu.memory_space<vmem>>, vector<1x16xi32>,
        %get3A_1653 = vector.shape_cast %get3A_1652 : vector<1x16xi32> to vector<16xi32>
        %shift_left3A_1654 = arith.constant 16 : i32
        %shift_left3A_1655 = vector.broadcast %shift_left3A_1654 : i32 to vector<16xi32>
        %shift_left3A_1656 = arith.shli %get3A_1649, %shift_left3A_1655 : vector<16xi32>
        %bitcast_convert_type3A_1657 = tpu.bitcast %shift_left3A_1656 : vector<16xi32> -> vector<16xf32>
        %bitcast_convert_type3A_1658 = tpu.bitcast %get3A_1649 : vector<16xi32> -> vector<16xf32>
        %shift_left3A_1659 = arith.constant 16 : i32
        %shift_left3A_1660 = vector.broadcast %shift_left3A_1659 : i32 to vector<16xi32>
        %shift_left3A_1661 = arith.shli %get3A_1653, %shift_left3A_1660 : vector<16xi32>
        %bitcast_convert_type3A_1662 = tpu.bitcast %shift_left3A_1661 : vector<16xi32> -> vector<16xf32>
        %bitcast_convert_type3A_1663 = tpu.bitcast %get3A_1653 : vector<16xi32> -> vector<16xf32>
        %mul3A_1664 = arith.mulf %bitcast_convert_type3A_1657, %bitcast_convert_type3A_1662 : vector<16xf32>
        %mul3A_1665 = arith.mulf %bitcast_convert_type3A_1658, %bitcast_convert_type3A_1663 : vector<16xf32>
        %add3A_1666 = arith.addf %mul3A_1664, %mul3A_1665 : vector<16xf32>
        %get3A_1667 = arith.index_cast %add3A_1645 : i32 to index
        %get3A_1668 = arith.constant 16 : index
        %get3A_1669 = tpu.vector_load %arg7[%get3A_1667, %get3A_1668] {strides = array<i32>} : memref<128x64xi32, #tpu.memory_space<vmem>>, vector<1x16xi32>,
        %get3A_1670 = vector.shape_cast %get3A_1669 : vector<1x16xi32> to vector<16xi32>
        %get3A_1671 = arith.index_cast %add3A_1645 : i32 to index
        %get3A_1672 = arith.constant 16 : index
        %get3A_1673 = tpu.vector_load %arg8[%get3A_1671, %get3A_1672] {strides = array<i32>} : memref<128x64xi32, #tpu.memory_space<vmem>>, vector<1x16xi32>,
        %get3A_1674 = vector.shape_cast %get3A_1673 : vector<1x16xi32> to vector<16xi32>
        %shift_left3A_1675 = arith.constant 16 : i32
        %shift_left3A_1676 = vector.broadcast %shift_left3A_1675 : i32 to vector<16xi32>
        %shift_left3A_1677 = arith.shli %get3A_1670, %shift_left3A_1676 : vector<16xi32>
        %bitcast_convert_type3A_1678 = tpu.bitcast %shift_left3A_1677 : vector<16xi32> -> vector<16xf32>
        %bitcast_convert_type3A_1679 = tpu.bitcast %get3A_1670 : vector<16xi32> -> vector<16xf32>
        %shift_left3A_1680 = arith.constant 16 : i32
        %shift_left3A_1681 = vector.broadcast %shift_left3A_1680 : i32 to vector<16xi32>
        %shift_left3A_1682 = arith.shli %get3A_1674, %shift_left3A_1681 : vector<16xi32>
        %bitcast_convert_type3A_1683 = tpu.bitcast %shift_left3A_1682 : vector<16xi32> -> vector<16xf32>
        %bitcast_convert_type3A_1684 = tpu.bitcast %get3A_1674 : vector<16xi32> -> vector<16xf32>
        %mul3A_1685 = arith.mulf %bitcast_convert_type3A_1678, %bitcast_convert_type3A_1683 : vector<16xf32>
        %mul3A_1686 = arith.mulf %bitcast_convert_type3A_1679, %bitcast_convert_type3A_1684 : vector<16xf32>
        %add3A_1687 = arith.addf %mul3A_1685, %mul3A_1686 : vector<16xf32>
        %add3A_1688 = arith.addf %add3A_1666, %add3A_1687 : vector<16xf32>
        %get3A_1689 = arith.index_cast %add3A_1645 : i32 to index
        %get3A_1690 = arith.constant 32 : index
        %get3A_1691 = tpu.vector_load %arg7[%get3A_1689, %get3A_1690] {strides = array<i32>} : memref<128x64xi32, #tpu.memory_space<vmem>>, vector<1x16xi32>,
        %get3A_1692 = vector.shape_cast %get3A_1691 : vector<1x16xi32> to vector<16xi32>
        %get3A_1693 = arith.index_cast %add3A_1645 : i32 to index
        %get3A_1694 = arith.constant 32 : index
        %get3A_1695 = tpu.vector_load %arg8[%get3A_1693, %get3A_1694] {strides = array<i32>} : memref<128x64xi32, #tpu.memory_space<vmem>>, vector<1x16xi32>,
        %get3A_1696 = vector.shape_cast %get3A_1695 : vector<1x16xi32> to vector<16xi32>
        %shift_left3A_1697 = arith.constant 16 : i32
        %shift_left3A_1698 = vector.broadcast %shift_left3A_1697 : i32 to vector<16xi32>
        %shift_left3A_1699 = arith.shli %get3A_1692, %shift_left3A_1698 : vector<16xi32>
        %bitcast_convert_type3A_1700 = tpu.bitcast %shift_left3A_1699 : vector<16xi32> -> vector<16xf32>
        %bitcast_convert_type3A_1701 = tpu.bitcast %get3A_1692 : vector<16xi32> -> vector<16xf32>
        %shift_left3A_1702 = arith.constant 16 : i32
        %shift_left3A_1703 = vector.broadcast %shift_left3A_1702 : i32 to vector<16xi32>
        %shift_left3A_1704 = arith.shli %get3A_1696, %shift_left3A_1703 : vector<16xi32>
        %bitcast_convert_type3A_1705 = tpu.bitcast %shift_left3A_1704 : vector<16xi32> -> vector<16xf32>
        %bitcast_convert_type3A_1706 = tpu.bitcast %get3A_1696 : vector<16xi32> -> vector<16xf32>
        %mul3A_1707 = arith.mulf %bitcast_convert_type3A_1700, %bitcast_convert_type3A_1705 : vector<16xf32>
        %mul3A_1708 = arith.mulf %bitcast_convert_type3A_1701, %bitcast_convert_type3A_1706 : vector<16xf32>
        %add3A_1709 = arith.addf %mul3A_1707, %mul3A_1708 : vector<16xf32>
        %add3A_1710 = arith.addf %add3A_1688, %add3A_1709 : vector<16xf32>
        %get3A_1711 = arith.index_cast %add3A_1645 : i32 to index
        %get3A_1712 = arith.constant 48 : index
        %get3A_1713 = tpu.vector_load %arg7[%get3A_1711, %get3A_1712] {strides = array<i32>} : memref<128x64xi32, #tpu.memory_space<vmem>>, vector<1x16xi32>,
        %get3A_1714 = vector.shape_cast %get3A_1713 : vector<1x16xi32> to vector<16xi32>
        %get3A_1715 = arith.index_cast %add3A_1645 : i32 to index
        %get3A_1716 = arith.constant 48 : index
        %get3A_1717 = tpu.vector_load %arg8[%get3A_1715, %get3A_1716] {strides = array<i32>} : memref<128x64xi32, #tpu.memory_space<vmem>>, vector<1x16xi32>,
        %get3A_1718 = vector.shape_cast %get3A_1717 : vector<1x16xi32> to vector<16xi32>
        %shift_left3A_1719 = arith.constant 16 : i32
        %shift_left3A_1720 = vector.broadcast %shift_left3A_1719 : i32 to vector<16xi32>
        %shift_left3A_1721 = arith.shli %get3A_1714, %shift_left3A_1720 : vector<16xi32>
        %bitcast_convert_type3A_1722 = tpu.bitcast %shift_left3A_1721 : vector<16xi32> -> vector<16xf32>
        %bitcast_convert_type3A_1723 = tpu.bitcast %get3A_1714 : vector<16xi32> -> vector<16xf32>
        %shift_left3A_1724 = arith.constant 16 : i32
        %shift_left3A_1725 = vector.broadcast %shift_left3A_1724 : i32 to vector<16xi32>
        %shift_left3A_1726 = arith.shli %get3A_1718, %shift_left3A_1725 : vector<16xi32>
        %bitcast_convert_type3A_1727 = tpu.bitcast %shift_left3A_1726 : vector<16xi32> -> vector<16xf32>
        %bitcast_convert_type3A_1728 = tpu.bitcast %get3A_1718 : vector<16xi32> -> vector<16xf32>
        %mul3A_1729 = arith.mulf %bitcast_convert_type3A_1722, %bitcast_convert_type3A_1727 : vector<16xf32>
        %mul3A_1730 = arith.mulf %bitcast_convert_type3A_1723, %bitcast_convert_type3A_1728 : vector<16xf32>
        %add3A_1731 = arith.addf %mul3A_1729, %mul3A_1730 : vector<16xf32>
        %add3A_1732 = arith.addf %add3A_1710, %add3A_1731 : vector<16xf32>
        %shift_right_arithmetic3A_1733 = arith.constant 0 : i32
        %shift_right_arithmetic3A_1734 = vector.broadcast %shift_right_arithmetic3A_1733 : i32 to vector<16xi32>
        %shift_right_arithmetic3A_1735 = arith.shrsi %iota3A, %shift_right_arithmetic3A_1734 : vector<16xi32>
        %and3A_1736 = arith.constant 1 : i32
        %and3A_1737 = vector.broadcast %and3A_1736 : i32 to vector<16xi32>
        %and3A_1738 = arith.andi %shift_right_arithmetic3A_1735, %and3A_1737 : vector<16xi32>
        %xor3A_1739 = arith.constant 1 : i32
        %xor3A_1740 = vector.broadcast %xor3A_1739 : i32 to vector<16xi32>
        %xor3A_1741 = arith.xori %iota3A, %xor3A_1740 : vector<16xi32>
        %lt3A_1742 = arith.constant 0 : i32
        %lt3A_1743 = vector.broadcast %lt3A_1742 : i32 to vector<16xi32>
        %lt3A_1744 = arith.cmpi slt, %xor3A_1741, %lt3A_1743 : vector<16xi32>
        %add3A_1745 = arith.constant 16 : i32
        %add3A_1746 = vector.broadcast %add3A_1745 : i32 to vector<16xi32>
        %add3A_1747 = arith.addi %xor3A_1741, %add3A_1746 : vector<16xi32>
        %select_n3A_1748 = arith.select %lt3A_1744, %add3A_1747, %xor3A_1741 : vector<16xi1>, vector<16xi32>
        %broadcast_in_dim3A_1749 = vector.shape_cast %select_n3A_1748 : vector<16xi32> to vector<16x1xi32>
        %gather3A_1750 = vector.shape_cast %broadcast_in_dim3A_1749 : vector<16x1xi32> to vector<16xi32>
        %gather3A_1751 = tpu.dynamic_gather %add3A_1641[%gather3A_1750] in [0] : vector<16xf32>, vector<16xi32> -> vector<16xf32>
        %add3A_1752 = arith.addf %add3A_1641, %gather3A_1751 : vector<16xf32>
        %xor3A_1753 = arith.constant 1 : i32
        %xor3A_1754 = vector.broadcast %xor3A_1753 : i32 to vector<16xi32>
        %xor3A_1755 = arith.xori %iota3A, %xor3A_1754 : vector<16xi32>
        %lt3A_1756 = arith.constant 0 : i32
        %lt3A_1757 = vector.broadcast %lt3A_1756 : i32 to vector<16xi32>
        %lt3A_1758 = arith.cmpi slt, %xor3A_1755, %lt3A_1757 : vector<16xi32>
        %add3A_1759 = arith.constant 16 : i32
        %add3A_1760 = vector.broadcast %add3A_1759 : i32 to vector<16xi32>
        %add3A_1761 = arith.addi %xor3A_1755, %add3A_1760 : vector<16xi32>
        %select_n3A_1762 = arith.select %lt3A_1758, %add3A_1761, %xor3A_1755 : vector<16xi1>, vector<16xi32>
        %broadcast_in_dim3A_1763 = vector.shape_cast %select_n3A_1762 : vector<16xi32> to vector<16x1xi32>
        %gather3A_1764 = vector.shape_cast %broadcast_in_dim3A_1763 : vector<16x1xi32> to vector<16xi32>
        %gather3A_1765 = tpu.dynamic_gather %add3A_1732[%gather3A_1764] in [0] : vector<16xf32>, vector<16xi32> -> vector<16xf32>
        %add3A_1766 = arith.addf %add3A_1732, %gather3A_1765 : vector<16xf32>
        %eq3A_1767 = arith.constant 0 : i32
        %eq3A_1768 = vector.broadcast %eq3A_1767 : i32 to vector<16xi32>
        %eq3A_1769 = arith.cmpi eq, %and3A_1738, %eq3A_1768 : vector<16xi32>
        %select_n3A_1770 = arith.select %eq3A_1769, %add3A_1752, %add3A_1766 : vector<16xi1>, vector<16xf32>
        %add3A_1771 = arith.constant 14 : i32
        %add3A_1772 = arith.addi %mul3A_103, %add3A_1771 : i32
        %get3A_1773 = arith.index_cast %add3A_1772 : i32 to index
        %get3A_1774 = arith.constant 0 : index
        %get3A_1775 = tpu.vector_load %arg7[%get3A_1773, %get3A_1774] {strides = array<i32>} : memref<128x64xi32, #tpu.memory_space<vmem>>, vector<1x16xi32>,
        %get3A_1776 = vector.shape_cast %get3A_1775 : vector<1x16xi32> to vector<16xi32>
        %get3A_1777 = arith.index_cast %add3A_1772 : i32 to index
        %get3A_1778 = arith.constant 0 : index
        %get3A_1779 = tpu.vector_load %arg8[%get3A_1777, %get3A_1778] {strides = array<i32>} : memref<128x64xi32, #tpu.memory_space<vmem>>, vector<1x16xi32>,
        %get3A_1780 = vector.shape_cast %get3A_1779 : vector<1x16xi32> to vector<16xi32>
        %shift_left3A_1781 = arith.constant 16 : i32
        %shift_left3A_1782 = vector.broadcast %shift_left3A_1781 : i32 to vector<16xi32>
        %shift_left3A_1783 = arith.shli %get3A_1776, %shift_left3A_1782 : vector<16xi32>
        %bitcast_convert_type3A_1784 = tpu.bitcast %shift_left3A_1783 : vector<16xi32> -> vector<16xf32>
        %bitcast_convert_type3A_1785 = tpu.bitcast %get3A_1776 : vector<16xi32> -> vector<16xf32>
        %shift_left3A_1786 = arith.constant 16 : i32
        %shift_left3A_1787 = vector.broadcast %shift_left3A_1786 : i32 to vector<16xi32>
        %shift_left3A_1788 = arith.shli %get3A_1780, %shift_left3A_1787 : vector<16xi32>
        %bitcast_convert_type3A_1789 = tpu.bitcast %shift_left3A_1788 : vector<16xi32> -> vector<16xf32>
        %bitcast_convert_type3A_1790 = tpu.bitcast %get3A_1780 : vector<16xi32> -> vector<16xf32>
        %mul3A_1791 = arith.mulf %bitcast_convert_type3A_1784, %bitcast_convert_type3A_1789 : vector<16xf32>
        %mul3A_1792 = arith.mulf %bitcast_convert_type3A_1785, %bitcast_convert_type3A_1790 : vector<16xf32>
        %add3A_1793 = arith.addf %mul3A_1791, %mul3A_1792 : vector<16xf32>
        %get3A_1794 = arith.index_cast %add3A_1772 : i32 to index
        %get3A_1795 = arith.constant 16 : index
        %get3A_1796 = tpu.vector_load %arg7[%get3A_1794, %get3A_1795] {strides = array<i32>} : memref<128x64xi32, #tpu.memory_space<vmem>>, vector<1x16xi32>,
        %get3A_1797 = vector.shape_cast %get3A_1796 : vector<1x16xi32> to vector<16xi32>
        %get3A_1798 = arith.index_cast %add3A_1772 : i32 to index
        %get3A_1799 = arith.constant 16 : index
        %get3A_1800 = tpu.vector_load %arg8[%get3A_1798, %get3A_1799] {strides = array<i32>} : memref<128x64xi32, #tpu.memory_space<vmem>>, vector<1x16xi32>,
        %get3A_1801 = vector.shape_cast %get3A_1800 : vector<1x16xi32> to vector<16xi32>
        %shift_left3A_1802 = arith.constant 16 : i32
        %shift_left3A_1803 = vector.broadcast %shift_left3A_1802 : i32 to vector<16xi32>
        %shift_left3A_1804 = arith.shli %get3A_1797, %shift_left3A_1803 : vector<16xi32>
        %bitcast_convert_type3A_1805 = tpu.bitcast %shift_left3A_1804 : vector<16xi32> -> vector<16xf32>
        %bitcast_convert_type3A_1806 = tpu.bitcast %get3A_1797 : vector<16xi32> -> vector<16xf32>
        %shift_left3A_1807 = arith.constant 16 : i32
        %shift_left3A_1808 = vector.broadcast %shift_left3A_1807 : i32 to vector<16xi32>
        %shift_left3A_1809 = arith.shli %get3A_1801, %shift_left3A_1808 : vector<16xi32>
        %bitcast_convert_type3A_1810 = tpu.bitcast %shift_left3A_1809 : vector<16xi32> -> vector<16xf32>
        %bitcast_convert_type3A_1811 = tpu.bitcast %get3A_1801 : vector<16xi32> -> vector<16xf32>
        %mul3A_1812 = arith.mulf %bitcast_convert_type3A_1805, %bitcast_convert_type3A_1810 : vector<16xf32>
        %mul3A_1813 = arith.mulf %bitcast_convert_type3A_1806, %bitcast_convert_type3A_1811 : vector<16xf32>
        %add3A_1814 = arith.addf %mul3A_1812, %mul3A_1813 : vector<16xf32>
        %add3A_1815 = arith.addf %add3A_1793, %add3A_1814 : vector<16xf32>
        %get3A_1816 = arith.index_cast %add3A_1772 : i32 to index
        %get3A_1817 = arith.constant 32 : index
        %get3A_1818 = tpu.vector_load %arg7[%get3A_1816, %get3A_1817] {strides = array<i32>} : memref<128x64xi32, #tpu.memory_space<vmem>>, vector<1x16xi32>,
        %get3A_1819 = vector.shape_cast %get3A_1818 : vector<1x16xi32> to vector<16xi32>
        %get3A_1820 = arith.index_cast %add3A_1772 : i32 to index
        %get3A_1821 = arith.constant 32 : index
        %get3A_1822 = tpu.vector_load %arg8[%get3A_1820, %get3A_1821] {strides = array<i32>} : memref<128x64xi32, #tpu.memory_space<vmem>>, vector<1x16xi32>,
        %get3A_1823 = vector.shape_cast %get3A_1822 : vector<1x16xi32> to vector<16xi32>
        %shift_left3A_1824 = arith.constant 16 : i32
        %shift_left3A_1825 = vector.broadcast %shift_left3A_1824 : i32 to vector<16xi32>
        %shift_left3A_1826 = arith.shli %get3A_1819, %shift_left3A_1825 : vector<16xi32>
        %bitcast_convert_type3A_1827 = tpu.bitcast %shift_left3A_1826 : vector<16xi32> -> vector<16xf32>
        %bitcast_convert_type3A_1828 = tpu.bitcast %get3A_1819 : vector<16xi32> -> vector<16xf32>
        %shift_left3A_1829 = arith.constant 16 : i32
        %shift_left3A_1830 = vector.broadcast %shift_left3A_1829 : i32 to vector<16xi32>
        %shift_left3A_1831 = arith.shli %get3A_1823, %shift_left3A_1830 : vector<16xi32>
        %bitcast_convert_type3A_1832 = tpu.bitcast %shift_left3A_1831 : vector<16xi32> -> vector<16xf32>
        %bitcast_convert_type3A_1833 = tpu.bitcast %get3A_1823 : vector<16xi32> -> vector<16xf32>
        %mul3A_1834 = arith.mulf %bitcast_convert_type3A_1827, %bitcast_convert_type3A_1832 : vector<16xf32>
        %mul3A_1835 = arith.mulf %bitcast_convert_type3A_1828, %bitcast_convert_type3A_1833 : vector<16xf32>
        %add3A_1836 = arith.addf %mul3A_1834, %mul3A_1835 : vector<16xf32>
        %add3A_1837 = arith.addf %add3A_1815, %add3A_1836 : vector<16xf32>
        %get3A_1838 = arith.index_cast %add3A_1772 : i32 to index
        %get3A_1839 = arith.constant 48 : index
        %get3A_1840 = tpu.vector_load %arg7[%get3A_1838, %get3A_1839] {strides = array<i32>} : memref<128x64xi32, #tpu.memory_space<vmem>>, vector<1x16xi32>,
        %get3A_1841 = vector.shape_cast %get3A_1840 : vector<1x16xi32> to vector<16xi32>
        %get3A_1842 = arith.index_cast %add3A_1772 : i32 to index
        %get3A_1843 = arith.constant 48 : index
        %get3A_1844 = tpu.vector_load %arg8[%get3A_1842, %get3A_1843] {strides = array<i32>} : memref<128x64xi32, #tpu.memory_space<vmem>>, vector<1x16xi32>,
        %get3A_1845 = vector.shape_cast %get3A_1844 : vector<1x16xi32> to vector<16xi32>
        %shift_left3A_1846 = arith.constant 16 : i32
        %shift_left3A_1847 = vector.broadcast %shift_left3A_1846 : i32 to vector<16xi32>
        %shift_left3A_1848 = arith.shli %get3A_1841, %shift_left3A_1847 : vector<16xi32>
        %bitcast_convert_type3A_1849 = tpu.bitcast %shift_left3A_1848 : vector<16xi32> -> vector<16xf32>
        %bitcast_convert_type3A_1850 = tpu.bitcast %get3A_1841 : vector<16xi32> -> vector<16xf32>
        %shift_left3A_1851 = arith.constant 16 : i32
        %shift_left3A_1852 = vector.broadcast %shift_left3A_1851 : i32 to vector<16xi32>
        %shift_left3A_1853 = arith.shli %get3A_1845, %shift_left3A_1852 : vector<16xi32>
        %bitcast_convert_type3A_1854 = tpu.bitcast %shift_left3A_1853 : vector<16xi32> -> vector<16xf32>
        %bitcast_convert_type3A_1855 = tpu.bitcast %get3A_1845 : vector<16xi32> -> vector<16xf32>
        %mul3A_1856 = arith.mulf %bitcast_convert_type3A_1849, %bitcast_convert_type3A_1854 : vector<16xf32>
        %mul3A_1857 = arith.mulf %bitcast_convert_type3A_1850, %bitcast_convert_type3A_1855 : vector<16xf32>
        %add3A_1858 = arith.addf %mul3A_1856, %mul3A_1857 : vector<16xf32>
        %add3A_1859 = arith.addf %add3A_1837, %add3A_1858 : vector<16xf32>
        %add3A_1860 = arith.constant 14 : i32
        %add3A_1861 = arith.addi %mul3A_103, %add3A_1860 : i32
        %add3A_1862 = arith.constant 1 : i32
        %add3A_1863 = arith.addi %add3A_1861, %add3A_1862 : i32
        %get3A_1864 = arith.index_cast %add3A_1863 : i32 to index
        %get3A_1865 = arith.constant 0 : index
        %get3A_1866 = tpu.vector_load %arg7[%get3A_1864, %get3A_1865] {strides = array<i32>} : memref<128x64xi32, #tpu.memory_space<vmem>>, vector<1x16xi32>,
        %get3A_1867 = vector.shape_cast %get3A_1866 : vector<1x16xi32> to vector<16xi32>
        %get3A_1868 = arith.index_cast %add3A_1863 : i32 to index
        %get3A_1869 = arith.constant 0 : index
        %get3A_1870 = tpu.vector_load %arg8[%get3A_1868, %get3A_1869] {strides = array<i32>} : memref<128x64xi32, #tpu.memory_space<vmem>>, vector<1x16xi32>,
        %get3A_1871 = vector.shape_cast %get3A_1870 : vector<1x16xi32> to vector<16xi32>
        %shift_left3A_1872 = arith.constant 16 : i32
        %shift_left3A_1873 = vector.broadcast %shift_left3A_1872 : i32 to vector<16xi32>
        %shift_left3A_1874 = arith.shli %get3A_1867, %shift_left3A_1873 : vector<16xi32>
        %bitcast_convert_type3A_1875 = tpu.bitcast %shift_left3A_1874 : vector<16xi32> -> vector<16xf32>
        %bitcast_convert_type3A_1876 = tpu.bitcast %get3A_1867 : vector<16xi32> -> vector<16xf32>
        %shift_left3A_1877 = arith.constant 16 : i32
        %shift_left3A_1878 = vector.broadcast %shift_left3A_1877 : i32 to vector<16xi32>
        %shift_left3A_1879 = arith.shli %get3A_1871, %shift_left3A_1878 : vector<16xi32>
        %bitcast_convert_type3A_1880 = tpu.bitcast %shift_left3A_1879 : vector<16xi32> -> vector<16xf32>
        %bitcast_convert_type3A_1881 = tpu.bitcast %get3A_1871 : vector<16xi32> -> vector<16xf32>
        %mul3A_1882 = arith.mulf %bitcast_convert_type3A_1875, %bitcast_convert_type3A_1880 : vector<16xf32>
        %mul3A_1883 = arith.mulf %bitcast_convert_type3A_1876, %bitcast_convert_type3A_1881 : vector<16xf32>
        %add3A_1884 = arith.addf %mul3A_1882, %mul3A_1883 : vector<16xf32>
        %get3A_1885 = arith.index_cast %add3A_1863 : i32 to index
        %get3A_1886 = arith.constant 16 : index
        %get3A_1887 = tpu.vector_load %arg7[%get3A_1885, %get3A_1886] {strides = array<i32>} : memref<128x64xi32, #tpu.memory_space<vmem>>, vector<1x16xi32>,
        %get3A_1888 = vector.shape_cast %get3A_1887 : vector<1x16xi32> to vector<16xi32>
        %get3A_1889 = arith.index_cast %add3A_1863 : i32 to index
        %get3A_1890 = arith.constant 16 : index
        %get3A_1891 = tpu.vector_load %arg8[%get3A_1889, %get3A_1890] {strides = array<i32>} : memref<128x64xi32, #tpu.memory_space<vmem>>, vector<1x16xi32>,
        %get3A_1892 = vector.shape_cast %get3A_1891 : vector<1x16xi32> to vector<16xi32>
        %shift_left3A_1893 = arith.constant 16 : i32
        %shift_left3A_1894 = vector.broadcast %shift_left3A_1893 : i32 to vector<16xi32>
        %shift_left3A_1895 = arith.shli %get3A_1888, %shift_left3A_1894 : vector<16xi32>
        %bitcast_convert_type3A_1896 = tpu.bitcast %shift_left3A_1895 : vector<16xi32> -> vector<16xf32>
        %bitcast_convert_type3A_1897 = tpu.bitcast %get3A_1888 : vector<16xi32> -> vector<16xf32>
        %shift_left3A_1898 = arith.constant 16 : i32
        %shift_left3A_1899 = vector.broadcast %shift_left3A_1898 : i32 to vector<16xi32>
        %shift_left3A_1900 = arith.shli %get3A_1892, %shift_left3A_1899 : vector<16xi32>
        %bitcast_convert_type3A_1901 = tpu.bitcast %shift_left3A_1900 : vector<16xi32> -> vector<16xf32>
        %bitcast_convert_type3A_1902 = tpu.bitcast %get3A_1892 : vector<16xi32> -> vector<16xf32>
        %mul3A_1903 = arith.mulf %bitcast_convert_type3A_1896, %bitcast_convert_type3A_1901 : vector<16xf32>
        %mul3A_1904 = arith.mulf %bitcast_convert_type3A_1897, %bitcast_convert_type3A_1902 : vector<16xf32>
        %add3A_1905 = arith.addf %mul3A_1903, %mul3A_1904 : vector<16xf32>
        %add3A_1906 = arith.addf %add3A_1884, %add3A_1905 : vector<16xf32>
        %get3A_1907 = arith.index_cast %add3A_1863 : i32 to index
        %get3A_1908 = arith.constant 32 : index
        %get3A_1909 = tpu.vector_load %arg7[%get3A_1907, %get3A_1908] {strides = array<i32>} : memref<128x64xi32, #tpu.memory_space<vmem>>, vector<1x16xi32>,
        %get3A_1910 = vector.shape_cast %get3A_1909 : vector<1x16xi32> to vector<16xi32>
        %get3A_1911 = arith.index_cast %add3A_1863 : i32 to index
        %get3A_1912 = arith.constant 32 : index
        %get3A_1913 = tpu.vector_load %arg8[%get3A_1911, %get3A_1912] {strides = array<i32>} : memref<128x64xi32, #tpu.memory_space<vmem>>, vector<1x16xi32>,
        %get3A_1914 = vector.shape_cast %get3A_1913 : vector<1x16xi32> to vector<16xi32>
        %shift_left3A_1915 = arith.constant 16 : i32
        %shift_left3A_1916 = vector.broadcast %shift_left3A_1915 : i32 to vector<16xi32>
        %shift_left3A_1917 = arith.shli %get3A_1910, %shift_left3A_1916 : vector<16xi32>
        %bitcast_convert_type3A_1918 = tpu.bitcast %shift_left3A_1917 : vector<16xi32> -> vector<16xf32>
        %bitcast_convert_type3A_1919 = tpu.bitcast %get3A_1910 : vector<16xi32> -> vector<16xf32>
        %shift_left3A_1920 = arith.constant 16 : i32
        %shift_left3A_1921 = vector.broadcast %shift_left3A_1920 : i32 to vector<16xi32>
        %shift_left3A_1922 = arith.shli %get3A_1914, %shift_left3A_1921 : vector<16xi32>
        %bitcast_convert_type3A_1923 = tpu.bitcast %shift_left3A_1922 : vector<16xi32> -> vector<16xf32>
        %bitcast_convert_type3A_1924 = tpu.bitcast %get3A_1914 : vector<16xi32> -> vector<16xf32>
        %mul3A_1925 = arith.mulf %bitcast_convert_type3A_1918, %bitcast_convert_type3A_1923 : vector<16xf32>
        %mul3A_1926 = arith.mulf %bitcast_convert_type3A_1919, %bitcast_convert_type3A_1924 : vector<16xf32>
        %add3A_1927 = arith.addf %mul3A_1925, %mul3A_1926 : vector<16xf32>
        %add3A_1928 = arith.addf %add3A_1906, %add3A_1927 : vector<16xf32>
        %get3A_1929 = arith.index_cast %add3A_1863 : i32 to index
        %get3A_1930 = arith.constant 48 : index
        %get3A_1931 = tpu.vector_load %arg7[%get3A_1929, %get3A_1930] {strides = array<i32>} : memref<128x64xi32, #tpu.memory_space<vmem>>, vector<1x16xi32>,
        %get3A_1932 = vector.shape_cast %get3A_1931 : vector<1x16xi32> to vector<16xi32>
        %get3A_1933 = arith.index_cast %add3A_1863 : i32 to index
        %get3A_1934 = arith.constant 48 : index
        %get3A_1935 = tpu.vector_load %arg8[%get3A_1933, %get3A_1934] {strides = array<i32>} : memref<128x64xi32, #tpu.memory_space<vmem>>, vector<1x16xi32>,
        %get3A_1936 = vector.shape_cast %get3A_1935 : vector<1x16xi32> to vector<16xi32>
        %shift_left3A_1937 = arith.constant 16 : i32
        %shift_left3A_1938 = vector.broadcast %shift_left3A_1937 : i32 to vector<16xi32>
        %shift_left3A_1939 = arith.shli %get3A_1932, %shift_left3A_1938 : vector<16xi32>
        %bitcast_convert_type3A_1940 = tpu.bitcast %shift_left3A_1939 : vector<16xi32> -> vector<16xf32>
        %bitcast_convert_type3A_1941 = tpu.bitcast %get3A_1932 : vector<16xi32> -> vector<16xf32>
        %shift_left3A_1942 = arith.constant 16 : i32
        %shift_left3A_1943 = vector.broadcast %shift_left3A_1942 : i32 to vector<16xi32>
        %shift_left3A_1944 = arith.shli %get3A_1936, %shift_left3A_1943 : vector<16xi32>
        %bitcast_convert_type3A_1945 = tpu.bitcast %shift_left3A_1944 : vector<16xi32> -> vector<16xf32>
        %bitcast_convert_type3A_1946 = tpu.bitcast %get3A_1936 : vector<16xi32> -> vector<16xf32>
        %mul3A_1947 = arith.mulf %bitcast_convert_type3A_1940, %bitcast_convert_type3A_1945 : vector<16xf32>
        %mul3A_1948 = arith.mulf %bitcast_convert_type3A_1941, %bitcast_convert_type3A_1946 : vector<16xf32>
        %add3A_1949 = arith.addf %mul3A_1947, %mul3A_1948 : vector<16xf32>
        %add3A_1950 = arith.addf %add3A_1928, %add3A_1949 : vector<16xf32>
        %shift_right_arithmetic3A_1951 = arith.constant 0 : i32
        %shift_right_arithmetic3A_1952 = vector.broadcast %shift_right_arithmetic3A_1951 : i32 to vector<16xi32>
        %shift_right_arithmetic3A_1953 = arith.shrsi %iota3A, %shift_right_arithmetic3A_1952 : vector<16xi32>
        %and3A_1954 = arith.constant 1 : i32
        %and3A_1955 = vector.broadcast %and3A_1954 : i32 to vector<16xi32>
        %and3A_1956 = arith.andi %shift_right_arithmetic3A_1953, %and3A_1955 : vector<16xi32>
        %xor3A_1957 = arith.constant 1 : i32
        %xor3A_1958 = vector.broadcast %xor3A_1957 : i32 to vector<16xi32>
        %xor3A_1959 = arith.xori %iota3A, %xor3A_1958 : vector<16xi32>
        %lt3A_1960 = arith.constant 0 : i32
        %lt3A_1961 = vector.broadcast %lt3A_1960 : i32 to vector<16xi32>
        %lt3A_1962 = arith.cmpi slt, %xor3A_1959, %lt3A_1961 : vector<16xi32>
        %add3A_1963 = arith.constant 16 : i32
        %add3A_1964 = vector.broadcast %add3A_1963 : i32 to vector<16xi32>
        %add3A_1965 = arith.addi %xor3A_1959, %add3A_1964 : vector<16xi32>
        %select_n3A_1966 = arith.select %lt3A_1962, %add3A_1965, %xor3A_1959 : vector<16xi1>, vector<16xi32>
        %broadcast_in_dim3A_1967 = vector.shape_cast %select_n3A_1966 : vector<16xi32> to vector<16x1xi32>
        %gather3A_1968 = vector.shape_cast %broadcast_in_dim3A_1967 : vector<16x1xi32> to vector<16xi32>
        %gather3A_1969 = tpu.dynamic_gather %add3A_1859[%gather3A_1968] in [0] : vector<16xf32>, vector<16xi32> -> vector<16xf32>
        %add3A_1970 = arith.addf %add3A_1859, %gather3A_1969 : vector<16xf32>
        %xor3A_1971 = arith.constant 1 : i32
        %xor3A_1972 = vector.broadcast %xor3A_1971 : i32 to vector<16xi32>
        %xor3A_1973 = arith.xori %iota3A, %xor3A_1972 : vector<16xi32>
        %lt3A_1974 = arith.constant 0 : i32
        %lt3A_1975 = vector.broadcast %lt3A_1974 : i32 to vector<16xi32>
        %lt3A_1976 = arith.cmpi slt, %xor3A_1973, %lt3A_1975 : vector<16xi32>
        %add3A_1977 = arith.constant 16 : i32
        %add3A_1978 = vector.broadcast %add3A_1977 : i32 to vector<16xi32>
        %add3A_1979 = arith.addi %xor3A_1973, %add3A_1978 : vector<16xi32>
        %select_n3A_1980 = arith.select %lt3A_1976, %add3A_1979, %xor3A_1973 : vector<16xi1>, vector<16xi32>
        %broadcast_in_dim3A_1981 = vector.shape_cast %select_n3A_1980 : vector<16xi32> to vector<16x1xi32>
        %gather3A_1982 = vector.shape_cast %broadcast_in_dim3A_1981 : vector<16x1xi32> to vector<16xi32>
        %gather3A_1983 = tpu.dynamic_gather %add3A_1950[%gather3A_1982] in [0] : vector<16xf32>, vector<16xi32> -> vector<16xf32>
        %add3A_1984 = arith.addf %add3A_1950, %gather3A_1983 : vector<16xf32>
        %eq3A_1985 = arith.constant 0 : i32
        %eq3A_1986 = vector.broadcast %eq3A_1985 : i32 to vector<16xi32>
        %eq3A_1987 = arith.cmpi eq, %and3A_1956, %eq3A_1986 : vector<16xi32>
        %select_n3A_1988 = arith.select %eq3A_1987, %add3A_1970, %add3A_1984 : vector<16xi1>, vector<16xf32>
        %shift_right_arithmetic3A_1989 = arith.constant 1 : i32
        %shift_right_arithmetic3A_1990 = vector.broadcast %shift_right_arithmetic3A_1989 : i32 to vector<16xi32>
        %shift_right_arithmetic3A_1991 = arith.shrsi %iota3A, %shift_right_arithmetic3A_1990 : vector<16xi32>
        %and3A_1992 = arith.constant 1 : i32
        %and3A_1993 = vector.broadcast %and3A_1992 : i32 to vector<16xi32>
        %and3A_1994 = arith.andi %shift_right_arithmetic3A_1991, %and3A_1993 : vector<16xi32>
        %xor3A_1995 = arith.constant 2 : i32
        %xor3A_1996 = vector.broadcast %xor3A_1995 : i32 to vector<16xi32>
        %xor3A_1997 = arith.xori %iota3A, %xor3A_1996 : vector<16xi32>
        %lt3A_1998 = arith.constant 0 : i32
        %lt3A_1999 = vector.broadcast %lt3A_1998 : i32 to vector<16xi32>
        %lt3A_2000 = arith.cmpi slt, %xor3A_1997, %lt3A_1999 : vector<16xi32>
        %add3A_2001 = arith.constant 16 : i32
        %add3A_2002 = vector.broadcast %add3A_2001 : i32 to vector<16xi32>
        %add3A_2003 = arith.addi %xor3A_1997, %add3A_2002 : vector<16xi32>
        %select_n3A_2004 = arith.select %lt3A_2000, %add3A_2003, %xor3A_1997 : vector<16xi1>, vector<16xi32>
        %broadcast_in_dim3A_2005 = vector.shape_cast %select_n3A_2004 : vector<16xi32> to vector<16x1xi32>
        %gather3A_2006 = vector.shape_cast %broadcast_in_dim3A_2005 : vector<16x1xi32> to vector<16xi32>
        %gather3A_2007 = tpu.dynamic_gather %select_n3A_1770[%gather3A_2006] in [0] : vector<16xf32>, vector<16xi32> -> vector<16xf32>
        %add3A_2008 = arith.addf %select_n3A_1770, %gather3A_2007 : vector<16xf32>
        %xor3A_2009 = arith.constant 2 : i32
        %xor3A_2010 = vector.broadcast %xor3A_2009 : i32 to vector<16xi32>
        %xor3A_2011 = arith.xori %iota3A, %xor3A_2010 : vector<16xi32>
        %lt3A_2012 = arith.constant 0 : i32
        %lt3A_2013 = vector.broadcast %lt3A_2012 : i32 to vector<16xi32>
        %lt3A_2014 = arith.cmpi slt, %xor3A_2011, %lt3A_2013 : vector<16xi32>
        %add3A_2015 = arith.constant 16 : i32
        %add3A_2016 = vector.broadcast %add3A_2015 : i32 to vector<16xi32>
        %add3A_2017 = arith.addi %xor3A_2011, %add3A_2016 : vector<16xi32>
        %select_n3A_2018 = arith.select %lt3A_2014, %add3A_2017, %xor3A_2011 : vector<16xi1>, vector<16xi32>
        %broadcast_in_dim3A_2019 = vector.shape_cast %select_n3A_2018 : vector<16xi32> to vector<16x1xi32>
        %gather3A_2020 = vector.shape_cast %broadcast_in_dim3A_2019 : vector<16x1xi32> to vector<16xi32>
        %gather3A_2021 = tpu.dynamic_gather %select_n3A_1988[%gather3A_2020] in [0] : vector<16xf32>, vector<16xi32> -> vector<16xf32>
        %add3A_2022 = arith.addf %select_n3A_1988, %gather3A_2021 : vector<16xf32>
        %eq3A_2023 = arith.constant 0 : i32
        %eq3A_2024 = vector.broadcast %eq3A_2023 : i32 to vector<16xi32>
        %eq3A_2025 = arith.cmpi eq, %and3A_1994, %eq3A_2024 : vector<16xi32>
        %select_n3A_2026 = arith.select %eq3A_2025, %add3A_2008, %add3A_2022 : vector<16xi1>, vector<16xf32>
        %shift_right_arithmetic3A_2027 = arith.constant 2 : i32
        %shift_right_arithmetic3A_2028 = vector.broadcast %shift_right_arithmetic3A_2027 : i32 to vector<16xi32>
        %shift_right_arithmetic3A_2029 = arith.shrsi %iota3A, %shift_right_arithmetic3A_2028 : vector<16xi32>
        %and3A_2030 = arith.constant 1 : i32
        %and3A_2031 = vector.broadcast %and3A_2030 : i32 to vector<16xi32>
        %and3A_2032 = arith.andi %shift_right_arithmetic3A_2029, %and3A_2031 : vector<16xi32>
        %xor3A_2033 = arith.constant 4 : i32
        %xor3A_2034 = vector.broadcast %xor3A_2033 : i32 to vector<16xi32>
        %xor3A_2035 = arith.xori %iota3A, %xor3A_2034 : vector<16xi32>
        %lt3A_2036 = arith.constant 0 : i32
        %lt3A_2037 = vector.broadcast %lt3A_2036 : i32 to vector<16xi32>
        %lt3A_2038 = arith.cmpi slt, %xor3A_2035, %lt3A_2037 : vector<16xi32>
        %add3A_2039 = arith.constant 16 : i32
        %add3A_2040 = vector.broadcast %add3A_2039 : i32 to vector<16xi32>
        %add3A_2041 = arith.addi %xor3A_2035, %add3A_2040 : vector<16xi32>
        %select_n3A_2042 = arith.select %lt3A_2038, %add3A_2041, %xor3A_2035 : vector<16xi1>, vector<16xi32>
        %broadcast_in_dim3A_2043 = vector.shape_cast %select_n3A_2042 : vector<16xi32> to vector<16x1xi32>
        %gather3A_2044 = vector.shape_cast %broadcast_in_dim3A_2043 : vector<16x1xi32> to vector<16xi32>
        %gather3A_2045 = tpu.dynamic_gather %select_n3A_1552[%gather3A_2044] in [0] : vector<16xf32>, vector<16xi32> -> vector<16xf32>
        %add3A_2046 = arith.addf %select_n3A_1552, %gather3A_2045 : vector<16xf32>
        %xor3A_2047 = arith.constant 4 : i32
        %xor3A_2048 = vector.broadcast %xor3A_2047 : i32 to vector<16xi32>
        %xor3A_2049 = arith.xori %iota3A, %xor3A_2048 : vector<16xi32>
        %lt3A_2050 = arith.constant 0 : i32
        %lt3A_2051 = vector.broadcast %lt3A_2050 : i32 to vector<16xi32>
        %lt3A_2052 = arith.cmpi slt, %xor3A_2049, %lt3A_2051 : vector<16xi32>
        %add3A_2053 = arith.constant 16 : i32
        %add3A_2054 = vector.broadcast %add3A_2053 : i32 to vector<16xi32>
        %add3A_2055 = arith.addi %xor3A_2049, %add3A_2054 : vector<16xi32>
        %select_n3A_2056 = arith.select %lt3A_2052, %add3A_2055, %xor3A_2049 : vector<16xi1>, vector<16xi32>
        %broadcast_in_dim3A_2057 = vector.shape_cast %select_n3A_2056 : vector<16xi32> to vector<16x1xi32>
        %gather3A_2058 = vector.shape_cast %broadcast_in_dim3A_2057 : vector<16x1xi32> to vector<16xi32>
        %gather3A_2059 = tpu.dynamic_gather %select_n3A_2026[%gather3A_2058] in [0] : vector<16xf32>, vector<16xi32> -> vector<16xf32>
        %add3A_2060 = arith.addf %select_n3A_2026, %gather3A_2059 : vector<16xf32>
        %eq3A_2061 = arith.constant 0 : i32
        %eq3A_2062 = vector.broadcast %eq3A_2061 : i32 to vector<16xi32>
        %eq3A_2063 = arith.cmpi eq, %and3A_2032, %eq3A_2062 : vector<16xi32>
        %select_n3A_2064 = arith.select %eq3A_2063, %add3A_2046, %add3A_2060 : vector<16xi1>, vector<16xf32>
        %shift_right_arithmetic3A_2065 = arith.constant 3 : i32
        %shift_right_arithmetic3A_2066 = vector.broadcast %shift_right_arithmetic3A_2065 : i32 to vector<16xi32>
        %shift_right_arithmetic3A_2067 = arith.shrsi %iota3A, %shift_right_arithmetic3A_2066 : vector<16xi32>
        %and3A_2068 = arith.constant 1 : i32
        %and3A_2069 = vector.broadcast %and3A_2068 : i32 to vector<16xi32>
        %and3A_2070 = arith.andi %shift_right_arithmetic3A_2067, %and3A_2069 : vector<16xi32>
        %xor3A_2071 = arith.constant 8 : i32
        %xor3A_2072 = vector.broadcast %xor3A_2071 : i32 to vector<16xi32>
        %xor3A_2073 = arith.xori %iota3A, %xor3A_2072 : vector<16xi32>
        %lt3A_2074 = arith.constant 0 : i32
        %lt3A_2075 = vector.broadcast %lt3A_2074 : i32 to vector<16xi32>
        %lt3A_2076 = arith.cmpi slt, %xor3A_2073, %lt3A_2075 : vector<16xi32>
        %add3A_2077 = arith.constant 16 : i32
        %add3A_2078 = vector.broadcast %add3A_2077 : i32 to vector<16xi32>
        %add3A_2079 = arith.addi %xor3A_2073, %add3A_2078 : vector<16xi32>
        %select_n3A_2080 = arith.select %lt3A_2076, %add3A_2079, %xor3A_2073 : vector<16xi1>, vector<16xi32>
        %broadcast_in_dim3A_2081 = vector.shape_cast %select_n3A_2080 : vector<16xi32> to vector<16x1xi32>
        %gather3A_2082 = vector.shape_cast %broadcast_in_dim3A_2081 : vector<16x1xi32> to vector<16xi32>
        %gather3A_2083 = tpu.dynamic_gather %select_n3A_1078[%gather3A_2082] in [0] : vector<16xf32>, vector<16xi32> -> vector<16xf32>
        %add3A_2084 = arith.addf %select_n3A_1078, %gather3A_2083 : vector<16xf32>
        %xor3A_2085 = arith.constant 8 : i32
        %xor3A_2086 = vector.broadcast %xor3A_2085 : i32 to vector<16xi32>
        %xor3A_2087 = arith.xori %iota3A, %xor3A_2086 : vector<16xi32>
        %lt3A_2088 = arith.constant 0 : i32
        %lt3A_2089 = vector.broadcast %lt3A_2088 : i32 to vector<16xi32>
        %lt3A_2090 = arith.cmpi slt, %xor3A_2087, %lt3A_2089 : vector<16xi32>
        %add3A_2091 = arith.constant 16 : i32
        %add3A_2092 = vector.broadcast %add3A_2091 : i32 to vector<16xi32>
        %add3A_2093 = arith.addi %xor3A_2087, %add3A_2092 : vector<16xi32>
        %select_n3A_2094 = arith.select %lt3A_2090, %add3A_2093, %xor3A_2087 : vector<16xi1>, vector<16xi32>
        %broadcast_in_dim3A_2095 = vector.shape_cast %select_n3A_2094 : vector<16xi32> to vector<16x1xi32>
        %gather3A_2096 = vector.shape_cast %broadcast_in_dim3A_2095 : vector<16x1xi32> to vector<16xi32>
        %gather3A_2097 = tpu.dynamic_gather %select_n3A_2064[%gather3A_2096] in [0] : vector<16xf32>, vector<16xi32> -> vector<16xf32>
        %add3A_2098 = arith.addf %select_n3A_2064, %gather3A_2097 : vector<16xf32>
        %eq3A_2099 = arith.constant 0 : i32
        %eq3A_2100 = vector.broadcast %eq3A_2099 : i32 to vector<16xi32>
        %eq3A_2101 = arith.cmpi eq, %and3A_2070, %eq3A_2100 : vector<16xi32>
        %select_n3A_2102 = arith.select %eq3A_2101, %add3A_2084, %add3A_2098 : vector<16xi1>, vector<16xf32>
        %neg3A = arith.constant 0.000000e+00 : f32
        %neg3A_2103 = vector.broadcast %neg3A : f32 to vector<16xf32>
        %neg3A_2104 = arith.subf %neg3A_2103, %select_n3A_2102 : vector<16xf32>
        %exp3A = math.exp %neg3A_2104 : vector<16xf32>
        %add3A_2105 = arith.constant 1.000000e+00 : f32
        %add3A_2106 = vector.broadcast %add3A_2105 : f32 to vector<16xf32>
        %add3A_2107 = arith.addf %add3A_2106, %exp3A : vector<16xf32>
        %div3A = arith.constant 1.000000e+00 : f32
        %div3A_2108 = vector.broadcast %div3A : f32 to vector<16xf32>
        %div3A_2109 = arith.divf %div3A_2108, %add3A_2107 : vector<16xf32>
        %mul3A_2110 = arith.constant 128 : i32
        %mul3A_2111 = arith.muli %add3A_36, %mul3A_2110 : i32
        %add3A_2112 = arith.addi %mul3A_2111, %mul3A_103 : i32
        %swap3A = arith.index_cast %add3A_2112 : i32 to index
        %swap3A_2113 = tpu.vector_load %arg11[%swap3A] {strides = array<i32>} : memref<10240xf32, #tpu.memory_space<vmem>>, vector<16xf32>,
        %swap3A_2114 = vector.shape_cast %swap3A_2113 : vector<16xf32> to vector<16xf32>
        %swap3A_2115 = vector.shape_cast %div3A_2109 : vector<16xf32> to vector<16xf32>
        tpu.vector_store %arg11[%swap3A], %swap3A_2115 {strides = array<i32>} : memref<10240xf32, #tpu.memory_space<vmem>>, vector<16xf32>,
      }
      %scan3A_66 = arith.constant 8 : i32
      %mul3A_67 = arith.constant 2 : i32
      %mul3A_68 = arith.muli %mul3A_67, %scan3A_32 : i32
      %add3A_69 = arith.constant 1 : i32
      %add3A_70 = arith.addi %mul3A_68, %add3A_69 : i32
      %add3A_71 = arith.constant 1 : i32
      %add3A_72 = arith.addi %add3A_70, %add3A_71 : i32
      %mul3A_73 = arith.constant 128 : i32
      %mul3A_74 = arith.muli %add3A_72, %mul3A_73 : i32
      %dma_start3A_75 = tpu.memref_slice %arg5[%mul3A_74] : memref<10368xi32, #tpu.memory_space<vmem>> -> memref<128xi32, #tpu.memory_space<vmem>>
      %dma_start3A_76 = arith.constant 0 : i32
      %dma_start3A_77 = arith.constant 0 : i32
      %dma_start3A_78 = tpu.memref_slice %arg12[%dma_start3A_76, %dma_start3A_77] : memref<10000x64xi32, #tpu.memory_space<vmem_shared>> -> memref<10000x64xi32, #tpu.memory_space<vmem_shared>>
      tpu.enqueue_indirect_dma source(%dma_start3A_78 : memref<10000x64xi32, #tpu.memory_space<vmem_shared>>) target(%arg7 : memref<128x64xi32, #tpu.memory_space<vmem>>) offsets(%dma_start3A_75 : memref<128xi32, #tpu.memory_space<vmem>>) semaphore(%arg13 : memref<!tpu.dma_semaphore, #tpu.memory_space<semaphore_mem>>)
      %mul3A_79 = arith.constant 128 : i32
      %mul3A_80 = arith.muli %add3A_72, %mul3A_79 : i32
      %dma_start3A_81 = tpu.memref_slice %arg6[%mul3A_80] : memref<10368xi32, #tpu.memory_space<vmem>> -> memref<128xi32, #tpu.memory_space<vmem>>
      %dma_start3A_82 = arith.constant 0 : i32
      %dma_start3A_83 = arith.constant 0 : i32
      %dma_start3A_84 = tpu.memref_slice %arg12[%dma_start3A_82, %dma_start3A_83] : memref<10000x64xi32, #tpu.memory_space<vmem_shared>> -> memref<10000x64xi32, #tpu.memory_space<vmem_shared>>
      tpu.enqueue_indirect_dma source(%dma_start3A_84 : memref<10000x64xi32, #tpu.memory_space<vmem_shared>>) target(%arg8 : memref<128x64xi32, #tpu.memory_space<vmem>>) offsets(%dma_start3A_81 : memref<128xi32, #tpu.memory_space<vmem>>) semaphore(%arg14 : memref<!tpu.dma_semaphore, #tpu.memory_space<semaphore_mem>>)
      %dma_wait3A_85 = arith.constant 0 : i32
      %dma_wait3A_86 = tpu.memref_slice %arg5[%dma_wait3A_85] : memref<10368xi32, #tpu.memory_space<vmem>> -> memref<128xi32, #tpu.memory_space<vmem>>
      %dma_wait3A_87 = arith.constant 0 : i32
      %dma_wait3A_88 = arith.constant 0 : i32
      %dma_wait3A_89 = tpu.memref_slice %arg12[%dma_wait3A_87, %dma_wait3A_88] : memref<10000x64xi32, #tpu.memory_space<vmem_shared>> -> memref<10000x64xi32, #tpu.memory_space<vmem_shared>>
      tpu.wait_indirect_dma semaphore(%arg15 : memref<!tpu.dma_semaphore, #tpu.memory_space<semaphore_mem>>) src(%dma_wait3A_89 : memref<10000x64xi32, #tpu.memory_space<vmem_shared>>) dst(%arg9 : memref<128x64xi32, #tpu.memory_space<vmem>>)
      %dma_wait3A_90 = arith.constant 0 : i32
      %dma_wait3A_91 = tpu.memref_slice %arg6[%dma_wait3A_90] : memref<10368xi32, #tpu.memory_space<vmem>> -> memref<128xi32, #tpu.memory_space<vmem>>
      %dma_wait3A_92 = arith.constant 0 : i32
      %dma_wait3A_93 = arith.constant 0 : i32
      %dma_wait3A_94 = tpu.memref_slice %arg12[%dma_wait3A_92, %dma_wait3A_93] : memref<10000x64xi32, #tpu.memory_space<vmem_shared>> -> memref<10000x64xi32, #tpu.memory_space<vmem_shared>>
      tpu.wait_indirect_dma semaphore(%arg16 : memref<!tpu.dma_semaphore, #tpu.memory_space<semaphore_mem>>) src(%dma_wait3A_94 : memref<10000x64xi32, #tpu.memory_space<vmem_shared>>) dst(%arg10 : memref<128x64xi32, #tpu.memory_space<vmem>>)
      %scan3A_95 = arith.constant 0 : i32
      %scan3A_96 = arith.constant 0 : i32
      %scan3A_97 = arith.constant 8 : i32
      %scan3A_98 = arith.addi %scan3A_96, %scan3A_97 : i32
      %scan3A_99 = arith.constant 1 : i32
      scf.for %scan3A_101 = %scan3A_96 to %scan3A_98 step %scan3A_99  : i32 {
        %mul3A_102 = arith.constant 16 : i32
        %mul3A_103 = arith.muli %scan3A_101, %mul3A_102 : i32
        %add3A_104 = arith.constant 0 : i32
        %add3A_105 = arith.addi %mul3A_103, %add3A_104 : i32
        %get3A = arith.index_cast %add3A_105 : i32 to index
        %get3A_106 = arith.constant 0 : index
        %get3A_107 = tpu.vector_load %arg9[%get3A, %get3A_106] {strides = array<i32>} : memref<128x64xi32, #tpu.memory_space<vmem>>, vector<1x16xi32>,
        %get3A_108 = vector.shape_cast %get3A_107 : vector<1x16xi32> to vector<16xi32>
        %get3A_109 = arith.index_cast %add3A_105 : i32 to index
        %get3A_110 = arith.constant 0 : index
        %get3A_111 = tpu.vector_load %arg10[%get3A_109, %get3A_110] {strides = array<i32>} : memref<128x64xi32, #tpu.memory_space<vmem>>, vector<1x16xi32>,
        %get3A_112 = vector.shape_cast %get3A_111 : vector<1x16xi32> to vector<16xi32>
        %shift_left3A = arith.constant 16 : i32
        %shift_left3A_113 = vector.broadcast %shift_left3A : i32 to vector<16xi32>
        %shift_left3A_114 = arith.shli %get3A_108, %shift_left3A_113 : vector<16xi32>
        %bitcast_convert_type3A = tpu.bitcast %shift_left3A_114 : vector<16xi32> -> vector<16xf32>
        %bitcast_convert_type3A_115 = tpu.bitcast %get3A_108 : vector<16xi32> -> vector<16xf32>
        %shift_left3A_116 = arith.constant 16 : i32
        %shift_left3A_117 = vector.broadcast %shift_left3A_116 : i32 to vector<16xi32>
        %shift_left3A_118 = arith.shli %get3A_112, %shift_left3A_117 : vector<16xi32>
        %bitcast_convert_type3A_119 = tpu.bitcast %shift_left3A_118 : vector<16xi32> -> vector<16xf32>
        %bitcast_convert_type3A_120 = tpu.bitcast %get3A_112 : vector<16xi32> -> vector<16xf32>
        %mul3A_121 = arith.mulf %bitcast_convert_type3A, %bitcast_convert_type3A_119 : vector<16xf32>
        %mul3A_122 = arith.mulf %bitcast_convert_type3A_115, %bitcast_convert_type3A_120 : vector<16xf32>
        %add3A_123 = arith.addf %mul3A_121, %mul3A_122 : vector<16xf32>
        %get3A_124 = arith.index_cast %add3A_105 : i32 to index
        %get3A_125 = arith.constant 16 : index
        %get3A_126 = tpu.vector_load %arg9[%get3A_124, %get3A_125] {strides = array<i32>} : memref<128x64xi32, #tpu.memory_space<vmem>>, vector<1x16xi32>,
        %get3A_127 = vector.shape_cast %get3A_126 : vector<1x16xi32> to vector<16xi32>
        %get3A_128 = arith.index_cast %add3A_105 : i32 to index
        %get3A_129 = arith.constant 16 : index
        %get3A_130 = tpu.vector_load %arg10[%get3A_128, %get3A_129] {strides = array<i32>} : memref<128x64xi32, #tpu.memory_space<vmem>>, vector<1x16xi32>,
        %get3A_131 = vector.shape_cast %get3A_130 : vector<1x16xi32> to vector<16xi32>
        %shift_left3A_132 = arith.constant 16 : i32
        %shift_left3A_133 = vector.broadcast %shift_left3A_132 : i32 to vector<16xi32>
        %shift_left3A_134 = arith.shli %get3A_127, %shift_left3A_133 : vector<16xi32>
        %bitcast_convert_type3A_135 = tpu.bitcast %shift_left3A_134 : vector<16xi32> -> vector<16xf32>
        %bitcast_convert_type3A_136 = tpu.bitcast %get3A_127 : vector<16xi32> -> vector<16xf32>
        %shift_left3A_137 = arith.constant 16 : i32
        %shift_left3A_138 = vector.broadcast %shift_left3A_137 : i32 to vector<16xi32>
        %shift_left3A_139 = arith.shli %get3A_131, %shift_left3A_138 : vector<16xi32>
        %bitcast_convert_type3A_140 = tpu.bitcast %shift_left3A_139 : vector<16xi32> -> vector<16xf32>
        %bitcast_convert_type3A_141 = tpu.bitcast %get3A_131 : vector<16xi32> -> vector<16xf32>
        %mul3A_142 = arith.mulf %bitcast_convert_type3A_135, %bitcast_convert_type3A_140 : vector<16xf32>
        %mul3A_143 = arith.mulf %bitcast_convert_type3A_136, %bitcast_convert_type3A_141 : vector<16xf32>
        %add3A_144 = arith.addf %mul3A_142, %mul3A_143 : vector<16xf32>
        %add3A_145 = arith.addf %add3A_123, %add3A_144 : vector<16xf32>
        %get3A_146 = arith.index_cast %add3A_105 : i32 to index
        %get3A_147 = arith.constant 32 : index
        %get3A_148 = tpu.vector_load %arg9[%get3A_146, %get3A_147] {strides = array<i32>} : memref<128x64xi32, #tpu.memory_space<vmem>>, vector<1x16xi32>,
        %get3A_149 = vector.shape_cast %get3A_148 : vector<1x16xi32> to vector<16xi32>
        %get3A_150 = arith.index_cast %add3A_105 : i32 to index
        %get3A_151 = arith.constant 32 : index
        %get3A_152 = tpu.vector_load %arg10[%get3A_150, %get3A_151] {strides = array<i32>} : memref<128x64xi32, #tpu.memory_space<vmem>>, vector<1x16xi32>,
        %get3A_153 = vector.shape_cast %get3A_152 : vector<1x16xi32> to vector<16xi32>
        %shift_left3A_154 = arith.constant 16 : i32
        %shift_left3A_155 = vector.broadcast %shift_left3A_154 : i32 to vector<16xi32>
        %shift_left3A_156 = arith.shli %get3A_149, %shift_left3A_155 : vector<16xi32>
        %bitcast_convert_type3A_157 = tpu.bitcast %shift_left3A_156 : vector<16xi32> -> vector<16xf32>
        %bitcast_convert_type3A_158 = tpu.bitcast %get3A_149 : vector<16xi32> -> vector<16xf32>
        %shift_left3A_159 = arith.constant 16 : i32
        %shift_left3A_160 = vector.broadcast %shift_left3A_159 : i32 to vector<16xi32>
        %shift_left3A_161 = arith.shli %get3A_153, %shift_left3A_160 : vector<16xi32>
        %bitcast_convert_type3A_162 = tpu.bitcast %shift_left3A_161 : vector<16xi32> -> vector<16xf32>
        %bitcast_convert_type3A_163 = tpu.bitcast %get3A_153 : vector<16xi32> -> vector<16xf32>
        %mul3A_164 = arith.mulf %bitcast_convert_type3A_157, %bitcast_convert_type3A_162 : vector<16xf32>
        %mul3A_165 = arith.mulf %bitcast_convert_type3A_158, %bitcast_convert_type3A_163 : vector<16xf32>
        %add3A_166 = arith.addf %mul3A_164, %mul3A_165 : vector<16xf32>
        %add3A_167 = arith.addf %add3A_145, %add3A_166 : vector<16xf32>
        %get3A_168 = arith.index_cast %add3A_105 : i32 to index
        %get3A_169 = arith.constant 48 : index
        %get3A_170 = tpu.vector_load %arg9[%get3A_168, %get3A_169] {strides = array<i32>} : memref<128x64xi32, #tpu.memory_space<vmem>>, vector<1x16xi32>,
        %get3A_171 = vector.shape_cast %get3A_170 : vector<1x16xi32> to vector<16xi32>
        %get3A_172 = arith.index_cast %add3A_105 : i32 to index
        %get3A_173 = arith.constant 48 : index
        %get3A_174 = tpu.vector_load %arg10[%get3A_172, %get3A_173] {strides = array<i32>} : memref<128x64xi32, #tpu.memory_space<vmem>>, vector<1x16xi32>,
        %get3A_175 = vector.shape_cast %get3A_174 : vector<1x16xi32> to vector<16xi32>
        %shift_left3A_176 = arith.constant 16 : i32
        %shift_left3A_177 = vector.broadcast %shift_left3A_176 : i32 to vector<16xi32>
        %shift_left3A_178 = arith.shli %get3A_171, %shift_left3A_177 : vector<16xi32>
        %bitcast_convert_type3A_179 = tpu.bitcast %shift_left3A_178 : vector<16xi32> -> vector<16xf32>
        %bitcast_convert_type3A_180 = tpu.bitcast %get3A_171 : vector<16xi32> -> vector<16xf32>
        %shift_left3A_181 = arith.constant 16 : i32
        %shift_left3A_182 = vector.broadcast %shift_left3A_181 : i32 to vector<16xi32>
        %shift_left3A_183 = arith.shli %get3A_175, %shift_left3A_182 : vector<16xi32>
        %bitcast_convert_type3A_184 = tpu.bitcast %shift_left3A_183 : vector<16xi32> -> vector<16xf32>
        %bitcast_convert_type3A_185 = tpu.bitcast %get3A_175 : vector<16xi32> -> vector<16xf32>
        %mul3A_186 = arith.mulf %bitcast_convert_type3A_179, %bitcast_convert_type3A_184 : vector<16xf32>
        %mul3A_187 = arith.mulf %bitcast_convert_type3A_180, %bitcast_convert_type3A_185 : vector<16xf32>
        %add3A_188 = arith.addf %mul3A_186, %mul3A_187 : vector<16xf32>
        %add3A_189 = arith.addf %add3A_167, %add3A_188 : vector<16xf32>
        %add3A_190 = arith.constant 0 : i32
        %add3A_191 = arith.addi %mul3A_103, %add3A_190 : i32
        %add3A_192 = arith.constant 1 : i32
        %add3A_193 = arith.addi %add3A_191, %add3A_192 : i32
        %get3A_194 = arith.index_cast %add3A_193 : i32 to index
        %get3A_195 = arith.constant 0 : index
        %get3A_196 = tpu.vector_load %arg9[%get3A_194, %get3A_195] {strides = array<i32>} : memref<128x64xi32, #tpu.memory_space<vmem>>, vector<1x16xi32>,
        %get3A_197 = vector.shape_cast %get3A_196 : vector<1x16xi32> to vector<16xi32>
        %get3A_198 = arith.index_cast %add3A_193 : i32 to index
        %get3A_199 = arith.constant 0 : index
        %get3A_200 = tpu.vector_load %arg10[%get3A_198, %get3A_199] {strides = array<i32>} : memref<128x64xi32, #tpu.memory_space<vmem>>, vector<1x16xi32>,
        %get3A_201 = vector.shape_cast %get3A_200 : vector<1x16xi32> to vector<16xi32>
        %shift_left3A_202 = arith.constant 16 : i32
        %shift_left3A_203 = vector.broadcast %shift_left3A_202 : i32 to vector<16xi32>
        %shift_left3A_204 = arith.shli %get3A_197, %shift_left3A_203 : vector<16xi32>
        %bitcast_convert_type3A_205 = tpu.bitcast %shift_left3A_204 : vector<16xi32> -> vector<16xf32>
        %bitcast_convert_type3A_206 = tpu.bitcast %get3A_197 : vector<16xi32> -> vector<16xf32>
        %shift_left3A_207 = arith.constant 16 : i32
        %shift_left3A_208 = vector.broadcast %shift_left3A_207 : i32 to vector<16xi32>
        %shift_left3A_209 = arith.shli %get3A_201, %shift_left3A_208 : vector<16xi32>
        %bitcast_convert_type3A_210 = tpu.bitcast %shift_left3A_209 : vector<16xi32> -> vector<16xf32>
        %bitcast_convert_type3A_211 = tpu.bitcast %get3A_201 : vector<16xi32> -> vector<16xf32>
        %mul3A_212 = arith.mulf %bitcast_convert_type3A_205, %bitcast_convert_type3A_210 : vector<16xf32>
        %mul3A_213 = arith.mulf %bitcast_convert_type3A_206, %bitcast_convert_type3A_211 : vector<16xf32>
        %add3A_214 = arith.addf %mul3A_212, %mul3A_213 : vector<16xf32>
        %get3A_215 = arith.index_cast %add3A_193 : i32 to index
        %get3A_216 = arith.constant 16 : index
        %get3A_217 = tpu.vector_load %arg9[%get3A_215, %get3A_216] {strides = array<i32>} : memref<128x64xi32, #tpu.memory_space<vmem>>, vector<1x16xi32>,
        %get3A_218 = vector.shape_cast %get3A_217 : vector<1x16xi32> to vector<16xi32>
        %get3A_219 = arith.index_cast %add3A_193 : i32 to index
        %get3A_220 = arith.constant 16 : index
        %get3A_221 = tpu.vector_load %arg10[%get3A_219, %get3A_220] {strides = array<i32>} : memref<128x64xi32, #tpu.memory_space<vmem>>, vector<1x16xi32>,
        %get3A_222 = vector.shape_cast %get3A_221 : vector<1x16xi32> to vector<16xi32>
        %shift_left3A_223 = arith.constant 16 : i32
        %shift_left3A_224 = vector.broadcast %shift_left3A_223 : i32 to vector<16xi32>
        %shift_left3A_225 = arith.shli %get3A_218, %shift_left3A_224 : vector<16xi32>
        %bitcast_convert_type3A_226 = tpu.bitcast %shift_left3A_225 : vector<16xi32> -> vector<16xf32>
        %bitcast_convert_type3A_227 = tpu.bitcast %get3A_218 : vector<16xi32> -> vector<16xf32>
        %shift_left3A_228 = arith.constant 16 : i32
        %shift_left3A_229 = vector.broadcast %shift_left3A_228 : i32 to vector<16xi32>
        %shift_left3A_230 = arith.shli %get3A_222, %shift_left3A_229 : vector<16xi32>
        %bitcast_convert_type3A_231 = tpu.bitcast %shift_left3A_230 : vector<16xi32> -> vector<16xf32>
        %bitcast_convert_type3A_232 = tpu.bitcast %get3A_222 : vector<16xi32> -> vector<16xf32>
        %mul3A_233 = arith.mulf %bitcast_convert_type3A_226, %bitcast_convert_type3A_231 : vector<16xf32>
        %mul3A_234 = arith.mulf %bitcast_convert_type3A_227, %bitcast_convert_type3A_232 : vector<16xf32>
        %add3A_235 = arith.addf %mul3A_233, %mul3A_234 : vector<16xf32>
        %add3A_236 = arith.addf %add3A_214, %add3A_235 : vector<16xf32>
        %get3A_237 = arith.index_cast %add3A_193 : i32 to index
        %get3A_238 = arith.constant 32 : index
        %get3A_239 = tpu.vector_load %arg9[%get3A_237, %get3A_238] {strides = array<i32>} : memref<128x64xi32, #tpu.memory_space<vmem>>, vector<1x16xi32>,
        %get3A_240 = vector.shape_cast %get3A_239 : vector<1x16xi32> to vector<16xi32>
        %get3A_241 = arith.index_cast %add3A_193 : i32 to index
        %get3A_242 = arith.constant 32 : index
        %get3A_243 = tpu.vector_load %arg10[%get3A_241, %get3A_242] {strides = array<i32>} : memref<128x64xi32, #tpu.memory_space<vmem>>, vector<1x16xi32>,
        %get3A_244 = vector.shape_cast %get3A_243 : vector<1x16xi32> to vector<16xi32>
        %shift_left3A_245 = arith.constant 16 : i32
        %shift_left3A_246 = vector.broadcast %shift_left3A_245 : i32 to vector<16xi32>
        %shift_left3A_247 = arith.shli %get3A_240, %shift_left3A_246 : vector<16xi32>
        %bitcast_convert_type3A_248 = tpu.bitcast %shift_left3A_247 : vector<16xi32> -> vector<16xf32>
        %bitcast_convert_type3A_249 = tpu.bitcast %get3A_240 : vector<16xi32> -> vector<16xf32>
        %shift_left3A_250 = arith.constant 16 : i32
        %shift_left3A_251 = vector.broadcast %shift_left3A_250 : i32 to vector<16xi32>
        %shift_left3A_252 = arith.shli %get3A_244, %shift_left3A_251 : vector<16xi32>
        %bitcast_convert_type3A_253 = tpu.bitcast %shift_left3A_252 : vector<16xi32> -> vector<16xf32>
        %bitcast_convert_type3A_254 = tpu.bitcast %get3A_244 : vector<16xi32> -> vector<16xf32>
        %mul3A_255 = arith.mulf %bitcast_convert_type3A_248, %bitcast_convert_type3A_253 : vector<16xf32>
        %mul3A_256 = arith.mulf %bitcast_convert_type3A_249, %bitcast_convert_type3A_254 : vector<16xf32>
        %add3A_257 = arith.addf %mul3A_255, %mul3A_256 : vector<16xf32>
        %add3A_258 = arith.addf %add3A_236, %add3A_257 : vector<16xf32>
        %get3A_259 = arith.index_cast %add3A_193 : i32 to index
        %get3A_260 = arith.constant 48 : index
        %get3A_261 = tpu.vector_load %arg9[%get3A_259, %get3A_260] {strides = array<i32>} : memref<128x64xi32, #tpu.memory_space<vmem>>, vector<1x16xi32>,
        %get3A_262 = vector.shape_cast %get3A_261 : vector<1x16xi32> to vector<16xi32>
        %get3A_263 = arith.index_cast %add3A_193 : i32 to index
        %get3A_264 = arith.constant 48 : index
        %get3A_265 = tpu.vector_load %arg10[%get3A_263, %get3A_264] {strides = array<i32>} : memref<128x64xi32, #tpu.memory_space<vmem>>, vector<1x16xi32>,
        %get3A_266 = vector.shape_cast %get3A_265 : vector<1x16xi32> to vector<16xi32>
        %shift_left3A_267 = arith.constant 16 : i32
        %shift_left3A_268 = vector.broadcast %shift_left3A_267 : i32 to vector<16xi32>
        %shift_left3A_269 = arith.shli %get3A_262, %shift_left3A_268 : vector<16xi32>
        %bitcast_convert_type3A_270 = tpu.bitcast %shift_left3A_269 : vector<16xi32> -> vector<16xf32>
        %bitcast_convert_type3A_271 = tpu.bitcast %get3A_262 : vector<16xi32> -> vector<16xf32>
        %shift_left3A_272 = arith.constant 16 : i32
        %shift_left3A_273 = vector.broadcast %shift_left3A_272 : i32 to vector<16xi32>
        %shift_left3A_274 = arith.shli %get3A_266, %shift_left3A_273 : vector<16xi32>
        %bitcast_convert_type3A_275 = tpu.bitcast %shift_left3A_274 : vector<16xi32> -> vector<16xf32>
        %bitcast_convert_type3A_276 = tpu.bitcast %get3A_266 : vector<16xi32> -> vector<16xf32>
        %mul3A_277 = arith.mulf %bitcast_convert_type3A_270, %bitcast_convert_type3A_275 : vector<16xf32>
        %mul3A_278 = arith.mulf %bitcast_convert_type3A_271, %bitcast_convert_type3A_276 : vector<16xf32>
        %add3A_279 = arith.addf %mul3A_277, %mul3A_278 : vector<16xf32>
        %add3A_280 = arith.addf %add3A_258, %add3A_279 : vector<16xf32>
        %shift_right_arithmetic3A = arith.constant 0 : i32
        %shift_right_arithmetic3A_281 = vector.broadcast %shift_right_arithmetic3A : i32 to vector<16xi32>
        %shift_right_arithmetic3A_282 = arith.shrsi %iota3A, %shift_right_arithmetic3A_281 : vector<16xi32>
        %and3A = arith.constant 1 : i32
        %and3A_283 = vector.broadcast %and3A : i32 to vector<16xi32>
        %and3A_284 = arith.andi %shift_right_arithmetic3A_282, %and3A_283 : vector<16xi32>
        %xor3A = arith.constant 1 : i32
        %xor3A_285 = vector.broadcast %xor3A : i32 to vector<16xi32>
        %xor3A_286 = arith.xori %iota3A, %xor3A_285 : vector<16xi32>
        %lt3A = arith.constant 0 : i32
        %lt3A_287 = vector.broadcast %lt3A : i32 to vector<16xi32>
        %lt3A_288 = arith.cmpi slt, %xor3A_286, %lt3A_287 : vector<16xi32>
        %add3A_289 = arith.constant 16 : i32
        %add3A_290 = vector.broadcast %add3A_289 : i32 to vector<16xi32>
        %add3A_291 = arith.addi %xor3A_286, %add3A_290 : vector<16xi32>
        %select_n3A = arith.select %lt3A_288, %add3A_291, %xor3A_286 : vector<16xi1>, vector<16xi32>
        %broadcast_in_dim3A = vector.shape_cast %select_n3A : vector<16xi32> to vector<16x1xi32>
        %gather3A = vector.shape_cast %broadcast_in_dim3A : vector<16x1xi32> to vector<16xi32>
        %gather3A_292 = tpu.dynamic_gather %add3A_189[%gather3A] in [0] : vector<16xf32>, vector<16xi32> -> vector<16xf32>
        %add3A_293 = arith.addf %add3A_189, %gather3A_292 : vector<16xf32>
        %xor3A_294 = arith.constant 1 : i32
        %xor3A_295 = vector.broadcast %xor3A_294 : i32 to vector<16xi32>
        %xor3A_296 = arith.xori %iota3A, %xor3A_295 : vector<16xi32>
        %lt3A_297 = arith.constant 0 : i32
        %lt3A_298 = vector.broadcast %lt3A_297 : i32 to vector<16xi32>
        %lt3A_299 = arith.cmpi slt, %xor3A_296, %lt3A_298 : vector<16xi32>
        %add3A_300 = arith.constant 16 : i32
        %add3A_301 = vector.broadcast %add3A_300 : i32 to vector<16xi32>
        %add3A_302 = arith.addi %xor3A_296, %add3A_301 : vector<16xi32>
        %select_n3A_303 = arith.select %lt3A_299, %add3A_302, %xor3A_296 : vector<16xi1>, vector<16xi32>
        %broadcast_in_dim3A_304 = vector.shape_cast %select_n3A_303 : vector<16xi32> to vector<16x1xi32>
        %gather3A_305 = vector.shape_cast %broadcast_in_dim3A_304 : vector<16x1xi32> to vector<16xi32>
        %gather3A_306 = tpu.dynamic_gather %add3A_280[%gather3A_305] in [0] : vector<16xf32>, vector<16xi32> -> vector<16xf32>
        %add3A_307 = arith.addf %add3A_280, %gather3A_306 : vector<16xf32>
        %eq3A = arith.constant 0 : i32
        %eq3A_308 = vector.broadcast %eq3A : i32 to vector<16xi32>
        %eq3A_309 = arith.cmpi eq, %and3A_284, %eq3A_308 : vector<16xi32>
        %select_n3A_310 = arith.select %eq3A_309, %add3A_293, %add3A_307 : vector<16xi1>, vector<16xf32>
        %add3A_311 = arith.constant 2 : i32
        %add3A_312 = arith.addi %mul3A_103, %add3A_311 : i32
        %get3A_313 = arith.index_cast %add3A_312 : i32 to index
        %get3A_314 = arith.constant 0 : index
        %get3A_315 = tpu.vector_load %arg9[%get3A_313, %get3A_314] {strides = array<i32>} : memref<128x64xi32, #tpu.memory_space<vmem>>, vector<1x16xi32>,
        %get3A_316 = vector.shape_cast %get3A_315 : vector<1x16xi32> to vector<16xi32>
        %get3A_317 = arith.index_cast %add3A_312 : i32 to index
        %get3A_318 = arith.constant 0 : index
        %get3A_319 = tpu.vector_load %arg10[%get3A_317, %get3A_318] {strides = array<i32>} : memref<128x64xi32, #tpu.memory_space<vmem>>, vector<1x16xi32>,
        %get3A_320 = vector.shape_cast %get3A_319 : vector<1x16xi32> to vector<16xi32>
        %shift_left3A_321 = arith.constant 16 : i32
        %shift_left3A_322 = vector.broadcast %shift_left3A_321 : i32 to vector<16xi32>
        %shift_left3A_323 = arith.shli %get3A_316, %shift_left3A_322 : vector<16xi32>
        %bitcast_convert_type3A_324 = tpu.bitcast %shift_left3A_323 : vector<16xi32> -> vector<16xf32>
        %bitcast_convert_type3A_325 = tpu.bitcast %get3A_316 : vector<16xi32> -> vector<16xf32>
        %shift_left3A_326 = arith.constant 16 : i32
        %shift_left3A_327 = vector.broadcast %shift_left3A_326 : i32 to vector<16xi32>
        %shift_left3A_328 = arith.shli %get3A_320, %shift_left3A_327 : vector<16xi32>
        %bitcast_convert_type3A_329 = tpu.bitcast %shift_left3A_328 : vector<16xi32> -> vector<16xf32>
        %bitcast_convert_type3A_330 = tpu.bitcast %get3A_320 : vector<16xi32> -> vector<16xf32>
        %mul3A_331 = arith.mulf %bitcast_convert_type3A_324, %bitcast_convert_type3A_329 : vector<16xf32>
        %mul3A_332 = arith.mulf %bitcast_convert_type3A_325, %bitcast_convert_type3A_330 : vector<16xf32>
        %add3A_333 = arith.addf %mul3A_331, %mul3A_332 : vector<16xf32>
        %get3A_334 = arith.index_cast %add3A_312 : i32 to index
        %get3A_335 = arith.constant 16 : index
        %get3A_336 = tpu.vector_load %arg9[%get3A_334, %get3A_335] {strides = array<i32>} : memref<128x64xi32, #tpu.memory_space<vmem>>, vector<1x16xi32>,
        %get3A_337 = vector.shape_cast %get3A_336 : vector<1x16xi32> to vector<16xi32>
        %get3A_338 = arith.index_cast %add3A_312 : i32 to index
        %get3A_339 = arith.constant 16 : index
        %get3A_340 = tpu.vector_load %arg10[%get3A_338, %get3A_339] {strides = array<i32>} : memref<128x64xi32, #tpu.memory_space<vmem>>, vector<1x16xi32>,
        %get3A_341 = vector.shape_cast %get3A_340 : vector<1x16xi32> to vector<16xi32>
        %shift_left3A_342 = arith.constant 16 : i32
        %shift_left3A_343 = vector.broadcast %shift_left3A_342 : i32 to vector<16xi32>
        %shift_left3A_344 = arith.shli %get3A_337, %shift_left3A_343 : vector<16xi32>
        %bitcast_convert_type3A_345 = tpu.bitcast %shift_left3A_344 : vector<16xi32> -> vector<16xf32>
        %bitcast_convert_type3A_346 = tpu.bitcast %get3A_337 : vector<16xi32> -> vector<16xf32>
        %shift_left3A_347 = arith.constant 16 : i32
        %shift_left3A_348 = vector.broadcast %shift_left3A_347 : i32 to vector<16xi32>
        %shift_left3A_349 = arith.shli %get3A_341, %shift_left3A_348 : vector<16xi32>
        %bitcast_convert_type3A_350 = tpu.bitcast %shift_left3A_349 : vector<16xi32> -> vector<16xf32>
        %bitcast_convert_type3A_351 = tpu.bitcast %get3A_341 : vector<16xi32> -> vector<16xf32>
        %mul3A_352 = arith.mulf %bitcast_convert_type3A_345, %bitcast_convert_type3A_350 : vector<16xf32>
        %mul3A_353 = arith.mulf %bitcast_convert_type3A_346, %bitcast_convert_type3A_351 : vector<16xf32>
        %add3A_354 = arith.addf %mul3A_352, %mul3A_353 : vector<16xf32>
        %add3A_355 = arith.addf %add3A_333, %add3A_354 : vector<16xf32>
        %get3A_356 = arith.index_cast %add3A_312 : i32 to index
        %get3A_357 = arith.constant 32 : index
        %get3A_358 = tpu.vector_load %arg9[%get3A_356, %get3A_357] {strides = array<i32>} : memref<128x64xi32, #tpu.memory_space<vmem>>, vector<1x16xi32>,
        %get3A_359 = vector.shape_cast %get3A_358 : vector<1x16xi32> to vector<16xi32>
        %get3A_360 = arith.index_cast %add3A_312 : i32 to index
        %get3A_361 = arith.constant 32 : index
        %get3A_362 = tpu.vector_load %arg10[%get3A_360, %get3A_361] {strides = array<i32>} : memref<128x64xi32, #tpu.memory_space<vmem>>, vector<1x16xi32>,
        %get3A_363 = vector.shape_cast %get3A_362 : vector<1x16xi32> to vector<16xi32>
        %shift_left3A_364 = arith.constant 16 : i32
        %shift_left3A_365 = vector.broadcast %shift_left3A_364 : i32 to vector<16xi32>
        %shift_left3A_366 = arith.shli %get3A_359, %shift_left3A_365 : vector<16xi32>
        %bitcast_convert_type3A_367 = tpu.bitcast %shift_left3A_366 : vector<16xi32> -> vector<16xf32>
        %bitcast_convert_type3A_368 = tpu.bitcast %get3A_359 : vector<16xi32> -> vector<16xf32>
        %shift_left3A_369 = arith.constant 16 : i32
        %shift_left3A_370 = vector.broadcast %shift_left3A_369 : i32 to vector<16xi32>
        %shift_left3A_371 = arith.shli %get3A_363, %shift_left3A_370 : vector<16xi32>
        %bitcast_convert_type3A_372 = tpu.bitcast %shift_left3A_371 : vector<16xi32> -> vector<16xf32>
        %bitcast_convert_type3A_373 = tpu.bitcast %get3A_363 : vector<16xi32> -> vector<16xf32>
        %mul3A_374 = arith.mulf %bitcast_convert_type3A_367, %bitcast_convert_type3A_372 : vector<16xf32>
        %mul3A_375 = arith.mulf %bitcast_convert_type3A_368, %bitcast_convert_type3A_373 : vector<16xf32>
        %add3A_376 = arith.addf %mul3A_374, %mul3A_375 : vector<16xf32>
        %add3A_377 = arith.addf %add3A_355, %add3A_376 : vector<16xf32>
        %get3A_378 = arith.index_cast %add3A_312 : i32 to index
        %get3A_379 = arith.constant 48 : index
        %get3A_380 = tpu.vector_load %arg9[%get3A_378, %get3A_379] {strides = array<i32>} : memref<128x64xi32, #tpu.memory_space<vmem>>, vector<1x16xi32>,
        %get3A_381 = vector.shape_cast %get3A_380 : vector<1x16xi32> to vector<16xi32>
        %get3A_382 = arith.index_cast %add3A_312 : i32 to index
        %get3A_383 = arith.constant 48 : index
        %get3A_384 = tpu.vector_load %arg10[%get3A_382, %get3A_383] {strides = array<i32>} : memref<128x64xi32, #tpu.memory_space<vmem>>, vector<1x16xi32>,
        %get3A_385 = vector.shape_cast %get3A_384 : vector<1x16xi32> to vector<16xi32>
        %shift_left3A_386 = arith.constant 16 : i32
        %shift_left3A_387 = vector.broadcast %shift_left3A_386 : i32 to vector<16xi32>
        %shift_left3A_388 = arith.shli %get3A_381, %shift_left3A_387 : vector<16xi32>
        %bitcast_convert_type3A_389 = tpu.bitcast %shift_left3A_388 : vector<16xi32> -> vector<16xf32>
        %bitcast_convert_type3A_390 = tpu.bitcast %get3A_381 : vector<16xi32> -> vector<16xf32>
        %shift_left3A_391 = arith.constant 16 : i32
        %shift_left3A_392 = vector.broadcast %shift_left3A_391 : i32 to vector<16xi32>
        %shift_left3A_393 = arith.shli %get3A_385, %shift_left3A_392 : vector<16xi32>
        %bitcast_convert_type3A_394 = tpu.bitcast %shift_left3A_393 : vector<16xi32> -> vector<16xf32>
        %bitcast_convert_type3A_395 = tpu.bitcast %get3A_385 : vector<16xi32> -> vector<16xf32>
        %mul3A_396 = arith.mulf %bitcast_convert_type3A_389, %bitcast_convert_type3A_394 : vector<16xf32>
        %mul3A_397 = arith.mulf %bitcast_convert_type3A_390, %bitcast_convert_type3A_395 : vector<16xf32>
        %add3A_398 = arith.addf %mul3A_396, %mul3A_397 : vector<16xf32>
        %add3A_399 = arith.addf %add3A_377, %add3A_398 : vector<16xf32>
        %add3A_400 = arith.constant 2 : i32
        %add3A_401 = arith.addi %mul3A_103, %add3A_400 : i32
        %add3A_402 = arith.constant 1 : i32
        %add3A_403 = arith.addi %add3A_401, %add3A_402 : i32
        %get3A_404 = arith.index_cast %add3A_403 : i32 to index
        %get3A_405 = arith.constant 0 : index
        %get3A_406 = tpu.vector_load %arg9[%get3A_404, %get3A_405] {strides = array<i32>} : memref<128x64xi32, #tpu.memory_space<vmem>>, vector<1x16xi32>,
        %get3A_407 = vector.shape_cast %get3A_406 : vector<1x16xi32> to vector<16xi32>
        %get3A_408 = arith.index_cast %add3A_403 : i32 to index
        %get3A_409 = arith.constant 0 : index
        %get3A_410 = tpu.vector_load %arg10[%get3A_408, %get3A_409] {strides = array<i32>} : memref<128x64xi32, #tpu.memory_space<vmem>>, vector<1x16xi32>,
        %get3A_411 = vector.shape_cast %get3A_410 : vector<1x16xi32> to vector<16xi32>
        %shift_left3A_412 = arith.constant 16 : i32
        %shift_left3A_413 = vector.broadcast %shift_left3A_412 : i32 to vector<16xi32>
        %shift_left3A_414 = arith.shli %get3A_407, %shift_left3A_413 : vector<16xi32>
        %bitcast_convert_type3A_415 = tpu.bitcast %shift_left3A_414 : vector<16xi32> -> vector<16xf32>
        %bitcast_convert_type3A_416 = tpu.bitcast %get3A_407 : vector<16xi32> -> vector<16xf32>
        %shift_left3A_417 = arith.constant 16 : i32
        %shift_left3A_418 = vector.broadcast %shift_left3A_417 : i32 to vector<16xi32>
        %shift_left3A_419 = arith.shli %get3A_411, %shift_left3A_418 : vector<16xi32>
        %bitcast_convert_type3A_420 = tpu.bitcast %shift_left3A_419 : vector<16xi32> -> vector<16xf32>
        %bitcast_convert_type3A_421 = tpu.bitcast %get3A_411 : vector<16xi32> -> vector<16xf32>
        %mul3A_422 = arith.mulf %bitcast_convert_type3A_415, %bitcast_convert_type3A_420 : vector<16xf32>
        %mul3A_423 = arith.mulf %bitcast_convert_type3A_416, %bitcast_convert_type3A_421 : vector<16xf32>
        %add3A_424 = arith.addf %mul3A_422, %mul3A_423 : vector<16xf32>
        %get3A_425 = arith.index_cast %add3A_403 : i32 to index
        %get3A_426 = arith.constant 16 : index
        %get3A_427 = tpu.vector_load %arg9[%get3A_425, %get3A_426] {strides = array<i32>} : memref<128x64xi32, #tpu.memory_space<vmem>>, vector<1x16xi32>,
        %get3A_428 = vector.shape_cast %get3A_427 : vector<1x16xi32> to vector<16xi32>
        %get3A_429 = arith.index_cast %add3A_403 : i32 to index
        %get3A_430 = arith.constant 16 : index
        %get3A_431 = tpu.vector_load %arg10[%get3A_429, %get3A_430] {strides = array<i32>} : memref<128x64xi32, #tpu.memory_space<vmem>>, vector<1x16xi32>,
        %get3A_432 = vector.shape_cast %get3A_431 : vector<1x16xi32> to vector<16xi32>
        %shift_left3A_433 = arith.constant 16 : i32
        %shift_left3A_434 = vector.broadcast %shift_left3A_433 : i32 to vector<16xi32>
        %shift_left3A_435 = arith.shli %get3A_428, %shift_left3A_434 : vector<16xi32>
        %bitcast_convert_type3A_436 = tpu.bitcast %shift_left3A_435 : vector<16xi32> -> vector<16xf32>
        %bitcast_convert_type3A_437 = tpu.bitcast %get3A_428 : vector<16xi32> -> vector<16xf32>
        %shift_left3A_438 = arith.constant 16 : i32
        %shift_left3A_439 = vector.broadcast %shift_left3A_438 : i32 to vector<16xi32>
        %shift_left3A_440 = arith.shli %get3A_432, %shift_left3A_439 : vector<16xi32>
        %bitcast_convert_type3A_441 = tpu.bitcast %shift_left3A_440 : vector<16xi32> -> vector<16xf32>
        %bitcast_convert_type3A_442 = tpu.bitcast %get3A_432 : vector<16xi32> -> vector<16xf32>
        %mul3A_443 = arith.mulf %bitcast_convert_type3A_436, %bitcast_convert_type3A_441 : vector<16xf32>
        %mul3A_444 = arith.mulf %bitcast_convert_type3A_437, %bitcast_convert_type3A_442 : vector<16xf32>
        %add3A_445 = arith.addf %mul3A_443, %mul3A_444 : vector<16xf32>
        %add3A_446 = arith.addf %add3A_424, %add3A_445 : vector<16xf32>
        %get3A_447 = arith.index_cast %add3A_403 : i32 to index
        %get3A_448 = arith.constant 32 : index
        %get3A_449 = tpu.vector_load %arg9[%get3A_447, %get3A_448] {strides = array<i32>} : memref<128x64xi32, #tpu.memory_space<vmem>>, vector<1x16xi32>,
        %get3A_450 = vector.shape_cast %get3A_449 : vector<1x16xi32> to vector<16xi32>
        %get3A_451 = arith.index_cast %add3A_403 : i32 to index
        %get3A_452 = arith.constant 32 : index
        %get3A_453 = tpu.vector_load %arg10[%get3A_451, %get3A_452] {strides = array<i32>} : memref<128x64xi32, #tpu.memory_space<vmem>>, vector<1x16xi32>,
        %get3A_454 = vector.shape_cast %get3A_453 : vector<1x16xi32> to vector<16xi32>
        %shift_left3A_455 = arith.constant 16 : i32
        %shift_left3A_456 = vector.broadcast %shift_left3A_455 : i32 to vector<16xi32>
        %shift_left3A_457 = arith.shli %get3A_450, %shift_left3A_456 : vector<16xi32>
        %bitcast_convert_type3A_458 = tpu.bitcast %shift_left3A_457 : vector<16xi32> -> vector<16xf32>
        %bitcast_convert_type3A_459 = tpu.bitcast %get3A_450 : vector<16xi32> -> vector<16xf32>
        %shift_left3A_460 = arith.constant 16 : i32
        %shift_left3A_461 = vector.broadcast %shift_left3A_460 : i32 to vector<16xi32>
        %shift_left3A_462 = arith.shli %get3A_454, %shift_left3A_461 : vector<16xi32>
        %bitcast_convert_type3A_463 = tpu.bitcast %shift_left3A_462 : vector<16xi32> -> vector<16xf32>
        %bitcast_convert_type3A_464 = tpu.bitcast %get3A_454 : vector<16xi32> -> vector<16xf32>
        %mul3A_465 = arith.mulf %bitcast_convert_type3A_458, %bitcast_convert_type3A_463 : vector<16xf32>
        %mul3A_466 = arith.mulf %bitcast_convert_type3A_459, %bitcast_convert_type3A_464 : vector<16xf32>
        %add3A_467 = arith.addf %mul3A_465, %mul3A_466 : vector<16xf32>
        %add3A_468 = arith.addf %add3A_446, %add3A_467 : vector<16xf32>
        %get3A_469 = arith.index_cast %add3A_403 : i32 to index
        %get3A_470 = arith.constant 48 : index
        %get3A_471 = tpu.vector_load %arg9[%get3A_469, %get3A_470] {strides = array<i32>} : memref<128x64xi32, #tpu.memory_space<vmem>>, vector<1x16xi32>,
        %get3A_472 = vector.shape_cast %get3A_471 : vector<1x16xi32> to vector<16xi32>
        %get3A_473 = arith.index_cast %add3A_403 : i32 to index
        %get3A_474 = arith.constant 48 : index
        %get3A_475 = tpu.vector_load %arg10[%get3A_473, %get3A_474] {strides = array<i32>} : memref<128x64xi32, #tpu.memory_space<vmem>>, vector<1x16xi32>,
        %get3A_476 = vector.shape_cast %get3A_475 : vector<1x16xi32> to vector<16xi32>
        %shift_left3A_477 = arith.constant 16 : i32
        %shift_left3A_478 = vector.broadcast %shift_left3A_477 : i32 to vector<16xi32>
        %shift_left3A_479 = arith.shli %get3A_472, %shift_left3A_478 : vector<16xi32>
        %bitcast_convert_type3A_480 = tpu.bitcast %shift_left3A_479 : vector<16xi32> -> vector<16xf32>
        %bitcast_convert_type3A_481 = tpu.bitcast %get3A_472 : vector<16xi32> -> vector<16xf32>
        %shift_left3A_482 = arith.constant 16 : i32
        %shift_left3A_483 = vector.broadcast %shift_left3A_482 : i32 to vector<16xi32>
        %shift_left3A_484 = arith.shli %get3A_476, %shift_left3A_483 : vector<16xi32>
        %bitcast_convert_type3A_485 = tpu.bitcast %shift_left3A_484 : vector<16xi32> -> vector<16xf32>
        %bitcast_convert_type3A_486 = tpu.bitcast %get3A_476 : vector<16xi32> -> vector<16xf32>
        %mul3A_487 = arith.mulf %bitcast_convert_type3A_480, %bitcast_convert_type3A_485 : vector<16xf32>
        %mul3A_488 = arith.mulf %bitcast_convert_type3A_481, %bitcast_convert_type3A_486 : vector<16xf32>
        %add3A_489 = arith.addf %mul3A_487, %mul3A_488 : vector<16xf32>
        %add3A_490 = arith.addf %add3A_468, %add3A_489 : vector<16xf32>
        %shift_right_arithmetic3A_491 = arith.constant 0 : i32
        %shift_right_arithmetic3A_492 = vector.broadcast %shift_right_arithmetic3A_491 : i32 to vector<16xi32>
        %shift_right_arithmetic3A_493 = arith.shrsi %iota3A, %shift_right_arithmetic3A_492 : vector<16xi32>
        %and3A_494 = arith.constant 1 : i32
        %and3A_495 = vector.broadcast %and3A_494 : i32 to vector<16xi32>
        %and3A_496 = arith.andi %shift_right_arithmetic3A_493, %and3A_495 : vector<16xi32>
        %xor3A_497 = arith.constant 1 : i32
        %xor3A_498 = vector.broadcast %xor3A_497 : i32 to vector<16xi32>
        %xor3A_499 = arith.xori %iota3A, %xor3A_498 : vector<16xi32>
        %lt3A_500 = arith.constant 0 : i32
        %lt3A_501 = vector.broadcast %lt3A_500 : i32 to vector<16xi32>
        %lt3A_502 = arith.cmpi slt, %xor3A_499, %lt3A_501 : vector<16xi32>
        %add3A_503 = arith.constant 16 : i32
        %add3A_504 = vector.broadcast %add3A_503 : i32 to vector<16xi32>
        %add3A_505 = arith.addi %xor3A_499, %add3A_504 : vector<16xi32>
        %select_n3A_506 = arith.select %lt3A_502, %add3A_505, %xor3A_499 : vector<16xi1>, vector<16xi32>
        %broadcast_in_dim3A_507 = vector.shape_cast %select_n3A_506 : vector<16xi32> to vector<16x1xi32>
        %gather3A_508 = vector.shape_cast %broadcast_in_dim3A_507 : vector<16x1xi32> to vector<16xi32>
        %gather3A_509 = tpu.dynamic_gather %add3A_399[%gather3A_508] in [0] : vector<16xf32>, vector<16xi32> -> vector<16xf32>
        %add3A_510 = arith.addf %add3A_399, %gather3A_509 : vector<16xf32>
        %xor3A_511 = arith.constant 1 : i32
        %xor3A_512 = vector.broadcast %xor3A_511 : i32 to vector<16xi32>
        %xor3A_513 = arith.xori %iota3A, %xor3A_512 : vector<16xi32>
        %lt3A_514 = arith.constant 0 : i32
        %lt3A_515 = vector.broadcast %lt3A_514 : i32 to vector<16xi32>
        %lt3A_516 = arith.cmpi slt, %xor3A_513, %lt3A_515 : vector<16xi32>
        %add3A_517 = arith.constant 16 : i32
        %add3A_518 = vector.broadcast %add3A_517 : i32 to vector<16xi32>
        %add3A_519 = arith.addi %xor3A_513, %add3A_518 : vector<16xi32>
        %select_n3A_520 = arith.select %lt3A_516, %add3A_519, %xor3A_513 : vector<16xi1>, vector<16xi32>
        %broadcast_in_dim3A_521 = vector.shape_cast %select_n3A_520 : vector<16xi32> to vector<16x1xi32>
        %gather3A_522 = vector.shape_cast %broadcast_in_dim3A_521 : vector<16x1xi32> to vector<16xi32>
        %gather3A_523 = tpu.dynamic_gather %add3A_490[%gather3A_522] in [0] : vector<16xf32>, vector<16xi32> -> vector<16xf32>
        %add3A_524 = arith.addf %add3A_490, %gather3A_523 : vector<16xf32>
        %eq3A_525 = arith.constant 0 : i32
        %eq3A_526 = vector.broadcast %eq3A_525 : i32 to vector<16xi32>
        %eq3A_527 = arith.cmpi eq, %and3A_496, %eq3A_526 : vector<16xi32>
        %select_n3A_528 = arith.select %eq3A_527, %add3A_510, %add3A_524 : vector<16xi1>, vector<16xf32>
        %shift_right_arithmetic3A_529 = arith.constant 1 : i32
        %shift_right_arithmetic3A_530 = vector.broadcast %shift_right_arithmetic3A_529 : i32 to vector<16xi32>
        %shift_right_arithmetic3A_531 = arith.shrsi %iota3A, %shift_right_arithmetic3A_530 : vector<16xi32>
        %and3A_532 = arith.constant 1 : i32
        %and3A_533 = vector.broadcast %and3A_532 : i32 to vector<16xi32>
        %and3A_534 = arith.andi %shift_right_arithmetic3A_531, %and3A_533 : vector<16xi32>
        %xor3A_535 = arith.constant 2 : i32
        %xor3A_536 = vector.broadcast %xor3A_535 : i32 to vector<16xi32>
        %xor3A_537 = arith.xori %iota3A, %xor3A_536 : vector<16xi32>
        %lt3A_538 = arith.constant 0 : i32
        %lt3A_539 = vector.broadcast %lt3A_538 : i32 to vector<16xi32>
        %lt3A_540 = arith.cmpi slt, %xor3A_537, %lt3A_539 : vector<16xi32>
        %add3A_541 = arith.constant 16 : i32
        %add3A_542 = vector.broadcast %add3A_541 : i32 to vector<16xi32>
        %add3A_543 = arith.addi %xor3A_537, %add3A_542 : vector<16xi32>
        %select_n3A_544 = arith.select %lt3A_540, %add3A_543, %xor3A_537 : vector<16xi1>, vector<16xi32>
        %broadcast_in_dim3A_545 = vector.shape_cast %select_n3A_544 : vector<16xi32> to vector<16x1xi32>
        %gather3A_546 = vector.shape_cast %broadcast_in_dim3A_545 : vector<16x1xi32> to vector<16xi32>
        %gather3A_547 = tpu.dynamic_gather %select_n3A_310[%gather3A_546] in [0] : vector<16xf32>, vector<16xi32> -> vector<16xf32>
        %add3A_548 = arith.addf %select_n3A_310, %gather3A_547 : vector<16xf32>
        %xor3A_549 = arith.constant 2 : i32
        %xor3A_550 = vector.broadcast %xor3A_549 : i32 to vector<16xi32>
        %xor3A_551 = arith.xori %iota3A, %xor3A_550 : vector<16xi32>
        %lt3A_552 = arith.constant 0 : i32
        %lt3A_553 = vector.broadcast %lt3A_552 : i32 to vector<16xi32>
        %lt3A_554 = arith.cmpi slt, %xor3A_551, %lt3A_553 : vector<16xi32>
        %add3A_555 = arith.constant 16 : i32
        %add3A_556 = vector.broadcast %add3A_555 : i32 to vector<16xi32>
        %add3A_557 = arith.addi %xor3A_551, %add3A_556 : vector<16xi32>
        %select_n3A_558 = arith.select %lt3A_554, %add3A_557, %xor3A_551 : vector<16xi1>, vector<16xi32>
        %broadcast_in_dim3A_559 = vector.shape_cast %select_n3A_558 : vector<16xi32> to vector<16x1xi32>
        %gather3A_560 = vector.shape_cast %broadcast_in_dim3A_559 : vector<16x1xi32> to vector<16xi32>
        %gather3A_561 = tpu.dynamic_gather %select_n3A_528[%gather3A_560] in [0] : vector<16xf32>, vector<16xi32> -> vector<16xf32>
        %add3A_562 = arith.addf %select_n3A_528, %gather3A_561 : vector<16xf32>
        %eq3A_563 = arith.constant 0 : i32
        %eq3A_564 = vector.broadcast %eq3A_563 : i32 to vector<16xi32>
        %eq3A_565 = arith.cmpi eq, %and3A_534, %eq3A_564 : vector<16xi32>
        %select_n3A_566 = arith.select %eq3A_565, %add3A_548, %add3A_562 : vector<16xi1>, vector<16xf32>
        %add3A_567 = arith.constant 4 : i32
        %add3A_568 = arith.addi %mul3A_103, %add3A_567 : i32
        %get3A_569 = arith.index_cast %add3A_568 : i32 to index
        %get3A_570 = arith.constant 0 : index
        %get3A_571 = tpu.vector_load %arg9[%get3A_569, %get3A_570] {strides = array<i32>} : memref<128x64xi32, #tpu.memory_space<vmem>>, vector<1x16xi32>,
        %get3A_572 = vector.shape_cast %get3A_571 : vector<1x16xi32> to vector<16xi32>
        %get3A_573 = arith.index_cast %add3A_568 : i32 to index
        %get3A_574 = arith.constant 0 : index
        %get3A_575 = tpu.vector_load %arg10[%get3A_573, %get3A_574] {strides = array<i32>} : memref<128x64xi32, #tpu.memory_space<vmem>>, vector<1x16xi32>,
        %get3A_576 = vector.shape_cast %get3A_575 : vector<1x16xi32> to vector<16xi32>
        %shift_left3A_577 = arith.constant 16 : i32
        %shift_left3A_578 = vector.broadcast %shift_left3A_577 : i32 to vector<16xi32>
        %shift_left3A_579 = arith.shli %get3A_572, %shift_left3A_578 : vector<16xi32>
        %bitcast_convert_type3A_580 = tpu.bitcast %shift_left3A_579 : vector<16xi32> -> vector<16xf32>
        %bitcast_convert_type3A_581 = tpu.bitcast %get3A_572 : vector<16xi32> -> vector<16xf32>
        %shift_left3A_582 = arith.constant 16 : i32
        %shift_left3A_583 = vector.broadcast %shift_left3A_582 : i32 to vector<16xi32>
        %shift_left3A_584 = arith.shli %get3A_576, %shift_left3A_583 : vector<16xi32>
        %bitcast_convert_type3A_585 = tpu.bitcast %shift_left3A_584 : vector<16xi32> -> vector<16xf32>
        %bitcast_convert_type3A_586 = tpu.bitcast %get3A_576 : vector<16xi32> -> vector<16xf32>
        %mul3A_587 = arith.mulf %bitcast_convert_type3A_580, %bitcast_convert_type3A_585 : vector<16xf32>
        %mul3A_588 = arith.mulf %bitcast_convert_type3A_581, %bitcast_convert_type3A_586 : vector<16xf32>
        %add3A_589 = arith.addf %mul3A_587, %mul3A_588 : vector<16xf32>
        %get3A_590 = arith.index_cast %add3A_568 : i32 to index
        %get3A_591 = arith.constant 16 : index
        %get3A_592 = tpu.vector_load %arg9[%get3A_590, %get3A_591] {strides = array<i32>} : memref<128x64xi32, #tpu.memory_space<vmem>>, vector<1x16xi32>,
        %get3A_593 = vector.shape_cast %get3A_592 : vector<1x16xi32> to vector<16xi32>
        %get3A_594 = arith.index_cast %add3A_568 : i32 to index
        %get3A_595 = arith.constant 16 : index
        %get3A_596 = tpu.vector_load %arg10[%get3A_594, %get3A_595] {strides = array<i32>} : memref<128x64xi32, #tpu.memory_space<vmem>>, vector<1x16xi32>,
        %get3A_597 = vector.shape_cast %get3A_596 : vector<1x16xi32> to vector<16xi32>
        %shift_left3A_598 = arith.constant 16 : i32
        %shift_left3A_599 = vector.broadcast %shift_left3A_598 : i32 to vector<16xi32>
        %shift_left3A_600 = arith.shli %get3A_593, %shift_left3A_599 : vector<16xi32>
        %bitcast_convert_type3A_601 = tpu.bitcast %shift_left3A_600 : vector<16xi32> -> vector<16xf32>
        %bitcast_convert_type3A_602 = tpu.bitcast %get3A_593 : vector<16xi32> -> vector<16xf32>
        %shift_left3A_603 = arith.constant 16 : i32
        %shift_left3A_604 = vector.broadcast %shift_left3A_603 : i32 to vector<16xi32>
        %shift_left3A_605 = arith.shli %get3A_597, %shift_left3A_604 : vector<16xi32>
        %bitcast_convert_type3A_606 = tpu.bitcast %shift_left3A_605 : vector<16xi32> -> vector<16xf32>
        %bitcast_convert_type3A_607 = tpu.bitcast %get3A_597 : vector<16xi32> -> vector<16xf32>
        %mul3A_608 = arith.mulf %bitcast_convert_type3A_601, %bitcast_convert_type3A_606 : vector<16xf32>
        %mul3A_609 = arith.mulf %bitcast_convert_type3A_602, %bitcast_convert_type3A_607 : vector<16xf32>
        %add3A_610 = arith.addf %mul3A_608, %mul3A_609 : vector<16xf32>
        %add3A_611 = arith.addf %add3A_589, %add3A_610 : vector<16xf32>
        %get3A_612 = arith.index_cast %add3A_568 : i32 to index
        %get3A_613 = arith.constant 32 : index
        %get3A_614 = tpu.vector_load %arg9[%get3A_612, %get3A_613] {strides = array<i32>} : memref<128x64xi32, #tpu.memory_space<vmem>>, vector<1x16xi32>,
        %get3A_615 = vector.shape_cast %get3A_614 : vector<1x16xi32> to vector<16xi32>
        %get3A_616 = arith.index_cast %add3A_568 : i32 to index
        %get3A_617 = arith.constant 32 : index
        %get3A_618 = tpu.vector_load %arg10[%get3A_616, %get3A_617] {strides = array<i32>} : memref<128x64xi32, #tpu.memory_space<vmem>>, vector<1x16xi32>,
        %get3A_619 = vector.shape_cast %get3A_618 : vector<1x16xi32> to vector<16xi32>
        %shift_left3A_620 = arith.constant 16 : i32
        %shift_left3A_621 = vector.broadcast %shift_left3A_620 : i32 to vector<16xi32>
        %shift_left3A_622 = arith.shli %get3A_615, %shift_left3A_621 : vector<16xi32>
        %bitcast_convert_type3A_623 = tpu.bitcast %shift_left3A_622 : vector<16xi32> -> vector<16xf32>
        %bitcast_convert_type3A_624 = tpu.bitcast %get3A_615 : vector<16xi32> -> vector<16xf32>
        %shift_left3A_625 = arith.constant 16 : i32
        %shift_left3A_626 = vector.broadcast %shift_left3A_625 : i32 to vector<16xi32>
        %shift_left3A_627 = arith.shli %get3A_619, %shift_left3A_626 : vector<16xi32>
        %bitcast_convert_type3A_628 = tpu.bitcast %shift_left3A_627 : vector<16xi32> -> vector<16xf32>
        %bitcast_convert_type3A_629 = tpu.bitcast %get3A_619 : vector<16xi32> -> vector<16xf32>
        %mul3A_630 = arith.mulf %bitcast_convert_type3A_623, %bitcast_convert_type3A_628 : vector<16xf32>
        %mul3A_631 = arith.mulf %bitcast_convert_type3A_624, %bitcast_convert_type3A_629 : vector<16xf32>
        %add3A_632 = arith.addf %mul3A_630, %mul3A_631 : vector<16xf32>
        %add3A_633 = arith.addf %add3A_611, %add3A_632 : vector<16xf32>
        %get3A_634 = arith.index_cast %add3A_568 : i32 to index
        %get3A_635 = arith.constant 48 : index
        %get3A_636 = tpu.vector_load %arg9[%get3A_634, %get3A_635] {strides = array<i32>} : memref<128x64xi32, #tpu.memory_space<vmem>>, vector<1x16xi32>,
        %get3A_637 = vector.shape_cast %get3A_636 : vector<1x16xi32> to vector<16xi32>
        %get3A_638 = arith.index_cast %add3A_568 : i32 to index
        %get3A_639 = arith.constant 48 : index
        %get3A_640 = tpu.vector_load %arg10[%get3A_638, %get3A_639] {strides = array<i32>} : memref<128x64xi32, #tpu.memory_space<vmem>>, vector<1x16xi32>,
        %get3A_641 = vector.shape_cast %get3A_640 : vector<1x16xi32> to vector<16xi32>
        %shift_left3A_642 = arith.constant 16 : i32
        %shift_left3A_643 = vector.broadcast %shift_left3A_642 : i32 to vector<16xi32>
        %shift_left3A_644 = arith.shli %get3A_637, %shift_left3A_643 : vector<16xi32>
        %bitcast_convert_type3A_645 = tpu.bitcast %shift_left3A_644 : vector<16xi32> -> vector<16xf32>
        %bitcast_convert_type3A_646 = tpu.bitcast %get3A_637 : vector<16xi32> -> vector<16xf32>
        %shift_left3A_647 = arith.constant 16 : i32
        %shift_left3A_648 = vector.broadcast %shift_left3A_647 : i32 to vector<16xi32>
        %shift_left3A_649 = arith.shli %get3A_641, %shift_left3A_648 : vector<16xi32>
        %bitcast_convert_type3A_650 = tpu.bitcast %shift_left3A_649 : vector<16xi32> -> vector<16xf32>
        %bitcast_convert_type3A_651 = tpu.bitcast %get3A_641 : vector<16xi32> -> vector<16xf32>
        %mul3A_652 = arith.mulf %bitcast_convert_type3A_645, %bitcast_convert_type3A_650 : vector<16xf32>
        %mul3A_653 = arith.mulf %bitcast_convert_type3A_646, %bitcast_convert_type3A_651 : vector<16xf32>
        %add3A_654 = arith.addf %mul3A_652, %mul3A_653 : vector<16xf32>
        %add3A_655 = arith.addf %add3A_633, %add3A_654 : vector<16xf32>
        %add3A_656 = arith.constant 4 : i32
        %add3A_657 = arith.addi %mul3A_103, %add3A_656 : i32
        %add3A_658 = arith.constant 1 : i32
        %add3A_659 = arith.addi %add3A_657, %add3A_658 : i32
        %get3A_660 = arith.index_cast %add3A_659 : i32 to index
        %get3A_661 = arith.constant 0 : index
        %get3A_662 = tpu.vector_load %arg9[%get3A_660, %get3A_661] {strides = array<i32>} : memref<128x64xi32, #tpu.memory_space<vmem>>, vector<1x16xi32>,
        %get3A_663 = vector.shape_cast %get3A_662 : vector<1x16xi32> to vector<16xi32>
        %get3A_664 = arith.index_cast %add3A_659 : i32 to index
        %get3A_665 = arith.constant 0 : index
        %get3A_666 = tpu.vector_load %arg10[%get3A_664, %get3A_665] {strides = array<i32>} : memref<128x64xi32, #tpu.memory_space<vmem>>, vector<1x16xi32>,
        %get3A_667 = vector.shape_cast %get3A_666 : vector<1x16xi32> to vector<16xi32>
        %shift_left3A_668 = arith.constant 16 : i32
        %shift_left3A_669 = vector.broadcast %shift_left3A_668 : i32 to vector<16xi32>
        %shift_left3A_670 = arith.shli %get3A_663, %shift_left3A_669 : vector<16xi32>
        %bitcast_convert_type3A_671 = tpu.bitcast %shift_left3A_670 : vector<16xi32> -> vector<16xf32>
        %bitcast_convert_type3A_672 = tpu.bitcast %get3A_663 : vector<16xi32> -> vector<16xf32>
        %shift_left3A_673 = arith.constant 16 : i32
        %shift_left3A_674 = vector.broadcast %shift_left3A_673 : i32 to vector<16xi32>
        %shift_left3A_675 = arith.shli %get3A_667, %shift_left3A_674 : vector<16xi32>
        %bitcast_convert_type3A_676 = tpu.bitcast %shift_left3A_675 : vector<16xi32> -> vector<16xf32>
        %bitcast_convert_type3A_677 = tpu.bitcast %get3A_667 : vector<16xi32> -> vector<16xf32>
        %mul3A_678 = arith.mulf %bitcast_convert_type3A_671, %bitcast_convert_type3A_676 : vector<16xf32>
        %mul3A_679 = arith.mulf %bitcast_convert_type3A_672, %bitcast_convert_type3A_677 : vector<16xf32>
        %add3A_680 = arith.addf %mul3A_678, %mul3A_679 : vector<16xf32>
        %get3A_681 = arith.index_cast %add3A_659 : i32 to index
        %get3A_682 = arith.constant 16 : index
        %get3A_683 = tpu.vector_load %arg9[%get3A_681, %get3A_682] {strides = array<i32>} : memref<128x64xi32, #tpu.memory_space<vmem>>, vector<1x16xi32>,
        %get3A_684 = vector.shape_cast %get3A_683 : vector<1x16xi32> to vector<16xi32>
        %get3A_685 = arith.index_cast %add3A_659 : i32 to index
        %get3A_686 = arith.constant 16 : index
        %get3A_687 = tpu.vector_load %arg10[%get3A_685, %get3A_686] {strides = array<i32>} : memref<128x64xi32, #tpu.memory_space<vmem>>, vector<1x16xi32>,
        %get3A_688 = vector.shape_cast %get3A_687 : vector<1x16xi32> to vector<16xi32>
        %shift_left3A_689 = arith.constant 16 : i32
        %shift_left3A_690 = vector.broadcast %shift_left3A_689 : i32 to vector<16xi32>
        %shift_left3A_691 = arith.shli %get3A_684, %shift_left3A_690 : vector<16xi32>
        %bitcast_convert_type3A_692 = tpu.bitcast %shift_left3A_691 : vector<16xi32> -> vector<16xf32>
        %bitcast_convert_type3A_693 = tpu.bitcast %get3A_684 : vector<16xi32> -> vector<16xf32>
        %shift_left3A_694 = arith.constant 16 : i32
        %shift_left3A_695 = vector.broadcast %shift_left3A_694 : i32 to vector<16xi32>
        %shift_left3A_696 = arith.shli %get3A_688, %shift_left3A_695 : vector<16xi32>
        %bitcast_convert_type3A_697 = tpu.bitcast %shift_left3A_696 : vector<16xi32> -> vector<16xf32>
        %bitcast_convert_type3A_698 = tpu.bitcast %get3A_688 : vector<16xi32> -> vector<16xf32>
        %mul3A_699 = arith.mulf %bitcast_convert_type3A_692, %bitcast_convert_type3A_697 : vector<16xf32>
        %mul3A_700 = arith.mulf %bitcast_convert_type3A_693, %bitcast_convert_type3A_698 : vector<16xf32>
        %add3A_701 = arith.addf %mul3A_699, %mul3A_700 : vector<16xf32>
        %add3A_702 = arith.addf %add3A_680, %add3A_701 : vector<16xf32>
        %get3A_703 = arith.index_cast %add3A_659 : i32 to index
        %get3A_704 = arith.constant 32 : index
        %get3A_705 = tpu.vector_load %arg9[%get3A_703, %get3A_704] {strides = array<i32>} : memref<128x64xi32, #tpu.memory_space<vmem>>, vector<1x16xi32>,
        %get3A_706 = vector.shape_cast %get3A_705 : vector<1x16xi32> to vector<16xi32>
        %get3A_707 = arith.index_cast %add3A_659 : i32 to index
        %get3A_708 = arith.constant 32 : index
        %get3A_709 = tpu.vector_load %arg10[%get3A_707, %get3A_708] {strides = array<i32>} : memref<128x64xi32, #tpu.memory_space<vmem>>, vector<1x16xi32>,
        %get3A_710 = vector.shape_cast %get3A_709 : vector<1x16xi32> to vector<16xi32>
        %shift_left3A_711 = arith.constant 16 : i32
        %shift_left3A_712 = vector.broadcast %shift_left3A_711 : i32 to vector<16xi32>
        %shift_left3A_713 = arith.shli %get3A_706, %shift_left3A_712 : vector<16xi32>
        %bitcast_convert_type3A_714 = tpu.bitcast %shift_left3A_713 : vector<16xi32> -> vector<16xf32>
        %bitcast_convert_type3A_715 = tpu.bitcast %get3A_706 : vector<16xi32> -> vector<16xf32>
        %shift_left3A_716 = arith.constant 16 : i32
        %shift_left3A_717 = vector.broadcast %shift_left3A_716 : i32 to vector<16xi32>
        %shift_left3A_718 = arith.shli %get3A_710, %shift_left3A_717 : vector<16xi32>
        %bitcast_convert_type3A_719 = tpu.bitcast %shift_left3A_718 : vector<16xi32> -> vector<16xf32>
        %bitcast_convert_type3A_720 = tpu.bitcast %get3A_710 : vector<16xi32> -> vector<16xf32>
        %mul3A_721 = arith.mulf %bitcast_convert_type3A_714, %bitcast_convert_type3A_719 : vector<16xf32>
        %mul3A_722 = arith.mulf %bitcast_convert_type3A_715, %bitcast_convert_type3A_720 : vector<16xf32>
        %add3A_723 = arith.addf %mul3A_721, %mul3A_722 : vector<16xf32>
        %add3A_724 = arith.addf %add3A_702, %add3A_723 : vector<16xf32>
        %get3A_725 = arith.index_cast %add3A_659 : i32 to index
        %get3A_726 = arith.constant 48 : index
        %get3A_727 = tpu.vector_load %arg9[%get3A_725, %get3A_726] {strides = array<i32>} : memref<128x64xi32, #tpu.memory_space<vmem>>, vector<1x16xi32>,
        %get3A_728 = vector.shape_cast %get3A_727 : vector<1x16xi32> to vector<16xi32>
        %get3A_729 = arith.index_cast %add3A_659 : i32 to index
        %get3A_730 = arith.constant 48 : index
        %get3A_731 = tpu.vector_load %arg10[%get3A_729, %get3A_730] {strides = array<i32>} : memref<128x64xi32, #tpu.memory_space<vmem>>, vector<1x16xi32>,
        %get3A_732 = vector.shape_cast %get3A_731 : vector<1x16xi32> to vector<16xi32>
        %shift_left3A_733 = arith.constant 16 : i32
        %shift_left3A_734 = vector.broadcast %shift_left3A_733 : i32 to vector<16xi32>
        %shift_left3A_735 = arith.shli %get3A_728, %shift_left3A_734 : vector<16xi32>
        %bitcast_convert_type3A_736 = tpu.bitcast %shift_left3A_735 : vector<16xi32> -> vector<16xf32>
        %bitcast_convert_type3A_737 = tpu.bitcast %get3A_728 : vector<16xi32> -> vector<16xf32>
        %shift_left3A_738 = arith.constant 16 : i32
        %shift_left3A_739 = vector.broadcast %shift_left3A_738 : i32 to vector<16xi32>
        %shift_left3A_740 = arith.shli %get3A_732, %shift_left3A_739 : vector<16xi32>
        %bitcast_convert_type3A_741 = tpu.bitcast %shift_left3A_740 : vector<16xi32> -> vector<16xf32>
        %bitcast_convert_type3A_742 = tpu.bitcast %get3A_732 : vector<16xi32> -> vector<16xf32>
        %mul3A_743 = arith.mulf %bitcast_convert_type3A_736, %bitcast_convert_type3A_741 : vector<16xf32>
        %mul3A_744 = arith.mulf %bitcast_convert_type3A_737, %bitcast_convert_type3A_742 : vector<16xf32>
        %add3A_745 = arith.addf %mul3A_743, %mul3A_744 : vector<16xf32>
        %add3A_746 = arith.addf %add3A_724, %add3A_745 : vector<16xf32>
        %shift_right_arithmetic3A_747 = arith.constant 0 : i32
        %shift_right_arithmetic3A_748 = vector.broadcast %shift_right_arithmetic3A_747 : i32 to vector<16xi32>
        %shift_right_arithmetic3A_749 = arith.shrsi %iota3A, %shift_right_arithmetic3A_748 : vector<16xi32>
        %and3A_750 = arith.constant 1 : i32
        %and3A_751 = vector.broadcast %and3A_750 : i32 to vector<16xi32>
        %and3A_752 = arith.andi %shift_right_arithmetic3A_749, %and3A_751 : vector<16xi32>
        %xor3A_753 = arith.constant 1 : i32
        %xor3A_754 = vector.broadcast %xor3A_753 : i32 to vector<16xi32>
        %xor3A_755 = arith.xori %iota3A, %xor3A_754 : vector<16xi32>
        %lt3A_756 = arith.constant 0 : i32
        %lt3A_757 = vector.broadcast %lt3A_756 : i32 to vector<16xi32>
        %lt3A_758 = arith.cmpi slt, %xor3A_755, %lt3A_757 : vector<16xi32>
        %add3A_759 = arith.constant 16 : i32
        %add3A_760 = vector.broadcast %add3A_759 : i32 to vector<16xi32>
        %add3A_761 = arith.addi %xor3A_755, %add3A_760 : vector<16xi32>
        %select_n3A_762 = arith.select %lt3A_758, %add3A_761, %xor3A_755 : vector<16xi1>, vector<16xi32>
        %broadcast_in_dim3A_763 = vector.shape_cast %select_n3A_762 : vector<16xi32> to vector<16x1xi32>
        %gather3A_764 = vector.shape_cast %broadcast_in_dim3A_763 : vector<16x1xi32> to vector<16xi32>
        %gather3A_765 = tpu.dynamic_gather %add3A_655[%gather3A_764] in [0] : vector<16xf32>, vector<16xi32> -> vector<16xf32>
        %add3A_766 = arith.addf %add3A_655, %gather3A_765 : vector<16xf32>
        %xor3A_767 = arith.constant 1 : i32
        %xor3A_768 = vector.broadcast %xor3A_767 : i32 to vector<16xi32>
        %xor3A_769 = arith.xori %iota3A, %xor3A_768 : vector<16xi32>
        %lt3A_770 = arith.constant 0 : i32
        %lt3A_771 = vector.broadcast %lt3A_770 : i32 to vector<16xi32>
        %lt3A_772 = arith.cmpi slt, %xor3A_769, %lt3A_771 : vector<16xi32>
        %add3A_773 = arith.constant 16 : i32
        %add3A_774 = vector.broadcast %add3A_773 : i32 to vector<16xi32>
        %add3A_775 = arith.addi %xor3A_769, %add3A_774 : vector<16xi32>
        %select_n3A_776 = arith.select %lt3A_772, %add3A_775, %xor3A_769 : vector<16xi1>, vector<16xi32>
        %broadcast_in_dim3A_777 = vector.shape_cast %select_n3A_776 : vector<16xi32> to vector<16x1xi32>
        %gather3A_778 = vector.shape_cast %broadcast_in_dim3A_777 : vector<16x1xi32> to vector<16xi32>
        %gather3A_779 = tpu.dynamic_gather %add3A_746[%gather3A_778] in [0] : vector<16xf32>, vector<16xi32> -> vector<16xf32>
        %add3A_780 = arith.addf %add3A_746, %gather3A_779 : vector<16xf32>
        %eq3A_781 = arith.constant 0 : i32
        %eq3A_782 = vector.broadcast %eq3A_781 : i32 to vector<16xi32>
        %eq3A_783 = arith.cmpi eq, %and3A_752, %eq3A_782 : vector<16xi32>
        %select_n3A_784 = arith.select %eq3A_783, %add3A_766, %add3A_780 : vector<16xi1>, vector<16xf32>
        %add3A_785 = arith.constant 6 : i32
        %add3A_786 = arith.addi %mul3A_103, %add3A_785 : i32
        %get3A_787 = arith.index_cast %add3A_786 : i32 to index
        %get3A_788 = arith.constant 0 : index
        %get3A_789 = tpu.vector_load %arg9[%get3A_787, %get3A_788] {strides = array<i32>} : memref<128x64xi32, #tpu.memory_space<vmem>>, vector<1x16xi32>,
        %get3A_790 = vector.shape_cast %get3A_789 : vector<1x16xi32> to vector<16xi32>
        %get3A_791 = arith.index_cast %add3A_786 : i32 to index
        %get3A_792 = arith.constant 0 : index
        %get3A_793 = tpu.vector_load %arg10[%get3A_791, %get3A_792] {strides = array<i32>} : memref<128x64xi32, #tpu.memory_space<vmem>>, vector<1x16xi32>,
        %get3A_794 = vector.shape_cast %get3A_793 : vector<1x16xi32> to vector<16xi32>
        %shift_left3A_795 = arith.constant 16 : i32
        %shift_left3A_796 = vector.broadcast %shift_left3A_795 : i32 to vector<16xi32>
        %shift_left3A_797 = arith.shli %get3A_790, %shift_left3A_796 : vector<16xi32>
        %bitcast_convert_type3A_798 = tpu.bitcast %shift_left3A_797 : vector<16xi32> -> vector<16xf32>
        %bitcast_convert_type3A_799 = tpu.bitcast %get3A_790 : vector<16xi32> -> vector<16xf32>
        %shift_left3A_800 = arith.constant 16 : i32
        %shift_left3A_801 = vector.broadcast %shift_left3A_800 : i32 to vector<16xi32>
        %shift_left3A_802 = arith.shli %get3A_794, %shift_left3A_801 : vector<16xi32>
        %bitcast_convert_type3A_803 = tpu.bitcast %shift_left3A_802 : vector<16xi32> -> vector<16xf32>
        %bitcast_convert_type3A_804 = tpu.bitcast %get3A_794 : vector<16xi32> -> vector<16xf32>
        %mul3A_805 = arith.mulf %bitcast_convert_type3A_798, %bitcast_convert_type3A_803 : vector<16xf32>
        %mul3A_806 = arith.mulf %bitcast_convert_type3A_799, %bitcast_convert_type3A_804 : vector<16xf32>
        %add3A_807 = arith.addf %mul3A_805, %mul3A_806 : vector<16xf32>
        %get3A_808 = arith.index_cast %add3A_786 : i32 to index
        %get3A_809 = arith.constant 16 : index
        %get3A_810 = tpu.vector_load %arg9[%get3A_808, %get3A_809] {strides = array<i32>} : memref<128x64xi32, #tpu.memory_space<vmem>>, vector<1x16xi32>,
        %get3A_811 = vector.shape_cast %get3A_810 : vector<1x16xi32> to vector<16xi32>
        %get3A_812 = arith.index_cast %add3A_786 : i32 to index
        %get3A_813 = arith.constant 16 : index
        %get3A_814 = tpu.vector_load %arg10[%get3A_812, %get3A_813] {strides = array<i32>} : memref<128x64xi32, #tpu.memory_space<vmem>>, vector<1x16xi32>,
        %get3A_815 = vector.shape_cast %get3A_814 : vector<1x16xi32> to vector<16xi32>
        %shift_left3A_816 = arith.constant 16 : i32
        %shift_left3A_817 = vector.broadcast %shift_left3A_816 : i32 to vector<16xi32>
        %shift_left3A_818 = arith.shli %get3A_811, %shift_left3A_817 : vector<16xi32>
        %bitcast_convert_type3A_819 = tpu.bitcast %shift_left3A_818 : vector<16xi32> -> vector<16xf32>
        %bitcast_convert_type3A_820 = tpu.bitcast %get3A_811 : vector<16xi32> -> vector<16xf32>
        %shift_left3A_821 = arith.constant 16 : i32
        %shift_left3A_822 = vector.broadcast %shift_left3A_821 : i32 to vector<16xi32>
        %shift_left3A_823 = arith.shli %get3A_815, %shift_left3A_822 : vector<16xi32>
        %bitcast_convert_type3A_824 = tpu.bitcast %shift_left3A_823 : vector<16xi32> -> vector<16xf32>
        %bitcast_convert_type3A_825 = tpu.bitcast %get3A_815 : vector<16xi32> -> vector<16xf32>
        %mul3A_826 = arith.mulf %bitcast_convert_type3A_819, %bitcast_convert_type3A_824 : vector<16xf32>
        %mul3A_827 = arith.mulf %bitcast_convert_type3A_820, %bitcast_convert_type3A_825 : vector<16xf32>
        %add3A_828 = arith.addf %mul3A_826, %mul3A_827 : vector<16xf32>
        %add3A_829 = arith.addf %add3A_807, %add3A_828 : vector<16xf32>
        %get3A_830 = arith.index_cast %add3A_786 : i32 to index
        %get3A_831 = arith.constant 32 : index
        %get3A_832 = tpu.vector_load %arg9[%get3A_830, %get3A_831] {strides = array<i32>} : memref<128x64xi32, #tpu.memory_space<vmem>>, vector<1x16xi32>,
        %get3A_833 = vector.shape_cast %get3A_832 : vector<1x16xi32> to vector<16xi32>
        %get3A_834 = arith.index_cast %add3A_786 : i32 to index
        %get3A_835 = arith.constant 32 : index
        %get3A_836 = tpu.vector_load %arg10[%get3A_834, %get3A_835] {strides = array<i32>} : memref<128x64xi32, #tpu.memory_space<vmem>>, vector<1x16xi32>,
        %get3A_837 = vector.shape_cast %get3A_836 : vector<1x16xi32> to vector<16xi32>
        %shift_left3A_838 = arith.constant 16 : i32
        %shift_left3A_839 = vector.broadcast %shift_left3A_838 : i32 to vector<16xi32>
        %shift_left3A_840 = arith.shli %get3A_833, %shift_left3A_839 : vector<16xi32>
        %bitcast_convert_type3A_841 = tpu.bitcast %shift_left3A_840 : vector<16xi32> -> vector<16xf32>
        %bitcast_convert_type3A_842 = tpu.bitcast %get3A_833 : vector<16xi32> -> vector<16xf32>
        %shift_left3A_843 = arith.constant 16 : i32
        %shift_left3A_844 = vector.broadcast %shift_left3A_843 : i32 to vector<16xi32>
        %shift_left3A_845 = arith.shli %get3A_837, %shift_left3A_844 : vector<16xi32>
        %bitcast_convert_type3A_846 = tpu.bitcast %shift_left3A_845 : vector<16xi32> -> vector<16xf32>
        %bitcast_convert_type3A_847 = tpu.bitcast %get3A_837 : vector<16xi32> -> vector<16xf32>
        %mul3A_848 = arith.mulf %bitcast_convert_type3A_841, %bitcast_convert_type3A_846 : vector<16xf32>
        %mul3A_849 = arith.mulf %bitcast_convert_type3A_842, %bitcast_convert_type3A_847 : vector<16xf32>
        %add3A_850 = arith.addf %mul3A_848, %mul3A_849 : vector<16xf32>
        %add3A_851 = arith.addf %add3A_829, %add3A_850 : vector<16xf32>
        %get3A_852 = arith.index_cast %add3A_786 : i32 to index
        %get3A_853 = arith.constant 48 : index
        %get3A_854 = tpu.vector_load %arg9[%get3A_852, %get3A_853] {strides = array<i32>} : memref<128x64xi32, #tpu.memory_space<vmem>>, vector<1x16xi32>,
        %get3A_855 = vector.shape_cast %get3A_854 : vector<1x16xi32> to vector<16xi32>
        %get3A_856 = arith.index_cast %add3A_786 : i32 to index
        %get3A_857 = arith.constant 48 : index
        %get3A_858 = tpu.vector_load %arg10[%get3A_856, %get3A_857] {strides = array<i32>} : memref<128x64xi32, #tpu.memory_space<vmem>>, vector<1x16xi32>,
        %get3A_859 = vector.shape_cast %get3A_858 : vector<1x16xi32> to vector<16xi32>
        %shift_left3A_860 = arith.constant 16 : i32
        %shift_left3A_861 = vector.broadcast %shift_left3A_860 : i32 to vector<16xi32>
        %shift_left3A_862 = arith.shli %get3A_855, %shift_left3A_861 : vector<16xi32>
        %bitcast_convert_type3A_863 = tpu.bitcast %shift_left3A_862 : vector<16xi32> -> vector<16xf32>
        %bitcast_convert_type3A_864 = tpu.bitcast %get3A_855 : vector<16xi32> -> vector<16xf32>
        %shift_left3A_865 = arith.constant 16 : i32
        %shift_left3A_866 = vector.broadcast %shift_left3A_865 : i32 to vector<16xi32>
        %shift_left3A_867 = arith.shli %get3A_859, %shift_left3A_866 : vector<16xi32>
        %bitcast_convert_type3A_868 = tpu.bitcast %shift_left3A_867 : vector<16xi32> -> vector<16xf32>
        %bitcast_convert_type3A_869 = tpu.bitcast %get3A_859 : vector<16xi32> -> vector<16xf32>
        %mul3A_870 = arith.mulf %bitcast_convert_type3A_863, %bitcast_convert_type3A_868 : vector<16xf32>
        %mul3A_871 = arith.mulf %bitcast_convert_type3A_864, %bitcast_convert_type3A_869 : vector<16xf32>
        %add3A_872 = arith.addf %mul3A_870, %mul3A_871 : vector<16xf32>
        %add3A_873 = arith.addf %add3A_851, %add3A_872 : vector<16xf32>
        %add3A_874 = arith.constant 6 : i32
        %add3A_875 = arith.addi %mul3A_103, %add3A_874 : i32
        %add3A_876 = arith.constant 1 : i32
        %add3A_877 = arith.addi %add3A_875, %add3A_876 : i32
        %get3A_878 = arith.index_cast %add3A_877 : i32 to index
        %get3A_879 = arith.constant 0 : index
        %get3A_880 = tpu.vector_load %arg9[%get3A_878, %get3A_879] {strides = array<i32>} : memref<128x64xi32, #tpu.memory_space<vmem>>, vector<1x16xi32>,
        %get3A_881 = vector.shape_cast %get3A_880 : vector<1x16xi32> to vector<16xi32>
        %get3A_882 = arith.index_cast %add3A_877 : i32 to index
        %get3A_883 = arith.constant 0 : index
        %get3A_884 = tpu.vector_load %arg10[%get3A_882, %get3A_883] {strides = array<i32>} : memref<128x64xi32, #tpu.memory_space<vmem>>, vector<1x16xi32>,
        %get3A_885 = vector.shape_cast %get3A_884 : vector<1x16xi32> to vector<16xi32>
        %shift_left3A_886 = arith.constant 16 : i32
        %shift_left3A_887 = vector.broadcast %shift_left3A_886 : i32 to vector<16xi32>
        %shift_left3A_888 = arith.shli %get3A_881, %shift_left3A_887 : vector<16xi32>
        %bitcast_convert_type3A_889 = tpu.bitcast %shift_left3A_888 : vector<16xi32> -> vector<16xf32>
        %bitcast_convert_type3A_890 = tpu.bitcast %get3A_881 : vector<16xi32> -> vector<16xf32>
        %shift_left3A_891 = arith.constant 16 : i32
        %shift_left3A_892 = vector.broadcast %shift_left3A_891 : i32 to vector<16xi32>
        %shift_left3A_893 = arith.shli %get3A_885, %shift_left3A_892 : vector<16xi32>
        %bitcast_convert_type3A_894 = tpu.bitcast %shift_left3A_893 : vector<16xi32> -> vector<16xf32>
        %bitcast_convert_type3A_895 = tpu.bitcast %get3A_885 : vector<16xi32> -> vector<16xf32>
        %mul3A_896 = arith.mulf %bitcast_convert_type3A_889, %bitcast_convert_type3A_894 : vector<16xf32>
        %mul3A_897 = arith.mulf %bitcast_convert_type3A_890, %bitcast_convert_type3A_895 : vector<16xf32>
        %add3A_898 = arith.addf %mul3A_896, %mul3A_897 : vector<16xf32>
        %get3A_899 = arith.index_cast %add3A_877 : i32 to index
        %get3A_900 = arith.constant 16 : index
        %get3A_901 = tpu.vector_load %arg9[%get3A_899, %get3A_900] {strides = array<i32>} : memref<128x64xi32, #tpu.memory_space<vmem>>, vector<1x16xi32>,
        %get3A_902 = vector.shape_cast %get3A_901 : vector<1x16xi32> to vector<16xi32>
        %get3A_903 = arith.index_cast %add3A_877 : i32 to index
        %get3A_904 = arith.constant 16 : index
        %get3A_905 = tpu.vector_load %arg10[%get3A_903, %get3A_904] {strides = array<i32>} : memref<128x64xi32, #tpu.memory_space<vmem>>, vector<1x16xi32>,
        %get3A_906 = vector.shape_cast %get3A_905 : vector<1x16xi32> to vector<16xi32>
        %shift_left3A_907 = arith.constant 16 : i32
        %shift_left3A_908 = vector.broadcast %shift_left3A_907 : i32 to vector<16xi32>
        %shift_left3A_909 = arith.shli %get3A_902, %shift_left3A_908 : vector<16xi32>
        %bitcast_convert_type3A_910 = tpu.bitcast %shift_left3A_909 : vector<16xi32> -> vector<16xf32>
        %bitcast_convert_type3A_911 = tpu.bitcast %get3A_902 : vector<16xi32> -> vector<16xf32>
        %shift_left3A_912 = arith.constant 16 : i32
        %shift_left3A_913 = vector.broadcast %shift_left3A_912 : i32 to vector<16xi32>
        %shift_left3A_914 = arith.shli %get3A_906, %shift_left3A_913 : vector<16xi32>
        %bitcast_convert_type3A_915 = tpu.bitcast %shift_left3A_914 : vector<16xi32> -> vector<16xf32>
        %bitcast_convert_type3A_916 = tpu.bitcast %get3A_906 : vector<16xi32> -> vector<16xf32>
        %mul3A_917 = arith.mulf %bitcast_convert_type3A_910, %bitcast_convert_type3A_915 : vector<16xf32>
        %mul3A_918 = arith.mulf %bitcast_convert_type3A_911, %bitcast_convert_type3A_916 : vector<16xf32>
        %add3A_919 = arith.addf %mul3A_917, %mul3A_918 : vector<16xf32>
        %add3A_920 = arith.addf %add3A_898, %add3A_919 : vector<16xf32>
        %get3A_921 = arith.index_cast %add3A_877 : i32 to index
        %get3A_922 = arith.constant 32 : index
        %get3A_923 = tpu.vector_load %arg9[%get3A_921, %get3A_922] {strides = array<i32>} : memref<128x64xi32, #tpu.memory_space<vmem>>, vector<1x16xi32>,
        %get3A_924 = vector.shape_cast %get3A_923 : vector<1x16xi32> to vector<16xi32>
        %get3A_925 = arith.index_cast %add3A_877 : i32 to index
        %get3A_926 = arith.constant 32 : index
        %get3A_927 = tpu.vector_load %arg10[%get3A_925, %get3A_926] {strides = array<i32>} : memref<128x64xi32, #tpu.memory_space<vmem>>, vector<1x16xi32>,
        %get3A_928 = vector.shape_cast %get3A_927 : vector<1x16xi32> to vector<16xi32>
        %shift_left3A_929 = arith.constant 16 : i32
        %shift_left3A_930 = vector.broadcast %shift_left3A_929 : i32 to vector<16xi32>
        %shift_left3A_931 = arith.shli %get3A_924, %shift_left3A_930 : vector<16xi32>
        %bitcast_convert_type3A_932 = tpu.bitcast %shift_left3A_931 : vector<16xi32> -> vector<16xf32>
        %bitcast_convert_type3A_933 = tpu.bitcast %get3A_924 : vector<16xi32> -> vector<16xf32>
        %shift_left3A_934 = arith.constant 16 : i32
        %shift_left3A_935 = vector.broadcast %shift_left3A_934 : i32 to vector<16xi32>
        %shift_left3A_936 = arith.shli %get3A_928, %shift_left3A_935 : vector<16xi32>
        %bitcast_convert_type3A_937 = tpu.bitcast %shift_left3A_936 : vector<16xi32> -> vector<16xf32>
        %bitcast_convert_type3A_938 = tpu.bitcast %get3A_928 : vector<16xi32> -> vector<16xf32>
        %mul3A_939 = arith.mulf %bitcast_convert_type3A_932, %bitcast_convert_type3A_937 : vector<16xf32>
        %mul3A_940 = arith.mulf %bitcast_convert_type3A_933, %bitcast_convert_type3A_938 : vector<16xf32>
        %add3A_941 = arith.addf %mul3A_939, %mul3A_940 : vector<16xf32>
        %add3A_942 = arith.addf %add3A_920, %add3A_941 : vector<16xf32>
        %get3A_943 = arith.index_cast %add3A_877 : i32 to index
        %get3A_944 = arith.constant 48 : index
        %get3A_945 = tpu.vector_load %arg9[%get3A_943, %get3A_944] {strides = array<i32>} : memref<128x64xi32, #tpu.memory_space<vmem>>, vector<1x16xi32>,
        %get3A_946 = vector.shape_cast %get3A_945 : vector<1x16xi32> to vector<16xi32>
        %get3A_947 = arith.index_cast %add3A_877 : i32 to index
        %get3A_948 = arith.constant 48 : index
        %get3A_949 = tpu.vector_load %arg10[%get3A_947, %get3A_948] {strides = array<i32>} : memref<128x64xi32, #tpu.memory_space<vmem>>, vector<1x16xi32>,
        %get3A_950 = vector.shape_cast %get3A_949 : vector<1x16xi32> to vector<16xi32>
        %shift_left3A_951 = arith.constant 16 : i32
        %shift_left3A_952 = vector.broadcast %shift_left3A_951 : i32 to vector<16xi32>
        %shift_left3A_953 = arith.shli %get3A_946, %shift_left3A_952 : vector<16xi32>
        %bitcast_convert_type3A_954 = tpu.bitcast %shift_left3A_953 : vector<16xi32> -> vector<16xf32>
        %bitcast_convert_type3A_955 = tpu.bitcast %get3A_946 : vector<16xi32> -> vector<16xf32>
        %shift_left3A_956 = arith.constant 16 : i32
        %shift_left3A_957 = vector.broadcast %shift_left3A_956 : i32 to vector<16xi32>
        %shift_left3A_958 = arith.shli %get3A_950, %shift_left3A_957 : vector<16xi32>
        %bitcast_convert_type3A_959 = tpu.bitcast %shift_left3A_958 : vector<16xi32> -> vector<16xf32>
        %bitcast_convert_type3A_960 = tpu.bitcast %get3A_950 : vector<16xi32> -> vector<16xf32>
        %mul3A_961 = arith.mulf %bitcast_convert_type3A_954, %bitcast_convert_type3A_959 : vector<16xf32>
        %mul3A_962 = arith.mulf %bitcast_convert_type3A_955, %bitcast_convert_type3A_960 : vector<16xf32>
        %add3A_963 = arith.addf %mul3A_961, %mul3A_962 : vector<16xf32>
        %add3A_964 = arith.addf %add3A_942, %add3A_963 : vector<16xf32>
        %shift_right_arithmetic3A_965 = arith.constant 0 : i32
        %shift_right_arithmetic3A_966 = vector.broadcast %shift_right_arithmetic3A_965 : i32 to vector<16xi32>
        %shift_right_arithmetic3A_967 = arith.shrsi %iota3A, %shift_right_arithmetic3A_966 : vector<16xi32>
        %and3A_968 = arith.constant 1 : i32
        %and3A_969 = vector.broadcast %and3A_968 : i32 to vector<16xi32>
        %and3A_970 = arith.andi %shift_right_arithmetic3A_967, %and3A_969 : vector<16xi32>
        %xor3A_971 = arith.constant 1 : i32
        %xor3A_972 = vector.broadcast %xor3A_971 : i32 to vector<16xi32>
        %xor3A_973 = arith.xori %iota3A, %xor3A_972 : vector<16xi32>
        %lt3A_974 = arith.constant 0 : i32
        %lt3A_975 = vector.broadcast %lt3A_974 : i32 to vector<16xi32>
        %lt3A_976 = arith.cmpi slt, %xor3A_973, %lt3A_975 : vector<16xi32>
        %add3A_977 = arith.constant 16 : i32
        %add3A_978 = vector.broadcast %add3A_977 : i32 to vector<16xi32>
        %add3A_979 = arith.addi %xor3A_973, %add3A_978 : vector<16xi32>
        %select_n3A_980 = arith.select %lt3A_976, %add3A_979, %xor3A_973 : vector<16xi1>, vector<16xi32>
        %broadcast_in_dim3A_981 = vector.shape_cast %select_n3A_980 : vector<16xi32> to vector<16x1xi32>
        %gather3A_982 = vector.shape_cast %broadcast_in_dim3A_981 : vector<16x1xi32> to vector<16xi32>
        %gather3A_983 = tpu.dynamic_gather %add3A_873[%gather3A_982] in [0] : vector<16xf32>, vector<16xi32> -> vector<16xf32>
        %add3A_984 = arith.addf %add3A_873, %gather3A_983 : vector<16xf32>
        %xor3A_985 = arith.constant 1 : i32
        %xor3A_986 = vector.broadcast %xor3A_985 : i32 to vector<16xi32>
        %xor3A_987 = arith.xori %iota3A, %xor3A_986 : vector<16xi32>
        %lt3A_988 = arith.constant 0 : i32
        %lt3A_989 = vector.broadcast %lt3A_988 : i32 to vector<16xi32>
        %lt3A_990 = arith.cmpi slt, %xor3A_987, %lt3A_989 : vector<16xi32>
        %add3A_991 = arith.constant 16 : i32
        %add3A_992 = vector.broadcast %add3A_991 : i32 to vector<16xi32>
        %add3A_993 = arith.addi %xor3A_987, %add3A_992 : vector<16xi32>
        %select_n3A_994 = arith.select %lt3A_990, %add3A_993, %xor3A_987 : vector<16xi1>, vector<16xi32>
        %broadcast_in_dim3A_995 = vector.shape_cast %select_n3A_994 : vector<16xi32> to vector<16x1xi32>
        %gather3A_996 = vector.shape_cast %broadcast_in_dim3A_995 : vector<16x1xi32> to vector<16xi32>
        %gather3A_997 = tpu.dynamic_gather %add3A_964[%gather3A_996] in [0] : vector<16xf32>, vector<16xi32> -> vector<16xf32>
        %add3A_998 = arith.addf %add3A_964, %gather3A_997 : vector<16xf32>
        %eq3A_999 = arith.constant 0 : i32
        %eq3A_1000 = vector.broadcast %eq3A_999 : i32 to vector<16xi32>
        %eq3A_1001 = arith.cmpi eq, %and3A_970, %eq3A_1000 : vector<16xi32>
        %select_n3A_1002 = arith.select %eq3A_1001, %add3A_984, %add3A_998 : vector<16xi1>, vector<16xf32>
        %shift_right_arithmetic3A_1003 = arith.constant 1 : i32
        %shift_right_arithmetic3A_1004 = vector.broadcast %shift_right_arithmetic3A_1003 : i32 to vector<16xi32>
        %shift_right_arithmetic3A_1005 = arith.shrsi %iota3A, %shift_right_arithmetic3A_1004 : vector<16xi32>
        %and3A_1006 = arith.constant 1 : i32
        %and3A_1007 = vector.broadcast %and3A_1006 : i32 to vector<16xi32>
        %and3A_1008 = arith.andi %shift_right_arithmetic3A_1005, %and3A_1007 : vector<16xi32>
        %xor3A_1009 = arith.constant 2 : i32
        %xor3A_1010 = vector.broadcast %xor3A_1009 : i32 to vector<16xi32>
        %xor3A_1011 = arith.xori %iota3A, %xor3A_1010 : vector<16xi32>
        %lt3A_1012 = arith.constant 0 : i32
        %lt3A_1013 = vector.broadcast %lt3A_1012 : i32 to vector<16xi32>
        %lt3A_1014 = arith.cmpi slt, %xor3A_1011, %lt3A_1013 : vector<16xi32>
        %add3A_1015 = arith.constant 16 : i32
        %add3A_1016 = vector.broadcast %add3A_1015 : i32 to vector<16xi32>
        %add3A_1017 = arith.addi %xor3A_1011, %add3A_1016 : vector<16xi32>
        %select_n3A_1018 = arith.select %lt3A_1014, %add3A_1017, %xor3A_1011 : vector<16xi1>, vector<16xi32>
        %broadcast_in_dim3A_1019 = vector.shape_cast %select_n3A_1018 : vector<16xi32> to vector<16x1xi32>
        %gather3A_1020 = vector.shape_cast %broadcast_in_dim3A_1019 : vector<16x1xi32> to vector<16xi32>
        %gather3A_1021 = tpu.dynamic_gather %select_n3A_784[%gather3A_1020] in [0] : vector<16xf32>, vector<16xi32> -> vector<16xf32>
        %add3A_1022 = arith.addf %select_n3A_784, %gather3A_1021 : vector<16xf32>
        %xor3A_1023 = arith.constant 2 : i32
        %xor3A_1024 = vector.broadcast %xor3A_1023 : i32 to vector<16xi32>
        %xor3A_1025 = arith.xori %iota3A, %xor3A_1024 : vector<16xi32>
        %lt3A_1026 = arith.constant 0 : i32
        %lt3A_1027 = vector.broadcast %lt3A_1026 : i32 to vector<16xi32>
        %lt3A_1028 = arith.cmpi slt, %xor3A_1025, %lt3A_1027 : vector<16xi32>
        %add3A_1029 = arith.constant 16 : i32
        %add3A_1030 = vector.broadcast %add3A_1029 : i32 to vector<16xi32>
        %add3A_1031 = arith.addi %xor3A_1025, %add3A_1030 : vector<16xi32>
        %select_n3A_1032 = arith.select %lt3A_1028, %add3A_1031, %xor3A_1025 : vector<16xi1>, vector<16xi32>
        %broadcast_in_dim3A_1033 = vector.shape_cast %select_n3A_1032 : vector<16xi32> to vector<16x1xi32>
        %gather3A_1034 = vector.shape_cast %broadcast_in_dim3A_1033 : vector<16x1xi32> to vector<16xi32>
        %gather3A_1035 = tpu.dynamic_gather %select_n3A_1002[%gather3A_1034] in [0] : vector<16xf32>, vector<16xi32> -> vector<16xf32>
        %add3A_1036 = arith.addf %select_n3A_1002, %gather3A_1035 : vector<16xf32>
        %eq3A_1037 = arith.constant 0 : i32
        %eq3A_1038 = vector.broadcast %eq3A_1037 : i32 to vector<16xi32>
        %eq3A_1039 = arith.cmpi eq, %and3A_1008, %eq3A_1038 : vector<16xi32>
        %select_n3A_1040 = arith.select %eq3A_1039, %add3A_1022, %add3A_1036 : vector<16xi1>, vector<16xf32>
        %shift_right_arithmetic3A_1041 = arith.constant 2 : i32
        %shift_right_arithmetic3A_1042 = vector.broadcast %shift_right_arithmetic3A_1041 : i32 to vector<16xi32>
        %shift_right_arithmetic3A_1043 = arith.shrsi %iota3A, %shift_right_arithmetic3A_1042 : vector<16xi32>
        %and3A_1044 = arith.constant 1 : i32
        %and3A_1045 = vector.broadcast %and3A_1044 : i32 to vector<16xi32>
        %and3A_1046 = arith.andi %shift_right_arithmetic3A_1043, %and3A_1045 : vector<16xi32>
        %xor3A_1047 = arith.constant 4 : i32
        %xor3A_1048 = vector.broadcast %xor3A_1047 : i32 to vector<16xi32>
        %xor3A_1049 = arith.xori %iota3A, %xor3A_1048 : vector<16xi32>
        %lt3A_1050 = arith.constant 0 : i32
        %lt3A_1051 = vector.broadcast %lt3A_1050 : i32 to vector<16xi32>
        %lt3A_1052 = arith.cmpi slt, %xor3A_1049, %lt3A_1051 : vector<16xi32>
        %add3A_1053 = arith.constant 16 : i32
        %add3A_1054 = vector.broadcast %add3A_1053 : i32 to vector<16xi32>
        %add3A_1055 = arith.addi %xor3A_1049, %add3A_1054 : vector<16xi32>
        %select_n3A_1056 = arith.select %lt3A_1052, %add3A_1055, %xor3A_1049 : vector<16xi1>, vector<16xi32>
        %broadcast_in_dim3A_1057 = vector.shape_cast %select_n3A_1056 : vector<16xi32> to vector<16x1xi32>
        %gather3A_1058 = vector.shape_cast %broadcast_in_dim3A_1057 : vector<16x1xi32> to vector<16xi32>
        %gather3A_1059 = tpu.dynamic_gather %select_n3A_566[%gather3A_1058] in [0] : vector<16xf32>, vector<16xi32> -> vector<16xf32>
        %add3A_1060 = arith.addf %select_n3A_566, %gather3A_1059 : vector<16xf32>
        %xor3A_1061 = arith.constant 4 : i32
        %xor3A_1062 = vector.broadcast %xor3A_1061 : i32 to vector<16xi32>
        %xor3A_1063 = arith.xori %iota3A, %xor3A_1062 : vector<16xi32>
        %lt3A_1064 = arith.constant 0 : i32
        %lt3A_1065 = vector.broadcast %lt3A_1064 : i32 to vector<16xi32>
        %lt3A_1066 = arith.cmpi slt, %xor3A_1063, %lt3A_1065 : vector<16xi32>
        %add3A_1067 = arith.constant 16 : i32
        %add3A_1068 = vector.broadcast %add3A_1067 : i32 to vector<16xi32>
        %add3A_1069 = arith.addi %xor3A_1063, %add3A_1068 : vector<16xi32>
        %select_n3A_1070 = arith.select %lt3A_1066, %add3A_1069, %xor3A_1063 : vector<16xi1>, vector<16xi32>
        %broadcast_in_dim3A_1071 = vector.shape_cast %select_n3A_1070 : vector<16xi32> to vector<16x1xi32>
        %gather3A_1072 = vector.shape_cast %broadcast_in_dim3A_1071 : vector<16x1xi32> to vector<16xi32>
        %gather3A_1073 = tpu.dynamic_gather %select_n3A_1040[%gather3A_1072] in [0] : vector<16xf32>, vector<16xi32> -> vector<16xf32>
        %add3A_1074 = arith.addf %select_n3A_1040, %gather3A_1073 : vector<16xf32>
        %eq3A_1075 = arith.constant 0 : i32
        %eq3A_1076 = vector.broadcast %eq3A_1075 : i32 to vector<16xi32>
        %eq3A_1077 = arith.cmpi eq, %and3A_1046, %eq3A_1076 : vector<16xi32>
        %select_n3A_1078 = arith.select %eq3A_1077, %add3A_1060, %add3A_1074 : vector<16xi1>, vector<16xf32>
        %add3A_1079 = arith.constant 8 : i32
        %add3A_1080 = arith.addi %mul3A_103, %add3A_1079 : i32
        %get3A_1081 = arith.index_cast %add3A_1080 : i32 to index
        %get3A_1082 = arith.constant 0 : index
        %get3A_1083 = tpu.vector_load %arg9[%get3A_1081, %get3A_1082] {strides = array<i32>} : memref<128x64xi32, #tpu.memory_space<vmem>>, vector<1x16xi32>,
        %get3A_1084 = vector.shape_cast %get3A_1083 : vector<1x16xi32> to vector<16xi32>
        %get3A_1085 = arith.index_cast %add3A_1080 : i32 to index
        %get3A_1086 = arith.constant 0 : index
        %get3A_1087 = tpu.vector_load %arg10[%get3A_1085, %get3A_1086] {strides = array<i32>} : memref<128x64xi32, #tpu.memory_space<vmem>>, vector<1x16xi32>,
        %get3A_1088 = vector.shape_cast %get3A_1087 : vector<1x16xi32> to vector<16xi32>
        %shift_left3A_1089 = arith.constant 16 : i32
        %shift_left3A_1090 = vector.broadcast %shift_left3A_1089 : i32 to vector<16xi32>
        %shift_left3A_1091 = arith.shli %get3A_1084, %shift_left3A_1090 : vector<16xi32>
        %bitcast_convert_type3A_1092 = tpu.bitcast %shift_left3A_1091 : vector<16xi32> -> vector<16xf32>
        %bitcast_convert_type3A_1093 = tpu.bitcast %get3A_1084 : vector<16xi32> -> vector<16xf32>
        %shift_left3A_1094 = arith.constant 16 : i32
        %shift_left3A_1095 = vector.broadcast %shift_left3A_1094 : i32 to vector<16xi32>
        %shift_left3A_1096 = arith.shli %get3A_1088, %shift_left3A_1095 : vector<16xi32>
        %bitcast_convert_type3A_1097 = tpu.bitcast %shift_left3A_1096 : vector<16xi32> -> vector<16xf32>
        %bitcast_convert_type3A_1098 = tpu.bitcast %get3A_1088 : vector<16xi32> -> vector<16xf32>
        %mul3A_1099 = arith.mulf %bitcast_convert_type3A_1092, %bitcast_convert_type3A_1097 : vector<16xf32>
        %mul3A_1100 = arith.mulf %bitcast_convert_type3A_1093, %bitcast_convert_type3A_1098 : vector<16xf32>
        %add3A_1101 = arith.addf %mul3A_1099, %mul3A_1100 : vector<16xf32>
        %get3A_1102 = arith.index_cast %add3A_1080 : i32 to index
        %get3A_1103 = arith.constant 16 : index
        %get3A_1104 = tpu.vector_load %arg9[%get3A_1102, %get3A_1103] {strides = array<i32>} : memref<128x64xi32, #tpu.memory_space<vmem>>, vector<1x16xi32>,
        %get3A_1105 = vector.shape_cast %get3A_1104 : vector<1x16xi32> to vector<16xi32>
        %get3A_1106 = arith.index_cast %add3A_1080 : i32 to index
        %get3A_1107 = arith.constant 16 : index
        %get3A_1108 = tpu.vector_load %arg10[%get3A_1106, %get3A_1107] {strides = array<i32>} : memref<128x64xi32, #tpu.memory_space<vmem>>, vector<1x16xi32>,
        %get3A_1109 = vector.shape_cast %get3A_1108 : vector<1x16xi32> to vector<16xi32>
        %shift_left3A_1110 = arith.constant 16 : i32
        %shift_left3A_1111 = vector.broadcast %shift_left3A_1110 : i32 to vector<16xi32>
        %shift_left3A_1112 = arith.shli %get3A_1105, %shift_left3A_1111 : vector<16xi32>
        %bitcast_convert_type3A_1113 = tpu.bitcast %shift_left3A_1112 : vector<16xi32> -> vector<16xf32>
        %bitcast_convert_type3A_1114 = tpu.bitcast %get3A_1105 : vector<16xi32> -> vector<16xf32>
        %shift_left3A_1115 = arith.constant 16 : i32
        %shift_left3A_1116 = vector.broadcast %shift_left3A_1115 : i32 to vector<16xi32>
        %shift_left3A_1117 = arith.shli %get3A_1109, %shift_left3A_1116 : vector<16xi32>
        %bitcast_convert_type3A_1118 = tpu.bitcast %shift_left3A_1117 : vector<16xi32> -> vector<16xf32>
        %bitcast_convert_type3A_1119 = tpu.bitcast %get3A_1109 : vector<16xi32> -> vector<16xf32>
        %mul3A_1120 = arith.mulf %bitcast_convert_type3A_1113, %bitcast_convert_type3A_1118 : vector<16xf32>
        %mul3A_1121 = arith.mulf %bitcast_convert_type3A_1114, %bitcast_convert_type3A_1119 : vector<16xf32>
        %add3A_1122 = arith.addf %mul3A_1120, %mul3A_1121 : vector<16xf32>
        %add3A_1123 = arith.addf %add3A_1101, %add3A_1122 : vector<16xf32>
        %get3A_1124 = arith.index_cast %add3A_1080 : i32 to index
        %get3A_1125 = arith.constant 32 : index
        %get3A_1126 = tpu.vector_load %arg9[%get3A_1124, %get3A_1125] {strides = array<i32>} : memref<128x64xi32, #tpu.memory_space<vmem>>, vector<1x16xi32>,
        %get3A_1127 = vector.shape_cast %get3A_1126 : vector<1x16xi32> to vector<16xi32>
        %get3A_1128 = arith.index_cast %add3A_1080 : i32 to index
        %get3A_1129 = arith.constant 32 : index
        %get3A_1130 = tpu.vector_load %arg10[%get3A_1128, %get3A_1129] {strides = array<i32>} : memref<128x64xi32, #tpu.memory_space<vmem>>, vector<1x16xi32>,
        %get3A_1131 = vector.shape_cast %get3A_1130 : vector<1x16xi32> to vector<16xi32>
        %shift_left3A_1132 = arith.constant 16 : i32
        %shift_left3A_1133 = vector.broadcast %shift_left3A_1132 : i32 to vector<16xi32>
        %shift_left3A_1134 = arith.shli %get3A_1127, %shift_left3A_1133 : vector<16xi32>
        %bitcast_convert_type3A_1135 = tpu.bitcast %shift_left3A_1134 : vector<16xi32> -> vector<16xf32>
        %bitcast_convert_type3A_1136 = tpu.bitcast %get3A_1127 : vector<16xi32> -> vector<16xf32>
        %shift_left3A_1137 = arith.constant 16 : i32
        %shift_left3A_1138 = vector.broadcast %shift_left3A_1137 : i32 to vector<16xi32>
        %shift_left3A_1139 = arith.shli %get3A_1131, %shift_left3A_1138 : vector<16xi32>
        %bitcast_convert_type3A_1140 = tpu.bitcast %shift_left3A_1139 : vector<16xi32> -> vector<16xf32>
        %bitcast_convert_type3A_1141 = tpu.bitcast %get3A_1131 : vector<16xi32> -> vector<16xf32>
        %mul3A_1142 = arith.mulf %bitcast_convert_type3A_1135, %bitcast_convert_type3A_1140 : vector<16xf32>
        %mul3A_1143 = arith.mulf %bitcast_convert_type3A_1136, %bitcast_convert_type3A_1141 : vector<16xf32>
        %add3A_1144 = arith.addf %mul3A_1142, %mul3A_1143 : vector<16xf32>
        %add3A_1145 = arith.addf %add3A_1123, %add3A_1144 : vector<16xf32>
        %get3A_1146 = arith.index_cast %add3A_1080 : i32 to index
        %get3A_1147 = arith.constant 48 : index
        %get3A_1148 = tpu.vector_load %arg9[%get3A_1146, %get3A_1147] {strides = array<i32>} : memref<128x64xi32, #tpu.memory_space<vmem>>, vector<1x16xi32>,
        %get3A_1149 = vector.shape_cast %get3A_1148 : vector<1x16xi32> to vector<16xi32>
        %get3A_1150 = arith.index_cast %add3A_1080 : i32 to index
        %get3A_1151 = arith.constant 48 : index
        %get3A_1152 = tpu.vector_load %arg10[%get3A_1150, %get3A_1151] {strides = array<i32>} : memref<128x64xi32, #tpu.memory_space<vmem>>, vector<1x16xi32>,
        %get3A_1153 = vector.shape_cast %get3A_1152 : vector<1x16xi32> to vector<16xi32>
        %shift_left3A_1154 = arith.constant 16 : i32
        %shift_left3A_1155 = vector.broadcast %shift_left3A_1154 : i32 to vector<16xi32>
        %shift_left3A_1156 = arith.shli %get3A_1149, %shift_left3A_1155 : vector<16xi32>
        %bitcast_convert_type3A_1157 = tpu.bitcast %shift_left3A_1156 : vector<16xi32> -> vector<16xf32>
        %bitcast_convert_type3A_1158 = tpu.bitcast %get3A_1149 : vector<16xi32> -> vector<16xf32>
        %shift_left3A_1159 = arith.constant 16 : i32
        %shift_left3A_1160 = vector.broadcast %shift_left3A_1159 : i32 to vector<16xi32>
        %shift_left3A_1161 = arith.shli %get3A_1153, %shift_left3A_1160 : vector<16xi32>
        %bitcast_convert_type3A_1162 = tpu.bitcast %shift_left3A_1161 : vector<16xi32> -> vector<16xf32>
        %bitcast_convert_type3A_1163 = tpu.bitcast %get3A_1153 : vector<16xi32> -> vector<16xf32>
        %mul3A_1164 = arith.mulf %bitcast_convert_type3A_1157, %bitcast_convert_type3A_1162 : vector<16xf32>
        %mul3A_1165 = arith.mulf %bitcast_convert_type3A_1158, %bitcast_convert_type3A_1163 : vector<16xf32>
        %add3A_1166 = arith.addf %mul3A_1164, %mul3A_1165 : vector<16xf32>
        %add3A_1167 = arith.addf %add3A_1145, %add3A_1166 : vector<16xf32>
        %add3A_1168 = arith.constant 8 : i32
        %add3A_1169 = arith.addi %mul3A_103, %add3A_1168 : i32
        %add3A_1170 = arith.constant 1 : i32
        %add3A_1171 = arith.addi %add3A_1169, %add3A_1170 : i32
        %get3A_1172 = arith.index_cast %add3A_1171 : i32 to index
        %get3A_1173 = arith.constant 0 : index
        %get3A_1174 = tpu.vector_load %arg9[%get3A_1172, %get3A_1173] {strides = array<i32>} : memref<128x64xi32, #tpu.memory_space<vmem>>, vector<1x16xi32>,
        %get3A_1175 = vector.shape_cast %get3A_1174 : vector<1x16xi32> to vector<16xi32>
        %get3A_1176 = arith.index_cast %add3A_1171 : i32 to index
        %get3A_1177 = arith.constant 0 : index
        %get3A_1178 = tpu.vector_load %arg10[%get3A_1176, %get3A_1177] {strides = array<i32>} : memref<128x64xi32, #tpu.memory_space<vmem>>, vector<1x16xi32>,
        %get3A_1179 = vector.shape_cast %get3A_1178 : vector<1x16xi32> to vector<16xi32>
        %shift_left3A_1180 = arith.constant 16 : i32
        %shift_left3A_1181 = vector.broadcast %shift_left3A_1180 : i32 to vector<16xi32>
        %shift_left3A_1182 = arith.shli %get3A_1175, %shift_left3A_1181 : vector<16xi32>
        %bitcast_convert_type3A_1183 = tpu.bitcast %shift_left3A_1182 : vector<16xi32> -> vector<16xf32>
        %bitcast_convert_type3A_1184 = tpu.bitcast %get3A_1175 : vector<16xi32> -> vector<16xf32>
        %shift_left3A_1185 = arith.constant 16 : i32
        %shift_left3A_1186 = vector.broadcast %shift_left3A_1185 : i32 to vector<16xi32>
        %shift_left3A_1187 = arith.shli %get3A_1179, %shift_left3A_1186 : vector<16xi32>
        %bitcast_convert_type3A_1188 = tpu.bitcast %shift_left3A_1187 : vector<16xi32> -> vector<16xf32>
        %bitcast_convert_type3A_1189 = tpu.bitcast %get3A_1179 : vector<16xi32> -> vector<16xf32>
        %mul3A_1190 = arith.mulf %bitcast_convert_type3A_1183, %bitcast_convert_type3A_1188 : vector<16xf32>
        %mul3A_1191 = arith.mulf %bitcast_convert_type3A_1184, %bitcast_convert_type3A_1189 : vector<16xf32>
        %add3A_1192 = arith.addf %mul3A_1190, %mul3A_1191 : vector<16xf32>
        %get3A_1193 = arith.index_cast %add3A_1171 : i32 to index
        %get3A_1194 = arith.constant 16 : index
        %get3A_1195 = tpu.vector_load %arg9[%get3A_1193, %get3A_1194] {strides = array<i32>} : memref<128x64xi32, #tpu.memory_space<vmem>>, vector<1x16xi32>,
        %get3A_1196 = vector.shape_cast %get3A_1195 : vector<1x16xi32> to vector<16xi32>
        %get3A_1197 = arith.index_cast %add3A_1171 : i32 to index
        %get3A_1198 = arith.constant 16 : index
        %get3A_1199 = tpu.vector_load %arg10[%get3A_1197, %get3A_1198] {strides = array<i32>} : memref<128x64xi32, #tpu.memory_space<vmem>>, vector<1x16xi32>,
        %get3A_1200 = vector.shape_cast %get3A_1199 : vector<1x16xi32> to vector<16xi32>
        %shift_left3A_1201 = arith.constant 16 : i32
        %shift_left3A_1202 = vector.broadcast %shift_left3A_1201 : i32 to vector<16xi32>
        %shift_left3A_1203 = arith.shli %get3A_1196, %shift_left3A_1202 : vector<16xi32>
        %bitcast_convert_type3A_1204 = tpu.bitcast %shift_left3A_1203 : vector<16xi32> -> vector<16xf32>
        %bitcast_convert_type3A_1205 = tpu.bitcast %get3A_1196 : vector<16xi32> -> vector<16xf32>
        %shift_left3A_1206 = arith.constant 16 : i32
        %shift_left3A_1207 = vector.broadcast %shift_left3A_1206 : i32 to vector<16xi32>
        %shift_left3A_1208 = arith.shli %get3A_1200, %shift_left3A_1207 : vector<16xi32>
        %bitcast_convert_type3A_1209 = tpu.bitcast %shift_left3A_1208 : vector<16xi32> -> vector<16xf32>
        %bitcast_convert_type3A_1210 = tpu.bitcast %get3A_1200 : vector<16xi32> -> vector<16xf32>
        %mul3A_1211 = arith.mulf %bitcast_convert_type3A_1204, %bitcast_convert_type3A_1209 : vector<16xf32>
        %mul3A_1212 = arith.mulf %bitcast_convert_type3A_1205, %bitcast_convert_type3A_1210 : vector<16xf32>
        %add3A_1213 = arith.addf %mul3A_1211, %mul3A_1212 : vector<16xf32>
        %add3A_1214 = arith.addf %add3A_1192, %add3A_1213 : vector<16xf32>
        %get3A_1215 = arith.index_cast %add3A_1171 : i32 to index
        %get3A_1216 = arith.constant 32 : index
        %get3A_1217 = tpu.vector_load %arg9[%get3A_1215, %get3A_1216] {strides = array<i32>} : memref<128x64xi32, #tpu.memory_space<vmem>>, vector<1x16xi32>,
        %get3A_1218 = vector.shape_cast %get3A_1217 : vector<1x16xi32> to vector<16xi32>
        %get3A_1219 = arith.index_cast %add3A_1171 : i32 to index
        %get3A_1220 = arith.constant 32 : index
        %get3A_1221 = tpu.vector_load %arg10[%get3A_1219, %get3A_1220] {strides = array<i32>} : memref<128x64xi32, #tpu.memory_space<vmem>>, vector<1x16xi32>,
        %get3A_1222 = vector.shape_cast %get3A_1221 : vector<1x16xi32> to vector<16xi32>
        %shift_left3A_1223 = arith.constant 16 : i32
        %shift_left3A_1224 = vector.broadcast %shift_left3A_1223 : i32 to vector<16xi32>
        %shift_left3A_1225 = arith.shli %get3A_1218, %shift_left3A_1224 : vector<16xi32>
        %bitcast_convert_type3A_1226 = tpu.bitcast %shift_left3A_1225 : vector<16xi32> -> vector<16xf32>
        %bitcast_convert_type3A_1227 = tpu.bitcast %get3A_1218 : vector<16xi32> -> vector<16xf32>
        %shift_left3A_1228 = arith.constant 16 : i32
        %shift_left3A_1229 = vector.broadcast %shift_left3A_1228 : i32 to vector<16xi32>
        %shift_left3A_1230 = arith.shli %get3A_1222, %shift_left3A_1229 : vector<16xi32>
        %bitcast_convert_type3A_1231 = tpu.bitcast %shift_left3A_1230 : vector<16xi32> -> vector<16xf32>
        %bitcast_convert_type3A_1232 = tpu.bitcast %get3A_1222 : vector<16xi32> -> vector<16xf32>
        %mul3A_1233 = arith.mulf %bitcast_convert_type3A_1226, %bitcast_convert_type3A_1231 : vector<16xf32>
        %mul3A_1234 = arith.mulf %bitcast_convert_type3A_1227, %bitcast_convert_type3A_1232 : vector<16xf32>
        %add3A_1235 = arith.addf %mul3A_1233, %mul3A_1234 : vector<16xf32>
        %add3A_1236 = arith.addf %add3A_1214, %add3A_1235 : vector<16xf32>
        %get3A_1237 = arith.index_cast %add3A_1171 : i32 to index
        %get3A_1238 = arith.constant 48 : index
        %get3A_1239 = tpu.vector_load %arg9[%get3A_1237, %get3A_1238] {strides = array<i32>} : memref<128x64xi32, #tpu.memory_space<vmem>>, vector<1x16xi32>,
        %get3A_1240 = vector.shape_cast %get3A_1239 : vector<1x16xi32> to vector<16xi32>
        %get3A_1241 = arith.index_cast %add3A_1171 : i32 to index
        %get3A_1242 = arith.constant 48 : index
        %get3A_1243 = tpu.vector_load %arg10[%get3A_1241, %get3A_1242] {strides = array<i32>} : memref<128x64xi32, #tpu.memory_space<vmem>>, vector<1x16xi32>,
        %get3A_1244 = vector.shape_cast %get3A_1243 : vector<1x16xi32> to vector<16xi32>
        %shift_left3A_1245 = arith.constant 16 : i32
        %shift_left3A_1246 = vector.broadcast %shift_left3A_1245 : i32 to vector<16xi32>
        %shift_left3A_1247 = arith.shli %get3A_1240, %shift_left3A_1246 : vector<16xi32>
        %bitcast_convert_type3A_1248 = tpu.bitcast %shift_left3A_1247 : vector<16xi32> -> vector<16xf32>
        %bitcast_convert_type3A_1249 = tpu.bitcast %get3A_1240 : vector<16xi32> -> vector<16xf32>
        %shift_left3A_1250 = arith.constant 16 : i32
        %shift_left3A_1251 = vector.broadcast %shift_left3A_1250 : i32 to vector<16xi32>
        %shift_left3A_1252 = arith.shli %get3A_1244, %shift_left3A_1251 : vector<16xi32>
        %bitcast_convert_type3A_1253 = tpu.bitcast %shift_left3A_1252 : vector<16xi32> -> vector<16xf32>
        %bitcast_convert_type3A_1254 = tpu.bitcast %get3A_1244 : vector<16xi32> -> vector<16xf32>
        %mul3A_1255 = arith.mulf %bitcast_convert_type3A_1248, %bitcast_convert_type3A_1253 : vector<16xf32>
        %mul3A_1256 = arith.mulf %bitcast_convert_type3A_1249, %bitcast_convert_type3A_1254 : vector<16xf32>
        %add3A_1257 = arith.addf %mul3A_1255, %mul3A_1256 : vector<16xf32>
        %add3A_1258 = arith.addf %add3A_1236, %add3A_1257 : vector<16xf32>
        %shift_right_arithmetic3A_1259 = arith.constant 0 : i32
        %shift_right_arithmetic3A_1260 = vector.broadcast %shift_right_arithmetic3A_1259 : i32 to vector<16xi32>
        %shift_right_arithmetic3A_1261 = arith.shrsi %iota3A, %shift_right_arithmetic3A_1260 : vector<16xi32>
        %and3A_1262 = arith.constant 1 : i32
        %and3A_1263 = vector.broadcast %and3A_1262 : i32 to vector<16xi32>
        %and3A_1264 = arith.andi %shift_right_arithmetic3A_1261, %and3A_1263 : vector<16xi32>
        %xor3A_1265 = arith.constant 1 : i32
        %xor3A_1266 = vector.broadcast %xor3A_1265 : i32 to vector<16xi32>
        %xor3A_1267 = arith.xori %iota3A, %xor3A_1266 : vector<16xi32>
        %lt3A_1268 = arith.constant 0 : i32
        %lt3A_1269 = vector.broadcast %lt3A_1268 : i32 to vector<16xi32>
        %lt3A_1270 = arith.cmpi slt, %xor3A_1267, %lt3A_1269 : vector<16xi32>
        %add3A_1271 = arith.constant 16 : i32
        %add3A_1272 = vector.broadcast %add3A_1271 : i32 to vector<16xi32>
        %add3A_1273 = arith.addi %xor3A_1267, %add3A_1272 : vector<16xi32>
        %select_n3A_1274 = arith.select %lt3A_1270, %add3A_1273, %xor3A_1267 : vector<16xi1>, vector<16xi32>
        %broadcast_in_dim3A_1275 = vector.shape_cast %select_n3A_1274 : vector<16xi32> to vector<16x1xi32>
        %gather3A_1276 = vector.shape_cast %broadcast_in_dim3A_1275 : vector<16x1xi32> to vector<16xi32>
        %gather3A_1277 = tpu.dynamic_gather %add3A_1167[%gather3A_1276] in [0] : vector<16xf32>, vector<16xi32> -> vector<16xf32>
        %add3A_1278 = arith.addf %add3A_1167, %gather3A_1277 : vector<16xf32>
        %xor3A_1279 = arith.constant 1 : i32
        %xor3A_1280 = vector.broadcast %xor3A_1279 : i32 to vector<16xi32>
        %xor3A_1281 = arith.xori %iota3A, %xor3A_1280 : vector<16xi32>
        %lt3A_1282 = arith.constant 0 : i32
        %lt3A_1283 = vector.broadcast %lt3A_1282 : i32 to vector<16xi32>
        %lt3A_1284 = arith.cmpi slt, %xor3A_1281, %lt3A_1283 : vector<16xi32>
        %add3A_1285 = arith.constant 16 : i32
        %add3A_1286 = vector.broadcast %add3A_1285 : i32 to vector<16xi32>
        %add3A_1287 = arith.addi %xor3A_1281, %add3A_1286 : vector<16xi32>
        %select_n3A_1288 = arith.select %lt3A_1284, %add3A_1287, %xor3A_1281 : vector<16xi1>, vector<16xi32>
        %broadcast_in_dim3A_1289 = vector.shape_cast %select_n3A_1288 : vector<16xi32> to vector<16x1xi32>
        %gather3A_1290 = vector.shape_cast %broadcast_in_dim3A_1289 : vector<16x1xi32> to vector<16xi32>
        %gather3A_1291 = tpu.dynamic_gather %add3A_1258[%gather3A_1290] in [0] : vector<16xf32>, vector<16xi32> -> vector<16xf32>
        %add3A_1292 = arith.addf %add3A_1258, %gather3A_1291 : vector<16xf32>
        %eq3A_1293 = arith.constant 0 : i32
        %eq3A_1294 = vector.broadcast %eq3A_1293 : i32 to vector<16xi32>
        %eq3A_1295 = arith.cmpi eq, %and3A_1264, %eq3A_1294 : vector<16xi32>
        %select_n3A_1296 = arith.select %eq3A_1295, %add3A_1278, %add3A_1292 : vector<16xi1>, vector<16xf32>
        %add3A_1297 = arith.constant 10 : i32
        %add3A_1298 = arith.addi %mul3A_103, %add3A_1297 : i32
        %get3A_1299 = arith.index_cast %add3A_1298 : i32 to index
        %get3A_1300 = arith.constant 0 : index
        %get3A_1301 = tpu.vector_load %arg9[%get3A_1299, %get3A_1300] {strides = array<i32>} : memref<128x64xi32, #tpu.memory_space<vmem>>, vector<1x16xi32>,
        %get3A_1302 = vector.shape_cast %get3A_1301 : vector<1x16xi32> to vector<16xi32>
        %get3A_1303 = arith.index_cast %add3A_1298 : i32 to index
        %get3A_1304 = arith.constant 0 : index
        %get3A_1305 = tpu.vector_load %arg10[%get3A_1303, %get3A_1304] {strides = array<i32>} : memref<128x64xi32, #tpu.memory_space<vmem>>, vector<1x16xi32>,
        %get3A_1306 = vector.shape_cast %get3A_1305 : vector<1x16xi32> to vector<16xi32>
        %shift_left3A_1307 = arith.constant 16 : i32
        %shift_left3A_1308 = vector.broadcast %shift_left3A_1307 : i32 to vector<16xi32>
        %shift_left3A_1309 = arith.shli %get3A_1302, %shift_left3A_1308 : vector<16xi32>
        %bitcast_convert_type3A_1310 = tpu.bitcast %shift_left3A_1309 : vector<16xi32> -> vector<16xf32>
        %bitcast_convert_type3A_1311 = tpu.bitcast %get3A_1302 : vector<16xi32> -> vector<16xf32>
        %shift_left3A_1312 = arith.constant 16 : i32
        %shift_left3A_1313 = vector.broadcast %shift_left3A_1312 : i32 to vector<16xi32>
        %shift_left3A_1314 = arith.shli %get3A_1306, %shift_left3A_1313 : vector<16xi32>
        %bitcast_convert_type3A_1315 = tpu.bitcast %shift_left3A_1314 : vector<16xi32> -> vector<16xf32>
        %bitcast_convert_type3A_1316 = tpu.bitcast %get3A_1306 : vector<16xi32> -> vector<16xf32>
        %mul3A_1317 = arith.mulf %bitcast_convert_type3A_1310, %bitcast_convert_type3A_1315 : vector<16xf32>
        %mul3A_1318 = arith.mulf %bitcast_convert_type3A_1311, %bitcast_convert_type3A_1316 : vector<16xf32>
        %add3A_1319 = arith.addf %mul3A_1317, %mul3A_1318 : vector<16xf32>
        %get3A_1320 = arith.index_cast %add3A_1298 : i32 to index
        %get3A_1321 = arith.constant 16 : index
        %get3A_1322 = tpu.vector_load %arg9[%get3A_1320, %get3A_1321] {strides = array<i32>} : memref<128x64xi32, #tpu.memory_space<vmem>>, vector<1x16xi32>,
        %get3A_1323 = vector.shape_cast %get3A_1322 : vector<1x16xi32> to vector<16xi32>
        %get3A_1324 = arith.index_cast %add3A_1298 : i32 to index
        %get3A_1325 = arith.constant 16 : index
        %get3A_1326 = tpu.vector_load %arg10[%get3A_1324, %get3A_1325] {strides = array<i32>} : memref<128x64xi32, #tpu.memory_space<vmem>>, vector<1x16xi32>,
        %get3A_1327 = vector.shape_cast %get3A_1326 : vector<1x16xi32> to vector<16xi32>
        %shift_left3A_1328 = arith.constant 16 : i32
        %shift_left3A_1329 = vector.broadcast %shift_left3A_1328 : i32 to vector<16xi32>
        %shift_left3A_1330 = arith.shli %get3A_1323, %shift_left3A_1329 : vector<16xi32>
        %bitcast_convert_type3A_1331 = tpu.bitcast %shift_left3A_1330 : vector<16xi32> -> vector<16xf32>
        %bitcast_convert_type3A_1332 = tpu.bitcast %get3A_1323 : vector<16xi32> -> vector<16xf32>
        %shift_left3A_1333 = arith.constant 16 : i32
        %shift_left3A_1334 = vector.broadcast %shift_left3A_1333 : i32 to vector<16xi32>
        %shift_left3A_1335 = arith.shli %get3A_1327, %shift_left3A_1334 : vector<16xi32>
        %bitcast_convert_type3A_1336 = tpu.bitcast %shift_left3A_1335 : vector<16xi32> -> vector<16xf32>
        %bitcast_convert_type3A_1337 = tpu.bitcast %get3A_1327 : vector<16xi32> -> vector<16xf32>
        %mul3A_1338 = arith.mulf %bitcast_convert_type3A_1331, %bitcast_convert_type3A_1336 : vector<16xf32>
        %mul3A_1339 = arith.mulf %bitcast_convert_type3A_1332, %bitcast_convert_type3A_1337 : vector<16xf32>
        %add3A_1340 = arith.addf %mul3A_1338, %mul3A_1339 : vector<16xf32>
        %add3A_1341 = arith.addf %add3A_1319, %add3A_1340 : vector<16xf32>
        %get3A_1342 = arith.index_cast %add3A_1298 : i32 to index
        %get3A_1343 = arith.constant 32 : index
        %get3A_1344 = tpu.vector_load %arg9[%get3A_1342, %get3A_1343] {strides = array<i32>} : memref<128x64xi32, #tpu.memory_space<vmem>>, vector<1x16xi32>,
        %get3A_1345 = vector.shape_cast %get3A_1344 : vector<1x16xi32> to vector<16xi32>
        %get3A_1346 = arith.index_cast %add3A_1298 : i32 to index
        %get3A_1347 = arith.constant 32 : index
        %get3A_1348 = tpu.vector_load %arg10[%get3A_1346, %get3A_1347] {strides = array<i32>} : memref<128x64xi32, #tpu.memory_space<vmem>>, vector<1x16xi32>,
        %get3A_1349 = vector.shape_cast %get3A_1348 : vector<1x16xi32> to vector<16xi32>
        %shift_left3A_1350 = arith.constant 16 : i32
        %shift_left3A_1351 = vector.broadcast %shift_left3A_1350 : i32 to vector<16xi32>
        %shift_left3A_1352 = arith.shli %get3A_1345, %shift_left3A_1351 : vector<16xi32>
        %bitcast_convert_type3A_1353 = tpu.bitcast %shift_left3A_1352 : vector<16xi32> -> vector<16xf32>
        %bitcast_convert_type3A_1354 = tpu.bitcast %get3A_1345 : vector<16xi32> -> vector<16xf32>
        %shift_left3A_1355 = arith.constant 16 : i32
        %shift_left3A_1356 = vector.broadcast %shift_left3A_1355 : i32 to vector<16xi32>
        %shift_left3A_1357 = arith.shli %get3A_1349, %shift_left3A_1356 : vector<16xi32>
        %bitcast_convert_type3A_1358 = tpu.bitcast %shift_left3A_1357 : vector<16xi32> -> vector<16xf32>
        %bitcast_convert_type3A_1359 = tpu.bitcast %get3A_1349 : vector<16xi32> -> vector<16xf32>
        %mul3A_1360 = arith.mulf %bitcast_convert_type3A_1353, %bitcast_convert_type3A_1358 : vector<16xf32>
        %mul3A_1361 = arith.mulf %bitcast_convert_type3A_1354, %bitcast_convert_type3A_1359 : vector<16xf32>
        %add3A_1362 = arith.addf %mul3A_1360, %mul3A_1361 : vector<16xf32>
        %add3A_1363 = arith.addf %add3A_1341, %add3A_1362 : vector<16xf32>
        %get3A_1364 = arith.index_cast %add3A_1298 : i32 to index
        %get3A_1365 = arith.constant 48 : index
        %get3A_1366 = tpu.vector_load %arg9[%get3A_1364, %get3A_1365] {strides = array<i32>} : memref<128x64xi32, #tpu.memory_space<vmem>>, vector<1x16xi32>,
        %get3A_1367 = vector.shape_cast %get3A_1366 : vector<1x16xi32> to vector<16xi32>
        %get3A_1368 = arith.index_cast %add3A_1298 : i32 to index
        %get3A_1369 = arith.constant 48 : index
        %get3A_1370 = tpu.vector_load %arg10[%get3A_1368, %get3A_1369] {strides = array<i32>} : memref<128x64xi32, #tpu.memory_space<vmem>>, vector<1x16xi32>,
        %get3A_1371 = vector.shape_cast %get3A_1370 : vector<1x16xi32> to vector<16xi32>
        %shift_left3A_1372 = arith.constant 16 : i32
        %shift_left3A_1373 = vector.broadcast %shift_left3A_1372 : i32 to vector<16xi32>
        %shift_left3A_1374 = arith.shli %get3A_1367, %shift_left3A_1373 : vector<16xi32>
        %bitcast_convert_type3A_1375 = tpu.bitcast %shift_left3A_1374 : vector<16xi32> -> vector<16xf32>
        %bitcast_convert_type3A_1376 = tpu.bitcast %get3A_1367 : vector<16xi32> -> vector<16xf32>
        %shift_left3A_1377 = arith.constant 16 : i32
        %shift_left3A_1378 = vector.broadcast %shift_left3A_1377 : i32 to vector<16xi32>
        %shift_left3A_1379 = arith.shli %get3A_1371, %shift_left3A_1378 : vector<16xi32>
        %bitcast_convert_type3A_1380 = tpu.bitcast %shift_left3A_1379 : vector<16xi32> -> vector<16xf32>
        %bitcast_convert_type3A_1381 = tpu.bitcast %get3A_1371 : vector<16xi32> -> vector<16xf32>
        %mul3A_1382 = arith.mulf %bitcast_convert_type3A_1375, %bitcast_convert_type3A_1380 : vector<16xf32>
        %mul3A_1383 = arith.mulf %bitcast_convert_type3A_1376, %bitcast_convert_type3A_1381 : vector<16xf32>
        %add3A_1384 = arith.addf %mul3A_1382, %mul3A_1383 : vector<16xf32>
        %add3A_1385 = arith.addf %add3A_1363, %add3A_1384 : vector<16xf32>
        %add3A_1386 = arith.constant 10 : i32
        %add3A_1387 = arith.addi %mul3A_103, %add3A_1386 : i32
        %add3A_1388 = arith.constant 1 : i32
        %add3A_1389 = arith.addi %add3A_1387, %add3A_1388 : i32
        %get3A_1390 = arith.index_cast %add3A_1389 : i32 to index
        %get3A_1391 = arith.constant 0 : index
        %get3A_1392 = tpu.vector_load %arg9[%get3A_1390, %get3A_1391] {strides = array<i32>} : memref<128x64xi32, #tpu.memory_space<vmem>>, vector<1x16xi32>,
        %get3A_1393 = vector.shape_cast %get3A_1392 : vector<1x16xi32> to vector<16xi32>
        %get3A_1394 = arith.index_cast %add3A_1389 : i32 to index
        %get3A_1395 = arith.constant 0 : index
        %get3A_1396 = tpu.vector_load %arg10[%get3A_1394, %get3A_1395] {strides = array<i32>} : memref<128x64xi32, #tpu.memory_space<vmem>>, vector<1x16xi32>,
        %get3A_1397 = vector.shape_cast %get3A_1396 : vector<1x16xi32> to vector<16xi32>
        %shift_left3A_1398 = arith.constant 16 : i32
        %shift_left3A_1399 = vector.broadcast %shift_left3A_1398 : i32 to vector<16xi32>
        %shift_left3A_1400 = arith.shli %get3A_1393, %shift_left3A_1399 : vector<16xi32>
        %bitcast_convert_type3A_1401 = tpu.bitcast %shift_left3A_1400 : vector<16xi32> -> vector<16xf32>
        %bitcast_convert_type3A_1402 = tpu.bitcast %get3A_1393 : vector<16xi32> -> vector<16xf32>
        %shift_left3A_1403 = arith.constant 16 : i32
        %shift_left3A_1404 = vector.broadcast %shift_left3A_1403 : i32 to vector<16xi32>
        %shift_left3A_1405 = arith.shli %get3A_1397, %shift_left3A_1404 : vector<16xi32>
        %bitcast_convert_type3A_1406 = tpu.bitcast %shift_left3A_1405 : vector<16xi32> -> vector<16xf32>
        %bitcast_convert_type3A_1407 = tpu.bitcast %get3A_1397 : vector<16xi32> -> vector<16xf32>
        %mul3A_1408 = arith.mulf %bitcast_convert_type3A_1401, %bitcast_convert_type3A_1406 : vector<16xf32>
        %mul3A_1409 = arith.mulf %bitcast_convert_type3A_1402, %bitcast_convert_type3A_1407 : vector<16xf32>
        %add3A_1410 = arith.addf %mul3A_1408, %mul3A_1409 : vector<16xf32>
        %get3A_1411 = arith.index_cast %add3A_1389 : i32 to index
        %get3A_1412 = arith.constant 16 : index
        %get3A_1413 = tpu.vector_load %arg9[%get3A_1411, %get3A_1412] {strides = array<i32>} : memref<128x64xi32, #tpu.memory_space<vmem>>, vector<1x16xi32>,
        %get3A_1414 = vector.shape_cast %get3A_1413 : vector<1x16xi32> to vector<16xi32>
        %get3A_1415 = arith.index_cast %add3A_1389 : i32 to index
        %get3A_1416 = arith.constant 16 : index
        %get3A_1417 = tpu.vector_load %arg10[%get3A_1415, %get3A_1416] {strides = array<i32>} : memref<128x64xi32, #tpu.memory_space<vmem>>, vector<1x16xi32>,
        %get3A_1418 = vector.shape_cast %get3A_1417 : vector<1x16xi32> to vector<16xi32>
        %shift_left3A_1419 = arith.constant 16 : i32
        %shift_left3A_1420 = vector.broadcast %shift_left3A_1419 : i32 to vector<16xi32>
        %shift_left3A_1421 = arith.shli %get3A_1414, %shift_left3A_1420 : vector<16xi32>
        %bitcast_convert_type3A_1422 = tpu.bitcast %shift_left3A_1421 : vector<16xi32> -> vector<16xf32>
        %bitcast_convert_type3A_1423 = tpu.bitcast %get3A_1414 : vector<16xi32> -> vector<16xf32>
        %shift_left3A_1424 = arith.constant 16 : i32
        %shift_left3A_1425 = vector.broadcast %shift_left3A_1424 : i32 to vector<16xi32>
        %shift_left3A_1426 = arith.shli %get3A_1418, %shift_left3A_1425 : vector<16xi32>
        %bitcast_convert_type3A_1427 = tpu.bitcast %shift_left3A_1426 : vector<16xi32> -> vector<16xf32>
        %bitcast_convert_type3A_1428 = tpu.bitcast %get3A_1418 : vector<16xi32> -> vector<16xf32>
        %mul3A_1429 = arith.mulf %bitcast_convert_type3A_1422, %bitcast_convert_type3A_1427 : vector<16xf32>
        %mul3A_1430 = arith.mulf %bitcast_convert_type3A_1423, %bitcast_convert_type3A_1428 : vector<16xf32>
        %add3A_1431 = arith.addf %mul3A_1429, %mul3A_1430 : vector<16xf32>
        %add3A_1432 = arith.addf %add3A_1410, %add3A_1431 : vector<16xf32>
        %get3A_1433 = arith.index_cast %add3A_1389 : i32 to index
        %get3A_1434 = arith.constant 32 : index
        %get3A_1435 = tpu.vector_load %arg9[%get3A_1433, %get3A_1434] {strides = array<i32>} : memref<128x64xi32, #tpu.memory_space<vmem>>, vector<1x16xi32>,
        %get3A_1436 = vector.shape_cast %get3A_1435 : vector<1x16xi32> to vector<16xi32>
        %get3A_1437 = arith.index_cast %add3A_1389 : i32 to index
        %get3A_1438 = arith.constant 32 : index
        %get3A_1439 = tpu.vector_load %arg10[%get3A_1437, %get3A_1438] {strides = array<i32>} : memref<128x64xi32, #tpu.memory_space<vmem>>, vector<1x16xi32>,
        %get3A_1440 = vector.shape_cast %get3A_1439 : vector<1x16xi32> to vector<16xi32>
        %shift_left3A_1441 = arith.constant 16 : i32
        %shift_left3A_1442 = vector.broadcast %shift_left3A_1441 : i32 to vector<16xi32>
        %shift_left3A_1443 = arith.shli %get3A_1436, %shift_left3A_1442 : vector<16xi32>
        %bitcast_convert_type3A_1444 = tpu.bitcast %shift_left3A_1443 : vector<16xi32> -> vector<16xf32>
        %bitcast_convert_type3A_1445 = tpu.bitcast %get3A_1436 : vector<16xi32> -> vector<16xf32>
        %shift_left3A_1446 = arith.constant 16 : i32
        %shift_left3A_1447 = vector.broadcast %shift_left3A_1446 : i32 to vector<16xi32>
        %shift_left3A_1448 = arith.shli %get3A_1440, %shift_left3A_1447 : vector<16xi32>
        %bitcast_convert_type3A_1449 = tpu.bitcast %shift_left3A_1448 : vector<16xi32> -> vector<16xf32>
        %bitcast_convert_type3A_1450 = tpu.bitcast %get3A_1440 : vector<16xi32> -> vector<16xf32>
        %mul3A_1451 = arith.mulf %bitcast_convert_type3A_1444, %bitcast_convert_type3A_1449 : vector<16xf32>
        %mul3A_1452 = arith.mulf %bitcast_convert_type3A_1445, %bitcast_convert_type3A_1450 : vector<16xf32>
        %add3A_1453 = arith.addf %mul3A_1451, %mul3A_1452 : vector<16xf32>
        %add3A_1454 = arith.addf %add3A_1432, %add3A_1453 : vector<16xf32>
        %get3A_1455 = arith.index_cast %add3A_1389 : i32 to index
        %get3A_1456 = arith.constant 48 : index
        %get3A_1457 = tpu.vector_load %arg9[%get3A_1455, %get3A_1456] {strides = array<i32>} : memref<128x64xi32, #tpu.memory_space<vmem>>, vector<1x16xi32>,
        %get3A_1458 = vector.shape_cast %get3A_1457 : vector<1x16xi32> to vector<16xi32>
        %get3A_1459 = arith.index_cast %add3A_1389 : i32 to index
        %get3A_1460 = arith.constant 48 : index
        %get3A_1461 = tpu.vector_load %arg10[%get3A_1459, %get3A_1460] {strides = array<i32>} : memref<128x64xi32, #tpu.memory_space<vmem>>, vector<1x16xi32>,
        %get3A_1462 = vector.shape_cast %get3A_1461 : vector<1x16xi32> to vector<16xi32>
        %shift_left3A_1463 = arith.constant 16 : i32
        %shift_left3A_1464 = vector.broadcast %shift_left3A_1463 : i32 to vector<16xi32>
        %shift_left3A_1465 = arith.shli %get3A_1458, %shift_left3A_1464 : vector<16xi32>
        %bitcast_convert_type3A_1466 = tpu.bitcast %shift_left3A_1465 : vector<16xi32> -> vector<16xf32>
        %bitcast_convert_type3A_1467 = tpu.bitcast %get3A_1458 : vector<16xi32> -> vector<16xf32>
        %shift_left3A_1468 = arith.constant 16 : i32
        %shift_left3A_1469 = vector.broadcast %shift_left3A_1468 : i32 to vector<16xi32>
        %shift_left3A_1470 = arith.shli %get3A_1462, %shift_left3A_1469 : vector<16xi32>
        %bitcast_convert_type3A_1471 = tpu.bitcast %shift_left3A_1470 : vector<16xi32> -> vector<16xf32>
        %bitcast_convert_type3A_1472 = tpu.bitcast %get3A_1462 : vector<16xi32> -> vector<16xf32>
        %mul3A_1473 = arith.mulf %bitcast_convert_type3A_1466, %bitcast_convert_type3A_1471 : vector<16xf32>
        %mul3A_1474 = arith.mulf %bitcast_convert_type3A_1467, %bitcast_convert_type3A_1472 : vector<16xf32>
        %add3A_1475 = arith.addf %mul3A_1473, %mul3A_1474 : vector<16xf32>
        %add3A_1476 = arith.addf %add3A_1454, %add3A_1475 : vector<16xf32>
        %shift_right_arithmetic3A_1477 = arith.constant 0 : i32
        %shift_right_arithmetic3A_1478 = vector.broadcast %shift_right_arithmetic3A_1477 : i32 to vector<16xi32>
        %shift_right_arithmetic3A_1479 = arith.shrsi %iota3A, %shift_right_arithmetic3A_1478 : vector<16xi32>
        %and3A_1480 = arith.constant 1 : i32
        %and3A_1481 = vector.broadcast %and3A_1480 : i32 to vector<16xi32>
        %and3A_1482 = arith.andi %shift_right_arithmetic3A_1479, %and3A_1481 : vector<16xi32>
        %xor3A_1483 = arith.constant 1 : i32
        %xor3A_1484 = vector.broadcast %xor3A_1483 : i32 to vector<16xi32>
        %xor3A_1485 = arith.xori %iota3A, %xor3A_1484 : vector<16xi32>
        %lt3A_1486 = arith.constant 0 : i32
        %lt3A_1487 = vector.broadcast %lt3A_1486 : i32 to vector<16xi32>
        %lt3A_1488 = arith.cmpi slt, %xor3A_1485, %lt3A_1487 : vector<16xi32>
        %add3A_1489 = arith.constant 16 : i32
        %add3A_1490 = vector.broadcast %add3A_1489 : i32 to vector<16xi32>
        %add3A_1491 = arith.addi %xor3A_1485, %add3A_1490 : vector<16xi32>
        %select_n3A_1492 = arith.select %lt3A_1488, %add3A_1491, %xor3A_1485 : vector<16xi1>, vector<16xi32>
        %broadcast_in_dim3A_1493 = vector.shape_cast %select_n3A_1492 : vector<16xi32> to vector<16x1xi32>
        %gather3A_1494 = vector.shape_cast %broadcast_in_dim3A_1493 : vector<16x1xi32> to vector<16xi32>
        %gather3A_1495 = tpu.dynamic_gather %add3A_1385[%gather3A_1494] in [0] : vector<16xf32>, vector<16xi32> -> vector<16xf32>
        %add3A_1496 = arith.addf %add3A_1385, %gather3A_1495 : vector<16xf32>
        %xor3A_1497 = arith.constant 1 : i32
        %xor3A_1498 = vector.broadcast %xor3A_1497 : i32 to vector<16xi32>
        %xor3A_1499 = arith.xori %iota3A, %xor3A_1498 : vector<16xi32>
        %lt3A_1500 = arith.constant 0 : i32
        %lt3A_1501 = vector.broadcast %lt3A_1500 : i32 to vector<16xi32>
        %lt3A_1502 = arith.cmpi slt, %xor3A_1499, %lt3A_1501 : vector<16xi32>
        %add3A_1503 = arith.constant 16 : i32
        %add3A_1504 = vector.broadcast %add3A_1503 : i32 to vector<16xi32>
        %add3A_1505 = arith.addi %xor3A_1499, %add3A_1504 : vector<16xi32>
        %select_n3A_1506 = arith.select %lt3A_1502, %add3A_1505, %xor3A_1499 : vector<16xi1>, vector<16xi32>
        %broadcast_in_dim3A_1507 = vector.shape_cast %select_n3A_1506 : vector<16xi32> to vector<16x1xi32>
        %gather3A_1508 = vector.shape_cast %broadcast_in_dim3A_1507 : vector<16x1xi32> to vector<16xi32>
        %gather3A_1509 = tpu.dynamic_gather %add3A_1476[%gather3A_1508] in [0] : vector<16xf32>, vector<16xi32> -> vector<16xf32>
        %add3A_1510 = arith.addf %add3A_1476, %gather3A_1509 : vector<16xf32>
        %eq3A_1511 = arith.constant 0 : i32
        %eq3A_1512 = vector.broadcast %eq3A_1511 : i32 to vector<16xi32>
        %eq3A_1513 = arith.cmpi eq, %and3A_1482, %eq3A_1512 : vector<16xi32>
        %select_n3A_1514 = arith.select %eq3A_1513, %add3A_1496, %add3A_1510 : vector<16xi1>, vector<16xf32>
        %shift_right_arithmetic3A_1515 = arith.constant 1 : i32
        %shift_right_arithmetic3A_1516 = vector.broadcast %shift_right_arithmetic3A_1515 : i32 to vector<16xi32>
        %shift_right_arithmetic3A_1517 = arith.shrsi %iota3A, %shift_right_arithmetic3A_1516 : vector<16xi32>
        %and3A_1518 = arith.constant 1 : i32
        %and3A_1519 = vector.broadcast %and3A_1518 : i32 to vector<16xi32>
        %and3A_1520 = arith.andi %shift_right_arithmetic3A_1517, %and3A_1519 : vector<16xi32>
        %xor3A_1521 = arith.constant 2 : i32
        %xor3A_1522 = vector.broadcast %xor3A_1521 : i32 to vector<16xi32>
        %xor3A_1523 = arith.xori %iota3A, %xor3A_1522 : vector<16xi32>
        %lt3A_1524 = arith.constant 0 : i32
        %lt3A_1525 = vector.broadcast %lt3A_1524 : i32 to vector<16xi32>
        %lt3A_1526 = arith.cmpi slt, %xor3A_1523, %lt3A_1525 : vector<16xi32>
        %add3A_1527 = arith.constant 16 : i32
        %add3A_1528 = vector.broadcast %add3A_1527 : i32 to vector<16xi32>
        %add3A_1529 = arith.addi %xor3A_1523, %add3A_1528 : vector<16xi32>
        %select_n3A_1530 = arith.select %lt3A_1526, %add3A_1529, %xor3A_1523 : vector<16xi1>, vector<16xi32>
        %broadcast_in_dim3A_1531 = vector.shape_cast %select_n3A_1530 : vector<16xi32> to vector<16x1xi32>
        %gather3A_1532 = vector.shape_cast %broadcast_in_dim3A_1531 : vector<16x1xi32> to vector<16xi32>
        %gather3A_1533 = tpu.dynamic_gather %select_n3A_1296[%gather3A_1532] in [0] : vector<16xf32>, vector<16xi32> -> vector<16xf32>
        %add3A_1534 = arith.addf %select_n3A_1296, %gather3A_1533 : vector<16xf32>
        %xor3A_1535 = arith.constant 2 : i32
        %xor3A_1536 = vector.broadcast %xor3A_1535 : i32 to vector<16xi32>
        %xor3A_1537 = arith.xori %iota3A, %xor3A_1536 : vector<16xi32>
        %lt3A_1538 = arith.constant 0 : i32
        %lt3A_1539 = vector.broadcast %lt3A_1538 : i32 to vector<16xi32>
        %lt3A_1540 = arith.cmpi slt, %xor3A_1537, %lt3A_1539 : vector<16xi32>
        %add3A_1541 = arith.constant 16 : i32
        %add3A_1542 = vector.broadcast %add3A_1541 : i32 to vector<16xi32>
        %add3A_1543 = arith.addi %xor3A_1537, %add3A_1542 : vector<16xi32>
        %select_n3A_1544 = arith.select %lt3A_1540, %add3A_1543, %xor3A_1537 : vector<16xi1>, vector<16xi32>
        %broadcast_in_dim3A_1545 = vector.shape_cast %select_n3A_1544 : vector<16xi32> to vector<16x1xi32>
        %gather3A_1546 = vector.shape_cast %broadcast_in_dim3A_1545 : vector<16x1xi32> to vector<16xi32>
        %gather3A_1547 = tpu.dynamic_gather %select_n3A_1514[%gather3A_1546] in [0] : vector<16xf32>, vector<16xi32> -> vector<16xf32>
        %add3A_1548 = arith.addf %select_n3A_1514, %gather3A_1547 : vector<16xf32>
        %eq3A_1549 = arith.constant 0 : i32
        %eq3A_1550 = vector.broadcast %eq3A_1549 : i32 to vector<16xi32>
        %eq3A_1551 = arith.cmpi eq, %and3A_1520, %eq3A_1550 : vector<16xi32>
        %select_n3A_1552 = arith.select %eq3A_1551, %add3A_1534, %add3A_1548 : vector<16xi1>, vector<16xf32>
        %add3A_1553 = arith.constant 12 : i32
        %add3A_1554 = arith.addi %mul3A_103, %add3A_1553 : i32
        %get3A_1555 = arith.index_cast %add3A_1554 : i32 to index
        %get3A_1556 = arith.constant 0 : index
        %get3A_1557 = tpu.vector_load %arg9[%get3A_1555, %get3A_1556] {strides = array<i32>} : memref<128x64xi32, #tpu.memory_space<vmem>>, vector<1x16xi32>,
        %get3A_1558 = vector.shape_cast %get3A_1557 : vector<1x16xi32> to vector<16xi32>
        %get3A_1559 = arith.index_cast %add3A_1554 : i32 to index
        %get3A_1560 = arith.constant 0 : index
        %get3A_1561 = tpu.vector_load %arg10[%get3A_1559, %get3A_1560] {strides = array<i32>} : memref<128x64xi32, #tpu.memory_space<vmem>>, vector<1x16xi32>,
        %get3A_1562 = vector.shape_cast %get3A_1561 : vector<1x16xi32> to vector<16xi32>
        %shift_left3A_1563 = arith.constant 16 : i32
        %shift_left3A_1564 = vector.broadcast %shift_left3A_1563 : i32 to vector<16xi32>
        %shift_left3A_1565 = arith.shli %get3A_1558, %shift_left3A_1564 : vector<16xi32>
        %bitcast_convert_type3A_1566 = tpu.bitcast %shift_left3A_1565 : vector<16xi32> -> vector<16xf32>
        %bitcast_convert_type3A_1567 = tpu.bitcast %get3A_1558 : vector<16xi32> -> vector<16xf32>
        %shift_left3A_1568 = arith.constant 16 : i32
        %shift_left3A_1569 = vector.broadcast %shift_left3A_1568 : i32 to vector<16xi32>
        %shift_left3A_1570 = arith.shli %get3A_1562, %shift_left3A_1569 : vector<16xi32>
        %bitcast_convert_type3A_1571 = tpu.bitcast %shift_left3A_1570 : vector<16xi32> -> vector<16xf32>
        %bitcast_convert_type3A_1572 = tpu.bitcast %get3A_1562 : vector<16xi32> -> vector<16xf32>
        %mul3A_1573 = arith.mulf %bitcast_convert_type3A_1566, %bitcast_convert_type3A_1571 : vector<16xf32>
        %mul3A_1574 = arith.mulf %bitcast_convert_type3A_1567, %bitcast_convert_type3A_1572 : vector<16xf32>
        %add3A_1575 = arith.addf %mul3A_1573, %mul3A_1574 : vector<16xf32>
        %get3A_1576 = arith.index_cast %add3A_1554 : i32 to index
        %get3A_1577 = arith.constant 16 : index
        %get3A_1578 = tpu.vector_load %arg9[%get3A_1576, %get3A_1577] {strides = array<i32>} : memref<128x64xi32, #tpu.memory_space<vmem>>, vector<1x16xi32>,
        %get3A_1579 = vector.shape_cast %get3A_1578 : vector<1x16xi32> to vector<16xi32>
        %get3A_1580 = arith.index_cast %add3A_1554 : i32 to index
        %get3A_1581 = arith.constant 16 : index
        %get3A_1582 = tpu.vector_load %arg10[%get3A_1580, %get3A_1581] {strides = array<i32>} : memref<128x64xi32, #tpu.memory_space<vmem>>, vector<1x16xi32>,
        %get3A_1583 = vector.shape_cast %get3A_1582 : vector<1x16xi32> to vector<16xi32>
        %shift_left3A_1584 = arith.constant 16 : i32
        %shift_left3A_1585 = vector.broadcast %shift_left3A_1584 : i32 to vector<16xi32>
        %shift_left3A_1586 = arith.shli %get3A_1579, %shift_left3A_1585 : vector<16xi32>
        %bitcast_convert_type3A_1587 = tpu.bitcast %shift_left3A_1586 : vector<16xi32> -> vector<16xf32>
        %bitcast_convert_type3A_1588 = tpu.bitcast %get3A_1579 : vector<16xi32> -> vector<16xf32>
        %shift_left3A_1589 = arith.constant 16 : i32
        %shift_left3A_1590 = vector.broadcast %shift_left3A_1589 : i32 to vector<16xi32>
        %shift_left3A_1591 = arith.shli %get3A_1583, %shift_left3A_1590 : vector<16xi32>
        %bitcast_convert_type3A_1592 = tpu.bitcast %shift_left3A_1591 : vector<16xi32> -> vector<16xf32>
        %bitcast_convert_type3A_1593 = tpu.bitcast %get3A_1583 : vector<16xi32> -> vector<16xf32>
        %mul3A_1594 = arith.mulf %bitcast_convert_type3A_1587, %bitcast_convert_type3A_1592 : vector<16xf32>
        %mul3A_1595 = arith.mulf %bitcast_convert_type3A_1588, %bitcast_convert_type3A_1593 : vector<16xf32>
        %add3A_1596 = arith.addf %mul3A_1594, %mul3A_1595 : vector<16xf32>
        %add3A_1597 = arith.addf %add3A_1575, %add3A_1596 : vector<16xf32>
        %get3A_1598 = arith.index_cast %add3A_1554 : i32 to index
        %get3A_1599 = arith.constant 32 : index
        %get3A_1600 = tpu.vector_load %arg9[%get3A_1598, %get3A_1599] {strides = array<i32>} : memref<128x64xi32, #tpu.memory_space<vmem>>, vector<1x16xi32>,
        %get3A_1601 = vector.shape_cast %get3A_1600 : vector<1x16xi32> to vector<16xi32>
        %get3A_1602 = arith.index_cast %add3A_1554 : i32 to index
        %get3A_1603 = arith.constant 32 : index
        %get3A_1604 = tpu.vector_load %arg10[%get3A_1602, %get3A_1603] {strides = array<i32>} : memref<128x64xi32, #tpu.memory_space<vmem>>, vector<1x16xi32>,
        %get3A_1605 = vector.shape_cast %get3A_1604 : vector<1x16xi32> to vector<16xi32>
        %shift_left3A_1606 = arith.constant 16 : i32
        %shift_left3A_1607 = vector.broadcast %shift_left3A_1606 : i32 to vector<16xi32>
        %shift_left3A_1608 = arith.shli %get3A_1601, %shift_left3A_1607 : vector<16xi32>
        %bitcast_convert_type3A_1609 = tpu.bitcast %shift_left3A_1608 : vector<16xi32> -> vector<16xf32>
        %bitcast_convert_type3A_1610 = tpu.bitcast %get3A_1601 : vector<16xi32> -> vector<16xf32>
        %shift_left3A_1611 = arith.constant 16 : i32
        %shift_left3A_1612 = vector.broadcast %shift_left3A_1611 : i32 to vector<16xi32>
        %shift_left3A_1613 = arith.shli %get3A_1605, %shift_left3A_1612 : vector<16xi32>
        %bitcast_convert_type3A_1614 = tpu.bitcast %shift_left3A_1613 : vector<16xi32> -> vector<16xf32>
        %bitcast_convert_type3A_1615 = tpu.bitcast %get3A_1605 : vector<16xi32> -> vector<16xf32>
        %mul3A_1616 = arith.mulf %bitcast_convert_type3A_1609, %bitcast_convert_type3A_1614 : vector<16xf32>
        %mul3A_1617 = arith.mulf %bitcast_convert_type3A_1610, %bitcast_convert_type3A_1615 : vector<16xf32>
        %add3A_1618 = arith.addf %mul3A_1616, %mul3A_1617 : vector<16xf32>
        %add3A_1619 = arith.addf %add3A_1597, %add3A_1618 : vector<16xf32>
        %get3A_1620 = arith.index_cast %add3A_1554 : i32 to index
        %get3A_1621 = arith.constant 48 : index
        %get3A_1622 = tpu.vector_load %arg9[%get3A_1620, %get3A_1621] {strides = array<i32>} : memref<128x64xi32, #tpu.memory_space<vmem>>, vector<1x16xi32>,
        %get3A_1623 = vector.shape_cast %get3A_1622 : vector<1x16xi32> to vector<16xi32>
        %get3A_1624 = arith.index_cast %add3A_1554 : i32 to index
        %get3A_1625 = arith.constant 48 : index
        %get3A_1626 = tpu.vector_load %arg10[%get3A_1624, %get3A_1625] {strides = array<i32>} : memref<128x64xi32, #tpu.memory_space<vmem>>, vector<1x16xi32>,
        %get3A_1627 = vector.shape_cast %get3A_1626 : vector<1x16xi32> to vector<16xi32>
        %shift_left3A_1628 = arith.constant 16 : i32
        %shift_left3A_1629 = vector.broadcast %shift_left3A_1628 : i32 to vector<16xi32>
        %shift_left3A_1630 = arith.shli %get3A_1623, %shift_left3A_1629 : vector<16xi32>
        %bitcast_convert_type3A_1631 = tpu.bitcast %shift_left3A_1630 : vector<16xi32> -> vector<16xf32>
        %bitcast_convert_type3A_1632 = tpu.bitcast %get3A_1623 : vector<16xi32> -> vector<16xf32>
        %shift_left3A_1633 = arith.constant 16 : i32
        %shift_left3A_1634 = vector.broadcast %shift_left3A_1633 : i32 to vector<16xi32>
        %shift_left3A_1635 = arith.shli %get3A_1627, %shift_left3A_1634 : vector<16xi32>
        %bitcast_convert_type3A_1636 = tpu.bitcast %shift_left3A_1635 : vector<16xi32> -> vector<16xf32>
        %bitcast_convert_type3A_1637 = tpu.bitcast %get3A_1627 : vector<16xi32> -> vector<16xf32>
        %mul3A_1638 = arith.mulf %bitcast_convert_type3A_1631, %bitcast_convert_type3A_1636 : vector<16xf32>
        %mul3A_1639 = arith.mulf %bitcast_convert_type3A_1632, %bitcast_convert_type3A_1637 : vector<16xf32>
        %add3A_1640 = arith.addf %mul3A_1638, %mul3A_1639 : vector<16xf32>
        %add3A_1641 = arith.addf %add3A_1619, %add3A_1640 : vector<16xf32>
        %add3A_1642 = arith.constant 12 : i32
        %add3A_1643 = arith.addi %mul3A_103, %add3A_1642 : i32
        %add3A_1644 = arith.constant 1 : i32
        %add3A_1645 = arith.addi %add3A_1643, %add3A_1644 : i32
        %get3A_1646 = arith.index_cast %add3A_1645 : i32 to index
        %get3A_1647 = arith.constant 0 : index
        %get3A_1648 = tpu.vector_load %arg9[%get3A_1646, %get3A_1647] {strides = array<i32>} : memref<128x64xi32, #tpu.memory_space<vmem>>, vector<1x16xi32>,
        %get3A_1649 = vector.shape_cast %get3A_1648 : vector<1x16xi32> to vector<16xi32>
        %get3A_1650 = arith.index_cast %add3A_1645 : i32 to index
        %get3A_1651 = arith.constant 0 : index
        %get3A_1652 = tpu.vector_load %arg10[%get3A_1650, %get3A_1651] {strides = array<i32>} : memref<128x64xi32, #tpu.memory_space<vmem>>, vector<1x16xi32>,
        %get3A_1653 = vector.shape_cast %get3A_1652 : vector<1x16xi32> to vector<16xi32>
        %shift_left3A_1654 = arith.constant 16 : i32
        %shift_left3A_1655 = vector.broadcast %shift_left3A_1654 : i32 to vector<16xi32>
        %shift_left3A_1656 = arith.shli %get3A_1649, %shift_left3A_1655 : vector<16xi32>
        %bitcast_convert_type3A_1657 = tpu.bitcast %shift_left3A_1656 : vector<16xi32> -> vector<16xf32>
        %bitcast_convert_type3A_1658 = tpu.bitcast %get3A_1649 : vector<16xi32> -> vector<16xf32>
        %shift_left3A_1659 = arith.constant 16 : i32
        %shift_left3A_1660 = vector.broadcast %shift_left3A_1659 : i32 to vector<16xi32>
        %shift_left3A_1661 = arith.shli %get3A_1653, %shift_left3A_1660 : vector<16xi32>
        %bitcast_convert_type3A_1662 = tpu.bitcast %shift_left3A_1661 : vector<16xi32> -> vector<16xf32>
        %bitcast_convert_type3A_1663 = tpu.bitcast %get3A_1653 : vector<16xi32> -> vector<16xf32>
        %mul3A_1664 = arith.mulf %bitcast_convert_type3A_1657, %bitcast_convert_type3A_1662 : vector<16xf32>
        %mul3A_1665 = arith.mulf %bitcast_convert_type3A_1658, %bitcast_convert_type3A_1663 : vector<16xf32>
        %add3A_1666 = arith.addf %mul3A_1664, %mul3A_1665 : vector<16xf32>
        %get3A_1667 = arith.index_cast %add3A_1645 : i32 to index
        %get3A_1668 = arith.constant 16 : index
        %get3A_1669 = tpu.vector_load %arg9[%get3A_1667, %get3A_1668] {strides = array<i32>} : memref<128x64xi32, #tpu.memory_space<vmem>>, vector<1x16xi32>,
        %get3A_1670 = vector.shape_cast %get3A_1669 : vector<1x16xi32> to vector<16xi32>
        %get3A_1671 = arith.index_cast %add3A_1645 : i32 to index
        %get3A_1672 = arith.constant 16 : index
        %get3A_1673 = tpu.vector_load %arg10[%get3A_1671, %get3A_1672] {strides = array<i32>} : memref<128x64xi32, #tpu.memory_space<vmem>>, vector<1x16xi32>,
        %get3A_1674 = vector.shape_cast %get3A_1673 : vector<1x16xi32> to vector<16xi32>
        %shift_left3A_1675 = arith.constant 16 : i32
        %shift_left3A_1676 = vector.broadcast %shift_left3A_1675 : i32 to vector<16xi32>
        %shift_left3A_1677 = arith.shli %get3A_1670, %shift_left3A_1676 : vector<16xi32>
        %bitcast_convert_type3A_1678 = tpu.bitcast %shift_left3A_1677 : vector<16xi32> -> vector<16xf32>
        %bitcast_convert_type3A_1679 = tpu.bitcast %get3A_1670 : vector<16xi32> -> vector<16xf32>
        %shift_left3A_1680 = arith.constant 16 : i32
        %shift_left3A_1681 = vector.broadcast %shift_left3A_1680 : i32 to vector<16xi32>
        %shift_left3A_1682 = arith.shli %get3A_1674, %shift_left3A_1681 : vector<16xi32>
        %bitcast_convert_type3A_1683 = tpu.bitcast %shift_left3A_1682 : vector<16xi32> -> vector<16xf32>
        %bitcast_convert_type3A_1684 = tpu.bitcast %get3A_1674 : vector<16xi32> -> vector<16xf32>
        %mul3A_1685 = arith.mulf %bitcast_convert_type3A_1678, %bitcast_convert_type3A_1683 : vector<16xf32>
        %mul3A_1686 = arith.mulf %bitcast_convert_type3A_1679, %bitcast_convert_type3A_1684 : vector<16xf32>
        %add3A_1687 = arith.addf %mul3A_1685, %mul3A_1686 : vector<16xf32>
        %add3A_1688 = arith.addf %add3A_1666, %add3A_1687 : vector<16xf32>
        %get3A_1689 = arith.index_cast %add3A_1645 : i32 to index
        %get3A_1690 = arith.constant 32 : index
        %get3A_1691 = tpu.vector_load %arg9[%get3A_1689, %get3A_1690] {strides = array<i32>} : memref<128x64xi32, #tpu.memory_space<vmem>>, vector<1x16xi32>,
        %get3A_1692 = vector.shape_cast %get3A_1691 : vector<1x16xi32> to vector<16xi32>
        %get3A_1693 = arith.index_cast %add3A_1645 : i32 to index
        %get3A_1694 = arith.constant 32 : index
        %get3A_1695 = tpu.vector_load %arg10[%get3A_1693, %get3A_1694] {strides = array<i32>} : memref<128x64xi32, #tpu.memory_space<vmem>>, vector<1x16xi32>,
        %get3A_1696 = vector.shape_cast %get3A_1695 : vector<1x16xi32> to vector<16xi32>
        %shift_left3A_1697 = arith.constant 16 : i32
        %shift_left3A_1698 = vector.broadcast %shift_left3A_1697 : i32 to vector<16xi32>
        %shift_left3A_1699 = arith.shli %get3A_1692, %shift_left3A_1698 : vector<16xi32>
        %bitcast_convert_type3A_1700 = tpu.bitcast %shift_left3A_1699 : vector<16xi32> -> vector<16xf32>
        %bitcast_convert_type3A_1701 = tpu.bitcast %get3A_1692 : vector<16xi32> -> vector<16xf32>
        %shift_left3A_1702 = arith.constant 16 : i32
        %shift_left3A_1703 = vector.broadcast %shift_left3A_1702 : i32 to vector<16xi32>
        %shift_left3A_1704 = arith.shli %get3A_1696, %shift_left3A_1703 : vector<16xi32>
        %bitcast_convert_type3A_1705 = tpu.bitcast %shift_left3A_1704 : vector<16xi32> -> vector<16xf32>
        %bitcast_convert_type3A_1706 = tpu.bitcast %get3A_1696 : vector<16xi32> -> vector<16xf32>
        %mul3A_1707 = arith.mulf %bitcast_convert_type3A_1700, %bitcast_convert_type3A_1705 : vector<16xf32>
        %mul3A_1708 = arith.mulf %bitcast_convert_type3A_1701, %bitcast_convert_type3A_1706 : vector<16xf32>
        %add3A_1709 = arith.addf %mul3A_1707, %mul3A_1708 : vector<16xf32>
        %add3A_1710 = arith.addf %add3A_1688, %add3A_1709 : vector<16xf32>
        %get3A_1711 = arith.index_cast %add3A_1645 : i32 to index
        %get3A_1712 = arith.constant 48 : index
        %get3A_1713 = tpu.vector_load %arg9[%get3A_1711, %get3A_1712] {strides = array<i32>} : memref<128x64xi32, #tpu.memory_space<vmem>>, vector<1x16xi32>,
        %get3A_1714 = vector.shape_cast %get3A_1713 : vector<1x16xi32> to vector<16xi32>
        %get3A_1715 = arith.index_cast %add3A_1645 : i32 to index
        %get3A_1716 = arith.constant 48 : index
        %get3A_1717 = tpu.vector_load %arg10[%get3A_1715, %get3A_1716] {strides = array<i32>} : memref<128x64xi32, #tpu.memory_space<vmem>>, vector<1x16xi32>,
        %get3A_1718 = vector.shape_cast %get3A_1717 : vector<1x16xi32> to vector<16xi32>
        %shift_left3A_1719 = arith.constant 16 : i32
        %shift_left3A_1720 = vector.broadcast %shift_left3A_1719 : i32 to vector<16xi32>
        %shift_left3A_1721 = arith.shli %get3A_1714, %shift_left3A_1720 : vector<16xi32>
        %bitcast_convert_type3A_1722 = tpu.bitcast %shift_left3A_1721 : vector<16xi32> -> vector<16xf32>
        %bitcast_convert_type3A_1723 = tpu.bitcast %get3A_1714 : vector<16xi32> -> vector<16xf32>
        %shift_left3A_1724 = arith.constant 16 : i32
        %shift_left3A_1725 = vector.broadcast %shift_left3A_1724 : i32 to vector<16xi32>
        %shift_left3A_1726 = arith.shli %get3A_1718, %shift_left3A_1725 : vector<16xi32>
        %bitcast_convert_type3A_1727 = tpu.bitcast %shift_left3A_1726 : vector<16xi32> -> vector<16xf32>
        %bitcast_convert_type3A_1728 = tpu.bitcast %get3A_1718 : vector<16xi32> -> vector<16xf32>
        %mul3A_1729 = arith.mulf %bitcast_convert_type3A_1722, %bitcast_convert_type3A_1727 : vector<16xf32>
        %mul3A_1730 = arith.mulf %bitcast_convert_type3A_1723, %bitcast_convert_type3A_1728 : vector<16xf32>
        %add3A_1731 = arith.addf %mul3A_1729, %mul3A_1730 : vector<16xf32>
        %add3A_1732 = arith.addf %add3A_1710, %add3A_1731 : vector<16xf32>
        %shift_right_arithmetic3A_1733 = arith.constant 0 : i32
        %shift_right_arithmetic3A_1734 = vector.broadcast %shift_right_arithmetic3A_1733 : i32 to vector<16xi32>
        %shift_right_arithmetic3A_1735 = arith.shrsi %iota3A, %shift_right_arithmetic3A_1734 : vector<16xi32>
        %and3A_1736 = arith.constant 1 : i32
        %and3A_1737 = vector.broadcast %and3A_1736 : i32 to vector<16xi32>
        %and3A_1738 = arith.andi %shift_right_arithmetic3A_1735, %and3A_1737 : vector<16xi32>
        %xor3A_1739 = arith.constant 1 : i32
        %xor3A_1740 = vector.broadcast %xor3A_1739 : i32 to vector<16xi32>
        %xor3A_1741 = arith.xori %iota3A, %xor3A_1740 : vector<16xi32>
        %lt3A_1742 = arith.constant 0 : i32
        %lt3A_1743 = vector.broadcast %lt3A_1742 : i32 to vector<16xi32>
        %lt3A_1744 = arith.cmpi slt, %xor3A_1741, %lt3A_1743 : vector<16xi32>
        %add3A_1745 = arith.constant 16 : i32
        %add3A_1746 = vector.broadcast %add3A_1745 : i32 to vector<16xi32>
        %add3A_1747 = arith.addi %xor3A_1741, %add3A_1746 : vector<16xi32>
        %select_n3A_1748 = arith.select %lt3A_1744, %add3A_1747, %xor3A_1741 : vector<16xi1>, vector<16xi32>
        %broadcast_in_dim3A_1749 = vector.shape_cast %select_n3A_1748 : vector<16xi32> to vector<16x1xi32>
        %gather3A_1750 = vector.shape_cast %broadcast_in_dim3A_1749 : vector<16x1xi32> to vector<16xi32>
        %gather3A_1751 = tpu.dynamic_gather %add3A_1641[%gather3A_1750] in [0] : vector<16xf32>, vector<16xi32> -> vector<16xf32>
        %add3A_1752 = arith.addf %add3A_1641, %gather3A_1751 : vector<16xf32>
        %xor3A_1753 = arith.constant 1 : i32
        %xor3A_1754 = vector.broadcast %xor3A_1753 : i32 to vector<16xi32>
        %xor3A_1755 = arith.xori %iota3A, %xor3A_1754 : vector<16xi32>
        %lt3A_1756 = arith.constant 0 : i32
        %lt3A_1757 = vector.broadcast %lt3A_1756 : i32 to vector<16xi32>
        %lt3A_1758 = arith.cmpi slt, %xor3A_1755, %lt3A_1757 : vector<16xi32>
        %add3A_1759 = arith.constant 16 : i32
        %add3A_1760 = vector.broadcast %add3A_1759 : i32 to vector<16xi32>
        %add3A_1761 = arith.addi %xor3A_1755, %add3A_1760 : vector<16xi32>
        %select_n3A_1762 = arith.select %lt3A_1758, %add3A_1761, %xor3A_1755 : vector<16xi1>, vector<16xi32>
        %broadcast_in_dim3A_1763 = vector.shape_cast %select_n3A_1762 : vector<16xi32> to vector<16x1xi32>
        %gather3A_1764 = vector.shape_cast %broadcast_in_dim3A_1763 : vector<16x1xi32> to vector<16xi32>
        %gather3A_1765 = tpu.dynamic_gather %add3A_1732[%gather3A_1764] in [0] : vector<16xf32>, vector<16xi32> -> vector<16xf32>
        %add3A_1766 = arith.addf %add3A_1732, %gather3A_1765 : vector<16xf32>
        %eq3A_1767 = arith.constant 0 : i32
        %eq3A_1768 = vector.broadcast %eq3A_1767 : i32 to vector<16xi32>
        %eq3A_1769 = arith.cmpi eq, %and3A_1738, %eq3A_1768 : vector<16xi32>
        %select_n3A_1770 = arith.select %eq3A_1769, %add3A_1752, %add3A_1766 : vector<16xi1>, vector<16xf32>
        %add3A_1771 = arith.constant 14 : i32
        %add3A_1772 = arith.addi %mul3A_103, %add3A_1771 : i32
        %get3A_1773 = arith.index_cast %add3A_1772 : i32 to index
        %get3A_1774 = arith.constant 0 : index
        %get3A_1775 = tpu.vector_load %arg9[%get3A_1773, %get3A_1774] {strides = array<i32>} : memref<128x64xi32, #tpu.memory_space<vmem>>, vector<1x16xi32>,
        %get3A_1776 = vector.shape_cast %get3A_1775 : vector<1x16xi32> to vector<16xi32>
        %get3A_1777 = arith.index_cast %add3A_1772 : i32 to index
        %get3A_1778 = arith.constant 0 : index
        %get3A_1779 = tpu.vector_load %arg10[%get3A_1777, %get3A_1778] {strides = array<i32>} : memref<128x64xi32, #tpu.memory_space<vmem>>, vector<1x16xi32>,
        %get3A_1780 = vector.shape_cast %get3A_1779 : vector<1x16xi32> to vector<16xi32>
        %shift_left3A_1781 = arith.constant 16 : i32
        %shift_left3A_1782 = vector.broadcast %shift_left3A_1781 : i32 to vector<16xi32>
        %shift_left3A_1783 = arith.shli %get3A_1776, %shift_left3A_1782 : vector<16xi32>
        %bitcast_convert_type3A_1784 = tpu.bitcast %shift_left3A_1783 : vector<16xi32> -> vector<16xf32>
        %bitcast_convert_type3A_1785 = tpu.bitcast %get3A_1776 : vector<16xi32> -> vector<16xf32>
        %shift_left3A_1786 = arith.constant 16 : i32
        %shift_left3A_1787 = vector.broadcast %shift_left3A_1786 : i32 to vector<16xi32>
        %shift_left3A_1788 = arith.shli %get3A_1780, %shift_left3A_1787 : vector<16xi32>
        %bitcast_convert_type3A_1789 = tpu.bitcast %shift_left3A_1788 : vector<16xi32> -> vector<16xf32>
        %bitcast_convert_type3A_1790 = tpu.bitcast %get3A_1780 : vector<16xi32> -> vector<16xf32>
        %mul3A_1791 = arith.mulf %bitcast_convert_type3A_1784, %bitcast_convert_type3A_1789 : vector<16xf32>
        %mul3A_1792 = arith.mulf %bitcast_convert_type3A_1785, %bitcast_convert_type3A_1790 : vector<16xf32>
        %add3A_1793 = arith.addf %mul3A_1791, %mul3A_1792 : vector<16xf32>
        %get3A_1794 = arith.index_cast %add3A_1772 : i32 to index
        %get3A_1795 = arith.constant 16 : index
        %get3A_1796 = tpu.vector_load %arg9[%get3A_1794, %get3A_1795] {strides = array<i32>} : memref<128x64xi32, #tpu.memory_space<vmem>>, vector<1x16xi32>,
        %get3A_1797 = vector.shape_cast %get3A_1796 : vector<1x16xi32> to vector<16xi32>
        %get3A_1798 = arith.index_cast %add3A_1772 : i32 to index
        %get3A_1799 = arith.constant 16 : index
        %get3A_1800 = tpu.vector_load %arg10[%get3A_1798, %get3A_1799] {strides = array<i32>} : memref<128x64xi32, #tpu.memory_space<vmem>>, vector<1x16xi32>,
        %get3A_1801 = vector.shape_cast %get3A_1800 : vector<1x16xi32> to vector<16xi32>
        %shift_left3A_1802 = arith.constant 16 : i32
        %shift_left3A_1803 = vector.broadcast %shift_left3A_1802 : i32 to vector<16xi32>
        %shift_left3A_1804 = arith.shli %get3A_1797, %shift_left3A_1803 : vector<16xi32>
        %bitcast_convert_type3A_1805 = tpu.bitcast %shift_left3A_1804 : vector<16xi32> -> vector<16xf32>
        %bitcast_convert_type3A_1806 = tpu.bitcast %get3A_1797 : vector<16xi32> -> vector<16xf32>
        %shift_left3A_1807 = arith.constant 16 : i32
        %shift_left3A_1808 = vector.broadcast %shift_left3A_1807 : i32 to vector<16xi32>
        %shift_left3A_1809 = arith.shli %get3A_1801, %shift_left3A_1808 : vector<16xi32>
        %bitcast_convert_type3A_1810 = tpu.bitcast %shift_left3A_1809 : vector<16xi32> -> vector<16xf32>
        %bitcast_convert_type3A_1811 = tpu.bitcast %get3A_1801 : vector<16xi32> -> vector<16xf32>
        %mul3A_1812 = arith.mulf %bitcast_convert_type3A_1805, %bitcast_convert_type3A_1810 : vector<16xf32>
        %mul3A_1813 = arith.mulf %bitcast_convert_type3A_1806, %bitcast_convert_type3A_1811 : vector<16xf32>
        %add3A_1814 = arith.addf %mul3A_1812, %mul3A_1813 : vector<16xf32>
        %add3A_1815 = arith.addf %add3A_1793, %add3A_1814 : vector<16xf32>
        %get3A_1816 = arith.index_cast %add3A_1772 : i32 to index
        %get3A_1817 = arith.constant 32 : index
        %get3A_1818 = tpu.vector_load %arg9[%get3A_1816, %get3A_1817] {strides = array<i32>} : memref<128x64xi32, #tpu.memory_space<vmem>>, vector<1x16xi32>,
        %get3A_1819 = vector.shape_cast %get3A_1818 : vector<1x16xi32> to vector<16xi32>
        %get3A_1820 = arith.index_cast %add3A_1772 : i32 to index
        %get3A_1821 = arith.constant 32 : index
        %get3A_1822 = tpu.vector_load %arg10[%get3A_1820, %get3A_1821] {strides = array<i32>} : memref<128x64xi32, #tpu.memory_space<vmem>>, vector<1x16xi32>,
        %get3A_1823 = vector.shape_cast %get3A_1822 : vector<1x16xi32> to vector<16xi32>
        %shift_left3A_1824 = arith.constant 16 : i32
        %shift_left3A_1825 = vector.broadcast %shift_left3A_1824 : i32 to vector<16xi32>
        %shift_left3A_1826 = arith.shli %get3A_1819, %shift_left3A_1825 : vector<16xi32>
        %bitcast_convert_type3A_1827 = tpu.bitcast %shift_left3A_1826 : vector<16xi32> -> vector<16xf32>
        %bitcast_convert_type3A_1828 = tpu.bitcast %get3A_1819 : vector<16xi32> -> vector<16xf32>
        %shift_left3A_1829 = arith.constant 16 : i32
        %shift_left3A_1830 = vector.broadcast %shift_left3A_1829 : i32 to vector<16xi32>
        %shift_left3A_1831 = arith.shli %get3A_1823, %shift_left3A_1830 : vector<16xi32>
        %bitcast_convert_type3A_1832 = tpu.bitcast %shift_left3A_1831 : vector<16xi32> -> vector<16xf32>
        %bitcast_convert_type3A_1833 = tpu.bitcast %get3A_1823 : vector<16xi32> -> vector<16xf32>
        %mul3A_1834 = arith.mulf %bitcast_convert_type3A_1827, %bitcast_convert_type3A_1832 : vector<16xf32>
        %mul3A_1835 = arith.mulf %bitcast_convert_type3A_1828, %bitcast_convert_type3A_1833 : vector<16xf32>
        %add3A_1836 = arith.addf %mul3A_1834, %mul3A_1835 : vector<16xf32>
        %add3A_1837 = arith.addf %add3A_1815, %add3A_1836 : vector<16xf32>
        %get3A_1838 = arith.index_cast %add3A_1772 : i32 to index
        %get3A_1839 = arith.constant 48 : index
        %get3A_1840 = tpu.vector_load %arg9[%get3A_1838, %get3A_1839] {strides = array<i32>} : memref<128x64xi32, #tpu.memory_space<vmem>>, vector<1x16xi32>,
        %get3A_1841 = vector.shape_cast %get3A_1840 : vector<1x16xi32> to vector<16xi32>
        %get3A_1842 = arith.index_cast %add3A_1772 : i32 to index
        %get3A_1843 = arith.constant 48 : index
        %get3A_1844 = tpu.vector_load %arg10[%get3A_1842, %get3A_1843] {strides = array<i32>} : memref<128x64xi32, #tpu.memory_space<vmem>>, vector<1x16xi32>,
        %get3A_1845 = vector.shape_cast %get3A_1844 : vector<1x16xi32> to vector<16xi32>
        %shift_left3A_1846 = arith.constant 16 : i32
        %shift_left3A_1847 = vector.broadcast %shift_left3A_1846 : i32 to vector<16xi32>
        %shift_left3A_1848 = arith.shli %get3A_1841, %shift_left3A_1847 : vector<16xi32>
        %bitcast_convert_type3A_1849 = tpu.bitcast %shift_left3A_1848 : vector<16xi32> -> vector<16xf32>
        %bitcast_convert_type3A_1850 = tpu.bitcast %get3A_1841 : vector<16xi32> -> vector<16xf32>
        %shift_left3A_1851 = arith.constant 16 : i32
        %shift_left3A_1852 = vector.broadcast %shift_left3A_1851 : i32 to vector<16xi32>
        %shift_left3A_1853 = arith.shli %get3A_1845, %shift_left3A_1852 : vector<16xi32>
        %bitcast_convert_type3A_1854 = tpu.bitcast %shift_left3A_1853 : vector<16xi32> -> vector<16xf32>
        %bitcast_convert_type3A_1855 = tpu.bitcast %get3A_1845 : vector<16xi32> -> vector<16xf32>
        %mul3A_1856 = arith.mulf %bitcast_convert_type3A_1849, %bitcast_convert_type3A_1854 : vector<16xf32>
        %mul3A_1857 = arith.mulf %bitcast_convert_type3A_1850, %bitcast_convert_type3A_1855 : vector<16xf32>
        %add3A_1858 = arith.addf %mul3A_1856, %mul3A_1857 : vector<16xf32>
        %add3A_1859 = arith.addf %add3A_1837, %add3A_1858 : vector<16xf32>
        %add3A_1860 = arith.constant 14 : i32
        %add3A_1861 = arith.addi %mul3A_103, %add3A_1860 : i32
        %add3A_1862 = arith.constant 1 : i32
        %add3A_1863 = arith.addi %add3A_1861, %add3A_1862 : i32
        %get3A_1864 = arith.index_cast %add3A_1863 : i32 to index
        %get3A_1865 = arith.constant 0 : index
        %get3A_1866 = tpu.vector_load %arg9[%get3A_1864, %get3A_1865] {strides = array<i32>} : memref<128x64xi32, #tpu.memory_space<vmem>>, vector<1x16xi32>,
        %get3A_1867 = vector.shape_cast %get3A_1866 : vector<1x16xi32> to vector<16xi32>
        %get3A_1868 = arith.index_cast %add3A_1863 : i32 to index
        %get3A_1869 = arith.constant 0 : index
        %get3A_1870 = tpu.vector_load %arg10[%get3A_1868, %get3A_1869] {strides = array<i32>} : memref<128x64xi32, #tpu.memory_space<vmem>>, vector<1x16xi32>,
        %get3A_1871 = vector.shape_cast %get3A_1870 : vector<1x16xi32> to vector<16xi32>
        %shift_left3A_1872 = arith.constant 16 : i32
        %shift_left3A_1873 = vector.broadcast %shift_left3A_1872 : i32 to vector<16xi32>
        %shift_left3A_1874 = arith.shli %get3A_1867, %shift_left3A_1873 : vector<16xi32>
        %bitcast_convert_type3A_1875 = tpu.bitcast %shift_left3A_1874 : vector<16xi32> -> vector<16xf32>
        %bitcast_convert_type3A_1876 = tpu.bitcast %get3A_1867 : vector<16xi32> -> vector<16xf32>
        %shift_left3A_1877 = arith.constant 16 : i32
        %shift_left3A_1878 = vector.broadcast %shift_left3A_1877 : i32 to vector<16xi32>
        %shift_left3A_1879 = arith.shli %get3A_1871, %shift_left3A_1878 : vector<16xi32>
        %bitcast_convert_type3A_1880 = tpu.bitcast %shift_left3A_1879 : vector<16xi32> -> vector<16xf32>
        %bitcast_convert_type3A_1881 = tpu.bitcast %get3A_1871 : vector<16xi32> -> vector<16xf32>
        %mul3A_1882 = arith.mulf %bitcast_convert_type3A_1875, %bitcast_convert_type3A_1880 : vector<16xf32>
        %mul3A_1883 = arith.mulf %bitcast_convert_type3A_1876, %bitcast_convert_type3A_1881 : vector<16xf32>
        %add3A_1884 = arith.addf %mul3A_1882, %mul3A_1883 : vector<16xf32>
        %get3A_1885 = arith.index_cast %add3A_1863 : i32 to index
        %get3A_1886 = arith.constant 16 : index
        %get3A_1887 = tpu.vector_load %arg9[%get3A_1885, %get3A_1886] {strides = array<i32>} : memref<128x64xi32, #tpu.memory_space<vmem>>, vector<1x16xi32>,
        %get3A_1888 = vector.shape_cast %get3A_1887 : vector<1x16xi32> to vector<16xi32>
        %get3A_1889 = arith.index_cast %add3A_1863 : i32 to index
        %get3A_1890 = arith.constant 16 : index
        %get3A_1891 = tpu.vector_load %arg10[%get3A_1889, %get3A_1890] {strides = array<i32>} : memref<128x64xi32, #tpu.memory_space<vmem>>, vector<1x16xi32>,
        %get3A_1892 = vector.shape_cast %get3A_1891 : vector<1x16xi32> to vector<16xi32>
        %shift_left3A_1893 = arith.constant 16 : i32
        %shift_left3A_1894 = vector.broadcast %shift_left3A_1893 : i32 to vector<16xi32>
        %shift_left3A_1895 = arith.shli %get3A_1888, %shift_left3A_1894 : vector<16xi32>
        %bitcast_convert_type3A_1896 = tpu.bitcast %shift_left3A_1895 : vector<16xi32> -> vector<16xf32>
        %bitcast_convert_type3A_1897 = tpu.bitcast %get3A_1888 : vector<16xi32> -> vector<16xf32>
        %shift_left3A_1898 = arith.constant 16 : i32
        %shift_left3A_1899 = vector.broadcast %shift_left3A_1898 : i32 to vector<16xi32>
        %shift_left3A_1900 = arith.shli %get3A_1892, %shift_left3A_1899 : vector<16xi32>
        %bitcast_convert_type3A_1901 = tpu.bitcast %shift_left3A_1900 : vector<16xi32> -> vector<16xf32>
        %bitcast_convert_type3A_1902 = tpu.bitcast %get3A_1892 : vector<16xi32> -> vector<16xf32>
        %mul3A_1903 = arith.mulf %bitcast_convert_type3A_1896, %bitcast_convert_type3A_1901 : vector<16xf32>
        %mul3A_1904 = arith.mulf %bitcast_convert_type3A_1897, %bitcast_convert_type3A_1902 : vector<16xf32>
        %add3A_1905 = arith.addf %mul3A_1903, %mul3A_1904 : vector<16xf32>
        %add3A_1906 = arith.addf %add3A_1884, %add3A_1905 : vector<16xf32>
        %get3A_1907 = arith.index_cast %add3A_1863 : i32 to index
        %get3A_1908 = arith.constant 32 : index
        %get3A_1909 = tpu.vector_load %arg9[%get3A_1907, %get3A_1908] {strides = array<i32>} : memref<128x64xi32, #tpu.memory_space<vmem>>, vector<1x16xi32>,
        %get3A_1910 = vector.shape_cast %get3A_1909 : vector<1x16xi32> to vector<16xi32>
        %get3A_1911 = arith.index_cast %add3A_1863 : i32 to index
        %get3A_1912 = arith.constant 32 : index
        %get3A_1913 = tpu.vector_load %arg10[%get3A_1911, %get3A_1912] {strides = array<i32>} : memref<128x64xi32, #tpu.memory_space<vmem>>, vector<1x16xi32>,
        %get3A_1914 = vector.shape_cast %get3A_1913 : vector<1x16xi32> to vector<16xi32>
        %shift_left3A_1915 = arith.constant 16 : i32
        %shift_left3A_1916 = vector.broadcast %shift_left3A_1915 : i32 to vector<16xi32>
        %shift_left3A_1917 = arith.shli %get3A_1910, %shift_left3A_1916 : vector<16xi32>
        %bitcast_convert_type3A_1918 = tpu.bitcast %shift_left3A_1917 : vector<16xi32> -> vector<16xf32>
        %bitcast_convert_type3A_1919 = tpu.bitcast %get3A_1910 : vector<16xi32> -> vector<16xf32>
        %shift_left3A_1920 = arith.constant 16 : i32
        %shift_left3A_1921 = vector.broadcast %shift_left3A_1920 : i32 to vector<16xi32>
        %shift_left3A_1922 = arith.shli %get3A_1914, %shift_left3A_1921 : vector<16xi32>
        %bitcast_convert_type3A_1923 = tpu.bitcast %shift_left3A_1922 : vector<16xi32> -> vector<16xf32>
        %bitcast_convert_type3A_1924 = tpu.bitcast %get3A_1914 : vector<16xi32> -> vector<16xf32>
        %mul3A_1925 = arith.mulf %bitcast_convert_type3A_1918, %bitcast_convert_type3A_1923 : vector<16xf32>
        %mul3A_1926 = arith.mulf %bitcast_convert_type3A_1919, %bitcast_convert_type3A_1924 : vector<16xf32>
        %add3A_1927 = arith.addf %mul3A_1925, %mul3A_1926 : vector<16xf32>
        %add3A_1928 = arith.addf %add3A_1906, %add3A_1927 : vector<16xf32>
        %get3A_1929 = arith.index_cast %add3A_1863 : i32 to index
        %get3A_1930 = arith.constant 48 : index
        %get3A_1931 = tpu.vector_load %arg9[%get3A_1929, %get3A_1930] {strides = array<i32>} : memref<128x64xi32, #tpu.memory_space<vmem>>, vector<1x16xi32>,
        %get3A_1932 = vector.shape_cast %get3A_1931 : vector<1x16xi32> to vector<16xi32>
        %get3A_1933 = arith.index_cast %add3A_1863 : i32 to index
        %get3A_1934 = arith.constant 48 : index
        %get3A_1935 = tpu.vector_load %arg10[%get3A_1933, %get3A_1934] {strides = array<i32>} : memref<128x64xi32, #tpu.memory_space<vmem>>, vector<1x16xi32>,
        %get3A_1936 = vector.shape_cast %get3A_1935 : vector<1x16xi32> to vector<16xi32>
        %shift_left3A_1937 = arith.constant 16 : i32
        %shift_left3A_1938 = vector.broadcast %shift_left3A_1937 : i32 to vector<16xi32>
        %shift_left3A_1939 = arith.shli %get3A_1932, %shift_left3A_1938 : vector<16xi32>
        %bitcast_convert_type3A_1940 = tpu.bitcast %shift_left3A_1939 : vector<16xi32> -> vector<16xf32>
        %bitcast_convert_type3A_1941 = tpu.bitcast %get3A_1932 : vector<16xi32> -> vector<16xf32>
        %shift_left3A_1942 = arith.constant 16 : i32
        %shift_left3A_1943 = vector.broadcast %shift_left3A_1942 : i32 to vector<16xi32>
        %shift_left3A_1944 = arith.shli %get3A_1936, %shift_left3A_1943 : vector<16xi32>
        %bitcast_convert_type3A_1945 = tpu.bitcast %shift_left3A_1944 : vector<16xi32> -> vector<16xf32>
        %bitcast_convert_type3A_1946 = tpu.bitcast %get3A_1936 : vector<16xi32> -> vector<16xf32>
        %mul3A_1947 = arith.mulf %bitcast_convert_type3A_1940, %bitcast_convert_type3A_1945 : vector<16xf32>
        %mul3A_1948 = arith.mulf %bitcast_convert_type3A_1941, %bitcast_convert_type3A_1946 : vector<16xf32>
        %add3A_1949 = arith.addf %mul3A_1947, %mul3A_1948 : vector<16xf32>
        %add3A_1950 = arith.addf %add3A_1928, %add3A_1949 : vector<16xf32>
        %shift_right_arithmetic3A_1951 = arith.constant 0 : i32
        %shift_right_arithmetic3A_1952 = vector.broadcast %shift_right_arithmetic3A_1951 : i32 to vector<16xi32>
        %shift_right_arithmetic3A_1953 = arith.shrsi %iota3A, %shift_right_arithmetic3A_1952 : vector<16xi32>
        %and3A_1954 = arith.constant 1 : i32
        %and3A_1955 = vector.broadcast %and3A_1954 : i32 to vector<16xi32>
        %and3A_1956 = arith.andi %shift_right_arithmetic3A_1953, %and3A_1955 : vector<16xi32>
        %xor3A_1957 = arith.constant 1 : i32
        %xor3A_1958 = vector.broadcast %xor3A_1957 : i32 to vector<16xi32>
        %xor3A_1959 = arith.xori %iota3A, %xor3A_1958 : vector<16xi32>
        %lt3A_1960 = arith.constant 0 : i32
        %lt3A_1961 = vector.broadcast %lt3A_1960 : i32 to vector<16xi32>
        %lt3A_1962 = arith.cmpi slt, %xor3A_1959, %lt3A_1961 : vector<16xi32>
        %add3A_1963 = arith.constant 16 : i32
        %add3A_1964 = vector.broadcast %add3A_1963 : i32 to vector<16xi32>
        %add3A_1965 = arith.addi %xor3A_1959, %add3A_1964 : vector<16xi32>
        %select_n3A_1966 = arith.select %lt3A_1962, %add3A_1965, %xor3A_1959 : vector<16xi1>, vector<16xi32>
        %broadcast_in_dim3A_1967 = vector.shape_cast %select_n3A_1966 : vector<16xi32> to vector<16x1xi32>
        %gather3A_1968 = vector.shape_cast %broadcast_in_dim3A_1967 : vector<16x1xi32> to vector<16xi32>
        %gather3A_1969 = tpu.dynamic_gather %add3A_1859[%gather3A_1968] in [0] : vector<16xf32>, vector<16xi32> -> vector<16xf32>
        %add3A_1970 = arith.addf %add3A_1859, %gather3A_1969 : vector<16xf32>
        %xor3A_1971 = arith.constant 1 : i32
        %xor3A_1972 = vector.broadcast %xor3A_1971 : i32 to vector<16xi32>
        %xor3A_1973 = arith.xori %iota3A, %xor3A_1972 : vector<16xi32>
        %lt3A_1974 = arith.constant 0 : i32
        %lt3A_1975 = vector.broadcast %lt3A_1974 : i32 to vector<16xi32>
        %lt3A_1976 = arith.cmpi slt, %xor3A_1973, %lt3A_1975 : vector<16xi32>
        %add3A_1977 = arith.constant 16 : i32
        %add3A_1978 = vector.broadcast %add3A_1977 : i32 to vector<16xi32>
        %add3A_1979 = arith.addi %xor3A_1973, %add3A_1978 : vector<16xi32>
        %select_n3A_1980 = arith.select %lt3A_1976, %add3A_1979, %xor3A_1973 : vector<16xi1>, vector<16xi32>
        %broadcast_in_dim3A_1981 = vector.shape_cast %select_n3A_1980 : vector<16xi32> to vector<16x1xi32>
        %gather3A_1982 = vector.shape_cast %broadcast_in_dim3A_1981 : vector<16x1xi32> to vector<16xi32>
        %gather3A_1983 = tpu.dynamic_gather %add3A_1950[%gather3A_1982] in [0] : vector<16xf32>, vector<16xi32> -> vector<16xf32>
        %add3A_1984 = arith.addf %add3A_1950, %gather3A_1983 : vector<16xf32>
        %eq3A_1985 = arith.constant 0 : i32
        %eq3A_1986 = vector.broadcast %eq3A_1985 : i32 to vector<16xi32>
        %eq3A_1987 = arith.cmpi eq, %and3A_1956, %eq3A_1986 : vector<16xi32>
        %select_n3A_1988 = arith.select %eq3A_1987, %add3A_1970, %add3A_1984 : vector<16xi1>, vector<16xf32>
        %shift_right_arithmetic3A_1989 = arith.constant 1 : i32
        %shift_right_arithmetic3A_1990 = vector.broadcast %shift_right_arithmetic3A_1989 : i32 to vector<16xi32>
        %shift_right_arithmetic3A_1991 = arith.shrsi %iota3A, %shift_right_arithmetic3A_1990 : vector<16xi32>
        %and3A_1992 = arith.constant 1 : i32
        %and3A_1993 = vector.broadcast %and3A_1992 : i32 to vector<16xi32>
        %and3A_1994 = arith.andi %shift_right_arithmetic3A_1991, %and3A_1993 : vector<16xi32>
        %xor3A_1995 = arith.constant 2 : i32
        %xor3A_1996 = vector.broadcast %xor3A_1995 : i32 to vector<16xi32>
        %xor3A_1997 = arith.xori %iota3A, %xor3A_1996 : vector<16xi32>
        %lt3A_1998 = arith.constant 0 : i32
        %lt3A_1999 = vector.broadcast %lt3A_1998 : i32 to vector<16xi32>
        %lt3A_2000 = arith.cmpi slt, %xor3A_1997, %lt3A_1999 : vector<16xi32>
        %add3A_2001 = arith.constant 16 : i32
        %add3A_2002 = vector.broadcast %add3A_2001 : i32 to vector<16xi32>
        %add3A_2003 = arith.addi %xor3A_1997, %add3A_2002 : vector<16xi32>
        %select_n3A_2004 = arith.select %lt3A_2000, %add3A_2003, %xor3A_1997 : vector<16xi1>, vector<16xi32>
        %broadcast_in_dim3A_2005 = vector.shape_cast %select_n3A_2004 : vector<16xi32> to vector<16x1xi32>
        %gather3A_2006 = vector.shape_cast %broadcast_in_dim3A_2005 : vector<16x1xi32> to vector<16xi32>
        %gather3A_2007 = tpu.dynamic_gather %select_n3A_1770[%gather3A_2006] in [0] : vector<16xf32>, vector<16xi32> -> vector<16xf32>
        %add3A_2008 = arith.addf %select_n3A_1770, %gather3A_2007 : vector<16xf32>
        %xor3A_2009 = arith.constant 2 : i32
        %xor3A_2010 = vector.broadcast %xor3A_2009 : i32 to vector<16xi32>
        %xor3A_2011 = arith.xori %iota3A, %xor3A_2010 : vector<16xi32>
        %lt3A_2012 = arith.constant 0 : i32
        %lt3A_2013 = vector.broadcast %lt3A_2012 : i32 to vector<16xi32>
        %lt3A_2014 = arith.cmpi slt, %xor3A_2011, %lt3A_2013 : vector<16xi32>
        %add3A_2015 = arith.constant 16 : i32
        %add3A_2016 = vector.broadcast %add3A_2015 : i32 to vector<16xi32>
        %add3A_2017 = arith.addi %xor3A_2011, %add3A_2016 : vector<16xi32>
        %select_n3A_2018 = arith.select %lt3A_2014, %add3A_2017, %xor3A_2011 : vector<16xi1>, vector<16xi32>
        %broadcast_in_dim3A_2019 = vector.shape_cast %select_n3A_2018 : vector<16xi32> to vector<16x1xi32>
        %gather3A_2020 = vector.shape_cast %broadcast_in_dim3A_2019 : vector<16x1xi32> to vector<16xi32>
        %gather3A_2021 = tpu.dynamic_gather %select_n3A_1988[%gather3A_2020] in [0] : vector<16xf32>, vector<16xi32> -> vector<16xf32>
        %add3A_2022 = arith.addf %select_n3A_1988, %gather3A_2021 : vector<16xf32>
        %eq3A_2023 = arith.constant 0 : i32
        %eq3A_2024 = vector.broadcast %eq3A_2023 : i32 to vector<16xi32>
        %eq3A_2025 = arith.cmpi eq, %and3A_1994, %eq3A_2024 : vector<16xi32>
        %select_n3A_2026 = arith.select %eq3A_2025, %add3A_2008, %add3A_2022 : vector<16xi1>, vector<16xf32>
        %shift_right_arithmetic3A_2027 = arith.constant 2 : i32
        %shift_right_arithmetic3A_2028 = vector.broadcast %shift_right_arithmetic3A_2027 : i32 to vector<16xi32>
        %shift_right_arithmetic3A_2029 = arith.shrsi %iota3A, %shift_right_arithmetic3A_2028 : vector<16xi32>
        %and3A_2030 = arith.constant 1 : i32
        %and3A_2031 = vector.broadcast %and3A_2030 : i32 to vector<16xi32>
        %and3A_2032 = arith.andi %shift_right_arithmetic3A_2029, %and3A_2031 : vector<16xi32>
        %xor3A_2033 = arith.constant 4 : i32
        %xor3A_2034 = vector.broadcast %xor3A_2033 : i32 to vector<16xi32>
        %xor3A_2035 = arith.xori %iota3A, %xor3A_2034 : vector<16xi32>
        %lt3A_2036 = arith.constant 0 : i32
        %lt3A_2037 = vector.broadcast %lt3A_2036 : i32 to vector<16xi32>
        %lt3A_2038 = arith.cmpi slt, %xor3A_2035, %lt3A_2037 : vector<16xi32>
        %add3A_2039 = arith.constant 16 : i32
        %add3A_2040 = vector.broadcast %add3A_2039 : i32 to vector<16xi32>
        %add3A_2041 = arith.addi %xor3A_2035, %add3A_2040 : vector<16xi32>
        %select_n3A_2042 = arith.select %lt3A_2038, %add3A_2041, %xor3A_2035 : vector<16xi1>, vector<16xi32>
        %broadcast_in_dim3A_2043 = vector.shape_cast %select_n3A_2042 : vector<16xi32> to vector<16x1xi32>
        %gather3A_2044 = vector.shape_cast %broadcast_in_dim3A_2043 : vector<16x1xi32> to vector<16xi32>
        %gather3A_2045 = tpu.dynamic_gather %select_n3A_1552[%gather3A_2044] in [0] : vector<16xf32>, vector<16xi32> -> vector<16xf32>
        %add3A_2046 = arith.addf %select_n3A_1552, %gather3A_2045 : vector<16xf32>
        %xor3A_2047 = arith.constant 4 : i32
        %xor3A_2048 = vector.broadcast %xor3A_2047 : i32 to vector<16xi32>
        %xor3A_2049 = arith.xori %iota3A, %xor3A_2048 : vector<16xi32>
        %lt3A_2050 = arith.constant 0 : i32
        %lt3A_2051 = vector.broadcast %lt3A_2050 : i32 to vector<16xi32>
        %lt3A_2052 = arith.cmpi slt, %xor3A_2049, %lt3A_2051 : vector<16xi32>
        %add3A_2053 = arith.constant 16 : i32
        %add3A_2054 = vector.broadcast %add3A_2053 : i32 to vector<16xi32>
        %add3A_2055 = arith.addi %xor3A_2049, %add3A_2054 : vector<16xi32>
        %select_n3A_2056 = arith.select %lt3A_2052, %add3A_2055, %xor3A_2049 : vector<16xi1>, vector<16xi32>
        %broadcast_in_dim3A_2057 = vector.shape_cast %select_n3A_2056 : vector<16xi32> to vector<16x1xi32>
        %gather3A_2058 = vector.shape_cast %broadcast_in_dim3A_2057 : vector<16x1xi32> to vector<16xi32>
        %gather3A_2059 = tpu.dynamic_gather %select_n3A_2026[%gather3A_2058] in [0] : vector<16xf32>, vector<16xi32> -> vector<16xf32>
        %add3A_2060 = arith.addf %select_n3A_2026, %gather3A_2059 : vector<16xf32>
        %eq3A_2061 = arith.constant 0 : i32
        %eq3A_2062 = vector.broadcast %eq3A_2061 : i32 to vector<16xi32>
        %eq3A_2063 = arith.cmpi eq, %and3A_2032, %eq3A_2062 : vector<16xi32>
        %select_n3A_2064 = arith.select %eq3A_2063, %add3A_2046, %add3A_2060 : vector<16xi1>, vector<16xf32>
        %shift_right_arithmetic3A_2065 = arith.constant 3 : i32
        %shift_right_arithmetic3A_2066 = vector.broadcast %shift_right_arithmetic3A_2065 : i32 to vector<16xi32>
        %shift_right_arithmetic3A_2067 = arith.shrsi %iota3A, %shift_right_arithmetic3A_2066 : vector<16xi32>
        %and3A_2068 = arith.constant 1 : i32
        %and3A_2069 = vector.broadcast %and3A_2068 : i32 to vector<16xi32>
        %and3A_2070 = arith.andi %shift_right_arithmetic3A_2067, %and3A_2069 : vector<16xi32>
        %xor3A_2071 = arith.constant 8 : i32
        %xor3A_2072 = vector.broadcast %xor3A_2071 : i32 to vector<16xi32>
        %xor3A_2073 = arith.xori %iota3A, %xor3A_2072 : vector<16xi32>
        %lt3A_2074 = arith.constant 0 : i32
        %lt3A_2075 = vector.broadcast %lt3A_2074 : i32 to vector<16xi32>
        %lt3A_2076 = arith.cmpi slt, %xor3A_2073, %lt3A_2075 : vector<16xi32>
        %add3A_2077 = arith.constant 16 : i32
        %add3A_2078 = vector.broadcast %add3A_2077 : i32 to vector<16xi32>
        %add3A_2079 = arith.addi %xor3A_2073, %add3A_2078 : vector<16xi32>
        %select_n3A_2080 = arith.select %lt3A_2076, %add3A_2079, %xor3A_2073 : vector<16xi1>, vector<16xi32>
        %broadcast_in_dim3A_2081 = vector.shape_cast %select_n3A_2080 : vector<16xi32> to vector<16x1xi32>
        %gather3A_2082 = vector.shape_cast %broadcast_in_dim3A_2081 : vector<16x1xi32> to vector<16xi32>
        %gather3A_2083 = tpu.dynamic_gather %select_n3A_1078[%gather3A_2082] in [0] : vector<16xf32>, vector<16xi32> -> vector<16xf32>
        %add3A_2084 = arith.addf %select_n3A_1078, %gather3A_2083 : vector<16xf32>
        %xor3A_2085 = arith.constant 8 : i32
        %xor3A_2086 = vector.broadcast %xor3A_2085 : i32 to vector<16xi32>
        %xor3A_2087 = arith.xori %iota3A, %xor3A_2086 : vector<16xi32>
        %lt3A_2088 = arith.constant 0 : i32
        %lt3A_2089 = vector.broadcast %lt3A_2088 : i32 to vector<16xi32>
        %lt3A_2090 = arith.cmpi slt, %xor3A_2087, %lt3A_2089 : vector<16xi32>
        %add3A_2091 = arith.constant 16 : i32
        %add3A_2092 = vector.broadcast %add3A_2091 : i32 to vector<16xi32>
        %add3A_2093 = arith.addi %xor3A_2087, %add3A_2092 : vector<16xi32>
        %select_n3A_2094 = arith.select %lt3A_2090, %add3A_2093, %xor3A_2087 : vector<16xi1>, vector<16xi32>
        %broadcast_in_dim3A_2095 = vector.shape_cast %select_n3A_2094 : vector<16xi32> to vector<16x1xi32>
        %gather3A_2096 = vector.shape_cast %broadcast_in_dim3A_2095 : vector<16x1xi32> to vector<16xi32>
        %gather3A_2097 = tpu.dynamic_gather %select_n3A_2064[%gather3A_2096] in [0] : vector<16xf32>, vector<16xi32> -> vector<16xf32>
        %add3A_2098 = arith.addf %select_n3A_2064, %gather3A_2097 : vector<16xf32>
        %eq3A_2099 = arith.constant 0 : i32
        %eq3A_2100 = vector.broadcast %eq3A_2099 : i32 to vector<16xi32>
        %eq3A_2101 = arith.cmpi eq, %and3A_2070, %eq3A_2100 : vector<16xi32>
        %select_n3A_2102 = arith.select %eq3A_2101, %add3A_2084, %add3A_2098 : vector<16xi1>, vector<16xf32>
        %neg3A = arith.constant 0.000000e+00 : f32
        %neg3A_2103 = vector.broadcast %neg3A : f32 to vector<16xf32>
        %neg3A_2104 = arith.subf %neg3A_2103, %select_n3A_2102 : vector<16xf32>
        %exp3A = math.exp %neg3A_2104 : vector<16xf32>
        %add3A_2105 = arith.constant 1.000000e+00 : f32
        %add3A_2106 = vector.broadcast %add3A_2105 : f32 to vector<16xf32>
        %add3A_2107 = arith.addf %add3A_2106, %exp3A : vector<16xf32>
        %div3A = arith.constant 1.000000e+00 : f32
        %div3A_2108 = vector.broadcast %div3A : f32 to vector<16xf32>
        %div3A_2109 = arith.divf %div3A_2108, %add3A_2107 : vector<16xf32>
        %mul3A_2110 = arith.constant 128 : i32
        %mul3A_2111 = arith.muli %add3A_70, %mul3A_2110 : i32
        %add3A_2112 = arith.addi %mul3A_2111, %mul3A_103 : i32
        %swap3A = arith.index_cast %add3A_2112 : i32 to index
        %swap3A_2113 = tpu.vector_load %arg11[%swap3A] {strides = array<i32>} : memref<10240xf32, #tpu.memory_space<vmem>>, vector<16xf32>,
        %swap3A_2114 = vector.shape_cast %swap3A_2113 : vector<16xf32> to vector<16xf32>
        %swap3A_2115 = vector.shape_cast %div3A_2109 : vector<16xf32> to vector<16xf32>
        tpu.vector_store %arg11[%swap3A], %swap3A_2115 {strides = array<i32>} : memref<10240xf32, #tpu.memory_space<vmem>>, vector<16xf32>,
      }
      %scan3A_100 = arith.constant 8 : i32
    }
    %scan3A_22 = arith.constant 40 : i32
    %dma_wait3A = arith.constant 0 : i32
    %dma_wait3A_23 = tpu.memref_slice %arg5[%dma_wait3A] : memref<10368xi32, #tpu.memory_space<vmem>> -> memref<128xi32, #tpu.memory_space<vmem>>
    %dma_wait3A_24 = arith.constant 0 : i32
    %dma_wait3A_25 = arith.constant 0 : i32
    %dma_wait3A_26 = tpu.memref_slice %arg12[%dma_wait3A_24, %dma_wait3A_25] : memref<10000x64xi32, #tpu.memory_space<vmem_shared>> -> memref<10000x64xi32, #tpu.memory_space<vmem_shared>>
    tpu.wait_indirect_dma semaphore(%arg13 : memref<!tpu.dma_semaphore, #tpu.memory_space<semaphore_mem>>) src(%dma_wait3A_26 : memref<10000x64xi32, #tpu.memory_space<vmem_shared>>) dst(%arg7 : memref<128x64xi32, #tpu.memory_space<vmem>>)
    %dma_wait3A_27 = arith.constant 0 : i32
    %dma_wait3A_28 = tpu.memref_slice %arg6[%dma_wait3A_27] : memref<10368xi32, #tpu.memory_space<vmem>> -> memref<128xi32, #tpu.memory_space<vmem>>
    %dma_wait3A_29 = arith.constant 0 : i32
    %dma_wait3A_30 = arith.constant 0 : i32
    %dma_wait3A_31 = tpu.memref_slice %arg12[%dma_wait3A_29, %dma_wait3A_30] : memref<10000x64xi32, #tpu.memory_space<vmem_shared>> -> memref<10000x64xi32, #tpu.memory_space<vmem_shared>>
    tpu.wait_indirect_dma semaphore(%arg14 : memref<!tpu.dma_semaphore, #tpu.memory_space<semaphore_mem>>) src(%dma_wait3A_31 : memref<10000x64xi32, #tpu.memory_space<vmem_shared>>) dst(%arg8 : memref<128x64xi32, #tpu.memory_space<vmem>>)
    "tpu.region"() ({
      %run_scoped3A = tpu.sem_alloc : memref<!tpu.dma_semaphore, #tpu.memory_space<semaphore_mem>>
      %dma_start3A_32 = arith.constant 0 : i32
      %dma_start3A_33 = tpu.memref_slice %arg11[%dma_start3A_32] : memref<10240xf32, #tpu.memory_space<vmem>> -> memref<10000xf32, #tpu.memory_space<vmem>>
      %dma_start3A_34 = tpu.memref_slice %arg4[%mul3A_2] : memref<320000xf32, #tpu.memory_space<hbm>> -> memref<10000xf32, #tpu.memory_space<hbm>>
      %dma_start3A_35 = tpu.memref_slice %arg4[%mul3A_2] : memref<320000xf32, #tpu.memory_space<hbm>> -> memref<10000xf32, #tpu.memory_space<hbm>>
      %dma_start3A_36 = arith.constant 0 : i32
      %dma_start3A_37 = tpu.memref_slice %arg11[%dma_start3A_36] : memref<10240xf32, #tpu.memory_space<vmem>> -> memref<10000xf32, #tpu.memory_space<vmem>>
      tpu.enqueue_dma source(%dma_start3A_37 : memref<10000xf32, #tpu.memory_space<vmem>>) target(%dma_start3A_35 : memref<10000xf32, #tpu.memory_space<hbm>>) target_semaphore(%run_scoped3A : memref<!tpu.dma_semaphore, #tpu.memory_space<semaphore_mem>>)
      %dma_wait3A_38 = arith.constant 0 : i32
      %dma_wait3A_39 = tpu.memref_slice %arg11[%dma_wait3A_38] : memref<10240xf32, #tpu.memory_space<vmem>> -> memref<10000xf32, #tpu.memory_space<vmem>>
      %dma_wait3A_40 = tpu.memref_slice %arg4[%mul3A_2] : memref<320000xf32, #tpu.memory_space<hbm>> -> memref<10000xf32, #tpu.memory_space<hbm>>
      %dma_wait3A_41 = tpu.memref_slice %arg4[%mul3A_2] : memref<320000xf32, #tpu.memory_space<hbm>> -> memref<10000xf32, #tpu.memory_space<hbm>>
      %dma_wait3A_42 = arith.constant 0 : i32
      %dma_wait3A_43 = tpu.memref_slice %arg11[%dma_wait3A_42] : memref<10240xf32, #tpu.memory_space<vmem>> -> memref<10000xf32, #tpu.memory_space<vmem>>
      tpu.wait_dma2 semaphore(%run_scoped3A : memref<!tpu.dma_semaphore, #tpu.memory_space<semaphore_mem>>) src(%dma_wait3A_43 : memref<10000xf32, #tpu.memory_space<vmem>>) dst(%dma_wait3A_41 : memref<10000xf32, #tpu.memory_space<hbm>>)
      tpu.yield
    }) : () -> ()
    return
  }
}

</mosaic_0001>

<sc_bundles>
// kernel: _edge_call.3.cloned.1.call-start
scs
__scs_entry_jumppad:
0x0: {  	(pc) =	sbr.rel $0x88, $3  }
0x1: {  	(tag) =	ssettag $0x0;
	lr =	simm.s32 $0x1  }
0x2: {  	[smem:$0x3F9F] =	sst lr;
	_ =	strace $0xD0000000  }
0x3: {  	_ = 	snop  }
0x4: {  	_ = 	snop  }
0x5: {  	_ = 	snop  }
0x6: {  	_ = 	snop  }
0x7: {  	_ = 	snop  }
__scs_overlays_trampoline_lowered:
0x8: {  	[smem:$0x3FAE] =	sst s0  }
0x9: {  	[smem:$0x3FAF] =	sst s1  }
0xa: {  	[smem:$0x3FB0] =	sst s2  }
0xb: {  	[smem:$0x3FB1] =	sst s3  }
0xc: {  	[smem:$0x3FB2] =	sst s4  }
0xd: {  	[smem:$0x3FB3] =	sst s5  }
0xe: {  	[smem:$0x3FB4] =	sst s6  }
0xf: {  	[smem:$0x3FB5] =	sst s7  }
0x10: {  	[smem:$0x3FB6] =	sst s8  }
0x11: {  	[smem:$0x3FB7] =	sst s9;
	s0 =	simm.s32 @!p0 $0x0  }
0x12: {  	s1 =	sld [smem:$0x3F9D];
	s0 =	simm.s32 @p0 $0x1  }
0x13: {  	[smem:$0x3FB8] =	sst s0;
	s0 =	simm.s32 @!p1 $0x0  }
0x14: {  	s2 =	sld [smem:$0x3F9C];
	s0 =	simm.s32 @p1 $0x1  }
0x15: {  	[smem:$0x3FB9] =	sst s0;
	s0 =	simm.s32 @!p2 $0x0  }
0x16: {  	s3 =	sld [smem:$0x3FDB];
	s0 =	simm.s32 @p2 $0x1  }
0x17: {  	s4 =	simm.s32 $0x1BF5;
	[smem:$0x3FBB] =	sst s0  }
0x18: {  	s0 =	sld [smem:$0x3F9E];
	_ =	swait.ge [sflag:s4], $0x0  }
0x19: {  	s7 =	sld [smem:$0x3F9F]  }
0x1a: {  	s8 =	sadd.s32 $0xFFFFE003, lr  }
0x1b: {  	s9 =	sadd.s32 $0xFFFFFEF7, lr;
	s5 =	simm.s32 $0xFFFFFFFF;
	p2 =	slt.u32 s8, $0xFFFFF086  }
0x1c: {  	p1 =	slt.u32 s9, $0xF7A;
	s5 =	simm.s32 @!p2 $0x0  }
0x1d: {  	s5 =	simm.s32 @p1 $0x1;
	p0 =	seq.s32 s7, s2  }
0x1e: {  	s7 =	smul.u32 @!p0 $0xF7A, s2;
	p2 =	seq.s32 @!p0 s5, $0x0  }
0x1f: {  	s9 =	smul.u32 $0xF7A, s1;
	s8 =	simm.s32 @!p0 $0x1BF5;
	p2 =	por !p2, p0  }
0x20: {  	[sflag:s8] =	ssyncset.s32 @!p0 $0xFFFFF086;
	s6 =	sadd.s32 @!p0 s3, s7;
	s7 =	simm.s32 @!p0 $0x108  }
0x21: {  	s3 =	sadd.s32 s3, s9;
	s6 =	sadd.s32 @!p0 $0x88, s6;
	s7 =	simm.s32 @p2 $0x1082  }
0x22: {  	[simem:s7], [sflag:s8] =	dma.local @!p0 [hbm:s6], $0xF7A  }
0x23: {  	s9 =	sor.u32 $0xD0000000, s2;
	s6 =	simm.s32 $0x108;
	_ =	swait.ge @!p0 [sflag:s8], $0x0  }
0x24: {  	s3 =	sadd.s32 $0x88, s3;
	s6 =	simm.s32 @!p1 $0x1082;
	[sflag:s4] =	ssyncset.s32 $0xFFFFF086  }
0x25: {  	[simem:s6], [sflag:s4] =	dma.local [hbm:s3], $0xF7A  }
0x26: {  	[smem:$0x3F9F] =	sst s1;
	(tag) =	ssettag s2;
	_ =	strace s9  }
0x27: {  	s1 =	sld [smem:$0x3FAF]  }
0x28: {  	s2 =	sld [smem:$0x3FB0]  }
0x29: {  	s4 =	sld [smem:$0x3FB2]  }
0x2a: {  	p0 =	seq.s32 s5, $0x0;
	s5 =	sld [smem:$0x3FB3]  }
0x2b: {  	s6 =	sld [smem:$0x3FB4]  }
0x2c: {  	s7 =	sld [smem:$0x3FB5]  }
0x2d: {  	s3 =	simm.s32 $0x108;
	s8 =	sld [smem:$0x3FB6]  }
0x2e: {  	s3 =	simm.s32 @!p0 $0x1082;
	s9 =	sld [smem:$0x3FB7]  }
0x2f: {  	lr =	sadd.s32 s0, s3;
	s0 =	sld [smem:$0x3FAE]  }
0x30: {  	s3 =	sld [smem:$0x3FB1]  }
0x31: {  	[smem:$0x3FBA] =	sst s10  }
0x32: {  	s10 =	sld [smem:$0x3FB8];
	_ =	sdelay $0x3  }
0x33: {  	p0 =	seq.s32 s10, $0x1;
	s10 =	sld [smem:$0x3FBA];
	_ =	sdelay $0x3  }
0x34: {  	[smem:$0x3FBA] =	sst s10  }
0x35: {  	s10 =	sld [smem:$0x3FB9];
	_ =	sdelay $0x3  }
0x36: {  	p1 =	seq.s32 s10, $0x1;
	s10 =	sld [smem:$0x3FBA];
	_ =	sdelay $0x3  }
0x37: {  	[smem:$0x3FBA] =	sst s10  }
0x38: {  	s10 =	sld [smem:$0x3FBB]  }
0x39: {  	_ = 	snop;
	(pc) =	sbr.ind lr, $3  }
0x3a: {  	_ = 	snop  }
0x3b: {  	_ = 	snop  }
0x3c: {  	p2 =	seq.s32 s10, $0x1;
	s10 =	sld [smem:$0x3FBA]  }
0x3d: {  	_ =	shalt  }
0x3e: {  	_ =	shalt  }
0x3f: {  	_ =	shalt  }
0x40: {  	_ =	shalt  }
0x41: {  	_ =	shalt  }
0x42: {  	_ =	shalt  }
0x43: {  	_ =	shalt  }
0x44: {  	_ =	shalt  }
0x45: {  	_ =	shalt  }
0x46: {  	_ =	shalt  }
0x47: {  	_ =	shalt  }
0x48: {  	_ =	shalt  }
0x49: {  	_ =	shalt  }
0x4a: {  	_ =	shalt  }
0x4b: {  	_ =	shalt  }
0x4c: {  	_ =	shalt  }
0x4d: {  	_ =	shalt  }
0x4e: {  	_ =	shalt  }
0x4f: {  	_ =	shalt  }
0x50: {  	_ =	shalt  }
0x51: {  	_ =	shalt  }
0x52: {  	_ =	shalt  }
0x53: {  	_ =	shalt  }
0x54: {  	_ =	shalt  }
0x55: {  	_ =	shalt  }
0x56: {  	_ =	shalt  }
0x57: {  	_ =	shalt  }
0x58: {  	_ =	shalt  }
0x59: {  	_ =	shalt  }
0x5a: {  	_ =	shalt  }
0x5b: {  	_ =	shalt  }
0x5c: {  	_ =	shalt  }
0x5d: {  	_ =	shalt  }
0x5e: {  	_ =	shalt  }
0x5f: {  	_ =	shalt  }
0x60: {  	_ =	shalt  }
0x61: {  	_ =	shalt  }
0x62: {  	_ =	shalt  }
0x63: {  	_ =	shalt  }
0x64: {  	_ =	shalt  }
0x65: {  	_ =	shalt  }
0x66: {  	_ =	shalt  }
0x67: {  	_ =	shalt  }
0x68: {  	_ =	shalt  }
0x69: {  	_ =	shalt  }
0x6a: {  	_ =	shalt  }
0x6b: {  	_ =	shalt  }
0x6c: {  	_ =	shalt  }
0x6d: {  	_ =	shalt  }
0x6e: {  	_ =	shalt  }
0x6f: {  	_ =	shalt  }
0x70: {  	_ =	shalt  }
0x71: {  	_ =	shalt  }
0x72: {  	_ =	shalt  }
0x73: {  	_ =	shalt  }
0x74: {  	_ =	shalt  }
0x75: {  	_ =	shalt  }
0x76: {  	_ =	shalt  }
0x77: {  	_ =	shalt  }
0x78: {  	_ =	shalt  }
0x79: {  	_ =	shalt  }
0x7a: {  	_ =	shalt  }
0x7b: {  	_ =	shalt  }
0x7c: {  	_ =	shalt  }
0x7d: {  	_ =	shalt  }
0x7e: {  	_ =	shalt  }
0x7f: {  	_ =	shalt  }
0x80: {  	_ =	shalt  }
0x81: {  	_ =	shalt  }
0x82: {  	_ =	shalt  }
0x83: {  	_ =	shalt  }
0x84: {  	_ =	shalt  }
0x85: {  	_ =	shalt  }
0x86: {  	_ =	shalt  }
0x87: {  	_ =	shalt  }
.Lfunc_end0:
.L_simem_size_0:
called_computation_lowered:
.L_overlay_start_0:
0x88: {  	s2 =	sld [smem:$0x3FD9]  }
0x89: {  	s3 =	sld [smem:$0x3FFE];
	_ =	sdelay $0x1  }
0x8a: {  	s1 =	srdreg.scid  }
0x8b: {  	s0 =	sand.u32 $0x1, s1  }
0x8c: {  	s17 =	sshll.u32 s0, $0xA;
	s2 =	sadd.s32 s3, s2  }
0x8d: {  	s2 =	sadd.s32 s2, s17  }
0x8e: {  	[smem:$0x3FC6] =	sst s2  }
0x8f: {  	_ = 	snop  }
0x90: {  	s2 =	sld [smem:$0x3FD0];
	(tm) =	ssettm $0x1  }
0x91: {  	s18 =	sld [smem:$0x3FFB];
	_ =	sdelay $0x3  }
0x92: {  	_ =	strace s18  }
0x93: {  	s3 =	sld [smem:$0x3FFC];
	_ =	sdelay $0x3  }
0x94: {  	_ =	strace s3  }
0x95: {  	s3 =	sld [smem:$0x3FFD];
	_ =	sdelay $0x3  }
0x96: {  	_ =	strace s3  }
0x97: {  	_ =	strace $0x8FFFFFFF  }
0x98: {  	s19 =	sld [smem:$0x3FDB];
	_ =	sdelay $0x1  }
0x99: {  	s4 =	simm.s32 $_scs_section_size  }
0x9a: {  	s5 =	simm.s32 $_size__tile_overlayer_lowered;
	s6 =	simm.s32 $_tile_overlayer_lowered  }
0x9b: {  	s22 =	simm.s32 $0x1BFF;
	s21 =	sshll.u32 s6, $0x1;
	s3 =	sadd.s32 s4, s19  }
0x9c: {  	s7 =	simm.s32 $0x0;
	s20 =	sshll.u32 s5, $0x1;
	s5 =	sadd.s32 s21, s3  }
0x9d: {  	[timem:s7], [sflag:s22] =	dma.local [hbm:s5], s20  }
0x9e: {  	_ =	swait.ge [sflag:s22], s20  }
0x9f: {  	s4 =	ssub.s32 $0x0, s20;
	[sflag:s22] =	ssyncset.done $0x0  }
0xa0: {  	[sflag:s22] =	ssyncadd.s32 s4;
	_ =	sdelay $0x1  }
0xa1: {  	s23 =	simm.s32 $0x1B8B  }
0xa2: {  	_ =	swait.ge [sflag:s23], $0x1  }
0xa3: {  	[sflag:s23] =	ssyncset.done $0x0  }
0xa4: {  	s25 =	simm.s32 $0x1B8E;
	s24 =	sld [smem:$0x3FFE];
	[sflag:s23] =	ssyncadd.s32 $0xFFFFFFFF  }
0xa5: {  	s26 =	simm.s32 $execute0_lowered;
	[smem:$0x3FD2] =	sst s25  }
0xa6: {  	s5 =	sshll.u32 s26, $0x1;
	_ =	strace $0x80000046;
	[dreg:$0x1] =	wrdreg $0xFFFFFFFF  }
0xa7: {  	s28 =	simm.s32 $_size_execute0_lowered;
	s3 =	sadd.s32 s3, s5;
	[dreg:$0x0] =	wrdreg $0x0  }
0xa8: {  	s5 =	sshll.u32 s28, $0x1;
	[dreg:$0x2] =	wrdreg s3  }
0xa9: {  	[dreg:$0x3] =	wrdreg s5  }
0xaa: {  	[dreg:$0x4] =	wrdreg $0xC0  }
0xab: {  	_ =	task [dreg:s7], $0x5FFFF  }
0xac: {  	[dreg:$0x1] =	wrdreg $0xFFFFFFFF  }
0xad: {  	[dreg:$0x0] =	wrdreg $0x60  }
0xae: {  	[dreg:$0x2] =	wrdreg s24  }
0xaf: {  	[dreg:$0x3] =	wrdreg s2  }
0xb0: {  	[dreg:$0x4] =	wrdreg $0xF9000  }
0xb1: {  	[dreg:$0x5] =	wrdreg $0x9  }
0xb2: {  	_ =	task.clear_ibuf [dreg:s7], $0x6FFFF;
	_ =	strace $0x90000046  }
0xb3: {  	s29 =	simm.s32 $0x9;
	_ =	strace $0x80000048  }
0xb4: {  	_ =	swait.ge [sflag:s29], $0x1  }
0xb5: {  	[sflag:s29] =	ssyncadd.s32 $0xFFFFFFFF  }
0xb6: {  	_ =	strace $0x90000048  }
0xb7: {  	_ =	sfence  }
0xb8: {  	s30 =	sld [smem:$0x0];
	_ =	sdelay $0x2  }
0xb9: {  	s31 =	sshll.u32 s1, $0xD;
	s1 =	sshrl.u32 s1, $0x2  }
0xba: {  	s3 =	sand.u32 $0x4000, s31;
	s1 =	sadd.s32 s1, s30  }
0xbb: {  	s0 =	sor.u32 s3, s0;
	s1 =	sshll.u32 s1, $0x11  }
0xbc: {  	s0 =	sor.u32 s1, s0  }
0xbd: {  	s0 =	sadd.s32 $0x8F2B, s0  }
0xbe: {  	[sflag:s0] =	ssyncadd.remote.s32 $0x1  }
0xbf: {  	_ =	sfence.sel $0xFFFF  }
0xc0: {  	[dreg:$0x0] =	wrdreg $0xFFFFFFFF;
	(pc) =	sbr.abs _section_cstart, $3  }
0xc1: {  	[dreg:$0x1] =	wrdreg $0xFFFFFFFF  }
0xc2: {  	_ =	task.clear_ibuf [dreg:s7], $0x2FFFF;
	_ =	strace $0x9FFFFFFF  }
0xc3: {  	(tm) =	ssettm $0x7FFFFFFF  }
tec
execute0_lowered:
.L_overlay_start_1:
0x0: {  	(tag) =	ssettag $0x1  }
0x1: {  	v0 =	vimm.s32 $0xEFCDAB89  }
0x2: {  	vm0 =	vcmask $0xB08;
	vm1 =	vcmask $0x300;
	v1 =	vimm.s32 $0x67452301  }
0x3: {  	v2 =	vimm.s32 $0xDCFE98BA;
	v3 =	vimm.s32 $0x54761032;
	vm2 =	vcmask $0x700  }
0x4: {  	vm3 =	vcmask $0x3B38;
	v4 =	vimm.s32 $0xFEDCBA98;
	v5 =	vimm.s32 $0x76543210  }
0x5: {  	s4 =	rddreg [dreg:$0x0];
	v0 =	vunpack.c.l.s4.s8 v0;
	vm0 =	vmor vm1, vm0;
	vm1 =	vcmask $0x1310  }
0x6: {  	s8 =	rddreg [dreg:$0x1];
	v1 =	vunpack.c.l.s4.s8 v1;
	v2 =	vunpack.c.l.s4.s8 v2;
	v3 =	vunpack.c.l.s4.s8 v3  }
0x7: {  	s1 =	rddreg [dreg:$0x2];
	s0 =	stileid.u32;
	v4 =	vunpack.c.l.s4.s8 v4;
	vm0 =	vmor vm0, vm1;
	vm1 =	vcmask $0x1B18  }
0x8: {  	s3 =	srdreg.scid;
	s2 =	rddreg [dreg:$0x3];
	s14 =	simm.s32 $0x5100;
	v0 =	vunpack.c.0.s8.s32 v0;
	vm0 =	vmor vm0, vm1;
	vm1 =	vcmask $0x2320  }
0x9: {  	s15 =	simm.s32 $0x7100;
	s16 =	simm.s32 $0x9100;
	s17 =	simm.s32 $0xB100;
	v1 =	vunpack.c.0.s8.s32 v1;
	vm0 =	vmor vm0, vm1;
	vm1 =	vcmask $0x2B28  }
0xa: {  	s18 =	simm.s32 $0x1;
	s19 =	simm.s32 $0x2;
	s20 =	simm.s32 $0x3;
	v4 =	vunpack.c.0.s8.s32 v4;
	vm0 =	vmor vm0, vm1;
	vm1 =	vcmask $0x3330  }
0xb: {  	s21 =	simm.s32 $0x4;
	s22 =	simm.s32 $0xD100;
	s23 =	simm.s32 $0x0;
	v0 =	vcombine.low v1, v0;
	v1 =	vunpack.c.0.s8.s32 v2;
	v2 =	vunpack.c.0.s8.s32 v3  }
0xc: {  	s5 =	sand.u32 $0x1, s3;
	s6 =	sshll.u32 s0, $0x1;
	s3 =	simm.s32 $0x0;
	v3 =	vimm.s32 $0x32107654;
	vm0 =	vmor vm0, vm1;
	vm1 =	vcmask $0x1710  }
0xd: {  	s7 =	smul.u32 $0x9C40, s0;
	s31 =	sshll.u32 s0, $0x6;
	s6 =	sor.u32 s5, s6;
	v3 =	vunpack.c.l.s4.s8 v3;
	v1 =	vcombine.low v2, v1;
	v2 =	vimm.s32 $0xBA98FEDC  }
0xe: {  	[smem:$0x7FF] =	sst s3;
	s5 =	ssub.s32 $0x2, s5;
	s6 =	smul.u32 $0x2710, s6;
	vm1 =	vmor vm2, vm1;
	vm2 =	vcmask $0x2720;
	v2 =	vunpack.c.l.s4.s8 v2  }
0xf: {  	v5 =	vunpack.c.l.s4.s8 v5;
	_ =	strace $0x80000047;
	s9 =	sshrl.u32 s7, $0x3;
	s30 =	sshrl.u32 s5, $0x1;
	v4 =	vand.u32 $0xF, v4;
	vm1 =	vmor vm1, vm2  }
0x10: {  	s13 =	sadd.s32 s7, s1;
	s9 =	sadd.s32 s9, s4;
	s10 =	sshrl.u32 s6, $0x3;
	vm2 =	vcmask $0x3730;
	v3 =	vunpack.c.0.s8.s32 v3;
	v2 =	vunpack.c.0.s8.s32 v2  }
0x11: {  	s12 =	ssub.s32 s5, s30;
	s5 =	sor.u32 $0x1C05, s31;
	s11 =	sadd.s32 s10, s4;
	vm0 =	vmor vm0, vm3;
	vm3 =	vcmask $0xF00;
	vm1 =	vmor vm1, vm2  }
0x12: {  	s4 =	sadd.s32 $0x200, s9;
	s8 =	sadd.s32 s8, s10;
	s9 =	smax.u32 s12, $0x1;
	vm2 =	vcmask $0x2F20;
	v2 =	vcombine.low v3, v2;
	v3 =	vunpack.c.0.s8.s32 v5  }
0x13: {  	s10 =	sshrl.u32 s13, $0x3;
	s12 =	simm.s32 $0x2880;
	s13 =	simm.s32 $0x80;
	v0 =	vand.u32 $0xF, v0;
	v1 =	vand.u32 $0xF, v1;
	vm2 =	vmor vm3, vm2  }
0x14: {  	s6 =	sadd.s32 $0x13C00, s11;
	s7 =	sadd.s32 $0x1D840, s11;
	s11 =	simm.s32 $0x5;
	vm3 =	vmmov $0xff;
	v2 =	vand.u32 $0xF, v2;
	v3 =	vcombine.low v4, v3  }
.LBB2_1:
0x15: {  	[spmem:s10], [sflag:s5] =	dma.local [hbm:s4], $0x1388  }
0x16: {  	_ =	swait.ge [sflag:s11], $0x1388  }
0x17: {  	[sflag:s11] =	ssyncset.done $0x0  }
0x18: {  	[sflag:s11] =	ssyncadd.s32 $0xFFFFEC78  }
0x19: {  	[tilespmem:s3], [sflag:$0x5] =	stream.linear.gather [hbm4b:s6+s3], $0x2880, $0x38;
	[tilespmem:$0x19540] =	vst v63  }
0x1a: {  	_ =	swait.ge [sflag:s11], $0x2880  }
0x1b: {  	[sflag:s11] =	ssyncset.done $0x0  }
0x1c: {  	[sflag:s11] =	ssyncadd.s32 $0xFFFFD780  }
0x1d: {  	[tilespmem:s12], [sflag:$0x5] =	stream.linear.gather [hbm4b:s7+s3], $0x2880, $0x38;
	[tilespmem:$0x19540] =	vst v63  }
0x1e: {  	_ =	swait.ge [sflag:s11], $0x2880  }
0x1f: {  	[sflag:s11] =	ssyncset.done $0x0  }
0x20: {  	[sflag:s11] =	ssyncadd.s32 $0xFFFFD780  }
0x21: {  	[bflag:$0x0] =	sbarrier.arrive $0xFFFF  }
0x22: {  	[tilespmem:s14], [sflag:$0x1] =	stream.indirect.gather [spmem:s1], $0x40, s3, s13, $0xb8;
	[tilespmem:$0x19540] =	vst v63  }
0x23: {  	s24 =	simm.s32 $0xD180;
	s25 =	simm.s32 $0xD100;
	s26 =	simm.s32 $0x0  }
0x24: {  	[tilespmem:s15], [sflag:$0x2] =	stream.indirect.gather [spmem:s1], $0x40, s12, s13, $0xb8;
	[tilespmem:$0x19540] =	vst v63  }
.LBB2_2:
0x25: {  	s28 =	sshll.u32 s26, $0x8  }
0x26: {  	s29 =	sor.u32 $0x80, s28  }
0x27: {  	[tilespmem:s16], [sflag:$0x3] =	stream.indirect.gather [spmem:s1], $0x40, s29, s13, $0xb8;
	[tilespmem:$0x19540] =	vst v63  }
0x28: {  	s29 =	sadd.s32 $0x2900, s28  }
0x29: {  	[tilespmem:s17], [sflag:$0x4] =	stream.indirect.gather [spmem:s1], $0x40, s29, s13, $0xb8;
	[tilespmem:$0x19540] =	vst v63  }
0x2a: {  	_ =	swait.ge [sflag:s18], $0x2000  }
0x2b: {  	[sflag:s18] =	ssyncset.done $0x0  }
0x2c: {  	[sflag:s18] =	ssyncadd.s32 $0xFFFFE000  }
0x2d: {  	_ =	swait.ge [sflag:s19], $0x2000  }
0x2e: {  	[sflag:s19] =	ssyncset.done $0x0  }
0x2f: {  	s29 =	simm.s32 $0x0;
	[sflag:s19] =	ssyncadd.s32 $0xFFFFE000  }
0x30: {  	v4 =	vld [tilespmem:s29+$0x5130]  }
0x31: {  	v5 =	vld [tilespmem:s29+$0x7130]  }
0x32: {  	v6 =	vld [tilespmem:s29+$0x5170]  }
0x33: {  	v7 =	vld [tilespmem:s29+$0x7170]  }
0x34: {  	v8 =	vld [tilespmem:s29+$0x51B0]  }
0x35: {  	v9 =	vld [tilespmem:s29+$0x71B0]  }
0x36: {  	v10 =	vld [tilespmem:s29+$0x51F0]  }
0x37: {  	v11 =	vld [tilespmem:s29+$0x71F0]  }
0x38: {  	v12 =	vld [tilespmem:s29+$0x5230]  }
0x39: {  	v13 =	vld [tilespmem:s29+$0x7230]  }
0x3a: {  	v16 =	vld [tilespmem:s29+$0x5270]  }
0x3b: {  	v17 =	vld [tilespmem:s29+$0x7270]  }
0x3c: {  	v20 =	vld [tilespmem:s29+$0x52B0]  }
0x3d: {  	v30 =	vld [tilespmem:s29+$0x7430]  }
0x3e: {  	v50 =	vld [tilespmem:s29+$0x7320]  }
0x3f: {  	v51 =	vld [tilespmem:s29+$0x7360]  }
0x40: {  	v41 =	vld [tilespmem:s29+$0x53A0]  }
0x41: {  	v42 =	vld [tilespmem:s29+$0x73A0]  }
0x42: {  	v21 =	vld [tilespmem:s29+$0x72B0]  }
0x43: {  	v22 =	vld [tilespmem:s29+$0x52F0];
	v14 =	vshll.u32 v4, $0x10;
	v15 =	vshll.u32 v5, $0x10  }
0x44: {  	v23 =	vld [tilespmem:s29+$0x72F0];
	v4 =	vmul.f32 v5, v4;
	v19 =	vshll.u32 v7, $0x10;
	v28 =	vshll.u32 v11, $0x10  }
0x45: {  	v24 =	vld [tilespmem:s29+$0x5330];
	v35 =	vshll.u32 v30, $0x10;
	v54 =	vshll.u32 v50, $0x10;
	v14 =	vmul.f32 v15, v14  }
0x46: {  	v25 =	vld [tilespmem:s29+$0x7330];
	v56 =	vshll.u32 v51, $0x10;
	v58 =	vshll.u32 v41, $0x10;
	v59 =	vshll.u32 v42, $0x10  }
0x47: {  	v26 =	vld [tilespmem:s29+$0x5370];
	v15 =	vshll.u32 v6, $0x10;
	v6 =	vmul.f32 v7, v6;
	v18 =	vadd.f32 v14, v4  }
0x48: {  	v27 =	vld [tilespmem:s29+$0x53B0];
	v4 =	vmul.f32 v19, v15;
	v14 =	vshll.u32 v8, $0x10;
	v15 =	vshll.u32 v9, $0x10  }
0x49: {  	v29 =	vld [tilespmem:s29+$0x73F0];
	v8 =	vmul.f32 v9, v8;
	v14 =	vmul.f32 v15, v14;
	v15 =	vshll.u32 v10, $0x10  }
0x4a: {  	v31 =	vld [tilespmem:s29+$0x5470];
	v19 =	vadd.f32 v4, v6;
	v4 =	vmul.f32 v28, v15;
	v6 =	vmul.f32 v11, v10  }
0x4b: {  	v32 =	vld [tilespmem:s29+$0x7470];
	v10 =	vshll.u32 v13, $0x10;
	v15 =	vadd.f32 v14, v8;
	v8 =	vshll.u32 v12, $0x10  }
0x4c: {  	v33 =	vld [tilespmem:s29+$0x54B0];
	v11 =	vmul.f32 v17, v16;
	v14 =	vadd.f32 v4, v6;
	v4 =	vmul.f32 v10, v8  }
0x4d: {  	v34 =	vld [tilespmem:s29+$0x5160];
	v6 =	vmul.f32 v13, v12;
	v8 =	vshll.u32 v16, $0x10;
	v10 =	vshll.u32 v17, $0x10  }
0x4e: {  	v5 =	vld [tilespmem:s29+$0x7370];
	v12 =	vshll.u32 v21, $0x10;
	v8 =	vmul.f32 v10, v8;
	v10 =	vshll.u32 v20, $0x10  }
0x4f: {  	v36 =	vld [tilespmem:s29+$0x71E0];
	v16 =	vadd.f32 v4, v6;
	v4 =	vmul.f32 v12, v10;
	v6 =	vmul.f32 v21, v20  }
0x50: {  	v7 =	vld [tilespmem:s29+$0x73B0];
	v10 =	vshll.u32 v23, $0x10;
	v17 =	vadd.f32 v8, v11;
	v8 =	vshll.u32 v22, $0x10  }
0x51: {  	v60 =	vmul.f32 v42, v41;
	v20 =	vld [tilespmem:s29+$0x74B0];
	v13 =	vadd.f32 v4, v6;
	v4 =	vmul.f32 v10, v8  }
0x52: {  	v21 =	vld [tilespmem:s29+$0x54F0];
	v6 =	vmul.f32 v23, v22;
	v8 =	vshll.u32 v24, $0x10;
	v10 =	vshll.u32 v25, $0x10  }
0x53: {  	v9 =	vld [tilespmem:s29+$0x53F0];
	v12 =	vmul.f32 v25, v24;
	v25 =	vshll.u32 v5, $0x10;
	v8 =	vmul.f32 v10, v8  }
0x54: {  	v28 =	vld [tilespmem:s29+$0x5430];
	v5 =	vmul.f32 v5, v26;
	v10 =	vshll.u32 v26, $0x10;
	v11 =	vadd.f32 v4, v6  }
0x55: {  	v63 =	vld [tilespmem:s29+$0x7260];
	v4 =	vmul.f32 v25, v10;
	v6 =	vshll.u32 v27, $0x10;
	v12 =	vadd.f32 v8, v12  }
0x56: {  	v22 =	vld [tilespmem:s29+$0x74F0];
	v8 =	vshll.u32 v7, $0x10;
	v62 =	vshll.u32 v20, $0x10;
	v20 =	vmul.f32 v20, v33  }
0x57: {  	v52 =	vld [tilespmem:s29+$0x7100];
	v44 =	vshll.u32 v21, $0x10;
	v10 =	vadd.f32 v4, v5;
	v4 =	vmul.f32 v8, v6  }
0x58: {  	v23 =	vld [tilespmem:s29+$0x5120];
	v5 =	vmul.f32 v7, v27;
	v6 =	vshll.u32 v9, $0x10;
	v7 =	vshll.u32 v29, $0x10  }
0x59: {  	v24 =	vld [tilespmem:s29+$0x7120];
	v9 =	vmul.f32 v29, v9;
	v6 =	vmul.f32 v7, v6;
	v7 =	vshll.u32 v28, $0x10  }
0x5a: {  	v53 =	vld [tilespmem:s29+$0x5110];
	v8 =	vadd.f32 v4, v5;
	v4 =	vmul.f32 v35, v7;
	v5 =	vmul.f32 v30, v28  }
0x5b: {  	v26 =	vld [tilespmem:s29+$0x51A0];
	v45 =	vshll.u32 v22, $0x10;
	v21 =	vmul.f32 v22, v21;
	v7 =	vshll.u32 v32, $0x10  }
0x5c: {  	v25 =	vld [tilespmem:s29+$0x7160];
	v9 =	vadd.f32 v6, v9;
	v6 =	vshll.u32 v31, $0x10;
	v4 =	vadd.f32 v4, v5  }
0x5d: {  	v27 =	vld [tilespmem:s29+$0x71A0];
	v5 =	vmul.f32 v7, v6;
	v6 =	vmul.f32 v32, v31;
	v7 =	vshll.u32 v33, $0x10  }
0x5e: {  	v22 =	vshll.u32 v23, $0x10;
	v46 =	vshll.u32 v24, $0x10;
	v28 =	vld [tilespmem:s29+$0x5220];
	v7 =	vmul.f32 v62, v7  }
0x5f: {  	v30 =	vld [tilespmem:s29+$0x7220];
	v32 =	vmul.f32 v45, v44;
	v45 =	vshll.u32 v52, $0x10;
	v5 =	vadd.f32 v5, v6  }
0x60: {  	v29 =	vld [tilespmem:s29+$0x51E0];
	v6 =	vadd.f32 v7, v20;
	v20 =	vmul.f32 v46, v22;
	v22 =	vmul.f32 v24, v23  }
0x61: {  	v44 =	vld [tilespmem:s29+$0x7110];
	v7 =	vadd.f32 v32, v21;
	v21 =	vshll.u32 v34, $0x10;
	v24 =	vshll.u32 v25, $0x10  }
0x62: {  	v37 =	vld [tilespmem:s29+$0x52A0];
	v48 =	vshll.u32 v27, $0x10;
	v21 =	vmul.f32 v24, v21;
	v24 =	vshll.u32 v26, $0x10  }
0x63: {  	v31 =	vld [tilespmem:s29+$0x5260];
	v25 =	vmul.f32 v25, v34;
	v20 =	vadd.f32 v20, v22;
	v22 =	vmul.f32 v48, v24  }
0x64: {  	v38 =	vld [tilespmem:s29+$0x72A0];
	v46 =	vshll.u32 v53, $0x10;
	v24 =	vmul.f32 v27, v26;
	v26 =	vmul.f32 v30, v28  }
0x65: {  	v43 =	vld [tilespmem:s29+$0x5100];
	v39 =	vadd.f32 v21, v25;
	v21 =	vshll.u32 v29, $0x10;
	v25 =	vshll.u32 v36, $0x10  }
0x66: {  	v57 =	vld [tilespmem:s29+$0x7140];
	v32 =	vmul.f32 v44, v53;
	v27 =	vadd.f32 v22, v24;
	v21 =	vmul.f32 v25, v21  }
0x67: {  	v47 =	vld [tilespmem:s29+$0x72E0];
	v22 =	vmul.f32 v36, v29;
	v24 =	vshll.u32 v28, $0x10;
	v25 =	vshll.u32 v30, $0x10  }
0x68: {  	v23 =	vld [tilespmem:s29+$0x52E0];
	v29 =	vshll.u32 v63, $0x10;
	v24 =	vmul.f32 v25, v24;
	v25 =	vshll.u32 v31, $0x10  }
0x69: {  	v49 =	vld [tilespmem:s29+$0x5320];
	v28 =	vadd.f32 v21, v22;
	v21 =	vmul.f32 v29, v25;
	v22 =	vmul.f32 v63, v31  }
0x6a: {  	v40 =	vld [tilespmem:s29+$0x5360];
	v25 =	vshll.u32 v38, $0x10;
	v63 =	vshll.u32 v43, $0x10;
	v29 =	vadd.f32 v24, v26  }
0x6b: {  	v55 =	vld [tilespmem:s29+$0x5140];
	v24 =	vshll.u32 v37, $0x10;
	v36 =	vmul.f32 v45, v63;
	v45 =	vshll.u32 v57, $0x10  }
0x6c: {  	v61 =	vld [tilespmem:s29+$0x7150];
	v30 =	vadd.f32 v21, v22;
	v21 =	vmul.f32 v25, v24;
	v22 =	vmul.f32 v38, v37  }
0x6d: {  	v33 =	vld [tilespmem:s29+$0x73E0];
	v24 =	vshll.u32 v23, $0x10;
	v25 =	vshll.u32 v47, $0x10;
	v23 =	vmul.f32 v47, v23  }
0x6e: {  	v48 =	vld [tilespmem:s29+$0x5420];
	v37 =	vmul.f32 v52, v43;
	v47 =	vshll.u32 v44, $0x10;
	v24 =	vmul.f32 v25, v24  }
0x6f: {  	v31 =	vld [tilespmem:s29+$0x53E0];
	v25 =	vshll.u32 v49, $0x10;
	v42 =	vmul.f32 v47, v46;
	v26 =	vadd.f32 v21, v22  }
0x70: {  	v52 =	vld [tilespmem:s29+$0x7460];
	v21 =	vmul.f32 v54, v25;
	v22 =	vmul.f32 v50, v49;
	v49 =	vshll.u32 v55, $0x10  }
0x71: {  	v47 =	vld [tilespmem:s29+$0x5460];
	v36 =	vadd.f32 v36, v37;
	v24 =	vadd.f32 v24, v23;
	v23 =	vshll.u32 v40, $0x10  }
0x72: {  	v32 =	vadd.f32 v42, v32;
	v25 =	vadd.f32 v21, v22;
	v21 =	vmul.f32 v56, v23;
	v23 =	vld [tilespmem:s29+$0x5150]  }
0x73: {  	v34 =	vmul.f32 v57, v55;
	v46 =	vshll.u32 v61, $0x10;
	v50 =	vld [tilespmem:s29+$0x7420];
	v44 =	vmul.f32 v45, v49  }
0x74: {  	v62 =	vmul.f32 v33, v31;
	v22 =	vmul.f32 v51, v40;
	v56 =	vld [tilespmem:s29+$0x7180];
	v32 =	vadd.f32 v32, v36  }
0x75: {  	v31 =	vshll.u32 v31, $0x10;
	v33 =	vshll.u32 v33, $0x10;
	v34 =	vadd.f32 v44, v34;
	v44 =	vld [tilespmem:s29+$0x5180]  }
0x76: {  	v31 =	vmul.f32 v33, v31;
	v21 =	vadd.f32 v21, v22;
	v20 =	vadd.f32 v20, v32  }
0x77: {  	v53 =	vld [tilespmem:s29+$0x54A0];
	v22 =	vmul.f32 v59, v58;
	v59 =	vshll.u32 v47, $0x10;
	v51 =	vshll.u32 v23, $0x10  }
0x78: {  	v37 =	vld [tilespmem:s29+$0x5190];
	v23 =	vmul.f32 v61, v23;
	v49 =	vadd.f32 v18, v20;
	v45 =	vmul.f32 v46, v51  }
0x79: {  	v63 =	vmul.f32 v52, v47;
	v57 =	vshll.u32 v50, $0x10;
	v58 =	vmul.f32 v50, v48;
	v61 =	vld [tilespmem:s29+$0x7190]  }
0x7a: {  	v35 =	vmul.f32 v56, v44;
	v51 =	vperm.xlane v49, v0;
	v54 =	vadd.f32 v45, v23  }
0x7b: {  	v55 =	vld [tilespmem:s29+$0x74A0];
	v23 =	vadd.f32 v22, v60;
	v22 =	vadd.f32 v31, v62;
	v31 =	vshll.u32 v48, $0x10  }
0x7c: {  	v40 =	vld [tilespmem:s29+$0x51C0];
	v62 =	vshll.u32 v52, $0x10;
	v31 =	vmul.f32 v57, v31;
	v34 =	vadd.f32 v54, v34  }
0x7d: {  	v50 =	vld [tilespmem:s29+$0x71C0];
	v48 =	vshll.u32 v53, $0x10;
	v38 =	vmul.f32 v62, v59;
	v57 =	vshll.u32 v37, $0x10  }
0x7e: {  	v46 =	vld [tilespmem:s29+$0x51D0];
	v18 =	vadd.f32 v31, v58;
	v58 =	vshll.u32 v61, $0x10;
	v60 =	vadd.f32 v39, v34  }
0x7f: {  	v59 =	vld [tilespmem:s29+$0x7200];
	v54 =	vshll.u32 v44, $0x10;
	v39 =	vmul.f32 v58, v57;
	v34 =	vmul.f32 v61, v37  }
0x80: {  	v31 =	vmul.f32 v55, v53;
	v53 =	vld [tilespmem:s29+$0x71D0];
	v32 =	vadd.f32 v19, v60;
	v19 =	vshll.u32 v55, $0x10  }
0x81: {  	v61 =	vld [tilespmem:s29+$0x7210];
	v55 =	vshll.u32 v56, $0x10;
	v34 =	vadd.f32 v39, v34;
	v20 =	vmul.f32 v19, v48  }
0x82: {  	v56 =	vld [tilespmem:s29+$0x5200];
	v19 =	vadd.f32 v38, v63;
	v38 =	vmul.f32 v55, v54;
	v63 =	vshll.u32 v40, $0x10  }
0x83: {  	v60 =	vld [tilespmem:s29+$0x5210];
	v48 =	vshll.u32 v50, $0x10;
	v40 =	vmul.f32 v50, v40;
	v50 =	vshll.u32 v46, $0x10  }
0x84: {  	v62 =	vld [tilespmem:s29+$0x5240];
	v55 =	vshll.u32 v59, $0x10;
	v52 =	vperm.xlane v32, v0;
	v20 =	vadd.f32 v20, v31  }
0x85: {  	v31 =	vadd.f32 v51, v49;
	v35 =	vadd.f32 v38, v35;
	v38 =	vmul.f32 v48, v63  }
0x86: {  	v49 =	vld [tilespmem:s29+$0x7240];
	v51 =	vshll.u32 v53, $0x10;
	v57 =	vshll.u32 v61, $0x10;
	v32 =	vadd.f32 v32, v52  }
0x87: {  	v45 =	vld [tilespmem:s29+$0x5250];
	v52 =	vmul.f32 v53, v46;
	v34 =	vadd.f32 v34, v35;
	v35 =	vmul.f32 v51, v50  }
0x88: {  	v53 =	vld [tilespmem:s29+$0x7250];
	v54 =	vshll.u32 v56, $0x10;
	v42 =	vmul.f32 v59, v56;
	v56 =	vshll.u32 v60, $0x10  }
0x89: {  	v48 =	vld [tilespmem:s29+$0x74E0];
	v38 =	vadd.f32 v38, v40;
	v33 =	vmul.f32 v61, v60;
	v59 =	vshll.u32 v62, $0x10  }
0x8a: {  	v61 =	vld [tilespmem:s29+$0x54E0];
	v44 =	vmul.f32 v55, v54;
	v58 =	vmul.f32 v57, v56;
	v31 =	vsel vm0, v31, v32  }
0x8b: {  	v51 =	vld [tilespmem:s29+$0x5280];
	v35 =	vadd.f32 v35, v52;
	v27 =	vadd.f32 v27, v34;
	v60 =	vshll.u32 v49, $0x10  }
0x8c: {  	v54 =	vld [tilespmem:s29+$0x5290];
	v36 =	vmul.f32 v49, v62;
	v62 =	vshll.u32 v45, $0x10;
	v42 =	vadd.f32 v44, v42  }
0x8d: {  	v56 =	vld [tilespmem:s29+$0x7290];
	v33 =	vadd.f32 v58, v33;
	v37 =	vmul.f32 v60, v59;
	v63 =	vshll.u32 v53, $0x10  }
0x8e: {  	v41 =	vmul.f32 v53, v45;
	v49 =	vadd.f32 v35, v38;
	v27 =	vadd.f32 v15, v27  }
0x8f: {  	v53 =	vshll.u32 v48, $0x10;
	v46 =	vmul.f32 v63, v62;
	v50 =	vshll.u32 v61, $0x10  }
0x90: {  	v33 =	vadd.f32 v33, v42;
	v52 =	vmul.f32 v48, v61;
	v61 =	vshll.u32 v51, $0x10  }
0x91: {  	v60 =	vld [tilespmem:s29+$0x52D0];
	v36 =	vadd.f32 v37, v36;
	v15 =	vadd.f32 v28, v49;
	v57 =	vperm.xlane v27, v0  }
0x92: {  	v28 =	vld [tilespmem:s29+$0x7280];
	v45 =	vshll.u32 v54, $0x10;
	v32 =	vmul.f32 v56, v54;
	v47 =	vadd.f32 v46, v41  }
0x93: {  	v63 =	vld [tilespmem:s29+$0x72D0];
	v29 =	vadd.f32 v29, v33;
	v46 =	vshll.u32 v56, $0x10;
	v55 =	vadd.f32 v14, v15  }
0x94: {  	v49 =	vld [tilespmem:s29+$0x7300];
	v14 =	vperm.xlane v31, v1;
	v15 =	vmul.f32 v53, v50;
	v27 =	vadd.f32 v57, v27  }
0x95: {  	v48 =	vmul.f32 v46, v45;
	v36 =	vadd.f32 v47, v36;
	v16 =	vadd.f32 v16, v29;
	v29 =	vld [tilespmem:s29+$0x52C0]  }
0x96: {  	v47 =	vld [tilespmem:s29+$0x5300];
	v53 =	vshll.u32 v60, $0x10;
	v14 =	vadd.f32 v14, v31;
	v15 =	vadd.f32 v15, v52  }
0x97: {  	v31 =	vld [tilespmem:s29+$0x72C0];
	v30 =	vadd.f32 v30, v36;
	v58 =	vperm.xlane v16, v0;
	v62 =	vshll.u32 v28, $0x10  }
0x98: {  	v54 =	vshll.u32 v63, $0x10;
	v28 =	vmul.f32 v28, v51;
	v39 =	vmul.f32 v62, v61  }
0x99: {  	v57 =	vshll.u32 v49, $0x10;
	v17 =	vadd.f32 v17, v30;
	v30 =	vperm.xlane v55, v0  }
0x9a: {  	v50 =	vld [tilespmem:s29+$0x7310];
	v34 =	vadd.f32 v58, v16;
	v28 =	vadd.f32 v39, v28;
	v51 =	vshll.u32 v29, $0x10  }
0x9b: {  	v16 =	vld [tilespmem:s29+$0x5310];
	v56 =	vshll.u32 v47, $0x10;
	v36 =	vmul.f32 v49, v47;
	v30 =	vadd.f32 v55, v30  }
0x9c: {  	v61 =	vld [tilespmem:s29+$0x7340];
	v59 =	vperm.xlane v17, v0;
	v52 =	vshll.u32 v31, $0x10;
	v29 =	vmul.f32 v31, v29  }
0x9d: {  	v62 =	vld [tilespmem:s29+$0x5350];
	v35 =	vmul.f32 v57, v56;
	v27 =	vsel vm0, v27, v30;
	v30 =	vadd.f32 v48, v32  }
0x9e: {  	v58 =	vld [tilespmem:s29+$0x5340];
	v55 =	vmul.f32 v63, v60;
	v31 =	vmul.f32 v52, v51;
	v17 =	vadd.f32 v17, v59  }
0x9f: {  	v60 =	vshll.u32 v50, $0x10;
	v36 =	vadd.f32 v35, v36;
	v28 =	vadd.f32 v30, v28  }
0xa0: {  	v59 =	vshll.u32 v16, $0x10;
	v16 =	vmul.f32 v50, v16;
	v29 =	vadd.f32 v31, v29  }
0xa1: {  	v31 =	vld [tilespmem:s29+$0x7350];
	v30 =	vmul.f32 v54, v53;
	v26 =	vadd.f32 v26, v28;
	v28 =	vmul.f32 v60, v59  }
0xa2: {  	v39 =	vshll.u32 v61, $0x10;
	v43 =	vshll.u32 v62, $0x10;
	v63 =	vperm.xlane v27, v1  }
0xa3: {  	v42 =	vld [tilespmem:s29+$0x7380];
	v41 =	vmul.f32 v61, v58;
	v30 =	vadd.f32 v30, v55;
	v28 =	vadd.f32 v28, v16  }
0xa4: {  	v45 =	vld [tilespmem:s29+$0x5390];
	v17 =	vsel vm0, v34, v17;
	v16 =	vadd.f32 v27, v63;
	v26 =	vadd.f32 v13, v26  }
0xa5: {  	v46 =	vld [tilespmem:s29+$0x7390];
	v27 =	vadd.f32 v30, v29;
	v13 =	vperm.xlane v17, v1;
	v30 =	vshll.u32 v58, $0x10  }
0xa6: {  	v56 =	vld [tilespmem:s29+$0x7480];
	v44 =	vshll.u32 v31, $0x10;
	v31 =	vmul.f32 v31, v62;
	v28 =	vadd.f32 v28, v36  }
0xa7: {  	v29 =	vld [tilespmem:s29+$0x5380];
	v30 =	vmul.f32 v39, v30;
	v13 =	vadd.f32 v13, v17;
	v17 =	vmul.f32 v44, v43  }
0xa8: {  	v24 =	vadd.f32 v24, v27;
	v27 =	vperm.xlane v26, v0;
	v25 =	vadd.f32 v25, v28;
	v28 =	vld [tilespmem:s29+$0x53C0]  }
0xa9: {  	v30 =	vadd.f32 v30, v41;
	v17 =	vadd.f32 v17, v31;
	v31 =	vld [tilespmem:s29+$0x73C0]  }
0xaa: {  	v11 =	vadd.f32 v11, v24;
	v24 =	vadd.f32 v27, v26;
	v26 =	vld [tilespmem:s29+$0x53D0]  }
0xab: {  	v47 =	vshll.u32 v46, $0x10;
	v63 =	vshll.u32 v56, $0x10;
	v12 =	vadd.f32 v12, v25;
	v25 =	vld [tilespmem:s29+$0x73D0]  }
0xac: {  	v27 =	vshll.u32 v29, $0x10;
	v17 =	vadd.f32 v17, v30;
	v30 =	vshll.u32 v42, $0x10  }
0xad: {  	v29 =	vmul.f32 v42, v29;
	v27 =	vmul.f32 v30, v27;
	v30 =	vshll.u32 v45, $0x10  }
0xae: {  	v57 =	vld [tilespmem:s29+$0x7490];
	v17 =	vadd.f32 v21, v17;
	v21 =	vmul.f32 v47, v30;
	v30 =	vmul.f32 v46, v45  }
0xaf: {  	v48 =	vld [tilespmem:s29+$0x5400];
	v49 =	vshll.u32 v28, $0x10;
	v50 =	vshll.u32 v31, $0x10;
	v28 =	vmul.f32 v31, v28  }
0xb0: {  	v61 =	vld [tilespmem:s29+$0x54D0];
	v51 =	vshll.u32 v26, $0x10;
	v33 =	vmul.f32 v50, v49;
	v52 =	vshll.u32 v25, $0x10  }
0xb1: {  	v53 =	vld [tilespmem:s29+$0x5410];
	v10 =	vadd.f32 v10, v17;
	v25 =	vmul.f32 v25, v26;
	v17 =	vmul.f32 v52, v51  }
0xb2: {  	v54 =	vperm.xlane v11, v0;
	v31 =	vld [tilespmem:s29+$0x7400];
	v27 =	vadd.f32 v27, v29;
	v21 =	vadd.f32 v21, v30  }
0xb3: {  	v30 =	vperm.xlane v12, v0;
	v26 =	vld [tilespmem:s29+$0x7410];
	v28 =	vadd.f32 v33, v28;
	v17 =	vadd.f32 v17, v25  }
0xb4: {  	v11 =	vadd.f32 v11, v54;
	v55 =	vperm.xlane v10, v0;
	v21 =	vadd.f32 v21, v27;
	v25 =	vld [tilespmem:s29+$0x7440]  }
0xb5: {  	v39 =	vshll.u32 v57, $0x10;
	v29 =	vld [tilespmem:s29+$0x5440];
	v12 =	vadd.f32 v30, v12;
	v17 =	vadd.f32 v17, v28  }
0xb6: {  	v42 =	vshll.u32 v61, $0x10;
	v27 =	vld [tilespmem:s29+$0x5450];
	v10 =	vadd.f32 v10, v55;
	v21 =	vadd.f32 v23, v21  }
0xb7: {  	v30 =	vshll.u32 v31, $0x10;
	v28 =	vld [tilespmem:s29+$0x7450];
	v17 =	vadd.f32 v22, v17;
	v22 =	vshll.u32 v48, $0x10  }
0xb8: {  	v23 =	vld [tilespmem:s29+$0x5480];
	v8 =	vadd.f32 v8, v21;
	v21 =	vmul.f32 v30, v22;
	v22 =	vmul.f32 v31, v48  }
0xb9: {  	v30 =	vld [tilespmem:s29+$0x5490];
	v31 =	vshll.u32 v26, $0x10;
	v58 =	vshll.u32 v25, $0x10;
	v9 =	vadd.f32 v9, v17  }
0xba: {  	v17 =	vshll.u32 v53, $0x10;
	v21 =	vadd.f32 v21, v22;
	v22 =	vmul.f32 v26, v53;
	v26 =	vld [tilespmem:s29+$0x54C0]  }
0xbb: {  	v25 =	vmul.f32 v25, v29;
	v17 =	vmul.f32 v31, v17;
	v31 =	vshll.u32 v29, $0x10;
	v29 =	vld [tilespmem:s29+$0x74C0]  }
0xbc: {  	v59 =	vshll.u32 v27, $0x10;
	v60 =	vshll.u32 v28, $0x10;
	v27 =	vmul.f32 v28, v27;
	v28 =	vld [tilespmem:s29+$0x74D0]  }
0xbd: {  	v62 =	vshll.u32 v23, $0x10;
	v23 =	vmul.f32 v56, v23;
	v31 =	vmul.f32 v58, v31  }
0xbe: {  	v37 =	vmul.f32 v63, v62;
	v17 =	vadd.f32 v17, v22;
	v22 =	vmul.f32 v60, v59  }
0xbf: {  	v38 =	vshll.u32 v30, $0x10;
	v25 =	vadd.f32 v31, v25;
	v30 =	vmul.f32 v57, v30  }
0xc0: {  	v31 =	vmul.f32 v39, v38;
	v40 =	vshll.u32 v26, $0x10;
	v41 =	vshll.u32 v29, $0x10  }
0xc1: {  	v26 =	vmul.f32 v29, v26;
	v43 =	vshll.u32 v28, $0x10;
	v28 =	vmul.f32 v28, v61  }
0xc2: {  	v22 =	vadd.f32 v22, v27;
	v29 =	vmul.f32 v41, v40;
	v27 =	vmul.f32 v43, v42  }
0xc3: {  	v23 =	vadd.f32 v37, v23;
	v30 =	vadd.f32 v31, v30  }
0xc4: {  	v26 =	vadd.f32 v29, v26;
	v27 =	vadd.f32 v27, v28  }
0xc5: {  	v17 =	vadd.f32 v17, v21;
	v21 =	vadd.f32 v22, v25  }
0xc6: {  	v22 =	vadd.f32 v30, v23;
	v23 =	vadd.f32 v27, v26  }
0xc7: {  	v17 =	vadd.f32 v18, v17;
	v18 =	vadd.f32 v19, v21  }
0xc8: {  	v19 =	vadd.f32 v20, v22;
	v15 =	vadd.f32 v15, v23  }
0xc9: {  	v4 =	vadd.f32 v4, v17;
	v17 =	vperm.xlane v9, v0;
	v5 =	vadd.f32 v5, v18  }
0xca: {  	v20 =	vperm.xlane v8, v0;
	v6 =	vadd.f32 v6, v19;
	v7 =	vadd.f32 v7, v15  }
0xcb: {  	v9 =	vadd.f32 v9, v17;
	v18 =	vperm.xlane v5, v0;
	v15 =	vperm.xlane v4, v0  }
0xcc: {  	v8 =	vadd.f32 v20, v8;
	v17 =	vperm.xlane v6, v0;
	v19 =	vperm.xlane v7, v0  }
0xcd: {  	v11 =	vsel vm0, v24, v11;
	v5 =	vadd.f32 v5, v18;
	v4 =	vadd.f32 v15, v4  }
0xce: {  	v10 =	vsel vm0, v12, v10;
	v6 =	vadd.f32 v17, v6;
	v7 =	vadd.f32 v7, v19  }
0xcf: {  	v12 =	vperm.xlane v11, v1;
	v8 =	vsel vm0, v8, v9;
	v9 =	vperm.xlane v10, v1  }
0xd0: {  	v15 =	vperm.xlane v8, v1;
	v4 =	vsel vm0, v4, v5;
	v5 =	vsel vm0, v6, v7  }
0xd1: {  	v6 =	vadd.f32 v11, v12;
	v7 =	vperm.xlane v4, v1;
	v11 =	vperm.xlane v5, v1  }
0xd2: {  	v9 =	vadd.f32 v9, v10;
	v8 =	vadd.f32 v8, v15  }
0xd3: {  	v4 =	vadd.f32 v7, v4;
	v5 =	vadd.f32 v5, v11  }
0xd4: {  	v10 =	vsel vm1, v14, v16;
	v8 =	vsel vm1, v9, v8;
	v6 =	vsel vm1, v13, v6  }
0xd5: {  	v7 =	vperm.xlane v10, v2;
	v11 =	vperm.xlane v6, v2;
	v4 =	vsel vm1, v4, v5  }
0xd6: {  	v5 =	vperm.xlane v8, v2;
	v9 =	vperm.xlane v4, v2  }
0xd7: {  	v7 =	vadd.f32 v7, v10;
	v6 =	vadd.f32 v6, v11  }
0xd8: {  	v5 =	vadd.f32 v5, v8;
	v4 =	vadd.f32 v4, v9;
	_ =	sdelay $0x1  }
0xd9: {  	v6 =	vsel vm2, v7, v6;
	v4 =	vsel vm2, v5, v4  }
0xda: {  	v5 =	vperm.xlane v6, v3;
	v7 =	vperm.xlane v4, v3;
	_ =	sdelay $0x1  }
0xdb: {  	v5 =	vadd.f32 v5, v6;
	v4 =	vadd.f32 v4, v7;
	_ =	sdelay $0x1  }
0xdc: {  	v4 =	vsel vm3, v5, v4  }
0xdd: {  	v4 =	vsub.f32 $0.0e+00, v4;
	_ =	sdelay $0x1  }
0xde: {  	v4 =	vmul.f32 $1.442695020e+00, v4;
	_ =	sdelay $0x1  }
0xdf: {  	(erf) = vpow2.f32 v4;
	_ =	sdelay $0x8  }
0xe0: {  	v4 =	vpop (erf)  }
0xe1: {  	v4 =	vadd.f32 $1.000000000e+00, v4;
	_ =	sdelay $0x1  }
0xe2: {  	(erf) = vrcp.f32 v4;
	_ =	sdelay $0x8  }
0xe3: {  	v4 =	vpop (erf)  }
0xe4: {  	s29 =	simm.s32 $0x400;
	[tilespmem:s25+$0x0] =	vst v4  }
0xe5: {  	v4 =	vld [tilespmem:s29+$0x5130]  }
0xe6: {  	v5 =	vld [tilespmem:s29+$0x7130]  }
0xe7: {  	v6 =	vld [tilespmem:s29+$0x5170]  }
0xe8: {  	v7 =	vld [tilespmem:s29+$0x7170]  }
0xe9: {  	v9 =	vld [tilespmem:s29+$0x51B0]  }
0xea: {  	v10 =	vld [tilespmem:s29+$0x71B0]  }
0xeb: {  	v11 =	vld [tilespmem:s29+$0x51F0]  }
0xec: {  	v12 =	vld [tilespmem:s29+$0x71F0]  }
0xed: {  	v13 =	vld [tilespmem:s29+$0x5230]  }
0xee: {  	v14 =	vld [tilespmem:s29+$0x7230]  }
0xef: {  	v15 =	vld [tilespmem:s29+$0x5270]  }
0xf0: {  	v16 =	vld [tilespmem:s29+$0x7270]  }
0xf1: {  	v18 =	vld [tilespmem:s29+$0x52B0]  }
0xf2: {  	v20 =	vld [tilespmem:s29+$0x72B0]  }
0xf3: {  	v60 =	vld [tilespmem:s29+$0x53A0]  }
0xf4: {  	v61 =	vld [tilespmem:s29+$0x73A0]  }
0xf5: {  	v62 =	vld [tilespmem:s29+$0x5100]  }
0xf6: {  	v63 =	vld [tilespmem:s29+$0x7100]  }
0xf7: {  	v21 =	vld [tilespmem:s29+$0x52F0]  }
0xf8: {  	v22 =	vld [tilespmem:s29+$0x72F0]  }
0xf9: {  	v23 =	vld [tilespmem:s29+$0x5330];
	v8 =	vshll.u32 v4, $0x10;
	v17 =	vshll.u32 v5, $0x10  }
0xfa: {  	v24 =	vld [tilespmem:s29+$0x7330];
	v4 =	vmul.f32 v5, v4;
	v19 =	vshll.u32 v7, $0x10;
	v8 =	vmul.f32 v17, v8  }
0xfb: {  	v25 =	vld [tilespmem:s29+$0x5370];
	v28 =	vshll.u32 v12, $0x10;
	v39 =	vmul.f32 v61, v60;
	v37 =	vmul.f32 v63, v62  }
0xfc: {  	v26 =	vld [tilespmem:s29+$0x53B0];
	v17 =	vshll.u32 v6, $0x10;
	v6 =	vmul.f32 v7, v6;
	v8 =	vadd.f32 v8, v4  }
0xfd: {  	v27 =	vld [tilespmem:s29+$0x53F0];
	v4 =	vmul.f32 v19, v17;
	v17 =	vshll.u32 v9, $0x10;
	v19 =	vshll.u32 v10, $0x10  }
0xfe: {  	v29 =	vld [tilespmem:s29+$0x73F0];
	v10 =	vmul.f32 v10, v9;
	v17 =	vmul.f32 v19, v17;
	v19 =	vshll.u32 v11, $0x10  }
0xff: {  	v30 =	vld [tilespmem:s29+$0x7430];
	v9 =	vadd.f32 v4, v6;
	v4 =	vmul.f32 v28, v19;
	v6 =	vmul.f32 v12, v11  }
0x100: {  	v31 =	vld [tilespmem:s29+$0x7470];
	v12 =	vshll.u32 v14, $0x10;
	v17 =	vadd.f32 v17, v10;
	v10 =	vshll.u32 v13, $0x10  }
0x101: {  	v5 =	vld [tilespmem:s29+$0x7370];
	v11 =	vadd.f32 v4, v6;
	v4 =	vmul.f32 v12, v10;
	v6 =	vmul.f32 v14, v13  }
0x102: {  	v44 =	vld [tilespmem:s29+$0x54B0];
	v12 =	vshll.u32 v15, $0x10;
	v13 =	vshll.u32 v16, $0x10;
	v14 =	vmul.f32 v16, v15  }
0x103: {  	v45 =	vld [tilespmem:s29+$0x74B0];
	v15 =	vshll.u32 v20, $0x10;
	v12 =	vmul.f32 v13, v12;
	v13 =	vshll.u32 v18, $0x10  }
0x104: {  	v46 =	vld [tilespmem:s29+$0x54F0];
	v19 =	vadd.f32 v4, v6;
	v4 =	vmul.f32 v15, v13;
	v6 =	vmul.f32 v20, v18  }
0x105: {  	v7 =	vld [tilespmem:s29+$0x73B0];
	v13 =	vshll.u32 v22, $0x10;
	v20 =	vadd.f32 v12, v14;
	v12 =	vshll.u32 v21, $0x10  }
0x106: {  	v47 =	vld [tilespmem:s29+$0x51A0];
	v16 =	vshll.u32 v5, $0x10;
	v18 =	vadd.f32 v4, v6;
	v4 =	vmul.f32 v13, v12  }
0x107: {  	v28 =	vld [tilespmem:s29+$0x5430];
	v6 =	vmul.f32 v22, v21;
	v12 =	vshll.u32 v23, $0x10;
	v13 =	vshll.u32 v24, $0x10  }
0x108: {  	v14 =	vmul.f32 v24, v23;
	v21 =	vld [tilespmem:s29+$0x74F0];
	v12 =	vmul.f32 v13, v12;
	v13 =	vshll.u32 v25, $0x10  }
0x109: {  	v5 =	vmul.f32 v5, v25;
	v22 =	vld [tilespmem:s29+$0x5120];
	v15 =	vadd.f32 v4, v6;
	v4 =	vmul.f32 v16, v13  }
0x10a: {  	v48 =	vld [tilespmem:s29+$0x71E0];
	v6 =	vshll.u32 v26, $0x10;
	v16 =	vadd.f32 v12, v14;
	v12 =	vshll.u32 v7, $0x10  }
0x10b: {  	v23 =	vld [tilespmem:s29+$0x7120];
	v13 =	vmul.f32 v29, v27;
	v14 =	vadd.f32 v4, v5;
	v4 =	vmul.f32 v12, v6  }
0x10c: {  	v10 =	vld [tilespmem:s29+$0x5470];
	v5 =	vmul.f32 v7, v26;
	v6 =	vshll.u32 v27, $0x10;
	v7 =	vshll.u32 v29, $0x10  }
0x10d: {  	v49 =	vld [tilespmem:s29+$0x7260];
	v27 =	vshll.u32 v30, $0x10;
	v6 =	vmul.f32 v7, v6;
	v7 =	vshll.u32 v28, $0x10  }
0x10e: {  	v51 =	vld [tilespmem:s29+$0x52A0];
	v50 =	vshll.u32 v21, $0x10;
	v21 =	vmul.f32 v21, v46;
	v52 =	vshll.u32 v22, $0x10  }
0x10f: {  	v26 =	vld [tilespmem:s29+$0x71A0];
	v12 =	vadd.f32 v4, v5;
	v4 =	vmul.f32 v27, v7;
	v5 =	vmul.f32 v30, v28  }
0x110: {  	v24 =	vld [tilespmem:s29+$0x5160];
	v53 =	vshll.u32 v23, $0x10;
	v7 =	vshll.u32 v31, $0x10;
	v27 =	vshll.u32 v45, $0x10  }
0x111: {  	v25 =	vld [tilespmem:s29+$0x7160];
	v13 =	vadd.f32 v6, v13;
	v6 =	vshll.u32 v10, $0x10;
	v4 =	vadd.f32 v4, v5  }
0x112: {  	v54 =	vld [tilespmem:s29+$0x72A0];
	v5 =	vmul.f32 v7, v6;
	v6 =	vmul.f32 v31, v10;
	v7 =	vshll.u32 v44, $0x10  }
0x113: {  	v56 =	vld [tilespmem:s29+$0x5320];
	v31 =	vmul.f32 v45, v44;
	v7 =	vmul.f32 v27, v7;
	v27 =	vshll.u32 v46, $0x10  }
0x114: {  	v59 =	vld [tilespmem:s29+$0x7360];
	v22 =	vmul.f32 v23, v22;
	v55 =	vshll.u32 v26, $0x10;
	v27 =	vmul.f32 v50, v27  }
0x115: {  	v29 =	vld [tilespmem:s29+$0x51E0];
	v5 =	vadd.f32 v5, v6;
	v6 =	vadd.f32 v7, v31;
	v31 =	vmul.f32 v53, v52  }
0x116: {  	v28 =	vld [tilespmem:s29+$0x5220];
	v7 =	vadd.f32 v27, v21;
	v21 =	vshll.u32 v24, $0x10;
	v27 =	vshll.u32 v25, $0x10  }
0x117: {  	v30 =	vld [tilespmem:s29+$0x7220];
	v24 =	vmul.f32 v25, v24;
	v21 =	vmul.f32 v27, v21;
	v27 =	vshll.u32 v47, $0x10  }
0x118: {  	v10 =	vld [tilespmem:s29+$0x5260];
	v26 =	vmul.f32 v26, v47;
	v31 =	vadd.f32 v31, v22;
	v22 =	vmul.f32 v55, v27  }
0x119: {  	v57 =	vld [tilespmem:s29+$0x7320];
	v52 =	vshll.u32 v59, $0x10;
	v55 =	vshll.u32 v61, $0x10;
	v35 =	vadd.f32 v21, v24  }
0x11a: {  	v58 =	vld [tilespmem:s29+$0x5360];
	v21 =	vshll.u32 v29, $0x10;
	v24 =	vshll.u32 v48, $0x10;
	v27 =	vadd.f32 v22, v26  }
0x11b: {  	v23 =	vld [tilespmem:s29+$0x52E0];
	v21 =	vmul.f32 v24, v21;
	v22 =	vmul.f32 v48, v29;
	v24 =	vshll.u32 v28, $0x10  }
0x11c: {  	v25 =	vld [tilespmem:s29+$0x72E0];
	v26 =	vshll.u32 v30, $0x10;
	v29 =	vmul.f32 v30, v28;
	v30 =	vshll.u32 v49, $0x10  }
0x11d: {  	v50 =	vld [tilespmem:s29+$0x7110];
	v24 =	vmul.f32 v26, v24;
	v26 =	vshll.u32 v10, $0x10;
	v10 =	vmul.f32 v49, v10  }
0x11e: {  	v48 =	vld [tilespmem:s29+$0x5110];
	v49 =	vshll.u32 v57, $0x10;
	v28 =	vadd.f32 v21, v22;
	v21 =	vmul.f32 v30, v26  }
0x11f: {  	v32 =	vld [tilespmem:s29+$0x73E0];
	v26 =	vshll.u32 v54, $0x10;
	v29 =	vadd.f32 v24, v29;
	v24 =	vshll.u32 v51, $0x10  }
0x120: {  	v53 =	vld [tilespmem:s29+$0x7140];
	v30 =	vadd.f32 v21, v10;
	v10 =	vmul.f32 v26, v24;
	v21 =	vmul.f32 v54, v51  }
0x121: {  	v22 =	vld [tilespmem:s29+$0x53E0];
	v24 =	vshll.u32 v23, $0x10;
	v26 =	vshll.u32 v25, $0x10;
	v23 =	vmul.f32 v25, v23  }
0x122: {  	v25 =	vshll.u32 v56, $0x10;
	v54 =	vshll.u32 v60, $0x10;
	v60 =	vshll.u32 v50, $0x10  }
0x123: {  	v42 =	vld [tilespmem:s29+$0x5420];
	v24 =	vmul.f32 v26, v24;
	v38 =	vmul.f32 v50, v48;
	v26 =	vadd.f32 v10, v21  }
0x124: {  	v51 =	vld [tilespmem:s29+$0x5140];
	v10 =	vmul.f32 v49, v25;
	v21 =	vmul.f32 v57, v56;
	v57 =	vshll.u32 v62, $0x10  }
0x125: {  	v50 =	vld [tilespmem:s29+$0x5460];
	v62 =	vshll.u32 v53, $0x10;
	v24 =	vadd.f32 v24, v23;
	v23 =	vshll.u32 v58, $0x10  }
0x126: {  	v56 =	vld [tilespmem:s29+$0x7150];
	v34 =	vmul.f32 v32, v22;
	v22 =	vshll.u32 v22, $0x10;
	v32 =	vshll.u32 v32, $0x10  }
0x127: {  	v25 =	vadd.f32 v10, v21;
	v10 =	vmul.f32 v52, v23;
	v21 =	vmul.f32 v59, v58;
	v23 =	vld [tilespmem:s29+$0x5150]  }
0x128: {  	v58 =	vshll.u32 v63, $0x10;
	v59 =	vshll.u32 v48, $0x10;
	v63 =	vld [tilespmem:s29+$0x7420];
	v22 =	vmul.f32 v32, v22  }
0x129: {  	v36 =	vmul.f32 v58, v57;
	v61 =	vshll.u32 v51, $0x10;
	v33 =	vmul.f32 v53, v51;
	v51 =	vld [tilespmem:s29+$0x7460]  }
0x12a: {  	v41 =	vmul.f32 v60, v59;
	v53 =	vld [tilespmem:s29+$0x54A0];
	v21 =	vadd.f32 v10, v21;
	v10 =	vmul.f32 v55, v54  }
0x12b: {  	v60 =	vld [tilespmem:s29+$0x5190];
	v44 =	vmul.f32 v62, v61;
	v22 =	vadd.f32 v22, v34;
	v62 =	vshll.u32 v50, $0x10  }
0x12c: {  	v55 =	vld [tilespmem:s29+$0x74A0];
	v49 =	vshll.u32 v56, $0x10;
	v36 =	vadd.f32 v36, v37;
	v52 =	vadd.f32 v41, v38  }
0x12d: {  	v58 =	vld [tilespmem:s29+$0x7180];
	v33 =	vadd.f32 v44, v33;
	v48 =	vshll.u32 v23, $0x10;
	v23 =	vmul.f32 v56, v23  }
0x12e: {  	v56 =	vld [tilespmem:s29+$0x5180];
	v57 =	vadd.f32 v52, v36;
	v59 =	vshll.u32 v63, $0x10;
	v45 =	vmul.f32 v49, v48  }
0x12f: {  	v61 =	vmul.f32 v63, v42;
	v63 =	vld [tilespmem:s29+$0x7190];
	v46 =	vshll.u32 v51, $0x10;
	v48 =	vmul.f32 v51, v50  }
0x130: {  	v49 =	vshll.u32 v53, $0x10;
	v50 =	vld [tilespmem:s29+$0x71C0];
	v31 =	vadd.f32 v31, v57;
	v54 =	vadd.f32 v45, v23  }
0x131: {  	v32 =	vmul.f32 v55, v53;
	v53 =	vld [tilespmem:s29+$0x71D0];
	v57 =	vshll.u32 v60, $0x10;
	v23 =	vadd.f32 v10, v39  }
0x132: {  	v10 =	vshll.u32 v42, $0x10;
	v42 =	vld [tilespmem:s29+$0x51C0];
	v31 =	vadd.f32 v8, v31;
	v33 =	vadd.f32 v54, v33  }
0x133: {  	v45 =	vld [tilespmem:s29+$0x51D0];
	v10 =	vmul.f32 v59, v10;
	v54 =	vshll.u32 v56, $0x10;
	v36 =	vmul.f32 v58, v56  }
0x134: {  	v59 =	vld [tilespmem:s29+$0x7200];
	v34 =	vmul.f32 v63, v60;
	v51 =	vperm.xlane v31, v0;
	v33 =	vadd.f32 v35, v33  }
0x135: {  	v56 =	vld [tilespmem:s29+$0x5200];
	v8 =	vadd.f32 v10, v61;
	v35 =	vmul.f32 v46, v62;
	v46 =	vshll.u32 v50, $0x10  }
0x136: {  	v60 =	vld [tilespmem:s29+$0x5210];
	v31 =	vadd.f32 v51, v31;
	v51 =	vshll.u32 v53, $0x10;
	v33 =	vadd.f32 v9, v33  }
0x137: {  	v9 =	vshll.u32 v55, $0x10;
	v55 =	vshll.u32 v58, $0x10;
	v58 =	vshll.u32 v63, $0x10  }
0x138: {  	v61 =	vld [tilespmem:s29+$0x7210];
	v10 =	vmul.f32 v9, v49;
	v9 =	vadd.f32 v35, v48;
	v35 =	vmul.f32 v55, v54  }
0x139: {  	v62 =	vld [tilespmem:s29+$0x5240];
	v63 =	vshll.u32 v42, $0x10;
	v39 =	vmul.f32 v58, v57;
	v48 =	vmul.f32 v50, v42  }
0x13a: {  	v37 =	vmul.f32 v46, v63;
	v50 =	vshll.u32 v45, $0x10;
	v54 =	vshll.u32 v59, $0x10  }
0x13b: {  	v49 =	vld [tilespmem:s29+$0x7240];
	v44 =	vmul.f32 v59, v56;
	v55 =	vshll.u32 v60, $0x10;
	v10 =	vadd.f32 v10, v32  }
0x13c: {  	v46 =	vld [tilespmem:s29+$0x5250];
	v52 =	vperm.xlane v33, v0;
	v35 =	vadd.f32 v35, v36;
	v34 =	vadd.f32 v39, v34  }
0x13d: {  	v63 =	vld [tilespmem:s29+$0x74E0];
	v39 =	vmul.f32 v53, v45;
	v53 =	vshll.u32 v56, $0x10;
	v56 =	vshll.u32 v61, $0x10  }
0x13e: {  	v37 =	vadd.f32 v37, v48;
	v58 =	vshll.u32 v62, $0x10;
	v43 =	vmul.f32 v54, v53  }
0x13f: {  	v32 =	vadd.f32 v33, v52;
	v52 =	vld [tilespmem:s29+$0x7250];
	v57 =	vmul.f32 v56, v55;
	v33 =	vmul.f32 v61, v60  }
0x140: {  	v60 =	vld [tilespmem:s29+$0x54E0];
	v34 =	vadd.f32 v34, v35;
	v35 =	vmul.f32 v51, v50;
	v59 =	vshll.u32 v49, $0x10  }
0x141: {  	v36 =	vmul.f32 v49, v62;
	v61 =	vshll.u32 v46, $0x10;
	v43 =	vadd.f32 v43, v44  }
0x142: {  	v54 =	vld [tilespmem:s29+$0x5280];
	v33 =	vadd.f32 v57, v33;
	v56 =	vshll.u32 v63, $0x10;
	v31 =	vsel vm0, v31, v32  }
0x143: {  	v57 =	vld [tilespmem:s29+$0x5290];
	v38 =	vmul.f32 v59, v58;
	v35 =	vadd.f32 v35, v39;
	v27 =	vadd.f32 v27, v34  }
0x144: {  	v59 =	vld [tilespmem:s29+$0x7290];
	v33 =	vadd.f32 v33, v43;
	v62 =	vshll.u32 v52, $0x10;
	v41 =	vmul.f32 v52, v46  }
0x145: {  	v36 =	vadd.f32 v38, v36;
	v52 =	vadd.f32 v35, v37;
	v53 =	vshll.u32 v60, $0x10  }
0x146: {  	v55 =	vmul.f32 v63, v60;
	v27 =	vadd.f32 v17, v27;
	v63 =	vld [tilespmem:s29+$0x52D0];
	v50 =	vmul.f32 v62, v61  }
0x147: {  	v44 =	vshll.u32 v54, $0x10;
	v46 =	vld [tilespmem:s29+$0x72D0];
	v29 =	vadd.f32 v29, v33;
	v17 =	vadd.f32 v28, v52  }
0x148: {  	v28 =	vld [tilespmem:s29+$0x7280];
	v60 =	vperm.xlane v27, v0;
	v47 =	vshll.u32 v57, $0x10;
	v51 =	vadd.f32 v50, v41  }
0x149: {  	v19 =	vadd.f32 v19, v29;
	v48 =	vshll.u32 v59, $0x10;
	v32 =	vmul.f32 v59, v57  }
0x14a: {  	v49 =	vld [tilespmem:s29+$0x5300];
	v58 =	vadd.f32 v11, v17;
	v11 =	vperm.xlane v31, v1;
	v17 =	vmul.f32 v56, v53  }
0x14b: {  	v29 =	vld [tilespmem:s29+$0x52C0];
	v27 =	vadd.f32 v60, v27;
	v50 =	vmul.f32 v48, v47;
	v36 =	vadd.f32 v51, v36  }
0x14c: {  	v61 =	vperm.xlane v19, v0;
	v51 =	vld [tilespmem:s29+$0x7300];
	v56 =	vshll.u32 v46, $0x10;
	v57 =	vmul.f32 v46, v63  }
0x14d: {  	v11 =	vadd.f32 v11, v31;
	v31 =	vld [tilespmem:s29+$0x72C0];
	v30 =	vadd.f32 v30, v36;
	v45 =	vshll.u32 v28, $0x10  }
0x14e: {  	v52 =	vld [tilespmem:s29+$0x7310];
	v17 =	vadd.f32 v17, v55;
	v28 =	vmul.f32 v28, v54;
	v39 =	vmul.f32 v45, v44  }
0x14f: {  	v55 =	vshll.u32 v63, $0x10;
	v63 =	vld [tilespmem:s29+$0x7340];
	v20 =	vadd.f32 v20, v30;
	v30 =	vperm.xlane v58, v0  }
0x150: {  	v34 =	vadd.f32 v61, v19;
	v19 =	vld [tilespmem:s29+$0x5310];
	v53 =	vshll.u32 v29, $0x10;
	v28 =	vadd.f32 v39, v28  }
0x151: {  	v59 =	vshll.u32 v51, $0x10;
	v36 =	vmul.f32 v51, v49;
	v30 =	vadd.f32 v58, v30  }
0x152: {  	v62 =	vperm.xlane v20, v0;
	v54 =	vshll.u32 v31, $0x10;
	v29 =	vmul.f32 v31, v29  }
0x153: {  	v60 =	vld [tilespmem:s29+$0x5340];
	v58 =	vshll.u32 v49, $0x10;
	v27 =	vsel vm0, v27, v30;
	v30 =	vadd.f32 v50, v32  }
0x154: {  	v43 =	vld [tilespmem:s29+$0x5350];
	v46 =	vshll.u32 v63, $0x10;
	v31 =	vmul.f32 v54, v53;
	v35 =	vmul.f32 v59, v58  }
0x155: {  	v61 =	vshll.u32 v19, $0x10;
	v19 =	vmul.f32 v52, v19;
	v28 =	vadd.f32 v30, v28  }
0x156: {  	v20 =	vadd.f32 v20, v62;
	v62 =	vshll.u32 v52, $0x10;
	v29 =	vadd.f32 v31, v29  }
0x157: {  	v31 =	vld [tilespmem:s29+$0x7350];
	v30 =	vmul.f32 v56, v55;
	v26 =	vadd.f32 v26, v28;
	v28 =	vmul.f32 v62, v61  }
0x158: {  	v47 =	vmul.f32 v63, v60;
	v44 =	vperm.xlane v27, v1;
	v45 =	vadd.f32 v35, v36  }
0x159: {  	v49 =	vshll.u32 v43, $0x10;
	v30 =	vadd.f32 v30, v57;
	v28 =	vadd.f32 v28, v19  }
0x15a: {  	v48 =	vld [tilespmem:s29+$0x7380];
	v20 =	vsel vm0, v34, v20;
	v19 =	vadd.f32 v27, v44;
	v26 =	vadd.f32 v18, v26  }
0x15b: {  	v27 =	vadd.f32 v30, v29;
	v18 =	vperm.xlane v20, v1;
	v29 =	vld [tilespmem:s29+$0x5380];
	v30 =	vshll.u32 v60, $0x10  }
0x15c: {  	v51 =	vld [tilespmem:s29+$0x5390];
	v50 =	vshll.u32 v31, $0x10;
	v31 =	vmul.f32 v31, v43;
	v28 =	vadd.f32 v28, v45  }
0x15d: {  	v52 =	vld [tilespmem:s29+$0x7390];
	v30 =	vmul.f32 v46, v30;
	v18 =	vadd.f32 v18, v20;
	v20 =	vmul.f32 v50, v49  }
0x15e: {  	v24 =	vadd.f32 v24, v27;
	v27 =	vperm.xlane v26, v0;
	v25 =	vadd.f32 v25, v28;
	v28 =	vld [tilespmem:s29+$0x53C0]  }
0x15f: {  	v30 =	vadd.f32 v30, v47;
	v20 =	vadd.f32 v20, v31;
	v31 =	vld [tilespmem:s29+$0x73C0]  }
0x160: {  	v24 =	vadd.f32 v15, v24;
	v15 =	vadd.f32 v27, v26;
	v26 =	vld [tilespmem:s29+$0x53D0];
	v27 =	vshll.u32 v29, $0x10  }
0x161: {  	v16 =	vadd.f32 v16, v25;
	v20 =	vadd.f32 v20, v30;
	v25 =	vld [tilespmem:s29+$0x73D0];
	v30 =	vshll.u32 v48, $0x10  }
0x162: {  	v53 =	vshll.u32 v52, $0x10;
	v27 =	vmul.f32 v30, v27;
	v30 =	vshll.u32 v51, $0x10  }
0x163: {  	v29 =	vmul.f32 v48, v29;
	v20 =	vadd.f32 v21, v20;
	v21 =	vmul.f32 v53, v30  }
0x164: {  	v54 =	vld [tilespmem:s29+$0x5400];
	v30 =	vmul.f32 v52, v51;
	v55 =	vshll.u32 v28, $0x10;
	v56 =	vshll.u32 v31, $0x10  }
0x165: {  	v59 =	vld [tilespmem:s29+$0x5410];
	v28 =	vmul.f32 v31, v28;
	v57 =	vshll.u32 v26, $0x10;
	v27 =	vadd.f32 v27, v29  }
0x166: {  	v61 =	vld [tilespmem:s29+$0x7440];
	v33 =	vmul.f32 v56, v55;
	v20 =	vadd.f32 v14, v20;
	v58 =	vshll.u32 v25, $0x10  }
0x167: {  	v60 =	vld [tilespmem:s29+$0x7410];
	v21 =	vadd.f32 v21, v30;
	v25 =	vmul.f32 v25, v26;
	v14 =	vmul.f32 v58, v57  }
0x168: {  	v31 =	vld [tilespmem:s29+$0x7400];
	v26 =	vperm.xlane v24, v0;
	v28 =	vadd.f32 v33, v28  }
0x169: {  	v29 =	vld [tilespmem:s29+$0x5440];
	v21 =	vadd.f32 v21, v27;
	v25 =	vadd.f32 v14, v25  }
0x16a: {  	v30 =	vperm.xlane v16, v0;
	v14 =	vadd.f32 v24, v26;
	v26 =	vperm.xlane v20, v0;
	v24 =	vld [tilespmem:s29+$0x5450]  }
0x16b: {  	v21 =	vadd.f32 v23, v21;
	v23 =	vld [tilespmem:s29+$0x5480];
	v27 =	vadd.f32 v25, v28  }
0x16c: {  	v63 =	vshll.u32 v61, $0x10;
	v16 =	vadd.f32 v30, v16;
	v25 =	vld [tilespmem:s29+$0x7450];
	v20 =	vadd.f32 v20, v26  }
0x16d: {  	v28 =	vshll.u32 v31, $0x10;
	v26 =	vld [tilespmem:s29+$0x7480];
	v27 =	vadd.f32 v22, v27;
	v22 =	vshll.u32 v54, $0x10  }
0x16e: {  	v30 =	vshll.u32 v59, $0x10;
	v12 =	vadd.f32 v12, v21;
	v21 =	vmul.f32 v28, v22;
	v22 =	vld [tilespmem:s29+$0x5490]  }
0x16f: {  	v28 =	vmul.f32 v31, v54;
	v31 =	vshll.u32 v60, $0x10;
	v13 =	vadd.f32 v13, v27;
	v27 =	vld [tilespmem:s29+$0x7490]  }
0x170: {  	v34 =	vmul.f32 v60, v59;
	v62 =	vshll.u32 v29, $0x10;
	v33 =	vmul.f32 v31, v30;
	v30 =	vld [tilespmem:s29+$0x74C0]  }
0x171: {  	v32 =	vmul.f32 v63, v62;
	v31 =	vmul.f32 v61, v29;
	v29 =	vld [tilespmem:s29+$0x54D0]  }
0x172: {  	s31 =	simm.s32 $0x2000;
	s30 =	smov.u32 s25;
	v35 =	vshll.u32 v24, $0x10;
	v21 =	vadd.f32 v21, v28;
	v28 =	vld [tilespmem:s29+$0x54C0];
	v36 =	vshll.u32 v25, $0x10  }
.LBB2_3:
0x173: {  	p0 =	sne.s32 s31, $0x7000;
	v33 =	vadd.f32 v33, v34;
	v34 =	vmul.f32 v36, v35;
	v24 =	vmul.f32 v25, v24;
	v25 =	vld [tilespmem:s29+$0x74D0]  }
0x174: {  	v35 =	vshll.u32 v23, $0x10;
	v36 =	vshll.u32 v26, $0x10;
	v23 =	vmul.f32 v26, v23  }
0x175: {  	v26 =	vmul.f32 v36, v35;
	v35 =	vshll.u32 v22, $0x10;
	v36 =	vshll.u32 v27, $0x10  }
0x176: {  	v31 =	vadd.f32 v32, v31;
	v22 =	vmul.f32 v27, v22;
	v32 =	vmul.f32 v36, v35  }
0x177: {  	v27 =	vshll.u32 v28, $0x10;
	v35 =	vshll.u32 v30, $0x10;
	v28 =	vmul.f32 v30, v28  }
0x178: {  	v27 =	vmul.f32 v35, v27;
	v30 =	vshll.u32 v29, $0x10;
	v35 =	vshll.u32 v25, $0x10  }
0x179: {  	v24 =	vadd.f32 v34, v24;
	v25 =	vmul.f32 v25, v29;
	v30 =	vmul.f32 v35, v30  }
0x17a: {  	v23 =	vadd.f32 v26, v23;
	v22 =	vadd.f32 v32, v22  }
0x17b: {  	v26 =	vadd.f32 v27, v28;
	v25 =	vadd.f32 v30, v25  }
0x17c: {  	v21 =	vadd.f32 v33, v21;
	v24 =	vadd.f32 v24, v31  }
0x17d: {  	v22 =	vadd.f32 v22, v23;
	v23 =	vadd.f32 v25, v26  }
0x17e: {  	v8 =	vadd.f32 v8, v21;
	v9 =	vadd.f32 v9, v24  }
0x17f: {  	v10 =	vadd.f32 v10, v22;
	v17 =	vadd.f32 v17, v23  }
0x180: {  	v21 =	vperm.xlane v12, v0;
	v4 =	vadd.f32 v4, v8;
	v5 =	vadd.f32 v5, v9  }
0x181: {  	v8 =	vperm.xlane v13, v0;
	v6 =	vadd.f32 v6, v10;
	v7 =	vadd.f32 v7, v17  }
0x182: {  	v9 =	vadd.f32 v21, v12;
	v10 =	vperm.xlane v4, v0;
	v12 =	vperm.xlane v5, v0  }
0x183: {  	v8 =	vadd.f32 v13, v8;
	v13 =	vperm.xlane v6, v0;
	v17 =	vperm.xlane v7, v0  }
0x184: {  	v14 =	vsel vm0, v15, v14;
	v4 =	vadd.f32 v10, v4;
	v5 =	vadd.f32 v5, v12  }
0x185: {  	v10 =	vsel vm0, v16, v20;
	v6 =	vadd.f32 v13, v6;
	v7 =	vadd.f32 v7, v17  }
0x186: {  	v8 =	vsel vm0, v9, v8;
	v12 =	vperm.xlane v14, v1;
	v9 =	vperm.xlane v10, v1  }
0x187: {  	v13 =	vperm.xlane v8, v1;
	v4 =	vsel vm0, v4, v5;
	v5 =	vsel vm0, v6, v7  }
0x188: {  	v6 =	vadd.f32 v14, v12;
	v7 =	vperm.xlane v4, v1;
	v12 =	vperm.xlane v5, v1  }
0x189: {  	v9 =	vadd.f32 v9, v10;
	v8 =	vadd.f32 v8, v13  }
0x18a: {  	v10 =	vsel vm1, v11, v19;
	v4 =	vadd.f32 v7, v4;
	v5 =	vadd.f32 v5, v12  }
0x18b: {  	v6 =	vsel vm1, v18, v6;
	v7 =	vperm.xlane v10, v2  }
0x18c: {  	v8 =	vsel vm1, v9, v8;
	v11 =	vperm.xlane v6, v2;
	v4 =	vsel vm1, v4, v5  }
0x18d: {  	v5 =	vperm.xlane v8, v2;
	v9 =	vperm.xlane v4, v2  }
0x18e: {  	v7 =	vadd.f32 v7, v10;
	v6 =	vadd.f32 v6, v11  }
0x18f: {  	v5 =	vadd.f32 v5, v8;
	v4 =	vadd.f32 v4, v9;
	_ =	sdelay $0x1  }
0x190: {  	v6 =	vsel vm2, v7, v6;
	v4 =	vsel vm2, v5, v4  }
0x191: {  	v5 =	vperm.xlane v6, v3;
	v7 =	vperm.xlane v4, v3;
	_ =	sdelay $0x1  }
0x192: {  	v5 =	vadd.f32 v5, v6;
	v4 =	vadd.f32 v4, v7;
	_ =	sdelay $0x1  }
0x193: {  	v4 =	vsel vm3, v5, v4  }
0x194: {  	v4 =	vsub.f32 $0.0e+00, v4;
	_ =	sdelay $0x1  }
0x195: {  	v4 =	vmul.f32 $1.442695020e+00, v4;
	_ =	sdelay $0x1  }
0x196: {  	(erf) = vpow2.f32 v4;
	_ =	sdelay $0x8  }
0x197: {  	v4 =	vpop (erf)  }
0x198: {  	v4 =	vadd.f32 $1.000000000e+00, v4;
	_ =	sdelay $0x1  }
0x199: {  	(erf) = vrcp.f32 v4;
	_ =	sdelay $0x8  }
0x19a: {  	s30 =	sadd.s32 $0x10, s30;
	v4 =	vpop (erf)  }
0x19b: {  	s29 =	sshra.s32 s31, $0x2;
	[tilespmem:s30+$0x0] =	vst v4  }
0x19c: {  	v4 =	vld [tilespmem:s29+$0x5130]  }
0x19d: {  	v5 =	vld [tilespmem:s29+$0x7130]  }
0x19e: {  	v6 =	vld [tilespmem:s29+$0x5170]  }
0x19f: {  	v7 =	vld [tilespmem:s29+$0x7170]  }
0x1a0: {  	v9 =	vld [tilespmem:s29+$0x51B0]  }
0x1a1: {  	v10 =	vld [tilespmem:s29+$0x71B0]  }
0x1a2: {  	v11 =	vld [tilespmem:s29+$0x51F0]  }
0x1a3: {  	v12 =	vld [tilespmem:s29+$0x71F0]  }
0x1a4: {  	v13 =	vld [tilespmem:s29+$0x5230]  }
0x1a5: {  	v14 =	vld [tilespmem:s29+$0x7230]  }
0x1a6: {  	v15 =	vld [tilespmem:s29+$0x5270]  }
0x1a7: {  	v16 =	vld [tilespmem:s29+$0x7270]  }
0x1a8: {  	v18 =	vld [tilespmem:s29+$0x52B0]  }
0x1a9: {  	v20 =	vld [tilespmem:s29+$0x72B0]  }
0x1aa: {  	v21 =	vld [tilespmem:s29+$0x52F0]  }
0x1ab: {  	v22 =	vld [tilespmem:s29+$0x72F0]  }
0x1ac: {  	v23 =	vld [tilespmem:s29+$0x5330]  }
0x1ad: {  	v24 =	vld [tilespmem:s29+$0x7330]  }
0x1ae: {  	v8 =	vshll.u32 v4, $0x10;
	v17 =	vshll.u32 v5, $0x10;
	v25 =	vld [tilespmem:s29+$0x5370]  }
0x1af: {  	v4 =	vmul.f32 v5, v4;
	v8 =	vmul.f32 v17, v8;
	v5 =	vld [tilespmem:s29+$0x7370]  }
0x1b0: {  	v17 =	vshll.u32 v6, $0x10;
	v19 =	vshll.u32 v7, $0x10;
	v26 =	vld [tilespmem:s29+$0x53B0]  }
0x1b1: {  	v6 =	vmul.f32 v7, v6;
	v8 =	vadd.f32 v8, v4;
	v4 =	vmul.f32 v19, v17;
	v7 =	vld [tilespmem:s29+$0x73B0]  }
0x1b2: {  	v17 =	vshll.u32 v9, $0x10;
	v19 =	vshll.u32 v10, $0x10;
	v10 =	vmul.f32 v10, v9;
	v27 =	vld [tilespmem:s29+$0x53F0]  }
0x1b3: {  	v17 =	vmul.f32 v19, v17;
	v19 =	vshll.u32 v11, $0x10;
	v28 =	vshll.u32 v12, $0x10;
	v29 =	vld [tilespmem:s29+$0x73F0]  }
0x1b4: {  	v9 =	vadd.f32 v4, v6;
	v6 =	vmul.f32 v12, v11;
	v4 =	vmul.f32 v28, v19;
	v28 =	vld [tilespmem:s29+$0x5430]  }
0x1b5: {  	v17 =	vadd.f32 v17, v10;
	v10 =	vshll.u32 v13, $0x10;
	v12 =	vshll.u32 v14, $0x10;
	v30 =	vld [tilespmem:s29+$0x7430]  }
0x1b6: {  	v11 =	vadd.f32 v4, v6;
	v4 =	vmul.f32 v12, v10;
	v6 =	vmul.f32 v14, v13;
	v10 =	vld [tilespmem:s29+$0x5470]  }
0x1b7: {  	v12 =	vshll.u32 v15, $0x10;
	v13 =	vshll.u32 v16, $0x10;
	v14 =	vmul.f32 v16, v15;
	v31 =	vld [tilespmem:s29+$0x7470]  }
0x1b8: {  	v12 =	vmul.f32 v13, v12;
	v13 =	vshll.u32 v18, $0x10;
	v15 =	vshll.u32 v20, $0x10;
	v32 =	vld [tilespmem:s29+$0x54B0]  }
0x1b9: {  	v19 =	vadd.f32 v4, v6;
	v6 =	vmul.f32 v20, v18;
	v4 =	vmul.f32 v15, v13;
	v33 =	vld [tilespmem:s29+$0x74B0]  }
0x1ba: {  	v20 =	vadd.f32 v12, v14;
	v12 =	vshll.u32 v21, $0x10;
	v13 =	vshll.u32 v22, $0x10;
	v34 =	vld [tilespmem:s29+$0x54F0]  }
0x1bb: {  	v18 =	vadd.f32 v4, v6;
	v4 =	vmul.f32 v13, v12;
	v6 =	vmul.f32 v22, v21;
	v21 =	vld [tilespmem:s29+$0x74F0]  }
0x1bc: {  	v12 =	vshll.u32 v23, $0x10;
	v13 =	vshll.u32 v24, $0x10;
	v14 =	vmul.f32 v24, v23;
	v22 =	vld [tilespmem:s29+$0x5120]  }
0x1bd: {  	v12 =	vmul.f32 v13, v12;
	v13 =	vshll.u32 v25, $0x10;
	v16 =	vshll.u32 v5, $0x10;
	v23 =	vld [tilespmem:s29+$0x7120]  }
0x1be: {  	v15 =	vadd.f32 v4, v6;
	v5 =	vmul.f32 v5, v25;
	v4 =	vmul.f32 v16, v13;
	v24 =	vld [tilespmem:s29+$0x5160]  }
0x1bf: {  	v16 =	vadd.f32 v12, v14;
	v6 =	vshll.u32 v26, $0x10;
	v12 =	vshll.u32 v7, $0x10;
	v25 =	vld [tilespmem:s29+$0x7160]  }
0x1c0: {  	v14 =	vadd.f32 v4, v5;
	v4 =	vmul.f32 v12, v6;
	v5 =	vmul.f32 v7, v26;
	v35 =	vld [tilespmem:s29+$0x51A0]  }
0x1c1: {  	v6 =	vshll.u32 v27, $0x10;
	v7 =	vshll.u32 v29, $0x10;
	v13 =	vmul.f32 v29, v27;
	v26 =	vld [tilespmem:s29+$0x71A0]  }
0x1c2: {  	v6 =	vmul.f32 v7, v6;
	v7 =	vshll.u32 v28, $0x10;
	v27 =	vshll.u32 v30, $0x10;
	v29 =	vld [tilespmem:s29+$0x51E0]  }
0x1c3: {  	v12 =	vadd.f32 v4, v5;
	v5 =	vmul.f32 v30, v28;
	v4 =	vmul.f32 v27, v7;
	v36 =	vld [tilespmem:s29+$0x71E0]  }
0x1c4: {  	v13 =	vadd.f32 v6, v13;
	v6 =	vshll.u32 v10, $0x10;
	v7 =	vshll.u32 v31, $0x10;
	v28 =	vld [tilespmem:s29+$0x5220]  }
0x1c5: {  	v4 =	vadd.f32 v4, v5;
	v5 =	vmul.f32 v7, v6;
	v6 =	vmul.f32 v31, v10;
	v30 =	vld [tilespmem:s29+$0x7220]  }
0x1c6: {  	v7 =	vshll.u32 v32, $0x10;
	v27 =	vshll.u32 v33, $0x10;
	v31 =	vmul.f32 v33, v32;
	v10 =	vld [tilespmem:s29+$0x5260]  }
0x1c7: {  	v7 =	vmul.f32 v27, v7;
	v27 =	vshll.u32 v34, $0x10;
	v33 =	vshll.u32 v21, $0x10;
	v32 =	vld [tilespmem:s29+$0x7260]  }
0x1c8: {  	v5 =	vadd.f32 v5, v6;
	v21 =	vmul.f32 v21, v34;
	v27 =	vmul.f32 v33, v27;
	v37 =	vld [tilespmem:s29+$0x52A0]  }
0x1c9: {  	v33 =	vshll.u32 v22, $0x10;
	v6 =	vadd.f32 v7, v31;
	v34 =	vshll.u32 v23, $0x10;
	v38 =	vld [tilespmem:s29+$0x72A0]  }
0x1ca: {  	v22 =	vmul.f32 v23, v22;
	v31 =	vmul.f32 v34, v33;
	v7 =	vadd.f32 v27, v21;
	v23 =	vld [tilespmem:s29+$0x52E0]  }
0x1cb: {  	v21 =	vshll.u32 v24, $0x10;
	v27 =	vshll.u32 v25, $0x10;
	v24 =	vmul.f32 v25, v24;
	v25 =	vld [tilespmem:s29+$0x72E0]  }
0x1cc: {  	v21 =	vmul.f32 v27, v21;
	v27 =	vshll.u32 v35, $0x10;
	v33 =	vshll.u32 v26, $0x10;
	v34 =	vld [tilespmem:s29+$0x5320]  }
0x1cd: {  	v31 =	vadd.f32 v31, v22;
	v26 =	vmul.f32 v26, v35;
	v22 =	vmul.f32 v33, v27;
	v33 =	vld [tilespmem:s29+$0x7320]  }
0x1ce: {  	v35 =	vadd.f32 v21, v24;
	v21 =	vshll.u32 v29, $0x10;
	v24 =	vshll.u32 v36, $0x10;
	v39 =	vld [tilespmem:s29+$0x5360]  }
0x1cf: {  	v27 =	vadd.f32 v22, v26;
	v21 =	vmul.f32 v24, v21;
	v22 =	vmul.f32 v36, v29;
	v36 =	vld [tilespmem:s29+$0x7360]  }
0x1d0: {  	v24 =	vshll.u32 v28, $0x10;
	v26 =	vshll.u32 v30, $0x10;
	v29 =	vmul.f32 v30, v28;
	v40 =	vld [tilespmem:s29+$0x53A0]  }
0x1d1: {  	v24 =	vmul.f32 v26, v24;
	v26 =	vshll.u32 v10, $0x10;
	v30 =	vshll.u32 v32, $0x10;
	v41 =	vld [tilespmem:s29+$0x73A0]  }
0x1d2: {  	v28 =	vadd.f32 v21, v22;
	v10 =	vmul.f32 v32, v10;
	v21 =	vmul.f32 v30, v26;
	v22 =	vld [tilespmem:s29+$0x53E0]  }
0x1d3: {  	v29 =	vadd.f32 v24, v29;
	v24 =	vshll.u32 v37, $0x10;
	v26 =	vshll.u32 v38, $0x10;
	v32 =	vld [tilespmem:s29+$0x73E0]  }
0x1d4: {  	v30 =	vadd.f32 v21, v10;
	v10 =	vmul.f32 v26, v24;
	v21 =	vmul.f32 v38, v37;
	v42 =	vld [tilespmem:s29+$0x5100]  }
0x1d5: {  	v24 =	vshll.u32 v23, $0x10;
	v26 =	vshll.u32 v25, $0x10;
	v23 =	vmul.f32 v25, v23;
	v37 =	vld [tilespmem:s29+$0x7100]  }
0x1d6: {  	v24 =	vmul.f32 v26, v24;
	v25 =	vshll.u32 v34, $0x10;
	v43 =	vshll.u32 v33, $0x10;
	v38 =	vld [tilespmem:s29+$0x5110]  }
0x1d7: {  	v26 =	vadd.f32 v10, v21;
	v21 =	vmul.f32 v33, v34;
	v10 =	vmul.f32 v43, v25;
	v44 =	vld [tilespmem:s29+$0x7110]  }
0x1d8: {  	v24 =	vadd.f32 v24, v23;
	v23 =	vshll.u32 v39, $0x10;
	v34 =	vshll.u32 v36, $0x10;
	v33 =	vld [tilespmem:s29+$0x5140]  }
0x1d9: {  	v25 =	vadd.f32 v10, v21;
	v10 =	vmul.f32 v34, v23;
	v21 =	vmul.f32 v36, v39;
	v43 =	vld [tilespmem:s29+$0x7140]  }
0x1da: {  	v34 =	vshll.u32 v40, $0x10;
	v36 =	vshll.u32 v41, $0x10;
	v39 =	vmul.f32 v41, v40;
	v23 =	vld [tilespmem:s29+$0x5150]  }
0x1db: {  	v21 =	vadd.f32 v10, v21;
	v10 =	vmul.f32 v36, v34;
	v34 =	vmul.f32 v32, v22;
	v40 =	vld [tilespmem:s29+$0x7150]  }
0x1dc: {  	v36 =	vshll.u32 v42, $0x10;
	v41 =	vshll.u32 v37, $0x10;
	v37 =	vmul.f32 v37, v42  }
0x1dd: {  	v36 =	vmul.f32 v41, v36;
	v41 =	vshll.u32 v38, $0x10;
	v42 =	vshll.u32 v44, $0x10  }
0x1de: {  	v22 =	vshll.u32 v22, $0x10;
	v38 =	vmul.f32 v44, v38;
	v41 =	vmul.f32 v42, v41;
	v42 =	vld [tilespmem:s29+$0x5420]  }
0x1df: {  	v44 =	vshll.u32 v33, $0x10;
	v45 =	vshll.u32 v43, $0x10;
	v33 =	vmul.f32 v43, v33;
	v43 =	vld [tilespmem:s29+$0x7420]  }
0x1e0: {  	v44 =	vmul.f32 v45, v44;
	v45 =	vshll.u32 v23, $0x10;
	v46 =	vshll.u32 v40, $0x10;
	v47 =	vld [tilespmem:s29+$0x5460]  }
0x1e1: {  	v32 =	vshll.u32 v32, $0x10;
	v23 =	vmul.f32 v40, v23;
	v45 =	vmul.f32 v46, v45;
	v40 =	vld [tilespmem:s29+$0x7460]  }
0x1e2: {  	v22 =	vmul.f32 v32, v22;
	v36 =	vadd.f32 v36, v37;
	v37 =	vadd.f32 v41, v38;
	v32 =	vld [tilespmem:s29+$0x54A0]  }
0x1e3: {  	v33 =	vadd.f32 v44, v33;
	v38 =	vadd.f32 v45, v23;
	v41 =	vld [tilespmem:s29+$0x74A0]  }
0x1e4: {  	v22 =	vadd.f32 v22, v34;
	v23 =	vadd.f32 v10, v39;
	v10 =	vshll.u32 v42, $0x10;
	v44 =	vld [tilespmem:s29+$0x5180]  }
0x1e5: {  	v34 =	vadd.f32 v37, v36;
	v37 =	vshll.u32 v43, $0x10;
	v33 =	vadd.f32 v38, v33;
	v36 =	vld [tilespmem:s29+$0x7180]  }
0x1e6: {  	v10 =	vmul.f32 v37, v10;
	v37 =	vmul.f32 v43, v42;
	v39 =	vshll.u32 v47, $0x10;
	v38 =	vld [tilespmem:s29+$0x5190]  }
0x1e7: {  	v31 =	vadd.f32 v31, v34;
	v33 =	vadd.f32 v35, v33;
	v34 =	vld [tilespmem:s29+$0x7190];
	v35 =	vshll.u32 v40, $0x10  }
0x1e8: {  	v42 =	vld [tilespmem:s29+$0x51C0];
	v35 =	vmul.f32 v35, v39;
	v39 =	vmul.f32 v40, v47;
	v40 =	vshll.u32 v32, $0x10  }
0x1e9: {  	v31 =	vadd.f32 v8, v31;
	v33 =	vadd.f32 v9, v33;
	v43 =	vld [tilespmem:s29+$0x71C0];
	v9 =	vshll.u32 v41, $0x10  }
0x1ea: {  	v8 =	vadd.f32 v10, v37;
	v32 =	vmul.f32 v41, v32;
	v45 =	vld [tilespmem:s29+$0x51D0];
	v10 =	vmul.f32 v9, v40  }
0x1eb: {  	v37 =	vperm.xlane v31, v0;
	v9 =	vadd.f32 v35, v39;
	v40 =	vperm.xlane v33, v0;
	v41 =	vld [tilespmem:s29+$0x71D0]  }
0x1ec: {  	v35 =	vshll.u32 v44, $0x10;
	v39 =	vshll.u32 v36, $0x10;
	v36 =	vmul.f32 v36, v44;
	v44 =	vld [tilespmem:s29+$0x5200]  }
0x1ed: {  	v35 =	vmul.f32 v39, v35;
	v39 =	vshll.u32 v38, $0x10;
	v46 =	vshll.u32 v34, $0x10;
	v47 =	vld [tilespmem:s29+$0x7200]  }
0x1ee: {  	v34 =	vmul.f32 v34, v38;
	v10 =	vadd.f32 v10, v32;
	v39 =	vmul.f32 v46, v39;
	v38 =	vld [tilespmem:s29+$0x5210]  }
0x1ef: {  	v31 =	vadd.f32 v37, v31;
	v32 =	vadd.f32 v33, v40;
	v33 =	vld [tilespmem:s29+$0x7210]  }
0x1f0: {  	v35 =	vadd.f32 v35, v36;
	v34 =	vadd.f32 v39, v34;
	v36 =	vld [tilespmem:s29+$0x5240]  }
0x1f1: {  	v37 =	vshll.u32 v42, $0x10;
	v40 =	vmul.f32 v43, v42;
	v39 =	vshll.u32 v43, $0x10;
	v42 =	vld [tilespmem:s29+$0x7240]  }
0x1f2: {  	v37 =	vmul.f32 v39, v37;
	v39 =	vshll.u32 v45, $0x10;
	v43 =	vshll.u32 v41, $0x10;
	v46 =	vld [tilespmem:s29+$0x5250]  }
0x1f3: {  	v34 =	vadd.f32 v34, v35;
	v35 =	vmul.f32 v43, v39;
	v39 =	vmul.f32 v41, v45;
	v41 =	vld [tilespmem:s29+$0x7250]  }
0x1f4: {  	v43 =	vshll.u32 v44, $0x10;
	v45 =	vshll.u32 v47, $0x10;
	v44 =	vmul.f32 v47, v44  }
0x1f5: {  	v43 =	vmul.f32 v45, v43;
	v45 =	vshll.u32 v38, $0x10;
	v47 =	vshll.u32 v33, $0x10  }
0x1f6: {  	v37 =	vadd.f32 v37, v40;
	v33 =	vmul.f32 v33, v38;
	v40 =	vmul.f32 v47, v45  }
0x1f7: {  	v38 =	vshll.u32 v36, $0x10;
	v45 =	vshll.u32 v42, $0x10;
	v36 =	vmul.f32 v42, v36;
	v42 =	vld [tilespmem:s29+$0x54E0]  }
0x1f8: {  	v38 =	vmul.f32 v45, v38;
	v45 =	vshll.u32 v46, $0x10;
	v47 =	vshll.u32 v41, $0x10;
	v48 =	vld [tilespmem:s29+$0x74E0]  }
0x1f9: {  	v35 =	vadd.f32 v35, v39;
	v41 =	vmul.f32 v41, v46;
	v39 =	vmul.f32 v47, v45  }
0x1fa: {  	v43 =	vadd.f32 v43, v44;
	v33 =	vadd.f32 v40, v33  }
0x1fb: {  	v36 =	vadd.f32 v38, v36;
	v38 =	vadd.f32 v39, v41  }
0x1fc: {  	v27 =	vadd.f32 v27, v34;
	v34 =	vadd.f32 v35, v37;
	v35 =	vshll.u32 v42, $0x10  }
0x1fd: {  	v33 =	vadd.f32 v33, v43;
	v36 =	vadd.f32 v38, v36;
	v37 =	vld [tilespmem:s29+$0x5280];
	v38 =	vmul.f32 v48, v42  }
0x1fe: {  	v27 =	vadd.f32 v17, v27;
	v17 =	vadd.f32 v28, v34;
	v34 =	vshll.u32 v48, $0x10;
	v28 =	vld [tilespmem:s29+$0x7280]  }
0x1ff: {  	v31 =	vsel vm0, v31, v32;
	v29 =	vadd.f32 v29, v33;
	v30 =	vadd.f32 v30, v36;
	v32 =	vld [tilespmem:s29+$0x5290]  }
0x200: {  	v33 =	vadd.f32 v11, v17;
	v11 =	vperm.xlane v31, v1;
	v17 =	vmul.f32 v34, v35;
	v36 =	vld [tilespmem:s29+$0x7290]  }
0x201: {  	v19 =	vadd.f32 v19, v29;
	v34 =	vperm.xlane v27, v0;
	v20 =	vadd.f32 v20, v30;
	v29 =	vld [tilespmem:s29+$0x52C0]  }
0x202: {  	v11 =	vadd.f32 v11, v31;
	v17 =	vadd.f32 v17, v38;
	v30 =	vperm.xlane v33, v0;
	v31 =	vld [tilespmem:s29+$0x72C0]  }
0x203: {  	v27 =	vadd.f32 v34, v27;
	v34 =	vperm.xlane v19, v0;
	v35 =	vperm.xlane v20, v0;
	v38 =	vld [tilespmem:s29+$0x52D0]  }
0x204: {  	v39 =	vshll.u32 v37, $0x10;
	v40 =	vshll.u32 v28, $0x10;
	v28 =	vmul.f32 v28, v37;
	v37 =	vld [tilespmem:s29+$0x72D0]  }
0x205: {  	v39 =	vmul.f32 v40, v39;
	v40 =	vshll.u32 v32, $0x10;
	v41 =	vshll.u32 v36, $0x10;
	v42 =	vld [tilespmem:s29+$0x5300]  }
0x206: {  	v30 =	vadd.f32 v33, v30;
	v32 =	vmul.f32 v36, v32;
	v33 =	vmul.f32 v41, v40;
	v36 =	vld [tilespmem:s29+$0x7300]  }
0x207: {  	v34 =	vadd.f32 v34, v19;
	v20 =	vadd.f32 v20, v35;
	v19 =	vld [tilespmem:s29+$0x5310]  }
0x208: {  	v27 =	vsel vm0, v27, v30;
	v28 =	vadd.f32 v39, v28;
	v30 =	vadd.f32 v33, v32;
	v32 =	vld [tilespmem:s29+$0x7310]  }
0x209: {  	v35 =	vshll.u32 v31, $0x10;
	v33 =	vshll.u32 v29, $0x10;
	v29 =	vmul.f32 v31, v29  }
0x20a: {  	v31 =	vmul.f32 v35, v33;
	v33 =	vshll.u32 v38, $0x10;
	v35 =	vshll.u32 v37, $0x10  }
0x20b: {  	v28 =	vadd.f32 v30, v28;
	v30 =	vmul.f32 v35, v33;
	v33 =	vmul.f32 v37, v38  }
0x20c: {  	v35 =	vshll.u32 v42, $0x10;
	v37 =	vshll.u32 v36, $0x10;
	v36 =	vmul.f32 v36, v42;
	v38 =	vld [tilespmem:s29+$0x5340]  }
0x20d: {  	v35 =	vmul.f32 v37, v35;
	v37 =	vshll.u32 v19, $0x10;
	v39 =	vshll.u32 v32, $0x10;
	v40 =	vld [tilespmem:s29+$0x7340]  }
0x20e: {  	v26 =	vadd.f32 v26, v28;
	v19 =	vmul.f32 v32, v19;
	v28 =	vmul.f32 v39, v37;
	v32 =	vld [tilespmem:s29+$0x5350]  }
0x20f: {  	v29 =	vadd.f32 v31, v29;
	v30 =	vadd.f32 v30, v33;
	v37 =	vperm.xlane v27, v1;
	v31 =	vld [tilespmem:s29+$0x7350]  }
0x210: {  	v33 =	vadd.f32 v35, v36;
	v28 =	vadd.f32 v28, v19  }
0x211: {  	v20 =	vsel vm0, v34, v20;
	v26 =	vadd.f32 v18, v26;
	v19 =	vadd.f32 v27, v37  }
0x212: {  	v18 =	vperm.xlane v20, v1;
	v27 =	vadd.f32 v30, v29;
	v28 =	vadd.f32 v28, v33;
	v29 =	vld [tilespmem:s29+$0x5380]  }
0x213: {  	v30 =	vshll.u32 v38, $0x10;
	v33 =	vshll.u32 v40, $0x10;
	v34 =	vmul.f32 v40, v38;
	v35 =	vld [tilespmem:s29+$0x7380]  }
0x214: {  	v30 =	vmul.f32 v33, v30;
	v33 =	vshll.u32 v32, $0x10;
	v36 =	vshll.u32 v31, $0x10;
	v37 =	vld [tilespmem:s29+$0x5390]  }
0x215: {  	v18 =	vadd.f32 v18, v20;
	v31 =	vmul.f32 v31, v32;
	v20 =	vmul.f32 v36, v33;
	v32 =	vld [tilespmem:s29+$0x7390]  }
0x216: {  	v24 =	vadd.f32 v24, v27;
	v27 =	vperm.xlane v26, v0;
	v25 =	vadd.f32 v25, v28;
	v28 =	vld [tilespmem:s29+$0x53C0]  }
0x217: {  	v30 =	vadd.f32 v30, v34;
	v20 =	vadd.f32 v20, v31;
	v31 =	vld [tilespmem:s29+$0x73C0]  }
0x218: {  	v24 =	vadd.f32 v15, v24;
	v15 =	vadd.f32 v27, v26;
	v26 =	vld [tilespmem:s29+$0x53D0]  }
0x219: {  	v16 =	vadd.f32 v16, v25;
	v20 =	vadd.f32 v20, v30;
	v25 =	vld [tilespmem:s29+$0x73D0]  }
0x21a: {  	v27 =	vshll.u32 v29, $0x10;
	v29 =	vmul.f32 v35, v29;
	v30 =	vshll.u32 v35, $0x10  }
0x21b: {  	v27 =	vmul.f32 v30, v27;
	v30 =	vshll.u32 v37, $0x10;
	v33 =	vshll.u32 v32, $0x10  }
0x21c: {  	v20 =	vadd.f32 v21, v20;
	v21 =	vmul.f32 v33, v30;
	v30 =	vmul.f32 v32, v37;
	v32 =	vld [tilespmem:s29+$0x5400]  }
0x21d: {  	v33 =	vshll.u32 v28, $0x10;
	v34 =	vshll.u32 v31, $0x10;
	v28 =	vmul.f32 v31, v28;
	v31 =	vld [tilespmem:s29+$0x7400]  }
0x21e: {  	v33 =	vmul.f32 v34, v33;
	v34 =	vshll.u32 v26, $0x10;
	v35 =	vshll.u32 v25, $0x10;
	v36 =	vld [tilespmem:s29+$0x5410]  }
0x21f: {  	v20 =	vadd.f32 v14, v20;
	v25 =	vmul.f32 v25, v26;
	v14 =	vmul.f32 v35, v34;
	v34 =	vld [tilespmem:s29+$0x7410]  }
0x220: {  	v27 =	vadd.f32 v27, v29;
	v21 =	vadd.f32 v21, v30;
	v26 =	vperm.xlane v24, v0;
	v29 =	vld [tilespmem:s29+$0x5440]  }
0x221: {  	v30 =	vperm.xlane v16, v0;
	v28 =	vadd.f32 v33, v28;
	v25 =	vadd.f32 v14, v25;
	v35 =	vld [tilespmem:s29+$0x7440]  }
0x222: {  	v21 =	vadd.f32 v21, v27;
	v14 =	vadd.f32 v24, v26;
	v26 =	vperm.xlane v20, v0;
	v24 =	vld [tilespmem:s29+$0x5450]  }
0x223: {  	v16 =	vadd.f32 v30, v16;
	v27 =	vadd.f32 v25, v28;
	v25 =	vld [tilespmem:s29+$0x7450]  }
0x224: {  	v21 =	vadd.f32 v23, v21;
	v20 =	vadd.f32 v20, v26;
	v23 =	vld [tilespmem:s29+$0x5480]  }
0x225: {  	v28 =	vshll.u32 v31, $0x10;
	v27 =	vadd.f32 v22, v27;
	v22 =	vshll.u32 v32, $0x10;
	v26 =	vld [tilespmem:s29+$0x7480]  }
.Ltmp0:
0x226: {  	v12 =	vadd.f32 v12, v21;
	v21 =	vmul.f32 v28, v22;
	v28 =	vmul.f32 v31, v32;
	v22 =	vld [tilespmem:s29+$0x5490];
	(pc) =	sbr.rel @p0 .LBB2_3-.Ltmp0, $4  }
0x227: {  	v30 =	vshll.u32 v36, $0x10;
	v31 =	vshll.u32 v34, $0x10;
	v13 =	vadd.f32 v13, v27;
	v27 =	vld [tilespmem:s29+$0x7490]  }
0x228: {  	v34 =	vmul.f32 v34, v36;
	v33 =	vmul.f32 v31, v30;
	v21 =	vadd.f32 v21, v28;
	v28 =	vld [tilespmem:s29+$0x54C0]  }
0x229: {  	v32 =	vshll.u32 v29, $0x10;
	v36 =	vshll.u32 v35, $0x10;
	v31 =	vmul.f32 v35, v29;
	v30 =	vld [tilespmem:s29+$0x74C0]  }
0x22a: {  	s31 =	sadd.s32 $0x1000, s31;
	v32 =	vmul.f32 v36, v32;
	v35 =	vshll.u32 v24, $0x10;
	v36 =	vshll.u32 v25, $0x10;
	v29 =	vld [tilespmem:s29+$0x54D0]  }
0x22b: {  	v33 =	vadd.f32 v33, v34;
	v49 =	vmul.f32 v36, v35;
	v24 =	vmul.f32 v25, v24;
	v25 =	vld [tilespmem:s29+$0x74D0]  }
0x22c: {  	v50 =	vshll.u32 v23, $0x10;
	v51 =	vshll.u32 v26, $0x10;
	v23 =	vmul.f32 v26, v23  }
0x22d: {  	v52 =	vshll.u32 v22, $0x10;
	v26 =	vmul.f32 v51, v50;
	v53 =	vshll.u32 v27, $0x10  }
0x22e: {  	v31 =	vadd.f32 v32, v31;
	v22 =	vmul.f32 v27, v22;
	v54 =	vmul.f32 v53, v52  }
0x22f: {  	v27 =	vshll.u32 v28, $0x10;
	v55 =	vshll.u32 v30, $0x10;
	v28 =	vmul.f32 v30, v28  }
0x230: {  	v27 =	vmul.f32 v55, v27;
	v30 =	vshll.u32 v29, $0x10;
	v56 =	vshll.u32 v25, $0x10  }
0x231: {  	v24 =	vadd.f32 v49, v24;
	v25 =	vmul.f32 v25, v29;
	v30 =	vmul.f32 v56, v30  }
0x232: {  	v23 =	vadd.f32 v26, v23;
	v22 =	vadd.f32 v54, v22  }
0x233: {  	v26 =	vadd.f32 v27, v28;
	v25 =	vadd.f32 v30, v25  }
0x234: {  	v21 =	vadd.f32 v33, v21;
	v24 =	vadd.f32 v24, v31  }
0x235: {  	v22 =	vadd.f32 v22, v23;
	v23 =	vadd.f32 v25, v26  }
0x236: {  	v8 =	vadd.f32 v8, v21;
	v9 =	vadd.f32 v9, v24  }
0x237: {  	v10 =	vadd.f32 v10, v22;
	v17 =	vadd.f32 v17, v23  }
0x238: {  	v21 =	vperm.xlane v12, v0;
	v4 =	vadd.f32 v4, v8;
	v5 =	vadd.f32 v5, v9  }
0x239: {  	v8 =	vperm.xlane v13, v0;
	v6 =	vadd.f32 v6, v10;
	v7 =	vadd.f32 v7, v17  }
0x23a: {  	v9 =	vadd.f32 v21, v12;
	v10 =	vperm.xlane v4, v0;
	v12 =	vperm.xlane v5, v0  }
0x23b: {  	v8 =	vadd.f32 v13, v8;
	v13 =	vperm.xlane v6, v0;
	v17 =	vperm.xlane v7, v0  }
0x23c: {  	v14 =	vsel vm0, v15, v14;
	v4 =	vadd.f32 v10, v4;
	v5 =	vadd.f32 v5, v12  }
0x23d: {  	v10 =	vsel vm0, v16, v20;
	v6 =	vadd.f32 v13, v6;
	v7 =	vadd.f32 v7, v17  }
0x23e: {  	v8 =	vsel vm0, v9, v8;
	v12 =	vperm.xlane v14, v1;
	v9 =	vperm.xlane v10, v1  }
0x23f: {  	v13 =	vperm.xlane v8, v1;
	v4 =	vsel vm0, v4, v5;
	v5 =	vsel vm0, v6, v7  }
0x240: {  	v6 =	vadd.f32 v14, v12;
	v7 =	vperm.xlane v4, v1;
	v12 =	vperm.xlane v5, v1  }
0x241: {  	v9 =	vadd.f32 v9, v10;
	v8 =	vadd.f32 v8, v13  }
0x242: {  	v4 =	vadd.f32 v7, v4;
	v5 =	vadd.f32 v5, v12  }
0x243: {  	v10 =	vsel vm1, v11, v19;
	v8 =	vsel vm1, v9, v8;
	v6 =	vsel vm1, v18, v6  }
0x244: {  	v7 =	vperm.xlane v10, v2;
	v11 =	vperm.xlane v6, v2;
	v4 =	vsel vm1, v4, v5  }
0x245: {  	v5 =	vperm.xlane v8, v2;
	v9 =	vperm.xlane v4, v2  }
0x246: {  	v7 =	vadd.f32 v7, v10;
	v6 =	vadd.f32 v6, v11  }
0x247: {  	v5 =	vadd.f32 v5, v8;
	v4 =	vadd.f32 v4, v9;
	_ =	sdelay $0x1  }
0x248: {  	v6 =	vsel vm2, v7, v6;
	v4 =	vsel vm2, v5, v4  }
0x249: {  	v5 =	vperm.xlane v6, v3;
	v7 =	vperm.xlane v4, v3;
	_ =	sdelay $0x1  }
0x24a: {  	v5 =	vadd.f32 v5, v6;
	v4 =	vadd.f32 v4, v7;
	_ =	sdelay $0x1  }
0x24b: {  	v4 =	vsel vm3, v5, v4  }
0x24c: {  	v4 =	vsub.f32 $0.0e+00, v4;
	_ =	sdelay $0x1  }
0x24d: {  	v4 =	vmul.f32 $1.442695020e+00, v4;
	_ =	sdelay $0x1  }
0x24e: {  	(erf) = vpow2.f32 v4;
	_ =	sdelay $0x8  }
0x24f: {  	v4 =	vpop (erf)  }
0x250: {  	v4 =	vadd.f32 $1.000000000e+00, v4;
	_ =	sdelay $0x1  }
0x251: {  	(erf) = vrcp.f32 v4;
	_ =	sdelay $0x8  }
0x252: {  	s29 =	sadd.s32 $0x10, s30;
	v4 =	vpop (erf)  }
0x253: {  	[tilespmem:s29+$0x0] =	vst v4;
	s29 =	sadd.s32 $0x100, s28  }
0x254: {  	[tilespmem:s14], [sflag:$0x1] =	stream.indirect.gather [spmem:s1], $0x40, s29, s13, $0xb8;
	[tilespmem:$0x19540] =	vst v63  }
0x255: {  	s28 =	sadd.s32 $0x2980, s28  }
0x256: {  	[tilespmem:s15], [sflag:$0x2] =	stream.indirect.gather [spmem:s1], $0x40, s28, s13, $0xb8;
	[tilespmem:$0x19540] =	vst v63  }
0x257: {  	_ =	swait.ge [sflag:s20], $0x2000  }
0x258: {  	[sflag:s20] =	ssyncset.done $0x0  }
0x259: {  	[sflag:s20] =	ssyncadd.s32 $0xFFFFE000  }
0x25a: {  	_ =	swait.ge [sflag:s21], $0x2000  }
0x25b: {  	[sflag:s21] =	ssyncset.done $0x0  }
0x25c: {  	s28 =	simm.s32 $0x0;
	[sflag:s21] =	ssyncadd.s32 $0xFFFFE000  }
0x25d: {  	v4 =	vld [tilespmem:s28+$0x9130]  }
0x25e: {  	v5 =	vld [tilespmem:s28+$0xB130]  }
0x25f: {  	v6 =	vld [tilespmem:s28+$0x9170]  }
0x260: {  	v7 =	vld [tilespmem:s28+$0xB170]  }
0x261: {  	v8 =	vld [tilespmem:s28+$0x91B0]  }
0x262: {  	v9 =	vld [tilespmem:s28+$0xB1B0]  }
0x263: {  	v10 =	vld [tilespmem:s28+$0x91F0]  }
0x264: {  	v11 =	vld [tilespmem:s28+$0xB1F0]  }
0x265: {  	v12 =	vld [tilespmem:s28+$0x9230]  }
0x266: {  	v13 =	vld [tilespmem:s28+$0xB230]  }
0x267: {  	v16 =	vld [tilespmem:s28+$0x9270]  }
0x268: {  	v17 =	vld [tilespmem:s28+$0xB270]  }
0x269: {  	v20 =	vld [tilespmem:s28+$0x92B0]  }
0x26a: {  	v21 =	vld [tilespmem:s28+$0xB2B0]  }
0x26b: {  	v22 =	vld [tilespmem:s28+$0x92F0]  }
0x26c: {  	v30 =	vld [tilespmem:s28+$0xB430]  }
0x26d: {  	v50 =	vld [tilespmem:s28+$0xB320]  }
0x26e: {  	v23 =	vld [tilespmem:s28+$0xB2F0]  }
0x26f: {  	v24 =	vld [tilespmem:s28+$0x9330]  }
0x270: {  	v25 =	vld [tilespmem:s28+$0xB330];
	v14 =	vshll.u32 v4, $0x10;
	v15 =	vshll.u32 v5, $0x10  }
0x271: {  	v26 =	vld [tilespmem:s28+$0x9370];
	v4 =	vmul.f32 v5, v4;
	v19 =	vshll.u32 v7, $0x10;
	v14 =	vmul.f32 v15, v14  }
0x272: {  	v27 =	vld [tilespmem:s28+$0x93B0];
	v28 =	vshll.u32 v11, $0x10;
	v60 =	vshll.u32 v30, $0x10;
	v54 =	vshll.u32 v50, $0x10  }
0x273: {  	v29 =	vld [tilespmem:s28+$0xB3F0];
	v15 =	vshll.u32 v6, $0x10;
	v6 =	vmul.f32 v7, v6;
	v18 =	vadd.f32 v14, v4  }
0x274: {  	v31 =	vld [tilespmem:s28+$0x9470];
	v4 =	vmul.f32 v19, v15;
	v14 =	vshll.u32 v8, $0x10;
	v15 =	vshll.u32 v9, $0x10  }
0x275: {  	v57 =	vld [tilespmem:s28+$0xB470];
	v8 =	vmul.f32 v9, v8;
	v14 =	vmul.f32 v15, v14;
	v15 =	vshll.u32 v10, $0x10  }
0x276: {  	v58 =	vld [tilespmem:s28+$0x94B0];
	v19 =	vadd.f32 v4, v6;
	v4 =	vmul.f32 v28, v15;
	v6 =	vmul.f32 v11, v10  }
0x277: {  	v59 =	vld [tilespmem:s28+$0x9160];
	v10 =	vshll.u32 v13, $0x10;
	v15 =	vadd.f32 v14, v8;
	v8 =	vshll.u32 v12, $0x10  }
0x278: {  	v51 =	vld [tilespmem:s28+$0xB360];
	v11 =	vmul.f32 v17, v16;
	v14 =	vadd.f32 v4, v6;
	v4 =	vmul.f32 v10, v8  }
0x279: {  	v61 =	vld [tilespmem:s28+$0xB1E0];
	v6 =	vmul.f32 v13, v12;
	v8 =	vshll.u32 v16, $0x10;
	v10 =	vshll.u32 v17, $0x10  }
0x27a: {  	v5 =	vld [tilespmem:s28+$0xB370];
	v12 =	vshll.u32 v21, $0x10;
	v8 =	vmul.f32 v10, v8;
	v10 =	vshll.u32 v20, $0x10  }
0x27b: {  	v7 =	vld [tilespmem:s28+$0xB3B0];
	v16 =	vadd.f32 v4, v6;
	v4 =	vmul.f32 v12, v10;
	v6 =	vmul.f32 v21, v20  }
0x27c: {  	v9 =	vld [tilespmem:s28+$0x93F0];
	v10 =	vshll.u32 v23, $0x10;
	v17 =	vadd.f32 v8, v11;
	v8 =	vshll.u32 v22, $0x10  }
0x27d: {  	v56 =	vshll.u32 v51, $0x10;
	v20 =	vld [tilespmem:s28+$0xB4B0];
	v13 =	vadd.f32 v4, v6;
	v4 =	vmul.f32 v10, v8  }
0x27e: {  	v21 =	vld [tilespmem:s28+$0x94F0];
	v6 =	vmul.f32 v23, v22;
	v8 =	vshll.u32 v24, $0x10;
	v10 =	vshll.u32 v25, $0x10  }
0x27f: {  	v28 =	vld [tilespmem:s28+$0x9430];
	v12 =	vmul.f32 v25, v24;
	v25 =	vshll.u32 v5, $0x10;
	v8 =	vmul.f32 v10, v8  }
0x280: {  	v22 =	vld [tilespmem:s28+$0xB4F0];
	v5 =	vmul.f32 v5, v26;
	v10 =	vshll.u32 v26, $0x10;
	v11 =	vadd.f32 v4, v6  }
0x281: {  	v23 =	vld [tilespmem:s28+$0x9120];
	v4 =	vmul.f32 v25, v10;
	v6 =	vshll.u32 v27, $0x10;
	v12 =	vadd.f32 v8, v12  }
0x282: {  	v63 =	vld [tilespmem:s28+$0xB260];
	v8 =	vshll.u32 v7, $0x10;
	v62 =	vshll.u32 v20, $0x10;
	v20 =	vmul.f32 v20, v58  }
0x283: {  	v24 =	vld [tilespmem:s28+$0xB120];
	v44 =	vshll.u32 v21, $0x10;
	v10 =	vadd.f32 v4, v5;
	v4 =	vmul.f32 v8, v6  }
0x284: {  	v41 =	vld [tilespmem:s28+$0x93A0];
	v5 =	vmul.f32 v7, v27;
	v6 =	vshll.u32 v9, $0x10;
	v7 =	vshll.u32 v29, $0x10  }
0x285: {  	v42 =	vld [tilespmem:s28+$0xB3A0];
	v9 =	vmul.f32 v29, v9;
	v6 =	vmul.f32 v7, v6;
	v7 =	vshll.u32 v28, $0x10  }
0x286: {  	v52 =	vld [tilespmem:s28+$0xB100];
	v45 =	vshll.u32 v22, $0x10;
	v21 =	vmul.f32 v22, v21;
	v22 =	vshll.u32 v23, $0x10  }
0x287: {  	v27 =	vld [tilespmem:s28+$0xB1A0];
	v8 =	vadd.f32 v4, v5;
	v4 =	vmul.f32 v60, v7;
	v5 =	vmul.f32 v30, v28  }
0x288: {  	v53 =	vld [tilespmem:s28+$0x9110];
	v46 =	vshll.u32 v24, $0x10;
	v7 =	vshll.u32 v57, $0x10;
	v32 =	vmul.f32 v45, v44  }
0x289: {  	v25 =	vld [tilespmem:s28+$0xB160];
	v9 =	vadd.f32 v6, v9;
	v6 =	vshll.u32 v31, $0x10;
	v4 =	vadd.f32 v4, v5  }
0x28a: {  	v26 =	vld [tilespmem:s28+$0x91A0];
	v5 =	vmul.f32 v7, v6;
	v6 =	vmul.f32 v57, v31;
	v7 =	vshll.u32 v58, $0x10  }
0x28b: {  	v44 =	vld [tilespmem:s28+$0xB110];
	v60 =	vmul.f32 v42, v41;
	v45 =	vshll.u32 v52, $0x10;
	v7 =	vmul.f32 v62, v7  }
0x28c: {  	v29 =	vld [tilespmem:s28+$0x91E0];
	v58 =	vshll.u32 v41, $0x10;
	v48 =	vshll.u32 v27, $0x10;
	v5 =	vadd.f32 v5, v6  }
0x28d: {  	v28 =	vld [tilespmem:s28+$0x9220];
	v6 =	vadd.f32 v7, v20;
	v20 =	vmul.f32 v46, v22;
	v22 =	vmul.f32 v24, v23  }
0x28e: {  	v30 =	vld [tilespmem:s28+$0xB220];
	v7 =	vadd.f32 v32, v21;
	v21 =	vshll.u32 v59, $0x10;
	v24 =	vshll.u32 v25, $0x10  }
0x28f: {  	v37 =	vld [tilespmem:s28+$0x92A0];
	v25 =	vmul.f32 v25, v59;
	v59 =	vshll.u32 v42, $0x10;
	v46 =	vshll.u32 v53, $0x10  }
0x290: {  	v31 =	vld [tilespmem:s28+$0x9260];
	v32 =	vmul.f32 v44, v53;
	v21 =	vmul.f32 v24, v21;
	v24 =	vshll.u32 v26, $0x10  }
0x291: {  	v38 =	vld [tilespmem:s28+$0xB2A0];
	v20 =	vadd.f32 v20, v22;
	v22 =	vmul.f32 v48, v24;
	v24 =	vmul.f32 v27, v26  }
0x292: {  	v43 =	vld [tilespmem:s28+$0x9100];
	v39 =	vadd.f32 v21, v25;
	v21 =	vshll.u32 v29, $0x10;
	v25 =	vshll.u32 v61, $0x10  }
0x293: {  	v57 =	vld [tilespmem:s28+$0xB140];
	v26 =	vmul.f32 v30, v28;
	v27 =	vadd.f32 v22, v24;
	v21 =	vmul.f32 v25, v21  }
0x294: {  	v47 =	vld [tilespmem:s28+$0xB2E0];
	v22 =	vmul.f32 v61, v29;
	v24 =	vshll.u32 v28, $0x10;
	v25 =	vshll.u32 v30, $0x10  }
0x295: {  	v23 =	vld [tilespmem:s28+$0x92E0];
	v29 =	vshll.u32 v63, $0x10;
	v24 =	vmul.f32 v25, v24;
	v25 =	vshll.u32 v31, $0x10  }
0x296: {  	v49 =	vld [tilespmem:s28+$0x9320];
	v28 =	vadd.f32 v21, v22;
	v21 =	vmul.f32 v29, v25;
	v22 =	vmul.f32 v63, v31  }
0x297: {  	v40 =	vld [tilespmem:s28+$0x9360];
	v25 =	vshll.u32 v38, $0x10;
	v63 =	vshll.u32 v43, $0x10;
	v29 =	vadd.f32 v24, v26  }
0x298: {  	v55 =	vld [tilespmem:s28+$0x9140];
	v24 =	vshll.u32 v37, $0x10;
	v36 =	vmul.f32 v45, v63;
	v45 =	vshll.u32 v57, $0x10  }
0x299: {  	v33 =	vld [tilespmem:s28+$0xB3E0];
	v30 =	vadd.f32 v21, v22;
	v21 =	vmul.f32 v25, v24;
	v22 =	vmul.f32 v38, v37  }
0x29a: {  	v48 =	vld [tilespmem:s28+$0x9420];
	v24 =	vshll.u32 v23, $0x10;
	v25 =	vshll.u32 v47, $0x10;
	v23 =	vmul.f32 v47, v23  }
0x29b: {  	v61 =	vld [tilespmem:s28+$0xB150];
	v37 =	vmul.f32 v52, v43;
	v47 =	vshll.u32 v44, $0x10;
	v24 =	vmul.f32 v25, v24  }
0x29c: {  	v31 =	vld [tilespmem:s28+$0x93E0];
	v25 =	vshll.u32 v49, $0x10;
	v42 =	vmul.f32 v47, v46;
	v26 =	vadd.f32 v21, v22  }
0x29d: {  	v52 =	vld [tilespmem:s28+$0xB460];
	v21 =	vmul.f32 v54, v25;
	v22 =	vmul.f32 v50, v49;
	v49 =	vshll.u32 v55, $0x10  }
0x29e: {  	v47 =	vld [tilespmem:s28+$0x9460];
	v36 =	vadd.f32 v36, v37;
	v24 =	vadd.f32 v24, v23;
	v23 =	vshll.u32 v40, $0x10  }
0x29f: {  	v32 =	vadd.f32 v42, v32;
	v25 =	vadd.f32 v21, v22;
	v21 =	vmul.f32 v56, v23;
	v23 =	vld [tilespmem:s28+$0x9150]  }
0x2a0: {  	v34 =	vmul.f32 v57, v55;
	v46 =	vshll.u32 v61, $0x10;
	v50 =	vld [tilespmem:s28+$0xB420];
	v44 =	vmul.f32 v45, v49  }
0x2a1: {  	v62 =	vmul.f32 v33, v31;
	v22 =	vmul.f32 v51, v40;
	v56 =	vld [tilespmem:s28+$0xB180];
	v32 =	vadd.f32 v32, v36  }
0x2a2: {  	v31 =	vshll.u32 v31, $0x10;
	v33 =	vshll.u32 v33, $0x10;
	v34 =	vadd.f32 v44, v34;
	v44 =	vld [tilespmem:s28+$0x9180]  }
0x2a3: {  	v31 =	vmul.f32 v33, v31;
	v21 =	vadd.f32 v21, v22;
	v20 =	vadd.f32 v20, v32  }
0x2a4: {  	v53 =	vld [tilespmem:s28+$0x94A0];
	v22 =	vmul.f32 v59, v58;
	v59 =	vshll.u32 v47, $0x10;
	v51 =	vshll.u32 v23, $0x10  }
0x2a5: {  	v37 =	vld [tilespmem:s28+$0x9190];
	v23 =	vmul.f32 v61, v23;
	v49 =	vadd.f32 v18, v20;
	v45 =	vmul.f32 v46, v51  }
0x2a6: {  	v63 =	vmul.f32 v52, v47;
	v57 =	vshll.u32 v50, $0x10;
	v58 =	vmul.f32 v50, v48;
	v61 =	vld [tilespmem:s28+$0xB190]  }
0x2a7: {  	v35 =	vmul.f32 v56, v44;
	v51 =	vperm.xlane v49, v0;
	v54 =	vadd.f32 v45, v23  }
0x2a8: {  	v55 =	vld [tilespmem:s28+$0xB4A0];
	v23 =	vadd.f32 v22, v60;
	v22 =	vadd.f32 v31, v62;
	v31 =	vshll.u32 v48, $0x10  }
0x2a9: {  	v40 =	vld [tilespmem:s28+$0x91C0];
	v62 =	vshll.u32 v52, $0x10;
	v31 =	vmul.f32 v57, v31;
	v34 =	vadd.f32 v54, v34  }
0x2aa: {  	v50 =	vld [tilespmem:s28+$0xB1C0];
	v48 =	vshll.u32 v53, $0x10;
	v38 =	vmul.f32 v62, v59;
	v57 =	vshll.u32 v37, $0x10  }
0x2ab: {  	v46 =	vld [tilespmem:s28+$0x91D0];
	v18 =	vadd.f32 v31, v58;
	v58 =	vshll.u32 v61, $0x10;
	v60 =	vadd.f32 v39, v34  }
0x2ac: {  	v59 =	vld [tilespmem:s28+$0xB200];
	v54 =	vshll.u32 v44, $0x10;
	v39 =	vmul.f32 v58, v57;
	v34 =	vmul.f32 v61, v37  }
0x2ad: {  	v31 =	vmul.f32 v55, v53;
	v53 =	vld [tilespmem:s28+$0xB1D0];
	v32 =	vadd.f32 v19, v60;
	v19 =	vshll.u32 v55, $0x10  }
0x2ae: {  	v61 =	vld [tilespmem:s28+$0xB210];
	v55 =	vshll.u32 v56, $0x10;
	v34 =	vadd.f32 v39, v34;
	v20 =	vmul.f32 v19, v48  }
0x2af: {  	v56 =	vld [tilespmem:s28+$0x9200];
	v19 =	vadd.f32 v38, v63;
	v38 =	vmul.f32 v55, v54;
	v63 =	vshll.u32 v40, $0x10  }
0x2b0: {  	v60 =	vld [tilespmem:s28+$0x9210];
	v48 =	vshll.u32 v50, $0x10;
	v40 =	vmul.f32 v50, v40;
	v50 =	vshll.u32 v46, $0x10  }
0x2b1: {  	v62 =	vld [tilespmem:s28+$0x9240];
	v55 =	vshll.u32 v59, $0x10;
	v52 =	vperm.xlane v32, v0;
	v20 =	vadd.f32 v20, v31  }
0x2b2: {  	v31 =	vadd.f32 v51, v49;
	v35 =	vadd.f32 v38, v35;
	v38 =	vmul.f32 v48, v63  }
0x2b3: {  	v49 =	vld [tilespmem:s28+$0xB240];
	v51 =	vshll.u32 v53, $0x10;
	v57 =	vshll.u32 v61, $0x10;
	v32 =	vadd.f32 v32, v52  }
0x2b4: {  	v45 =	vld [tilespmem:s28+$0x9250];
	v52 =	vmul.f32 v53, v46;
	v34 =	vadd.f32 v34, v35;
	v35 =	vmul.f32 v51, v50  }
0x2b5: {  	v53 =	vld [tilespmem:s28+$0xB250];
	v54 =	vshll.u32 v56, $0x10;
	v42 =	vmul.f32 v59, v56;
	v56 =	vshll.u32 v60, $0x10  }
0x2b6: {  	v48 =	vld [tilespmem:s28+$0xB4E0];
	v38 =	vadd.f32 v38, v40;
	v33 =	vmul.f32 v61, v60;
	v59 =	vshll.u32 v62, $0x10  }
0x2b7: {  	v61 =	vld [tilespmem:s28+$0x94E0];
	v44 =	vmul.f32 v55, v54;
	v58 =	vmul.f32 v57, v56;
	v31 =	vsel vm0, v31, v32  }
0x2b8: {  	v51 =	vld [tilespmem:s28+$0x9280];
	v35 =	vadd.f32 v35, v52;
	v27 =	vadd.f32 v27, v34;
	v60 =	vshll.u32 v49, $0x10  }
0x2b9: {  	v54 =	vld [tilespmem:s28+$0x9290];
	v36 =	vmul.f32 v49, v62;
	v62 =	vshll.u32 v45, $0x10;
	v42 =	vadd.f32 v44, v42  }
0x2ba: {  	v56 =	vld [tilespmem:s28+$0xB290];
	v33 =	vadd.f32 v58, v33;
	v37 =	vmul.f32 v60, v59;
	v63 =	vshll.u32 v53, $0x10  }
0x2bb: {  	v41 =	vmul.f32 v53, v45;
	v49 =	vadd.f32 v35, v38;
	v27 =	vadd.f32 v15, v27  }
0x2bc: {  	v53 =	vshll.u32 v48, $0x10;
	v46 =	vmul.f32 v63, v62;
	v50 =	vshll.u32 v61, $0x10  }
0x2bd: {  	v33 =	vadd.f32 v33, v42;
	v52 =	vmul.f32 v48, v61;
	v61 =	vshll.u32 v51, $0x10  }
0x2be: {  	v60 =	vld [tilespmem:s28+$0x92D0];
	v36 =	vadd.f32 v37, v36;
	v15 =	vadd.f32 v28, v49;
	v57 =	vperm.xlane v27, v0  }
0x2bf: {  	v28 =	vld [tilespmem:s28+$0xB280];
	v45 =	vshll.u32 v54, $0x10;
	v32 =	vmul.f32 v56, v54;
	v47 =	vadd.f32 v46, v41  }
0x2c0: {  	v63 =	vld [tilespmem:s28+$0xB2D0];
	v29 =	vadd.f32 v29, v33;
	v46 =	vshll.u32 v56, $0x10;
	v55 =	vadd.f32 v14, v15  }
0x2c1: {  	v49 =	vld [tilespmem:s28+$0xB300];
	v14 =	vperm.xlane v31, v1;
	v15 =	vmul.f32 v53, v50;
	v27 =	vadd.f32 v57, v27  }
0x2c2: {  	v48 =	vmul.f32 v46, v45;
	v36 =	vadd.f32 v47, v36;
	v16 =	vadd.f32 v16, v29;
	v29 =	vld [tilespmem:s28+$0x92C0]  }
0x2c3: {  	v47 =	vld [tilespmem:s28+$0x9300];
	v53 =	vshll.u32 v60, $0x10;
	v14 =	vadd.f32 v14, v31;
	v15 =	vadd.f32 v15, v52  }
0x2c4: {  	v31 =	vld [tilespmem:s28+$0xB2C0];
	v30 =	vadd.f32 v30, v36;
	v58 =	vperm.xlane v16, v0;
	v62 =	vshll.u32 v28, $0x10  }
0x2c5: {  	v54 =	vshll.u32 v63, $0x10;
	v28 =	vmul.f32 v28, v51;
	v39 =	vmul.f32 v62, v61  }
0x2c6: {  	v57 =	vshll.u32 v49, $0x10;
	v17 =	vadd.f32 v17, v30;
	v30 =	vperm.xlane v55, v0  }
0x2c7: {  	v50 =	vld [tilespmem:s28+$0xB310];
	v34 =	vadd.f32 v58, v16;
	v28 =	vadd.f32 v39, v28;
	v51 =	vshll.u32 v29, $0x10  }
0x2c8: {  	v16 =	vld [tilespmem:s28+$0x9310];
	v56 =	vshll.u32 v47, $0x10;
	v36 =	vmul.f32 v49, v47;
	v30 =	vadd.f32 v55, v30  }
0x2c9: {  	v61 =	vld [tilespmem:s28+$0xB340];
	v59 =	vperm.xlane v17, v0;
	v52 =	vshll.u32 v31, $0x10;
	v29 =	vmul.f32 v31, v29  }
0x2ca: {  	v62 =	vld [tilespmem:s28+$0x9350];
	v35 =	vmul.f32 v57, v56;
	v27 =	vsel vm0, v27, v30;
	v30 =	vadd.f32 v48, v32  }
0x2cb: {  	v58 =	vld [tilespmem:s28+$0x9340];
	v55 =	vmul.f32 v63, v60;
	v31 =	vmul.f32 v52, v51;
	v17 =	vadd.f32 v17, v59  }
0x2cc: {  	v60 =	vshll.u32 v50, $0x10;
	v36 =	vadd.f32 v35, v36;
	v28 =	vadd.f32 v30, v28  }
0x2cd: {  	v59 =	vshll.u32 v16, $0x10;
	v16 =	vmul.f32 v50, v16;
	v29 =	vadd.f32 v31, v29  }
0x2ce: {  	v31 =	vld [tilespmem:s28+$0xB350];
	v30 =	vmul.f32 v54, v53;
	v26 =	vadd.f32 v26, v28;
	v28 =	vmul.f32 v60, v59  }
0x2cf: {  	v39 =	vshll.u32 v61, $0x10;
	v43 =	vshll.u32 v62, $0x10;
	v63 =	vperm.xlane v27, v1  }
0x2d0: {  	v42 =	vld [tilespmem:s28+$0xB380];
	v41 =	vmul.f32 v61, v58;
	v30 =	vadd.f32 v30, v55;
	v28 =	vadd.f32 v28, v16  }
0x2d1: {  	v45 =	vld [tilespmem:s28+$0x9390];
	v17 =	vsel vm0, v34, v17;
	v16 =	vadd.f32 v27, v63;
	v26 =	vadd.f32 v13, v26  }
0x2d2: {  	v46 =	vld [tilespmem:s28+$0xB390];
	v27 =	vadd.f32 v30, v29;
	v13 =	vperm.xlane v17, v1;
	v30 =	vshll.u32 v58, $0x10  }
0x2d3: {  	v56 =	vld [tilespmem:s28+$0xB480];
	v44 =	vshll.u32 v31, $0x10;
	v31 =	vmul.f32 v31, v62;
	v28 =	vadd.f32 v28, v36  }
0x2d4: {  	v29 =	vld [tilespmem:s28+$0x9380];
	v30 =	vmul.f32 v39, v30;
	v13 =	vadd.f32 v13, v17;
	v17 =	vmul.f32 v44, v43  }
0x2d5: {  	v24 =	vadd.f32 v24, v27;
	v27 =	vperm.xlane v26, v0;
	v25 =	vadd.f32 v25, v28;
	v28 =	vld [tilespmem:s28+$0x93C0]  }
0x2d6: {  	v30 =	vadd.f32 v30, v41;
	v17 =	vadd.f32 v17, v31;
	v31 =	vld [tilespmem:s28+$0xB3C0]  }
0x2d7: {  	v11 =	vadd.f32 v11, v24;
	v24 =	vadd.f32 v27, v26;
	v26 =	vld [tilespmem:s28+$0x93D0]  }
0x2d8: {  	v47 =	vshll.u32 v46, $0x10;
	v63 =	vshll.u32 v56, $0x10;
	v12 =	vadd.f32 v12, v25;
	v25 =	vld [tilespmem:s28+$0xB3D0]  }
0x2d9: {  	v27 =	vshll.u32 v29, $0x10;
	v17 =	vadd.f32 v17, v30;
	v30 =	vshll.u32 v42, $0x10  }
0x2da: {  	v29 =	vmul.f32 v42, v29;
	v27 =	vmul.f32 v30, v27;
	v30 =	vshll.u32 v45, $0x10  }
0x2db: {  	v57 =	vld [tilespmem:s28+$0xB490];
	v17 =	vadd.f32 v21, v17;
	v21 =	vmul.f32 v47, v30;
	v30 =	vmul.f32 v46, v45  }
0x2dc: {  	v48 =	vld [tilespmem:s28+$0x9400];
	v49 =	vshll.u32 v28, $0x10;
	v50 =	vshll.u32 v31, $0x10;
	v28 =	vmul.f32 v31, v28  }
0x2dd: {  	v61 =	vld [tilespmem:s28+$0x94D0];
	v51 =	vshll.u32 v26, $0x10;
	v33 =	vmul.f32 v50, v49;
	v52 =	vshll.u32 v25, $0x10  }
0x2de: {  	v53 =	vld [tilespmem:s28+$0x9410];
	v10 =	vadd.f32 v10, v17;
	v25 =	vmul.f32 v25, v26;
	v17 =	vmul.f32 v52, v51  }
0x2df: {  	v54 =	vperm.xlane v11, v0;
	v31 =	vld [tilespmem:s28+$0xB400];
	v27 =	vadd.f32 v27, v29;
	v21 =	vadd.f32 v21, v30  }
0x2e0: {  	v30 =	vperm.xlane v12, v0;
	v26 =	vld [tilespmem:s28+$0xB410];
	v28 =	vadd.f32 v33, v28;
	v17 =	vadd.f32 v17, v25  }
0x2e1: {  	v11 =	vadd.f32 v11, v54;
	v55 =	vperm.xlane v10, v0;
	v21 =	vadd.f32 v21, v27;
	v25 =	vld [tilespmem:s28+$0xB440]  }
0x2e2: {  	v39 =	vshll.u32 v57, $0x10;
	v29 =	vld [tilespmem:s28+$0x9440];
	v12 =	vadd.f32 v30, v12;
	v17 =	vadd.f32 v17, v28  }
0x2e3: {  	v42 =	vshll.u32 v61, $0x10;
	v27 =	vld [tilespmem:s28+$0x9450];
	v10 =	vadd.f32 v10, v55;
	v21 =	vadd.f32 v23, v21  }
0x2e4: {  	v30 =	vshll.u32 v31, $0x10;
	v28 =	vld [tilespmem:s28+$0xB450];
	v17 =	vadd.f32 v22, v17;
	v22 =	vshll.u32 v48, $0x10  }
0x2e5: {  	v23 =	vld [tilespmem:s28+$0x9480];
	v8 =	vadd.f32 v8, v21;
	v21 =	vmul.f32 v30, v22;
	v22 =	vmul.f32 v31, v48  }
0x2e6: {  	v30 =	vld [tilespmem:s28+$0x9490];
	v31 =	vshll.u32 v26, $0x10;
	v58 =	vshll.u32 v25, $0x10;
	v9 =	vadd.f32 v9, v17  }
0x2e7: {  	v17 =	vshll.u32 v53, $0x10;
	v21 =	vadd.f32 v21, v22;
	v22 =	vmul.f32 v26, v53;
	v26 =	vld [tilespmem:s28+$0x94C0]  }
0x2e8: {  	v25 =	vmul.f32 v25, v29;
	v17 =	vmul.f32 v31, v17;
	v31 =	vshll.u32 v29, $0x10;
	v29 =	vld [tilespmem:s28+$0xB4C0]  }
0x2e9: {  	v59 =	vshll.u32 v27, $0x10;
	v60 =	vshll.u32 v28, $0x10;
	v27 =	vmul.f32 v28, v27;
	v28 =	vld [tilespmem:s28+$0xB4D0]  }
0x2ea: {  	v62 =	vshll.u32 v23, $0x10;
	v23 =	vmul.f32 v56, v23;
	v31 =	vmul.f32 v58, v31  }
0x2eb: {  	v37 =	vmul.f32 v63, v62;
	v17 =	vadd.f32 v17, v22;
	v22 =	vmul.f32 v60, v59  }
0x2ec: {  	v38 =	vshll.u32 v30, $0x10;
	v25 =	vadd.f32 v31, v25;
	v30 =	vmul.f32 v57, v30  }
0x2ed: {  	v31 =	vmul.f32 v39, v38;
	v40 =	vshll.u32 v26, $0x10;
	v41 =	vshll.u32 v29, $0x10  }
0x2ee: {  	v26 =	vmul.f32 v29, v26;
	v43 =	vshll.u32 v28, $0x10;
	v28 =	vmul.f32 v28, v61  }
0x2ef: {  	v22 =	vadd.f32 v22, v27;
	v29 =	vmul.f32 v41, v40;
	v27 =	vmul.f32 v43, v42  }
0x2f0: {  	v23 =	vadd.f32 v37, v23;
	v30 =	vadd.f32 v31, v30  }
0x2f1: {  	v26 =	vadd.f32 v29, v26;
	v27 =	vadd.f32 v27, v28  }
0x2f2: {  	v17 =	vadd.f32 v17, v21;
	v21 =	vadd.f32 v22, v25  }
0x2f3: {  	v22 =	vadd.f32 v30, v23;
	v23 =	vadd.f32 v27, v26  }
0x2f4: {  	v17 =	vadd.f32 v18, v17;
	v18 =	vadd.f32 v19, v21  }
0x2f5: {  	v19 =	vadd.f32 v20, v22;
	v15 =	vadd.f32 v15, v23  }
0x2f6: {  	v4 =	vadd.f32 v4, v17;
	v17 =	vperm.xlane v9, v0;
	v5 =	vadd.f32 v5, v18  }
0x2f7: {  	v20 =	vperm.xlane v8, v0;
	v6 =	vadd.f32 v6, v19;
	v7 =	vadd.f32 v7, v15  }
0x2f8: {  	v9 =	vadd.f32 v9, v17;
	v18 =	vperm.xlane v5, v0;
	v15 =	vperm.xlane v4, v0  }
0x2f9: {  	v8 =	vadd.f32 v20, v8;
	v17 =	vperm.xlane v6, v0;
	v19 =	vperm.xlane v7, v0  }
0x2fa: {  	v11 =	vsel vm0, v24, v11;
	v5 =	vadd.f32 v5, v18;
	v4 =	vadd.f32 v15, v4  }
0x2fb: {  	v10 =	vsel vm0, v12, v10;
	v6 =	vadd.f32 v17, v6;
	v7 =	vadd.f32 v7, v19  }
0x2fc: {  	v12 =	vperm.xlane v11, v1;
	v8 =	vsel vm0, v8, v9;
	v9 =	vperm.xlane v10, v1  }
0x2fd: {  	v15 =	vperm.xlane v8, v1;
	v4 =	vsel vm0, v4, v5;
	v5 =	vsel vm0, v6, v7  }
0x2fe: {  	v6 =	vadd.f32 v11, v12;
	v7 =	vperm.xlane v4, v1;
	v11 =	vperm.xlane v5, v1  }
0x2ff: {  	v9 =	vadd.f32 v9, v10;
	v8 =	vadd.f32 v8, v15  }
0x300: {  	v4 =	vadd.f32 v7, v4;
	v5 =	vadd.f32 v5, v11  }
0x301: {  	v10 =	vsel vm1, v14, v16;
	v8 =	vsel vm1, v9, v8;
	v6 =	vsel vm1, v13, v6  }
0x302: {  	v7 =	vperm.xlane v10, v2;
	v11 =	vperm.xlane v6, v2;
	v4 =	vsel vm1, v4, v5  }
0x303: {  	v5 =	vperm.xlane v8, v2;
	v9 =	vperm.xlane v4, v2  }
0x304: {  	v7 =	vadd.f32 v7, v10;
	v6 =	vadd.f32 v6, v11  }
0x305: {  	v5 =	vadd.f32 v5, v8;
	v4 =	vadd.f32 v4, v9;
	_ =	sdelay $0x1  }
0x306: {  	v6 =	vsel vm2, v7, v6;
	v4 =	vsel vm2, v5, v4  }
0x307: {  	v5 =	vperm.xlane v6, v3;
	v7 =	vperm.xlane v4, v3;
	_ =	sdelay $0x1  }
0x308: {  	v5 =	vadd.f32 v5, v6;
	v4 =	vadd.f32 v4, v7;
	_ =	sdelay $0x1  }
0x309: {  	v4 =	vsel vm3, v5, v4  }
0x30a: {  	v4 =	vsub.f32 $0.0e+00, v4;
	_ =	sdelay $0x1  }
0x30b: {  	v4 =	vmul.f32 $1.442695020e+00, v4;
	_ =	sdelay $0x1  }
0x30c: {  	(erf) = vpow2.f32 v4;
	_ =	sdelay $0x8  }
0x30d: {  	v4 =	vpop (erf)  }
0x30e: {  	v4 =	vadd.f32 $1.000000000e+00, v4;
	_ =	sdelay $0x1  }
0x30f: {  	(erf) = vrcp.f32 v4;
	_ =	sdelay $0x8  }
0x310: {  	v4 =	vpop (erf)  }
0x311: {  	s28 =	simm.s32 $0x400;
	[tilespmem:s24+$0x0] =	vst v4  }
0x312: {  	v4 =	vld [tilespmem:s28+$0x9130]  }
0x313: {  	v5 =	vld [tilespmem:s28+$0xB130]  }
0x314: {  	v6 =	vld [tilespmem:s28+$0x9170]  }
0x315: {  	v7 =	vld [tilespmem:s28+$0xB170]  }
0x316: {  	v9 =	vld [tilespmem:s28+$0x91B0]  }
0x317: {  	v10 =	vld [tilespmem:s28+$0xB1B0]  }
0x318: {  	v11 =	vld [tilespmem:s28+$0x91F0]  }
0x319: {  	v12 =	vld [tilespmem:s28+$0xB1F0]  }
0x31a: {  	v13 =	vld [tilespmem:s28+$0x9230]  }
0x31b: {  	v14 =	vld [tilespmem:s28+$0xB230]  }
0x31c: {  	v15 =	vld [tilespmem:s28+$0x9270]  }
0x31d: {  	v16 =	vld [tilespmem:s28+$0xB270]  }
0x31e: {  	v18 =	vld [tilespmem:s28+$0x92B0]  }
0x31f: {  	v20 =	vld [tilespmem:s28+$0xB2B0]  }
0x320: {  	v60 =	vld [tilespmem:s28+$0x93A0]  }
0x321: {  	v61 =	vld [tilespmem:s28+$0xB3A0]  }
0x322: {  	v62 =	vld [tilespmem:s28+$0x9100]  }
0x323: {  	v63 =	vld [tilespmem:s28+$0xB100]  }
0x324: {  	v21 =	vld [tilespmem:s28+$0x92F0]  }
0x325: {  	v22 =	vld [tilespmem:s28+$0xB2F0]  }
0x326: {  	v23 =	vld [tilespmem:s28+$0x9330];
	v8 =	vshll.u32 v4, $0x10;
	v17 =	vshll.u32 v5, $0x10  }
0x327: {  	v24 =	vld [tilespmem:s28+$0xB330];
	v4 =	vmul.f32 v5, v4;
	v19 =	vshll.u32 v7, $0x10;
	v8 =	vmul.f32 v17, v8  }
0x328: {  	v25 =	vld [tilespmem:s28+$0x9370];
	v28 =	vshll.u32 v12, $0x10;
	v39 =	vmul.f32 v61, v60;
	v37 =	vmul.f32 v63, v62  }
0x329: {  	v26 =	vld [tilespmem:s28+$0x93B0];
	v17 =	vshll.u32 v6, $0x10;
	v6 =	vmul.f32 v7, v6;
	v8 =	vadd.f32 v8, v4  }
0x32a: {  	v27 =	vld [tilespmem:s28+$0x93F0];
	v4 =	vmul.f32 v19, v17;
	v17 =	vshll.u32 v9, $0x10;
	v19 =	vshll.u32 v10, $0x10  }
0x32b: {  	v29 =	vld [tilespmem:s28+$0xB3F0];
	v10 =	vmul.f32 v10, v9;
	v17 =	vmul.f32 v19, v17;
	v19 =	vshll.u32 v11, $0x10  }
0x32c: {  	v30 =	vld [tilespmem:s28+$0xB430];
	v9 =	vadd.f32 v4, v6;
	v4 =	vmul.f32 v28, v19;
	v6 =	vmul.f32 v12, v11  }
0x32d: {  	v31 =	vld [tilespmem:s28+$0xB470];
	v12 =	vshll.u32 v14, $0x10;
	v17 =	vadd.f32 v17, v10;
	v10 =	vshll.u32 v13, $0x10  }
0x32e: {  	v5 =	vld [tilespmem:s28+$0xB370];
	v11 =	vadd.f32 v4, v6;
	v4 =	vmul.f32 v12, v10;
	v6 =	vmul.f32 v14, v13  }
0x32f: {  	v44 =	vld [tilespmem:s28+$0x94B0];
	v12 =	vshll.u32 v15, $0x10;
	v13 =	vshll.u32 v16, $0x10;
	v14 =	vmul.f32 v16, v15  }
0x330: {  	v45 =	vld [tilespmem:s28+$0xB4B0];
	v15 =	vshll.u32 v20, $0x10;
	v12 =	vmul.f32 v13, v12;
	v13 =	vshll.u32 v18, $0x10  }
0x331: {  	v46 =	vld [tilespmem:s28+$0x94F0];
	v19 =	vadd.f32 v4, v6;
	v4 =	vmul.f32 v15, v13;
	v6 =	vmul.f32 v20, v18  }
0x332: {  	v7 =	vld [tilespmem:s28+$0xB3B0];
	v13 =	vshll.u32 v22, $0x10;
	v20 =	vadd.f32 v12, v14;
	v12 =	vshll.u32 v21, $0x10  }
0x333: {  	v47 =	vld [tilespmem:s28+$0x91A0];
	v16 =	vshll.u32 v5, $0x10;
	v18 =	vadd.f32 v4, v6;
	v4 =	vmul.f32 v13, v12  }
0x334: {  	v28 =	vld [tilespmem:s28+$0x9430];
	v6 =	vmul.f32 v22, v21;
	v12 =	vshll.u32 v23, $0x10;
	v13 =	vshll.u32 v24, $0x10  }
0x335: {  	v14 =	vmul.f32 v24, v23;
	v21 =	vld [tilespmem:s28+$0xB4F0];
	v12 =	vmul.f32 v13, v12;
	v13 =	vshll.u32 v25, $0x10  }
0x336: {  	v5 =	vmul.f32 v5, v25;
	v22 =	vld [tilespmem:s28+$0x9120];
	v15 =	vadd.f32 v4, v6;
	v4 =	vmul.f32 v16, v13  }
0x337: {  	v48 =	vld [tilespmem:s28+$0xB1E0];
	v6 =	vshll.u32 v26, $0x10;
	v16 =	vadd.f32 v12, v14;
	v12 =	vshll.u32 v7, $0x10  }
0x338: {  	v23 =	vld [tilespmem:s28+$0xB120];
	v13 =	vmul.f32 v29, v27;
	v14 =	vadd.f32 v4, v5;
	v4 =	vmul.f32 v12, v6  }
0x339: {  	v10 =	vld [tilespmem:s28+$0x9470];
	v5 =	vmul.f32 v7, v26;
	v6 =	vshll.u32 v27, $0x10;
	v7 =	vshll.u32 v29, $0x10  }
0x33a: {  	v49 =	vld [tilespmem:s28+$0xB260];
	v27 =	vshll.u32 v30, $0x10;
	v6 =	vmul.f32 v7, v6;
	v7 =	vshll.u32 v28, $0x10  }
0x33b: {  	v51 =	vld [tilespmem:s28+$0x92A0];
	v50 =	vshll.u32 v21, $0x10;
	v21 =	vmul.f32 v21, v46;
	v52 =	vshll.u32 v22, $0x10  }
0x33c: {  	v26 =	vld [tilespmem:s28+$0xB1A0];
	v12 =	vadd.f32 v4, v5;
	v4 =	vmul.f32 v27, v7;
	v5 =	vmul.f32 v30, v28  }
0x33d: {  	v24 =	vld [tilespmem:s28+$0x9160];
	v53 =	vshll.u32 v23, $0x10;
	v7 =	vshll.u32 v31, $0x10;
	v27 =	vshll.u32 v45, $0x10  }
0x33e: {  	v25 =	vld [tilespmem:s28+$0xB160];
	v13 =	vadd.f32 v6, v13;
	v6 =	vshll.u32 v10, $0x10;
	v4 =	vadd.f32 v4, v5  }
0x33f: {  	v54 =	vld [tilespmem:s28+$0xB2A0];
	v5 =	vmul.f32 v7, v6;
	v6 =	vmul.f32 v31, v10;
	v7 =	vshll.u32 v44, $0x10  }
0x340: {  	v56 =	vld [tilespmem:s28+$0x9320];
	v31 =	vmul.f32 v45, v44;
	v7 =	vmul.f32 v27, v7;
	v27 =	vshll.u32 v46, $0x10  }
0x341: {  	v59 =	vld [tilespmem:s28+$0xB360];
	v22 =	vmul.f32 v23, v22;
	v55 =	vshll.u32 v26, $0x10;
	v27 =	vmul.f32 v50, v27  }
0x342: {  	v29 =	vld [tilespmem:s28+$0x91E0];
	v5 =	vadd.f32 v5, v6;
	v6 =	vadd.f32 v7, v31;
	v31 =	vmul.f32 v53, v52  }
0x343: {  	v28 =	vld [tilespmem:s28+$0x9220];
	v7 =	vadd.f32 v27, v21;
	v21 =	vshll.u32 v24, $0x10;
	v27 =	vshll.u32 v25, $0x10  }
0x344: {  	v30 =	vld [tilespmem:s28+$0xB220];
	v24 =	vmul.f32 v25, v24;
	v21 =	vmul.f32 v27, v21;
	v27 =	vshll.u32 v47, $0x10  }
0x345: {  	v10 =	vld [tilespmem:s28+$0x9260];
	v26 =	vmul.f32 v26, v47;
	v31 =	vadd.f32 v31, v22;
	v22 =	vmul.f32 v55, v27  }
0x346: {  	v57 =	vld [tilespmem:s28+$0xB320];
	v52 =	vshll.u32 v59, $0x10;
	v55 =	vshll.u32 v61, $0x10;
	v35 =	vadd.f32 v21, v24  }
0x347: {  	v58 =	vld [tilespmem:s28+$0x9360];
	v21 =	vshll.u32 v29, $0x10;
	v24 =	vshll.u32 v48, $0x10;
	v27 =	vadd.f32 v22, v26  }
0x348: {  	v23 =	vld [tilespmem:s28+$0x92E0];
	v21 =	vmul.f32 v24, v21;
	v22 =	vmul.f32 v48, v29;
	v24 =	vshll.u32 v28, $0x10  }
0x349: {  	v25 =	vld [tilespmem:s28+$0xB2E0];
	v26 =	vshll.u32 v30, $0x10;
	v29 =	vmul.f32 v30, v28;
	v30 =	vshll.u32 v49, $0x10  }
0x34a: {  	v50 =	vld [tilespmem:s28+$0xB110];
	v24 =	vmul.f32 v26, v24;
	v26 =	vshll.u32 v10, $0x10;
	v10 =	vmul.f32 v49, v10  }
0x34b: {  	v48 =	vld [tilespmem:s28+$0x9110];
	v49 =	vshll.u32 v57, $0x10;
	v28 =	vadd.f32 v21, v22;
	v21 =	vmul.f32 v30, v26  }
0x34c: {  	v32 =	vld [tilespmem:s28+$0xB3E0];
	v26 =	vshll.u32 v54, $0x10;
	v29 =	vadd.f32 v24, v29;
	v24 =	vshll.u32 v51, $0x10  }
0x34d: {  	v53 =	vld [tilespmem:s28+$0xB140];
	v30 =	vadd.f32 v21, v10;
	v10 =	vmul.f32 v26, v24;
	v21 =	vmul.f32 v54, v51  }
0x34e: {  	v22 =	vld [tilespmem:s28+$0x93E0];
	v24 =	vshll.u32 v23, $0x10;
	v26 =	vshll.u32 v25, $0x10;
	v23 =	vmul.f32 v25, v23  }
0x34f: {  	v25 =	vshll.u32 v56, $0x10;
	v54 =	vshll.u32 v60, $0x10;
	v60 =	vshll.u32 v50, $0x10  }
0x350: {  	v42 =	vld [tilespmem:s28+$0x9420];
	v24 =	vmul.f32 v26, v24;
	v38 =	vmul.f32 v50, v48;
	v26 =	vadd.f32 v10, v21  }
0x351: {  	v51 =	vld [tilespmem:s28+$0x9140];
	v10 =	vmul.f32 v49, v25;
	v21 =	vmul.f32 v57, v56;
	v57 =	vshll.u32 v62, $0x10  }
0x352: {  	v50 =	vld [tilespmem:s28+$0x9460];
	v62 =	vshll.u32 v53, $0x10;
	v24 =	vadd.f32 v24, v23;
	v23 =	vshll.u32 v58, $0x10  }
0x353: {  	v56 =	vld [tilespmem:s28+$0xB150];
	v34 =	vmul.f32 v32, v22;
	v22 =	vshll.u32 v22, $0x10;
	v32 =	vshll.u32 v32, $0x10  }
0x354: {  	v25 =	vadd.f32 v10, v21;
	v10 =	vmul.f32 v52, v23;
	v21 =	vmul.f32 v59, v58;
	v23 =	vld [tilespmem:s28+$0x9150]  }
0x355: {  	v58 =	vshll.u32 v63, $0x10;
	v59 =	vshll.u32 v48, $0x10;
	v63 =	vld [tilespmem:s28+$0xB420];
	v22 =	vmul.f32 v32, v22  }
0x356: {  	v36 =	vmul.f32 v58, v57;
	v61 =	vshll.u32 v51, $0x10;
	v33 =	vmul.f32 v53, v51;
	v51 =	vld [tilespmem:s28+$0xB460]  }
0x357: {  	v41 =	vmul.f32 v60, v59;
	v53 =	vld [tilespmem:s28+$0x94A0];
	v21 =	vadd.f32 v10, v21;
	v10 =	vmul.f32 v55, v54  }
0x358: {  	v60 =	vld [tilespmem:s28+$0x9190];
	v44 =	vmul.f32 v62, v61;
	v22 =	vadd.f32 v22, v34;
	v62 =	vshll.u32 v50, $0x10  }
0x359: {  	v55 =	vld [tilespmem:s28+$0xB4A0];
	v49 =	vshll.u32 v56, $0x10;
	v36 =	vadd.f32 v36, v37;
	v52 =	vadd.f32 v41, v38  }
0x35a: {  	v58 =	vld [tilespmem:s28+$0xB180];
	v33 =	vadd.f32 v44, v33;
	v48 =	vshll.u32 v23, $0x10;
	v23 =	vmul.f32 v56, v23  }
0x35b: {  	v56 =	vld [tilespmem:s28+$0x9180];
	v57 =	vadd.f32 v52, v36;
	v59 =	vshll.u32 v63, $0x10;
	v45 =	vmul.f32 v49, v48  }
0x35c: {  	v61 =	vmul.f32 v63, v42;
	v63 =	vld [tilespmem:s28+$0xB190];
	v46 =	vshll.u32 v51, $0x10;
	v48 =	vmul.f32 v51, v50  }
0x35d: {  	v49 =	vshll.u32 v53, $0x10;
	v50 =	vld [tilespmem:s28+$0xB1C0];
	v31 =	vadd.f32 v31, v57;
	v54 =	vadd.f32 v45, v23  }
0x35e: {  	v32 =	vmul.f32 v55, v53;
	v53 =	vld [tilespmem:s28+$0xB1D0];
	v57 =	vshll.u32 v60, $0x10;
	v23 =	vadd.f32 v10, v39  }
0x35f: {  	v10 =	vshll.u32 v42, $0x10;
	v42 =	vld [tilespmem:s28+$0x91C0];
	v31 =	vadd.f32 v8, v31;
	v33 =	vadd.f32 v54, v33  }
0x360: {  	v45 =	vld [tilespmem:s28+$0x91D0];
	v10 =	vmul.f32 v59, v10;
	v54 =	vshll.u32 v56, $0x10;
	v36 =	vmul.f32 v58, v56  }
0x361: {  	v59 =	vld [tilespmem:s28+$0xB200];
	v34 =	vmul.f32 v63, v60;
	v51 =	vperm.xlane v31, v0;
	v33 =	vadd.f32 v35, v33  }
0x362: {  	v56 =	vld [tilespmem:s28+$0x9200];
	v8 =	vadd.f32 v10, v61;
	v35 =	vmul.f32 v46, v62;
	v46 =	vshll.u32 v50, $0x10  }
0x363: {  	v60 =	vld [tilespmem:s28+$0x9210];
	v31 =	vadd.f32 v51, v31;
	v51 =	vshll.u32 v53, $0x10;
	v33 =	vadd.f32 v9, v33  }
0x364: {  	v9 =	vshll.u32 v55, $0x10;
	v55 =	vshll.u32 v58, $0x10;
	v58 =	vshll.u32 v63, $0x10  }
0x365: {  	v61 =	vld [tilespmem:s28+$0xB210];
	v10 =	vmul.f32 v9, v49;
	v9 =	vadd.f32 v35, v48;
	v35 =	vmul.f32 v55, v54  }
0x366: {  	v62 =	vld [tilespmem:s28+$0x9240];
	v63 =	vshll.u32 v42, $0x10;
	v39 =	vmul.f32 v58, v57;
	v48 =	vmul.f32 v50, v42  }
0x367: {  	v37 =	vmul.f32 v46, v63;
	v50 =	vshll.u32 v45, $0x10;
	v54 =	vshll.u32 v59, $0x10  }
0x368: {  	v49 =	vld [tilespmem:s28+$0xB240];
	v44 =	vmul.f32 v59, v56;
	v55 =	vshll.u32 v60, $0x10;
	v10 =	vadd.f32 v10, v32  }
0x369: {  	v46 =	vld [tilespmem:s28+$0x9250];
	v52 =	vperm.xlane v33, v0;
	v35 =	vadd.f32 v35, v36;
	v34 =	vadd.f32 v39, v34  }
0x36a: {  	v63 =	vld [tilespmem:s28+$0xB4E0];
	v39 =	vmul.f32 v53, v45;
	v53 =	vshll.u32 v56, $0x10;
	v56 =	vshll.u32 v61, $0x10  }
0x36b: {  	v37 =	vadd.f32 v37, v48;
	v58 =	vshll.u32 v62, $0x10;
	v43 =	vmul.f32 v54, v53  }
0x36c: {  	v32 =	vadd.f32 v33, v52;
	v52 =	vld [tilespmem:s28+$0xB250];
	v57 =	vmul.f32 v56, v55;
	v33 =	vmul.f32 v61, v60  }
0x36d: {  	v60 =	vld [tilespmem:s28+$0x94E0];
	v34 =	vadd.f32 v34, v35;
	v35 =	vmul.f32 v51, v50;
	v59 =	vshll.u32 v49, $0x10  }
0x36e: {  	v36 =	vmul.f32 v49, v62;
	v61 =	vshll.u32 v46, $0x10;
	v43 =	vadd.f32 v43, v44  }
0x36f: {  	v54 =	vld [tilespmem:s28+$0x9280];
	v33 =	vadd.f32 v57, v33;
	v56 =	vshll.u32 v63, $0x10;
	v31 =	vsel vm0, v31, v32  }
0x370: {  	v57 =	vld [tilespmem:s28+$0x9290];
	v38 =	vmul.f32 v59, v58;
	v35 =	vadd.f32 v35, v39;
	v27 =	vadd.f32 v27, v34  }
0x371: {  	v59 =	vld [tilespmem:s28+$0xB290];
	v33 =	vadd.f32 v33, v43;
	v62 =	vshll.u32 v52, $0x10;
	v41 =	vmul.f32 v52, v46  }
0x372: {  	v36 =	vadd.f32 v38, v36;
	v52 =	vadd.f32 v35, v37;
	v53 =	vshll.u32 v60, $0x10  }
0x373: {  	v55 =	vmul.f32 v63, v60;
	v27 =	vadd.f32 v17, v27;
	v63 =	vld [tilespmem:s28+$0x92D0];
	v50 =	vmul.f32 v62, v61  }
0x374: {  	v44 =	vshll.u32 v54, $0x10;
	v46 =	vld [tilespmem:s28+$0xB2D0];
	v29 =	vadd.f32 v29, v33;
	v17 =	vadd.f32 v28, v52  }
0x375: {  	v28 =	vld [tilespmem:s28+$0xB280];
	v60 =	vperm.xlane v27, v0;
	v47 =	vshll.u32 v57, $0x10;
	v51 =	vadd.f32 v50, v41  }
0x376: {  	v19 =	vadd.f32 v19, v29;
	v48 =	vshll.u32 v59, $0x10;
	v32 =	vmul.f32 v59, v57  }
0x377: {  	v49 =	vld [tilespmem:s28+$0x9300];
	v58 =	vadd.f32 v11, v17;
	v11 =	vperm.xlane v31, v1;
	v17 =	vmul.f32 v56, v53  }
0x378: {  	v29 =	vld [tilespmem:s28+$0x92C0];
	v27 =	vadd.f32 v60, v27;
	v50 =	vmul.f32 v48, v47;
	v36 =	vadd.f32 v51, v36  }
0x379: {  	v61 =	vperm.xlane v19, v0;
	v51 =	vld [tilespmem:s28+$0xB300];
	v56 =	vshll.u32 v46, $0x10;
	v57 =	vmul.f32 v46, v63  }
0x37a: {  	v11 =	vadd.f32 v11, v31;
	v31 =	vld [tilespmem:s28+$0xB2C0];
	v30 =	vadd.f32 v30, v36;
	v45 =	vshll.u32 v28, $0x10  }
0x37b: {  	v52 =	vld [tilespmem:s28+$0xB310];
	v17 =	vadd.f32 v17, v55;
	v28 =	vmul.f32 v28, v54;
	v39 =	vmul.f32 v45, v44  }
0x37c: {  	v55 =	vshll.u32 v63, $0x10;
	v63 =	vld [tilespmem:s28+$0xB340];
	v20 =	vadd.f32 v20, v30;
	v30 =	vperm.xlane v58, v0  }
0x37d: {  	v34 =	vadd.f32 v61, v19;
	v19 =	vld [tilespmem:s28+$0x9310];
	v53 =	vshll.u32 v29, $0x10;
	v28 =	vadd.f32 v39, v28  }
0x37e: {  	v59 =	vshll.u32 v51, $0x10;
	v36 =	vmul.f32 v51, v49;
	v30 =	vadd.f32 v58, v30  }
0x37f: {  	v62 =	vperm.xlane v20, v0;
	v54 =	vshll.u32 v31, $0x10;
	v29 =	vmul.f32 v31, v29  }
0x380: {  	v60 =	vld [tilespmem:s28+$0x9340];
	v58 =	vshll.u32 v49, $0x10;
	v27 =	vsel vm0, v27, v30;
	v30 =	vadd.f32 v50, v32  }
0x381: {  	v43 =	vld [tilespmem:s28+$0x9350];
	v46 =	vshll.u32 v63, $0x10;
	v31 =	vmul.f32 v54, v53;
	v35 =	vmul.f32 v59, v58  }
0x382: {  	v61 =	vshll.u32 v19, $0x10;
	v19 =	vmul.f32 v52, v19;
	v28 =	vadd.f32 v30, v28  }
0x383: {  	v20 =	vadd.f32 v20, v62;
	v62 =	vshll.u32 v52, $0x10;
	v29 =	vadd.f32 v31, v29  }
0x384: {  	v31 =	vld [tilespmem:s28+$0xB350];
	v30 =	vmul.f32 v56, v55;
	v26 =	vadd.f32 v26, v28;
	v28 =	vmul.f32 v62, v61  }
0x385: {  	v47 =	vmul.f32 v63, v60;
	v44 =	vperm.xlane v27, v1;
	v45 =	vadd.f32 v35, v36  }
0x386: {  	v49 =	vshll.u32 v43, $0x10;
	v30 =	vadd.f32 v30, v57;
	v28 =	vadd.f32 v28, v19  }
0x387: {  	v48 =	vld [tilespmem:s28+$0xB380];
	v20 =	vsel vm0, v34, v20;
	v19 =	vadd.f32 v27, v44;
	v26 =	vadd.f32 v18, v26  }
0x388: {  	v27 =	vadd.f32 v30, v29;
	v18 =	vperm.xlane v20, v1;
	v29 =	vld [tilespmem:s28+$0x9380];
	v30 =	vshll.u32 v60, $0x10  }
0x389: {  	v51 =	vld [tilespmem:s28+$0x9390];
	v50 =	vshll.u32 v31, $0x10;
	v31 =	vmul.f32 v31, v43;
	v28 =	vadd.f32 v28, v45  }
0x38a: {  	v52 =	vld [tilespmem:s28+$0xB390];
	v30 =	vmul.f32 v46, v30;
	v18 =	vadd.f32 v18, v20;
	v20 =	vmul.f32 v50, v49  }
0x38b: {  	v24 =	vadd.f32 v24, v27;
	v27 =	vperm.xlane v26, v0;
	v25 =	vadd.f32 v25, v28;
	v28 =	vld [tilespmem:s28+$0x93C0]  }
0x38c: {  	v30 =	vadd.f32 v30, v47;
	v20 =	vadd.f32 v20, v31;
	v31 =	vld [tilespmem:s28+$0xB3C0]  }
0x38d: {  	v24 =	vadd.f32 v15, v24;
	v15 =	vadd.f32 v27, v26;
	v26 =	vld [tilespmem:s28+$0x93D0];
	v27 =	vshll.u32 v29, $0x10  }
0x38e: {  	v16 =	vadd.f32 v16, v25;
	v20 =	vadd.f32 v20, v30;
	v25 =	vld [tilespmem:s28+$0xB3D0];
	v30 =	vshll.u32 v48, $0x10  }
0x38f: {  	v53 =	vshll.u32 v52, $0x10;
	v27 =	vmul.f32 v30, v27;
	v30 =	vshll.u32 v51, $0x10  }
0x390: {  	v29 =	vmul.f32 v48, v29;
	v20 =	vadd.f32 v21, v20;
	v21 =	vmul.f32 v53, v30  }
0x391: {  	v54 =	vld [tilespmem:s28+$0x9400];
	v30 =	vmul.f32 v52, v51;
	v55 =	vshll.u32 v28, $0x10;
	v56 =	vshll.u32 v31, $0x10  }
0x392: {  	v59 =	vld [tilespmem:s28+$0x9410];
	v28 =	vmul.f32 v31, v28;
	v57 =	vshll.u32 v26, $0x10;
	v27 =	vadd.f32 v27, v29  }
0x393: {  	v61 =	vld [tilespmem:s28+$0xB440];
	v33 =	vmul.f32 v56, v55;
	v20 =	vadd.f32 v14, v20;
	v58 =	vshll.u32 v25, $0x10  }
0x394: {  	v60 =	vld [tilespmem:s28+$0xB410];
	v21 =	vadd.f32 v21, v30;
	v25 =	vmul.f32 v25, v26;
	v14 =	vmul.f32 v58, v57  }
0x395: {  	v31 =	vld [tilespmem:s28+$0xB400];
	v26 =	vperm.xlane v24, v0;
	v28 =	vadd.f32 v33, v28  }
0x396: {  	v29 =	vld [tilespmem:s28+$0x9440];
	v21 =	vadd.f32 v21, v27;
	v25 =	vadd.f32 v14, v25  }
0x397: {  	v30 =	vperm.xlane v16, v0;
	v14 =	vadd.f32 v24, v26;
	v26 =	vperm.xlane v20, v0;
	v24 =	vld [tilespmem:s28+$0x9450]  }
0x398: {  	v21 =	vadd.f32 v23, v21;
	v23 =	vld [tilespmem:s28+$0x9480];
	v27 =	vadd.f32 v25, v28  }
0x399: {  	v63 =	vshll.u32 v61, $0x10;
	v16 =	vadd.f32 v30, v16;
	v25 =	vld [tilespmem:s28+$0xB450];
	v20 =	vadd.f32 v20, v26  }
0x39a: {  	v28 =	vshll.u32 v31, $0x10;
	v26 =	vld [tilespmem:s28+$0xB480];
	v27 =	vadd.f32 v22, v27;
	v22 =	vshll.u32 v54, $0x10  }
0x39b: {  	v30 =	vshll.u32 v59, $0x10;
	v12 =	vadd.f32 v12, v21;
	v21 =	vmul.f32 v28, v22;
	v22 =	vld [tilespmem:s28+$0x9490]  }
0x39c: {  	v28 =	vmul.f32 v31, v54;
	v31 =	vshll.u32 v60, $0x10;
	v13 =	vadd.f32 v13, v27;
	v27 =	vld [tilespmem:s28+$0xB490]  }
0x39d: {  	v34 =	vmul.f32 v60, v59;
	v62 =	vshll.u32 v29, $0x10;
	v33 =	vmul.f32 v31, v30;
	v30 =	vld [tilespmem:s28+$0xB4C0]  }
0x39e: {  	v32 =	vmul.f32 v63, v62;
	v31 =	vmul.f32 v61, v29;
	v29 =	vld [tilespmem:s28+$0x94D0]  }
0x39f: {  	s30 =	simm.s32 $0x2000;
	s29 =	smov.u32 s24;
	v35 =	vshll.u32 v24, $0x10;
	v21 =	vadd.f32 v21, v28;
	v28 =	vld [tilespmem:s28+$0x94C0];
	v36 =	vshll.u32 v25, $0x10  }
.LBB2_5:
0x3a0: {  	p0 =	sne.s32 s30, $0x7000;
	v33 =	vadd.f32 v33, v34;
	v34 =	vmul.f32 v36, v35;
	v24 =	vmul.f32 v25, v24;
	v25 =	vld [tilespmem:s28+$0xB4D0]  }
0x3a1: {  	v35 =	vshll.u32 v23, $0x10;
	v36 =	vshll.u32 v26, $0x10;
	v23 =	vmul.f32 v26, v23  }
0x3a2: {  	v26 =	vmul.f32 v36, v35;
	v35 =	vshll.u32 v22, $0x10;
	v36 =	vshll.u32 v27, $0x10  }
0x3a3: {  	v31 =	vadd.f32 v32, v31;
	v22 =	vmul.f32 v27, v22;
	v32 =	vmul.f32 v36, v35  }
0x3a4: {  	v27 =	vshll.u32 v28, $0x10;
	v35 =	vshll.u32 v30, $0x10;
	v28 =	vmul.f32 v30, v28  }
0x3a5: {  	v27 =	vmul.f32 v35, v27;
	v30 =	vshll.u32 v29, $0x10;
	v35 =	vshll.u32 v25, $0x10  }
0x3a6: {  	v24 =	vadd.f32 v34, v24;
	v25 =	vmul.f32 v25, v29;
	v30 =	vmul.f32 v35, v30  }
0x3a7: {  	v23 =	vadd.f32 v26, v23;
	v22 =	vadd.f32 v32, v22  }
0x3a8: {  	v26 =	vadd.f32 v27, v28;
	v25 =	vadd.f32 v30, v25  }
0x3a9: {  	v21 =	vadd.f32 v33, v21;
	v24 =	vadd.f32 v24, v31  }
0x3aa: {  	v22 =	vadd.f32 v22, v23;
	v23 =	vadd.f32 v25, v26  }
0x3ab: {  	v8 =	vadd.f32 v8, v21;
	v9 =	vadd.f32 v9, v24  }
0x3ac: {  	v10 =	vadd.f32 v10, v22;
	v17 =	vadd.f32 v17, v23  }
0x3ad: {  	v21 =	vperm.xlane v12, v0;
	v4 =	vadd.f32 v4, v8;
	v5 =	vadd.f32 v5, v9  }
0x3ae: {  	v8 =	vperm.xlane v13, v0;
	v6 =	vadd.f32 v6, v10;
	v7 =	vadd.f32 v7, v17  }
0x3af: {  	v9 =	vadd.f32 v21, v12;
	v10 =	vperm.xlane v4, v0;
	v12 =	vperm.xlane v5, v0  }
0x3b0: {  	v8 =	vadd.f32 v13, v8;
	v13 =	vperm.xlane v6, v0;
	v17 =	vperm.xlane v7, v0  }
0x3b1: {  	v14 =	vsel vm0, v15, v14;
	v4 =	vadd.f32 v10, v4;
	v5 =	vadd.f32 v5, v12  }
0x3b2: {  	v10 =	vsel vm0, v16, v20;
	v6 =	vadd.f32 v13, v6;
	v7 =	vadd.f32 v7, v17  }
0x3b3: {  	v8 =	vsel vm0, v9, v8;
	v12 =	vperm.xlane v14, v1;
	v9 =	vperm.xlane v10, v1  }
0x3b4: {  	v13 =	vperm.xlane v8, v1;
	v4 =	vsel vm0, v4, v5;
	v5 =	vsel vm0, v6, v7  }
0x3b5: {  	v6 =	vadd.f32 v14, v12;
	v7 =	vperm.xlane v4, v1;
	v12 =	vperm.xlane v5, v1  }
0x3b6: {  	v9 =	vadd.f32 v9, v10;
	v8 =	vadd.f32 v8, v13  }
0x3b7: {  	v10 =	vsel vm1, v11, v19;
	v4 =	vadd.f32 v7, v4;
	v5 =	vadd.f32 v5, v12  }
0x3b8: {  	v6 =	vsel vm1, v18, v6;
	v7 =	vperm.xlane v10, v2  }
0x3b9: {  	v8 =	vsel vm1, v9, v8;
	v11 =	vperm.xlane v6, v2;
	v4 =	vsel vm1, v4, v5  }
0x3ba: {  	v5 =	vperm.xlane v8, v2;
	v9 =	vperm.xlane v4, v2  }
0x3bb: {  	v7 =	vadd.f32 v7, v10;
	v6 =	vadd.f32 v6, v11  }
0x3bc: {  	v5 =	vadd.f32 v5, v8;
	v4 =	vadd.f32 v4, v9;
	_ =	sdelay $0x1  }
0x3bd: {  	v6 =	vsel vm2, v7, v6;
	v4 =	vsel vm2, v5, v4  }
0x3be: {  	v5 =	vperm.xlane v6, v3;
	v7 =	vperm.xlane v4, v3;
	_ =	sdelay $0x1  }
0x3bf: {  	v5 =	vadd.f32 v5, v6;
	v4 =	vadd.f32 v4, v7;
	_ =	sdelay $0x1  }
0x3c0: {  	v4 =	vsel vm3, v5, v4  }
0x3c1: {  	v4 =	vsub.f32 $0.0e+00, v4;
	_ =	sdelay $0x1  }
0x3c2: {  	v4 =	vmul.f32 $1.442695020e+00, v4;
	_ =	sdelay $0x1  }
0x3c3: {  	(erf) = vpow2.f32 v4;
	_ =	sdelay $0x8  }
0x3c4: {  	v4 =	vpop (erf)  }
0x3c5: {  	v4 =	vadd.f32 $1.000000000e+00, v4;
	_ =	sdelay $0x1  }
0x3c6: {  	(erf) = vrcp.f32 v4;
	_ =	sdelay $0x8  }
0x3c7: {  	s29 =	sadd.s32 $0x10, s29;
	v4 =	vpop (erf)  }
0x3c8: {  	s28 =	sshra.s32 s30, $0x2;
	[tilespmem:s29+$0x0] =	vst v4  }
0x3c9: {  	v4 =	vld [tilespmem:s28+$0x9130]  }
0x3ca: {  	v5 =	vld [tilespmem:s28+$0xB130]  }
0x3cb: {  	v6 =	vld [tilespmem:s28+$0x9170]  }
0x3cc: {  	v7 =	vld [tilespmem:s28+$0xB170]  }
0x3cd: {  	v9 =	vld [tilespmem:s28+$0x91B0]  }
0x3ce: {  	v10 =	vld [tilespmem:s28+$0xB1B0]  }
0x3cf: {  	v11 =	vld [tilespmem:s28+$0x91F0]  }
0x3d0: {  	v12 =	vld [tilespmem:s28+$0xB1F0]  }
0x3d1: {  	v13 =	vld [tilespmem:s28+$0x9230]  }
0x3d2: {  	v14 =	vld [tilespmem:s28+$0xB230]  }
0x3d3: {  	v15 =	vld [tilespmem:s28+$0x9270]  }
0x3d4: {  	v16 =	vld [tilespmem:s28+$0xB270]  }
0x3d5: {  	v18 =	vld [tilespmem:s28+$0x92B0]  }
0x3d6: {  	v20 =	vld [tilespmem:s28+$0xB2B0]  }
0x3d7: {  	v21 =	vld [tilespmem:s28+$0x92F0]  }
0x3d8: {  	v22 =	vld [tilespmem:s28+$0xB2F0]  }
0x3d9: {  	v23 =	vld [tilespmem:s28+$0x9330]  }
0x3da: {  	v24 =	vld [tilespmem:s28+$0xB330]  }
0x3db: {  	v8 =	vshll.u32 v4, $0x10;
	v17 =	vshll.u32 v5, $0x10;
	v25 =	vld [tilespmem:s28+$0x9370]  }
0x3dc: {  	v4 =	vmul.f32 v5, v4;
	v8 =	vmul.f32 v17, v8;
	v5 =	vld [tilespmem:s28+$0xB370]  }
0x3dd: {  	v17 =	vshll.u32 v6, $0x10;
	v19 =	vshll.u32 v7, $0x10;
	v26 =	vld [tilespmem:s28+$0x93B0]  }
0x3de: {  	v6 =	vmul.f32 v7, v6;
	v8 =	vadd.f32 v8, v4;
	v4 =	vmul.f32 v19, v17;
	v7 =	vld [tilespmem:s28+$0xB3B0]  }
0x3df: {  	v17 =	vshll.u32 v9, $0x10;
	v19 =	vshll.u32 v10, $0x10;
	v10 =	vmul.f32 v10, v9;
	v27 =	vld [tilespmem:s28+$0x93F0]  }
0x3e0: {  	v17 =	vmul.f32 v19, v17;
	v19 =	vshll.u32 v11, $0x10;
	v28 =	vshll.u32 v12, $0x10;
	v29 =	vld [tilespmem:s28+$0xB3F0]  }
0x3e1: {  	v9 =	vadd.f32 v4, v6;
	v6 =	vmul.f32 v12, v11;
	v4 =	vmul.f32 v28, v19;
	v28 =	vld [tilespmem:s28+$0x9430]  }
0x3e2: {  	v17 =	vadd.f32 v17, v10;
	v10 =	vshll.u32 v13, $0x10;
	v12 =	vshll.u32 v14, $0x10;
	v30 =	vld [tilespmem:s28+$0xB430]  }
0x3e3: {  	v11 =	vadd.f32 v4, v6;
	v4 =	vmul.f32 v12, v10;
	v6 =	vmul.f32 v14, v13;
	v10 =	vld [tilespmem:s28+$0x9470]  }
0x3e4: {  	v12 =	vshll.u32 v15, $0x10;
	v13 =	vshll.u32 v16, $0x10;
	v14 =	vmul.f32 v16, v15;
	v31 =	vld [tilespmem:s28+$0xB470]  }
0x3e5: {  	v12 =	vmul.f32 v13, v12;
	v13 =	vshll.u32 v18, $0x10;
	v15 =	vshll.u32 v20, $0x10;
	v32 =	vld [tilespmem:s28+$0x94B0]  }
0x3e6: {  	v19 =	vadd.f32 v4, v6;
	v6 =	vmul.f32 v20, v18;
	v4 =	vmul.f32 v15, v13;
	v33 =	vld [tilespmem:s28+$0xB4B0]  }
0x3e7: {  	v20 =	vadd.f32 v12, v14;
	v12 =	vshll.u32 v21, $0x10;
	v13 =	vshll.u32 v22, $0x10;
	v34 =	vld [tilespmem:s28+$0x94F0]  }
0x3e8: {  	v18 =	vadd.f32 v4, v6;
	v4 =	vmul.f32 v13, v12;
	v6 =	vmul.f32 v22, v21;
	v21 =	vld [tilespmem:s28+$0xB4F0]  }
0x3e9: {  	v12 =	vshll.u32 v23, $0x10;
	v13 =	vshll.u32 v24, $0x10;
	v14 =	vmul.f32 v24, v23;
	v22 =	vld [tilespmem:s28+$0x9120]  }
0x3ea: {  	v12 =	vmul.f32 v13, v12;
	v13 =	vshll.u32 v25, $0x10;
	v16 =	vshll.u32 v5, $0x10;
	v23 =	vld [tilespmem:s28+$0xB120]  }
0x3eb: {  	v15 =	vadd.f32 v4, v6;
	v5 =	vmul.f32 v5, v25;
	v4 =	vmul.f32 v16, v13;
	v24 =	vld [tilespmem:s28+$0x9160]  }
0x3ec: {  	v16 =	vadd.f32 v12, v14;
	v6 =	vshll.u32 v26, $0x10;
	v12 =	vshll.u32 v7, $0x10;
	v25 =	vld [tilespmem:s28+$0xB160]  }
0x3ed: {  	v14 =	vadd.f32 v4, v5;
	v4 =	vmul.f32 v12, v6;
	v5 =	vmul.f32 v7, v26;
	v35 =	vld [tilespmem:s28+$0x91A0]  }
0x3ee: {  	v6 =	vshll.u32 v27, $0x10;
	v7 =	vshll.u32 v29, $0x10;
	v13 =	vmul.f32 v29, v27;
	v26 =	vld [tilespmem:s28+$0xB1A0]  }
0x3ef: {  	v6 =	vmul.f32 v7, v6;
	v7 =	vshll.u32 v28, $0x10;
	v27 =	vshll.u32 v30, $0x10;
	v29 =	vld [tilespmem:s28+$0x91E0]  }
0x3f0: {  	v12 =	vadd.f32 v4, v5;
	v5 =	vmul.f32 v30, v28;
	v4 =	vmul.f32 v27, v7;
	v36 =	vld [tilespmem:s28+$0xB1E0]  }
0x3f1: {  	v13 =	vadd.f32 v6, v13;
	v6 =	vshll.u32 v10, $0x10;
	v7 =	vshll.u32 v31, $0x10;
	v28 =	vld [tilespmem:s28+$0x9220]  }
0x3f2: {  	v4 =	vadd.f32 v4, v5;
	v5 =	vmul.f32 v7, v6;
	v6 =	vmul.f32 v31, v10;
	v30 =	vld [tilespmem:s28+$0xB220]  }
0x3f3: {  	v7 =	vshll.u32 v32, $0x10;
	v27 =	vshll.u32 v33, $0x10;
	v31 =	vmul.f32 v33, v32;
	v10 =	vld [tilespmem:s28+$0x9260]  }
0x3f4: {  	v7 =	vmul.f32 v27, v7;
	v27 =	vshll.u32 v34, $0x10;
	v33 =	vshll.u32 v21, $0x10;
	v32 =	vld [tilespmem:s28+$0xB260]  }
0x3f5: {  	v5 =	vadd.f32 v5, v6;
	v21 =	vmul.f32 v21, v34;
	v27 =	vmul.f32 v33, v27;
	v37 =	vld [tilespmem:s28+$0x92A0]  }
0x3f6: {  	v33 =	vshll.u32 v22, $0x10;
	v6 =	vadd.f32 v7, v31;
	v34 =	vshll.u32 v23, $0x10;
	v38 =	vld [tilespmem:s28+$0xB2A0]  }
0x3f7: {  	v22 =	vmul.f32 v23, v22;
	v31 =	vmul.f32 v34, v33;
	v7 =	vadd.f32 v27, v21;
	v23 =	vld [tilespmem:s28+$0x92E0]  }
0x3f8: {  	v21 =	vshll.u32 v24, $0x10;
	v27 =	vshll.u32 v25, $0x10;
	v24 =	vmul.f32 v25, v24;
	v25 =	vld [tilespmem:s28+$0xB2E0]  }
0x3f9: {  	v21 =	vmul.f32 v27, v21;
	v27 =	vshll.u32 v35, $0x10;
	v33 =	vshll.u32 v26, $0x10;
	v34 =	vld [tilespmem:s28+$0x9320]  }
0x3fa: {  	v31 =	vadd.f32 v31, v22;
	v26 =	vmul.f32 v26, v35;
	v22 =	vmul.f32 v33, v27;
	v33 =	vld [tilespmem:s28+$0xB320]  }
0x3fb: {  	v35 =	vadd.f32 v21, v24;
	v21 =	vshll.u32 v29, $0x10;
	v24 =	vshll.u32 v36, $0x10;
	v39 =	vld [tilespmem:s28+$0x9360]  }
0x3fc: {  	v27 =	vadd.f32 v22, v26;
	v21 =	vmul.f32 v24, v21;
	v22 =	vmul.f32 v36, v29;
	v36 =	vld [tilespmem:s28+$0xB360]  }
0x3fd: {  	v24 =	vshll.u32 v28, $0x10;
	v26 =	vshll.u32 v30, $0x10;
	v29 =	vmul.f32 v30, v28;
	v40 =	vld [tilespmem:s28+$0x93A0]  }
0x3fe: {  	v24 =	vmul.f32 v26, v24;
	v26 =	vshll.u32 v10, $0x10;
	v30 =	vshll.u32 v32, $0x10;
	v41 =	vld [tilespmem:s28+$0xB3A0]  }
0x3ff: {  	v28 =	vadd.f32 v21, v22;
	v10 =	vmul.f32 v32, v10;
	v21 =	vmul.f32 v30, v26;
	v22 =	vld [tilespmem:s28+$0x93E0]  }
0x400: {  	v29 =	vadd.f32 v24, v29;
	v24 =	vshll.u32 v37, $0x10;
	v26 =	vshll.u32 v38, $0x10;
	v32 =	vld [tilespmem:s28+$0xB3E0]  }
0x401: {  	v30 =	vadd.f32 v21, v10;
	v10 =	vmul.f32 v26, v24;
	v21 =	vmul.f32 v38, v37;
	v42 =	vld [tilespmem:s28+$0x9100]  }
0x402: {  	v24 =	vshll.u32 v23, $0x10;
	v26 =	vshll.u32 v25, $0x10;
	v23 =	vmul.f32 v25, v23;
	v37 =	vld [tilespmem:s28+$0xB100]  }
0x403: {  	v24 =	vmul.f32 v26, v24;
	v25 =	vshll.u32 v34, $0x10;
	v43 =	vshll.u32 v33, $0x10;
	v38 =	vld [tilespmem:s28+$0x9110]  }
0x404: {  	v26 =	vadd.f32 v10, v21;
	v21 =	vmul.f32 v33, v34;
	v10 =	vmul.f32 v43, v25;
	v44 =	vld [tilespmem:s28+$0xB110]  }
0x405: {  	v24 =	vadd.f32 v24, v23;
	v23 =	vshll.u32 v39, $0x10;
	v34 =	vshll.u32 v36, $0x10;
	v33 =	vld [tilespmem:s28+$0x9140]  }
0x406: {  	v25 =	vadd.f32 v10, v21;
	v10 =	vmul.f32 v34, v23;
	v21 =	vmul.f32 v36, v39;
	v43 =	vld [tilespmem:s28+$0xB140]  }
0x407: {  	v34 =	vshll.u32 v40, $0x10;
	v36 =	vshll.u32 v41, $0x10;
	v39 =	vmul.f32 v41, v40;
	v23 =	vld [tilespmem:s28+$0x9150]  }
0x408: {  	v21 =	vadd.f32 v10, v21;
	v10 =	vmul.f32 v36, v34;
	v34 =	vmul.f32 v32, v22;
	v40 =	vld [tilespmem:s28+$0xB150]  }
0x409: {  	v36 =	vshll.u32 v42, $0x10;
	v41 =	vshll.u32 v37, $0x10;
	v37 =	vmul.f32 v37, v42  }
0x40a: {  	v36 =	vmul.f32 v41, v36;
	v41 =	vshll.u32 v38, $0x10;
	v42 =	vshll.u32 v44, $0x10  }
0x40b: {  	v22 =	vshll.u32 v22, $0x10;
	v38 =	vmul.f32 v44, v38;
	v41 =	vmul.f32 v42, v41;
	v42 =	vld [tilespmem:s28+$0x9420]  }
0x40c: {  	v44 =	vshll.u32 v33, $0x10;
	v45 =	vshll.u32 v43, $0x10;
	v33 =	vmul.f32 v43, v33;
	v43 =	vld [tilespmem:s28+$0xB420]  }
0x40d: {  	v44 =	vmul.f32 v45, v44;
	v45 =	vshll.u32 v23, $0x10;
	v46 =	vshll.u32 v40, $0x10;
	v47 =	vld [tilespmem:s28+$0x9460]  }
0x40e: {  	v32 =	vshll.u32 v32, $0x10;
	v23 =	vmul.f32 v40, v23;
	v45 =	vmul.f32 v46, v45;
	v40 =	vld [tilespmem:s28+$0xB460]  }
0x40f: {  	v22 =	vmul.f32 v32, v22;
	v36 =	vadd.f32 v36, v37;
	v37 =	vadd.f32 v41, v38;
	v32 =	vld [tilespmem:s28+$0x94A0]  }
0x410: {  	v33 =	vadd.f32 v44, v33;
	v38 =	vadd.f32 v45, v23;
	v41 =	vld [tilespmem:s28+$0xB4A0]  }
0x411: {  	v22 =	vadd.f32 v22, v34;
	v23 =	vadd.f32 v10, v39;
	v10 =	vshll.u32 v42, $0x10;
	v44 =	vld [tilespmem:s28+$0x9180]  }
0x412: {  	v34 =	vadd.f32 v37, v36;
	v37 =	vshll.u32 v43, $0x10;
	v33 =	vadd.f32 v38, v33;
	v36 =	vld [tilespmem:s28+$0xB180]  }
0x413: {  	v10 =	vmul.f32 v37, v10;
	v37 =	vmul.f32 v43, v42;
	v39 =	vshll.u32 v47, $0x10;
	v38 =	vld [tilespmem:s28+$0x9190]  }
0x414: {  	v31 =	vadd.f32 v31, v34;
	v33 =	vadd.f32 v35, v33;
	v34 =	vld [tilespmem:s28+$0xB190];
	v35 =	vshll.u32 v40, $0x10  }
0x415: {  	v42 =	vld [tilespmem:s28+$0x91C0];
	v35 =	vmul.f32 v35, v39;
	v39 =	vmul.f32 v40, v47;
	v40 =	vshll.u32 v32, $0x10  }
0x416: {  	v31 =	vadd.f32 v8, v31;
	v33 =	vadd.f32 v9, v33;
	v43 =	vld [tilespmem:s28+$0xB1C0];
	v9 =	vshll.u32 v41, $0x10  }
0x417: {  	v8 =	vadd.f32 v10, v37;
	v32 =	vmul.f32 v41, v32;
	v45 =	vld [tilespmem:s28+$0x91D0];
	v10 =	vmul.f32 v9, v40  }
0x418: {  	v37 =	vperm.xlane v31, v0;
	v9 =	vadd.f32 v35, v39;
	v40 =	vperm.xlane v33, v0;
	v41 =	vld [tilespmem:s28+$0xB1D0]  }
0x419: {  	v35 =	vshll.u32 v44, $0x10;
	v39 =	vshll.u32 v36, $0x10;
	v36 =	vmul.f32 v36, v44;
	v44 =	vld [tilespmem:s28+$0x9200]  }
0x41a: {  	v35 =	vmul.f32 v39, v35;
	v39 =	vshll.u32 v38, $0x10;
	v46 =	vshll.u32 v34, $0x10;
	v47 =	vld [tilespmem:s28+$0xB200]  }
0x41b: {  	v34 =	vmul.f32 v34, v38;
	v10 =	vadd.f32 v10, v32;
	v39 =	vmul.f32 v46, v39;
	v38 =	vld [tilespmem:s28+$0x9210]  }
0x41c: {  	v31 =	vadd.f32 v37, v31;
	v32 =	vadd.f32 v33, v40;
	v33 =	vld [tilespmem:s28+$0xB210]  }
0x41d: {  	v35 =	vadd.f32 v35, v36;
	v34 =	vadd.f32 v39, v34;
	v36 =	vld [tilespmem:s28+$0x9240]  }
0x41e: {  	v37 =	vshll.u32 v42, $0x10;
	v40 =	vmul.f32 v43, v42;
	v39 =	vshll.u32 v43, $0x10;
	v42 =	vld [tilespmem:s28+$0xB240]  }
0x41f: {  	v37 =	vmul.f32 v39, v37;
	v39 =	vshll.u32 v45, $0x10;
	v43 =	vshll.u32 v41, $0x10;
	v46 =	vld [tilespmem:s28+$0x9250]  }
0x420: {  	v34 =	vadd.f32 v34, v35;
	v35 =	vmul.f32 v43, v39;
	v39 =	vmul.f32 v41, v45;
	v41 =	vld [tilespmem:s28+$0xB250]  }
0x421: {  	v43 =	vshll.u32 v44, $0x10;
	v45 =	vshll.u32 v47, $0x10;
	v44 =	vmul.f32 v47, v44  }
0x422: {  	v43 =	vmul.f32 v45, v43;
	v45 =	vshll.u32 v38, $0x10;
	v47 =	vshll.u32 v33, $0x10  }
0x423: {  	v37 =	vadd.f32 v37, v40;
	v33 =	vmul.f32 v33, v38;
	v40 =	vmul.f32 v47, v45  }
0x424: {  	v38 =	vshll.u32 v36, $0x10;
	v45 =	vshll.u32 v42, $0x10;
	v36 =	vmul.f32 v42, v36;
	v42 =	vld [tilespmem:s28+$0x94E0]  }
0x425: {  	v38 =	vmul.f32 v45, v38;
	v45 =	vshll.u32 v46, $0x10;
	v47 =	vshll.u32 v41, $0x10;
	v48 =	vld [tilespmem:s28+$0xB4E0]  }
0x426: {  	v35 =	vadd.f32 v35, v39;
	v41 =	vmul.f32 v41, v46;
	v39 =	vmul.f32 v47, v45  }
0x427: {  	v43 =	vadd.f32 v43, v44;
	v33 =	vadd.f32 v40, v33  }
0x428: {  	v36 =	vadd.f32 v38, v36;
	v38 =	vadd.f32 v39, v41  }
0x429: {  	v27 =	vadd.f32 v27, v34;
	v34 =	vadd.f32 v35, v37;
	v35 =	vshll.u32 v42, $0x10  }
0x42a: {  	v33 =	vadd.f32 v33, v43;
	v36 =	vadd.f32 v38, v36;
	v37 =	vld [tilespmem:s28+$0x9280];
	v38 =	vmul.f32 v48, v42  }
0x42b: {  	v27 =	vadd.f32 v17, v27;
	v17 =	vadd.f32 v28, v34;
	v34 =	vshll.u32 v48, $0x10;
	v28 =	vld [tilespmem:s28+$0xB280]  }
0x42c: {  	v31 =	vsel vm0, v31, v32;
	v29 =	vadd.f32 v29, v33;
	v30 =	vadd.f32 v30, v36;
	v32 =	vld [tilespmem:s28+$0x9290]  }
0x42d: {  	v33 =	vadd.f32 v11, v17;
	v11 =	vperm.xlane v31, v1;
	v17 =	vmul.f32 v34, v35;
	v36 =	vld [tilespmem:s28+$0xB290]  }
0x42e: {  	v19 =	vadd.f32 v19, v29;
	v34 =	vperm.xlane v27, v0;
	v20 =	vadd.f32 v20, v30;
	v29 =	vld [tilespmem:s28+$0x92C0]  }
0x42f: {  	v11 =	vadd.f32 v11, v31;
	v17 =	vadd.f32 v17, v38;
	v30 =	vperm.xlane v33, v0;
	v31 =	vld [tilespmem:s28+$0xB2C0]  }
0x430: {  	v27 =	vadd.f32 v34, v27;
	v34 =	vperm.xlane v19, v0;
	v35 =	vperm.xlane v20, v0;
	v38 =	vld [tilespmem:s28+$0x92D0]  }
0x431: {  	v39 =	vshll.u32 v37, $0x10;
	v40 =	vshll.u32 v28, $0x10;
	v28 =	vmul.f32 v28, v37;
	v37 =	vld [tilespmem:s28+$0xB2D0]  }
0x432: {  	v39 =	vmul.f32 v40, v39;
	v40 =	vshll.u32 v32, $0x10;
	v41 =	vshll.u32 v36, $0x10;
	v42 =	vld [tilespmem:s28+$0x9300]  }
0x433: {  	v30 =	vadd.f32 v33, v30;
	v32 =	vmul.f32 v36, v32;
	v33 =	vmul.f32 v41, v40;
	v36 =	vld [tilespmem:s28+$0xB300]  }
0x434: {  	v34 =	vadd.f32 v34, v19;
	v20 =	vadd.f32 v20, v35;
	v19 =	vld [tilespmem:s28+$0x9310]  }
0x435: {  	v27 =	vsel vm0, v27, v30;
	v28 =	vadd.f32 v39, v28;
	v30 =	vadd.f32 v33, v32;
	v32 =	vld [tilespmem:s28+$0xB310]  }
0x436: {  	v35 =	vshll.u32 v31, $0x10;
	v33 =	vshll.u32 v29, $0x10;
	v29 =	vmul.f32 v31, v29  }
0x437: {  	v31 =	vmul.f32 v35, v33;
	v33 =	vshll.u32 v38, $0x10;
	v35 =	vshll.u32 v37, $0x10  }
0x438: {  	v28 =	vadd.f32 v30, v28;
	v30 =	vmul.f32 v35, v33;
	v33 =	vmul.f32 v37, v38  }
0x439: {  	v35 =	vshll.u32 v42, $0x10;
	v37 =	vshll.u32 v36, $0x10;
	v36 =	vmul.f32 v36, v42;
	v38 =	vld [tilespmem:s28+$0x9340]  }
0x43a: {  	v35 =	vmul.f32 v37, v35;
	v37 =	vshll.u32 v19, $0x10;
	v39 =	vshll.u32 v32, $0x10;
	v40 =	vld [tilespmem:s28+$0xB340]  }
0x43b: {  	v26 =	vadd.f32 v26, v28;
	v19 =	vmul.f32 v32, v19;
	v28 =	vmul.f32 v39, v37;
	v32 =	vld [tilespmem:s28+$0x9350]  }
0x43c: {  	v29 =	vadd.f32 v31, v29;
	v30 =	vadd.f32 v30, v33;
	v37 =	vperm.xlane v27, v1;
	v31 =	vld [tilespmem:s28+$0xB350]  }
0x43d: {  	v33 =	vadd.f32 v35, v36;
	v28 =	vadd.f32 v28, v19  }
0x43e: {  	v20 =	vsel vm0, v34, v20;
	v26 =	vadd.f32 v18, v26;
	v19 =	vadd.f32 v27, v37  }
0x43f: {  	v18 =	vperm.xlane v20, v1;
	v27 =	vadd.f32 v30, v29;
	v28 =	vadd.f32 v28, v33;
	v29 =	vld [tilespmem:s28+$0x9380]  }
0x440: {  	v30 =	vshll.u32 v38, $0x10;
	v33 =	vshll.u32 v40, $0x10;
	v34 =	vmul.f32 v40, v38;
	v35 =	vld [tilespmem:s28+$0xB380]  }
0x441: {  	v30 =	vmul.f32 v33, v30;
	v33 =	vshll.u32 v32, $0x10;
	v36 =	vshll.u32 v31, $0x10;
	v37 =	vld [tilespmem:s28+$0x9390]  }
0x442: {  	v18 =	vadd.f32 v18, v20;
	v31 =	vmul.f32 v31, v32;
	v20 =	vmul.f32 v36, v33;
	v32 =	vld [tilespmem:s28+$0xB390]  }
0x443: {  	v24 =	vadd.f32 v24, v27;
	v27 =	vperm.xlane v26, v0;
	v25 =	vadd.f32 v25, v28;
	v28 =	vld [tilespmem:s28+$0x93C0]  }
0x444: {  	v30 =	vadd.f32 v30, v34;
	v20 =	vadd.f32 v20, v31;
	v31 =	vld [tilespmem:s28+$0xB3C0]  }
0x445: {  	v24 =	vadd.f32 v15, v24;
	v15 =	vadd.f32 v27, v26;
	v26 =	vld [tilespmem:s28+$0x93D0]  }
0x446: {  	v16 =	vadd.f32 v16, v25;
	v20 =	vadd.f32 v20, v30;
	v25 =	vld [tilespmem:s28+$0xB3D0]  }
0x447: {  	v27 =	vshll.u32 v29, $0x10;
	v29 =	vmul.f32 v35, v29;
	v30 =	vshll.u32 v35, $0x10  }
0x448: {  	v27 =	vmul.f32 v30, v27;
	v30 =	vshll.u32 v37, $0x10;
	v33 =	vshll.u32 v32, $0x10  }
0x449: {  	v20 =	vadd.f32 v21, v20;
	v21 =	vmul.f32 v33, v30;
	v30 =	vmul.f32 v32, v37;
	v32 =	vld [tilespmem:s28+$0x9400]  }
0x44a: {  	v33 =	vshll.u32 v28, $0x10;
	v34 =	vshll.u32 v31, $0x10;
	v28 =	vmul.f32 v31, v28;
	v31 =	vld [tilespmem:s28+$0xB400]  }
0x44b: {  	v33 =	vmul.f32 v34, v33;
	v34 =	vshll.u32 v26, $0x10;
	v35 =	vshll.u32 v25, $0x10;
	v36 =	vld [tilespmem:s28+$0x9410]  }
0x44c: {  	v20 =	vadd.f32 v14, v20;
	v25 =	vmul.f32 v25, v26;
	v14 =	vmul.f32 v35, v34;
	v34 =	vld [tilespmem:s28+$0xB410]  }
0x44d: {  	v27 =	vadd.f32 v27, v29;
	v21 =	vadd.f32 v21, v30;
	v26 =	vperm.xlane v24, v0;
	v29 =	vld [tilespmem:s28+$0x9440]  }
0x44e: {  	v30 =	vperm.xlane v16, v0;
	v28 =	vadd.f32 v33, v28;
	v25 =	vadd.f32 v14, v25;
	v35 =	vld [tilespmem:s28+$0xB440]  }
0x44f: {  	v21 =	vadd.f32 v21, v27;
	v14 =	vadd.f32 v24, v26;
	v26 =	vperm.xlane v20, v0;
	v24 =	vld [tilespmem:s28+$0x9450]  }
0x450: {  	v16 =	vadd.f32 v30, v16;
	v27 =	vadd.f32 v25, v28;
	v25 =	vld [tilespmem:s28+$0xB450]  }
0x451: {  	v21 =	vadd.f32 v23, v21;
	v20 =	vadd.f32 v20, v26;
	v23 =	vld [tilespmem:s28+$0x9480]  }
0x452: {  	v28 =	vshll.u32 v31, $0x10;
	v27 =	vadd.f32 v22, v27;
	v22 =	vshll.u32 v32, $0x10;
	v26 =	vld [tilespmem:s28+$0xB480]  }
.Ltmp1:
0x453: {  	v12 =	vadd.f32 v12, v21;
	v21 =	vmul.f32 v28, v22;
	v28 =	vmul.f32 v31, v32;
	v22 =	vld [tilespmem:s28+$0x9490];
	(pc) =	sbr.rel @p0 .LBB2_5-.Ltmp1, $4  }
0x454: {  	v30 =	vshll.u32 v36, $0x10;
	v31 =	vshll.u32 v34, $0x10;
	v13 =	vadd.f32 v13, v27;
	v27 =	vld [tilespmem:s28+$0xB490]  }
0x455: {  	v34 =	vmul.f32 v34, v36;
	v33 =	vmul.f32 v31, v30;
	v21 =	vadd.f32 v21, v28;
	v28 =	vld [tilespmem:s28+$0x94C0]  }
0x456: {  	v32 =	vshll.u32 v29, $0x10;
	v36 =	vshll.u32 v35, $0x10;
	v31 =	vmul.f32 v35, v29;
	v30 =	vld [tilespmem:s28+$0xB4C0]  }
0x457: {  	s30 =	sadd.s32 $0x1000, s30;
	v32 =	vmul.f32 v36, v32;
	v35 =	vshll.u32 v24, $0x10;
	v36 =	vshll.u32 v25, $0x10;
	v29 =	vld [tilespmem:s28+$0x94D0]  }
0x458: {  	v33 =	vadd.f32 v33, v34;
	v56 =	vmul.f32 v36, v35;
	v24 =	vmul.f32 v25, v24;
	v57 =	vld [tilespmem:s28+$0xB4D0]  }
0x459: {  	v58 =	vshll.u32 v23, $0x10;
	v59 =	vshll.u32 v26, $0x10;
	v60 =	vmul.f32 v26, v23  }
0x45a: {  	v62 =	vshll.u32 v22, $0x10;
	v61 =	vmul.f32 v59, v58;
	v63 =	vshll.u32 v27, $0x10  }
0x45b: {  	v31 =	vadd.f32 v32, v31;
	v38 =	vmul.f32 v27, v22;
	v37 =	vmul.f32 v63, v62  }
0x45c: {  	v39 =	vshll.u32 v28, $0x10;
	v40 =	vshll.u32 v30, $0x10;
	v41 =	vmul.f32 v30, v28  }
0x45d: {  	v27 =	vmul.f32 v40, v39;
	v42 =	vshll.u32 v29, $0x10;
	v43 =	vshll.u32 v57, $0x10  }
0x45e: {  	v24 =	vadd.f32 v56, v24;
	v25 =	vmul.f32 v57, v29;
	v30 =	vmul.f32 v43, v42  }
0x45f: {  	v23 =	vadd.f32 v61, v60;
	v22 =	vadd.f32 v37, v38  }
0x460: {  	v44 =	vadd.f32 v27, v41;
	v25 =	vadd.f32 v30, v25  }
0x461: {  	v21 =	vadd.f32 v33, v21;
	v24 =	vadd.f32 v24, v31  }
0x462: {  	v22 =	vadd.f32 v22, v23;
	v45 =	vadd.f32 v25, v44  }
0x463: {  	v8 =	vadd.f32 v8, v21;
	v9 =	vadd.f32 v9, v24  }
0x464: {  	v10 =	vadd.f32 v10, v22;
	v17 =	vadd.f32 v17, v45  }
0x465: {  	v46 =	vperm.xlane v12, v0;
	v4 =	vadd.f32 v4, v8;
	v5 =	vadd.f32 v5, v9  }
0x466: {  	v47 =	vperm.xlane v13, v0;
	v6 =	vadd.f32 v6, v10;
	v7 =	vadd.f32 v7, v17  }
0x467: {  	v48 =	vadd.f32 v46, v12;
	v49 =	vperm.xlane v4, v0;
	v50 =	vperm.xlane v5, v0  }
0x468: {  	v8 =	vadd.f32 v13, v47;
	v51 =	vperm.xlane v6, v0;
	v17 =	vperm.xlane v7, v0  }
0x469: {  	v14 =	vsel vm0, v15, v14;
	v4 =	vadd.f32 v49, v4;
	v5 =	vadd.f32 v5, v50  }
0x46a: {  	v52 =	vsel vm0, v16, v20;
	v6 =	vadd.f32 v51, v6;
	v7 =	vadd.f32 v7, v17  }
0x46b: {  	v53 =	vperm.xlane v14, v1;
	v54 =	vperm.xlane v52, v1;
	v8 =	vsel vm0, v48, v8  }
0x46c: {  	v55 =	vperm.xlane v8, v1;
	v4 =	vsel vm0, v4, v5;
	v5 =	vsel vm0, v6, v7  }
0x46d: {  	v56 =	vadd.f32 v14, v53;
	v57 =	vperm.xlane v4, v1;
	v58 =	vperm.xlane v5, v1  }
0x46e: {  	v9 =	vadd.f32 v54, v52;
	v8 =	vadd.f32 v8, v55  }
0x46f: {  	v59 =	vsel vm1, v11, v19;
	v4 =	vadd.f32 v57, v4;
	v5 =	vadd.f32 v5, v58  }
0x470: {  	v60 =	vperm.xlane v59, v2;
	v6 =	vsel vm1, v18, v56  }
0x471: {  	v8 =	vsel vm1, v9, v8;
	v61 =	vperm.xlane v6, v2;
	v4 =	vsel vm1, v4, v5  }
0x472: {  	v5 =	vperm.xlane v8, v2;
	v62 =	vperm.xlane v4, v2  }
0x473: {  	v7 =	vadd.f32 v60, v59;
	v6 =	vadd.f32 v6, v61  }
0x474: {  	v5 =	vadd.f32 v5, v8;
	v4 =	vadd.f32 v4, v62;
	_ =	sdelay $0x1  }
0x475: {  	v6 =	vsel vm2, v7, v6;
	v4 =	vsel vm2, v5, v4  }
0x476: {  	v5 =	vperm.xlane v6, v3;
	v63 =	vperm.xlane v4, v3;
	_ =	sdelay $0x1  }
0x477: {  	v5 =	vadd.f32 v5, v6;
	v4 =	vadd.f32 v4, v63;
	_ =	sdelay $0x1  }
0x478: {  	v4 =	vsel vm3, v5, v4  }
0x479: {  	v4 =	vsub.f32 $0.0e+00, v4;
	_ =	sdelay $0x1  }
0x47a: {  	v4 =	vmul.f32 $1.442695020e+00, v4;
	_ =	sdelay $0x1  }
0x47b: {  	(erf) = vpow2.f32 v4;
	_ =	sdelay $0x8  }
0x47c: {  	v4 =	vpop (erf)  }
0x47d: {  	v4 =	vadd.f32 $1.000000000e+00, v4;
	_ =	sdelay $0x1  }
0x47e: {  	(erf) = vrcp.f32 v4;
	_ =	sdelay $0x3  }
0x47f: {  	s26 =	sadd.s32 $0x1, s26  }
0x480: {  	p0 =	sne.s32 s26, $0x28  }
.Ltmp2:
0x481: {  	_ = 	snop;
	(pc) =	sbr.rel @p0 .LBB2_2-.Ltmp2, $3  }
0x482: {  	_ =	sdelay $0x1  }
0x483: {  	s31 =	sadd.s32 $0x10, s29;
	v4 =	vpop (erf)  }
0x484: {  	s25 =	sadd.s32 $0x100, s25;
	s24 =	sadd.s32 $0x100, s24;
	[tilespmem:s31+$0x0] =	vst v4  }
0x485: {  	_ =	swait.ge [sflag:s18], $0x2000  }
0x486: {  	[sflag:s18] =	ssyncset.done $0x0  }
0x487: {  	[sflag:s18] =	ssyncadd.s32 $0xFFFFE000  }
0x488: {  	s23 =	sadd.s32 $0x1, s23;
	_ =	swait.ge [sflag:s19], $0x2000  }
0x489: {  	p0 =	sne.s32 s23, s9;
	[sflag:s19] =	ssyncset.done $0x0  }
.Ltmp3:
0x48a: {  	[sflag:s19] =	ssyncadd.s32 $0xFFFFE000;
	(pc) =	sbr.rel @p0 .LBB2_1-.Ltmp3, $4  }
0x48b: {  	[hbm4b:s8+s3] =	stream.linear.scatter [tilespmem:s22], [sflag:$0x5], $0x2710, $0x38;
	[tilespmem:$0x19540] =	vst v63  }
0x48c: {  	_ =	swait.ge [sflag:s11], $0x2710  }
0x48d: {  	[sflag:s11] =	ssyncset.done $0x0  }
0x48e: {  	[sflag:s11] =	ssyncadd.s32 $0xFFFFD8F0  }
0x48f: {  	_ =	sfence.sel $0x180000  }
0x490: {  	[bflag:$0x0] =	sbarrier.arrive $0xFFFF  }
0x491: {  	p0 =	sne.s32 s0, $0x0;
	_ =	strace $0x90000047  }
0x492: {  	s0 =	sadd.s32 @!p0 $0x100000, s2;
	[bflag:$0x2] =	sbarrier.arrive $0xFFFF  }
0x493: {  	[sflag:s0] =	ssyncadd.tile.s32 @!p0 $0x1;
	_ =	shalt  }
.Lfunc_end2:
_tile_overlayer_lowered:
.L_overlay_start_2:
0x494: {  	(tag) =	ssettag $0x2  }
0x495: {  	s0 =	rddreg [dreg:$0x0];
	s2 =	stileid.u32  }
0x496: {  	s1 =	rddreg [dreg:$0x1];
	p0 =	sne.s32 s2, $0x0  }
0x497: {  	s3 =	rddreg [dreg:$0x2];
	[bflag:$0x3] =	sbarrier.arrive $0xFFFF;
	s2 =	simm.s32 @!p0 $0x1C05  }
0x498: {  	[timem:s3], [sflag:s2] =	dma.local @!p0 [hbm:s0], s1  }
0x499: {  	s0 =	simm.s32 @!p0 $0x5  }
0x49a: {  	_ =	swait.ge @!p0 [sflag:s0], s1  }
0x49b: {  	s1 =	ssub.s32 @!p0 $0x0, s1;
	[sflag:s0] =	ssyncset.done @!p0 $0x0  }
0x49c: {  	[sflag:s0] =	ssyncadd.s32 @!p0 s1  }
0x49d: {  	[bflag:$0x3] =	sbarrier.arrive $0xFFFF  }
0x49e: {  	_ =	shalt  }

</sc_bundles>
